<compile_context>
chip_gen: v7x
topology: tpu7x:2x2x1
jax: 0.10.2.dev20260603
libtpu: 0.0.44.dev20260713+nightly
codegen_flags: <defaults>
</compile_context>

<pallas_src>
import functools

import jax
import jax.numpy as jnp
from jax import lax
from jax.experimental import pallas as pl
from jax.experimental.pallas import tpu as pltpu
from jax.experimental.pallas import tpu_sc as plsc

B = 16384
K = 32
KB = 128
V = 1000000
L = 16
NC, NS = 2, 16
NW = NC * NS
BPW = B // NW
CH = 128
NCH = BPW // CH

CW = 8192
SEG = CW // 4
NBLK = -(-V // CW)
VB = NBLK * SEG


def _bprmf_sc(users, items, gu_tab, gi_tab):
  mesh = plsc.VectorSubcoreMesh(core_axis_name="c", subcore_axis_name="s")
  out_type = (
      jax.ShapeDtypeStruct((B,), jnp.float32),
      jax.ShapeDtypeStruct((B * K,), jnp.float32),
      jax.ShapeDtypeStruct((B * K,), jnp.float32),
  )
  cp = pltpu.CompilerParams(needs_layout_passes=False,
                            use_tc_tiling_on_sc=True)

  @functools.partial(
      pl.kernel,
      mesh=mesh,
      out_type=out_type,
      compiler_params=cp,
      scratch_types=[
          pltpu.VMEM((BPW,), jnp.int32),
          pltpu.VMEM((BPW,), jnp.int32),
          pltpu.VMEM((BPW,), jnp.int32),
          pltpu.VMEM((BPW,), jnp.int32),
          pltpu.VMEM((2, CH, KB), jnp.float32),
          pltpu.VMEM((2, CH, KB), jnp.float32),
          pltpu.VMEM((BPW * K,), jnp.float32),
          pltpu.VMEM((BPW * K,), jnp.float32),
          pltpu.VMEM((BPW,), jnp.float32),
          pltpu.SemaphoreType.DMA,
          pltpu.SemaphoreType.DMA,
          pltpu.SemaphoreType.DMA,
          pltpu.SemaphoreType.DMA,
      ],
  )
  def k(users_hbm, items_hbm, gu_hbm, gi_hbm, xui_hbm, guo_hbm, gio_hbm,
        uidx_v, iidx_v, ublk_v, iblk_v, guB, giB, gu_v, gi_v, xui_v,
        sem_u0, sem_u1, sem_i0, sem_i1):
    sem_u = (sem_u0, sem_u1)
    sem_i = (sem_i0, sem_i1)
    wid = lax.axis_index("s") * NC + lax.axis_index("c")
    base = wid * BPW

    pltpu.sync_copy(users_hbm.at[pl.ds(base, BPW)], uidx_v)
    pltpu.sync_copy(items_hbm.at[pl.ds(base, BPW)], iidx_v)

    @pl.loop(0, BPW // L)
    def _(g):
      sl = pl.ds(g * L, L)
      u = uidx_v[sl]
      i = iidx_v[sl]
      ublk_v[sl] = ((u >> 13) << 11) | (u & (SEG - 1))
      iblk_v[sl] = ((i >> 13) << 11) | (i & (SEG - 1))

    def fire(c):
      b = c % 2
      sl = pl.ds(c * CH, CH)
      return (
          pltpu.async_copy(gu_hbm.at[ublk_v.at[sl]], guB.at[b], sem_u[b]),
          pltpu.async_copy(gi_hbm.at[iblk_v.at[sl]], giB.at[b], sem_i[b]),
      )

    pending = fire(0)
    for c in range(NCH):
      nxt = fire(c + 1) if c + 1 < NCH else None
      for cp_ in pending:
        cp_.wait()
      b = c % 2

      @pl.loop(0, CH // L)
      def _(gg, c=c, b=b):
        j0 = c * CH + gg * L
        lrow = lax.iota(jnp.int32, L) + gg * L
        u16 = uidx_v[pl.ds(j0, L)]
        i16 = iidx_v[pl.ds(j0, L)]
        cbu = ((u16 >> 11) & 3) << 5
        cbi = ((i16 >> 11) & 3) << 5
        jflat = (lrow + c * CH) << 5
        acc = jnp.zeros((L,), jnp.float32)
        for kk in range(K):
          uk = plsc.load_gather(guB.at[b], [lrow, cbu + kk])
          ik = plsc.load_gather(giB.at[b], [lrow, cbi + kk])
          acc = acc + uk * ik
          plsc.store_scatter(gu_v, [jflat + kk], uk)
          plsc.store_scatter(gi_v, [jflat + kk], ik)
        xui_v[pl.ds(j0, L)] = acc

      pending = nxt

    pltpu.sync_copy(xui_v, xui_hbm.at[pl.ds(base, BPW)])
    pltpu.sync_copy(gu_v, guo_hbm.at[pl.ds(base * K, BPW * K)])
    pltpu.sync_copy(gi_v, gio_hbm.at[pl.ds(base * K, BPW * K)])

  return k(users, items, gu_tab, gi_tab)


def _transpose_block(xt_ref, out_ref):
  x = xt_ref[...]
  out_ref[...] = jnp.concatenate(
      [x[:, r * SEG:(r + 1) * SEG].T for r in range(4)], axis=1)


def _blocked(tab_t):
  return pl.pallas_call(
      _transpose_block,
      grid=(NBLK,),
      in_specs=[pl.BlockSpec((K, CW), lambda c: (0, c))],
      out_specs=pl.BlockSpec((SEG, KB), lambda c: (c, 0)),
      out_shape=jax.ShapeDtypeStruct((VB, KB), jnp.float32),
  )(tab_t)


def kernel(users, items, Gu, Gi):
  users = users.astype(jnp.int32)
  items = items.astype(jnp.int32)
  xui, guo, gio = _bprmf_sc(users, items, _blocked(Gu.T), _blocked(Gi.T))
  return (xui, guo.reshape(B, K), gio.reshape(B, K))

# --- scband reference (transcript-rebuilt; emitter-appended) ---
"""Pipeline reference for scband-bprmfmodel-22677427323222 (READ-ONLY COPY).

The authoritative reference and input builder live on the scoring server;
editing this copy changes nothing except your own understanding.
"""

import jax, jax.numpy as jnp
import numpy as np

NUM_USERS = 1000000
NUM_ITEMS = 1000000
EMBED_K = 32
BATCH = 16384


def setup_inputs(seed: int = 0) -> dict:
    key = jax.random.key(seed)
    k1, k2, k3, k4 = jax.random.split(key, 4)
    users = jax.random.randint(k1, (BATCH,), 0, NUM_USERS)
    items = jax.random.randint(k2, (BATCH,), 0, NUM_ITEMS)
    # xavier_uniform init like torch.nn.init.xavier_uniform_
    limit_u = float(np.sqrt(6.0 / (NUM_USERS + EMBED_K)))
    Gu = jax.random.uniform(k3, (NUM_USERS, EMBED_K), minval=-limit_u, maxval=limit_u, dtype=jnp.float32)
    limit_i = float(np.sqrt(6.0 / (NUM_ITEMS + EMBED_K)))
    Gi = jax.random.uniform(k4, (NUM_ITEMS, EMBED_K), minval=-limit_i, maxval=limit_i, dtype=jnp.float32)
    return {"users": users, "items": items, "Gu": Gu, "Gi": Gi}


def reference(users, items, Gu, Gi):
    # forward(inputs=(users, items))
    gamma_u = jnp.squeeze(jnp.take(Gu, users, axis=0))
    gamma_i = jnp.squeeze(jnp.take(Gi, items, axis=0))
    xui = jnp.sum(gamma_u * gamma_i, axis=1)
    return (xui, gamma_u, gamma_i)

if __name__ == "__main__":
    import jax
    _d = setup_inputs()
    print(jax.jit(kernel)(*tuple(_d.values())))

</pallas_src>

<mosaic_0001>
#map = affine_map<(d0, d1) -> (0)>
#map1 = affine_map<(d0, d1) -> (0, 0)>
module attributes {stable_mosaic.version = 14 : i64} {
  func.func @k(%arg0: i32, %arg1: i32, %arg2: memref<16384xi32, #tpu.memory_space<hbm>>, %arg3: memref<16384xi32, #tpu.memory_space<hbm>>, %arg4: memref<251904x128xf32, #tpu.memory_space<hbm>>, %arg5: memref<251904x128xf32, #tpu.memory_space<hbm>>, %arg6: memref<16384xf32, #tpu.memory_space<hbm>>, %arg7: memref<524288xf32, #tpu.memory_space<hbm>>, %arg8: memref<524288xf32, #tpu.memory_space<hbm>>, %arg9: memref<512xi32, #tpu.memory_space<vmem>>, %arg10: memref<512xi32, #tpu.memory_space<vmem>>, %arg11: memref<512xi32, #tpu.memory_space<vmem>>, %arg12: memref<512xi32, #tpu.memory_space<vmem>>, %arg13: memref<2x128x128xf32, #tpu.memory_space<vmem>>, %arg14: memref<2x128x128xf32, #tpu.memory_space<vmem>>, %arg15: memref<16384xf32, #tpu.memory_space<vmem>>, %arg16: memref<16384xf32, #tpu.memory_space<vmem>>, %arg17: memref<512xf32, #tpu.memory_space<vmem>>, %arg18: memref<!tpu.dma_semaphore, #tpu.memory_space<semaphore_mem>>, %arg19: memref<!tpu.dma_semaphore, #tpu.memory_space<semaphore_mem>>, %arg20: memref<!tpu.dma_semaphore, #tpu.memory_space<semaphore_mem>>, %arg21: memref<!tpu.dma_semaphore, #tpu.memory_space<semaphore_mem>>) attributes {dimension_semantics = [#tpu.dimension_semantics<core_parallel>, #tpu.dimension_semantics<subcore_parallel>], iteration_bounds = array<i64: 2, 16>, scalar_prefetch = 0 : i64, scratch_operands = 13 : i64, tpu.core_type = #tpu.core_type<sc_vector_subcore>, window_params = [{transform_indices = #map}, {transform_indices = #map}, {transform_indices = #map1}, {transform_indices = #map1}, {transform_indices = #map}, {transform_indices = #map}, {transform_indices = #map}]} {
    %mul3A = arith.constant 2 : i32
    %mul3A_0 = arith.muli %arg1, %mul3A : i32
    %add3A = arith.addi %mul3A_0, %arg0 : i32
    %mul3A_1 = arith.constant 512 : i32
    %mul3A_2 = arith.muli %add3A, %mul3A_1 : i32
    "tpu.region"() ({
      %run_scoped3A = tpu.sem_alloc : memref<!tpu.dma_semaphore, #tpu.memory_space<semaphore_mem>>
      %dma_start3A_189 = tpu.memref_slice %arg2[%mul3A_2] : memref<16384xi32, #tpu.memory_space<hbm>> -> memref<512xi32, #tpu.memory_space<hbm>>
      %dma_start3A_190 = tpu.memref_slice %arg2[%mul3A_2] : memref<16384xi32, #tpu.memory_space<hbm>> -> memref<512xi32, #tpu.memory_space<hbm>>
      tpu.enqueue_dma source(%dma_start3A_190 : memref<512xi32, #tpu.memory_space<hbm>>) target(%arg9 : memref<512xi32, #tpu.memory_space<vmem>>) target_semaphore(%run_scoped3A : memref<!tpu.dma_semaphore, #tpu.memory_space<semaphore_mem>>)
      %dma_wait3A_191 = tpu.memref_slice %arg2[%mul3A_2] : memref<16384xi32, #tpu.memory_space<hbm>> -> memref<512xi32, #tpu.memory_space<hbm>>
      %dma_wait3A_192 = tpu.memref_slice %arg2[%mul3A_2] : memref<16384xi32, #tpu.memory_space<hbm>> -> memref<512xi32, #tpu.memory_space<hbm>>
      tpu.wait_dma2 semaphore(%run_scoped3A : memref<!tpu.dma_semaphore, #tpu.memory_space<semaphore_mem>>) src(%dma_wait3A_192 : memref<512xi32, #tpu.memory_space<hbm>>) dst(%arg9 : memref<512xi32, #tpu.memory_space<vmem>>)
      tpu.yield
    }) : () -> ()
    "tpu.region"() ({
      %run_scoped3A = tpu.sem_alloc : memref<!tpu.dma_semaphore, #tpu.memory_space<semaphore_mem>>
      %dma_start3A_189 = tpu.memref_slice %arg3[%mul3A_2] : memref<16384xi32, #tpu.memory_space<hbm>> -> memref<512xi32, #tpu.memory_space<hbm>>
      %dma_start3A_190 = tpu.memref_slice %arg3[%mul3A_2] : memref<16384xi32, #tpu.memory_space<hbm>> -> memref<512xi32, #tpu.memory_space<hbm>>
      tpu.enqueue_dma source(%dma_start3A_190 : memref<512xi32, #tpu.memory_space<hbm>>) target(%arg10 : memref<512xi32, #tpu.memory_space<vmem>>) target_semaphore(%run_scoped3A : memref<!tpu.dma_semaphore, #tpu.memory_space<semaphore_mem>>)
      %dma_wait3A_191 = tpu.memref_slice %arg3[%mul3A_2] : memref<16384xi32, #tpu.memory_space<hbm>> -> memref<512xi32, #tpu.memory_space<hbm>>
      %dma_wait3A_192 = tpu.memref_slice %arg3[%mul3A_2] : memref<16384xi32, #tpu.memory_space<hbm>> -> memref<512xi32, #tpu.memory_space<hbm>>
      tpu.wait_dma2 semaphore(%run_scoped3A : memref<!tpu.dma_semaphore, #tpu.memory_space<semaphore_mem>>) src(%dma_wait3A_192 : memref<512xi32, #tpu.memory_space<hbm>>) dst(%arg10 : memref<512xi32, #tpu.memory_space<vmem>>)
      tpu.yield
    }) : () -> ()
    %scan3A = arith.constant 0 : i32
    %scan3A_3 = arith.constant 32 : i32
    %scan3A_4 = arith.addi %scan3A, %scan3A_3 : i32
    %scan3A_5 = arith.constant 1 : i32
    scf.for %scan3A_189 = %scan3A to %scan3A_4 step %scan3A_5  : i32 {
      %mul3A_190 = arith.constant 1 : i32
      %mul3A_191 = arith.muli %scan3A_189, %mul3A_190 : i32
      %add3A_192 = arith.constant 0 : i32
      %add3A_193 = arith.addi %add3A_192, %mul3A_191 : i32
      %mul3A_194 = arith.constant 16 : i32
      %mul3A_195 = arith.muli %add3A_193, %mul3A_194 : i32
      %get3A = arith.index_cast %mul3A_195 : i32 to index
      %get3A_196 = tpu.vector_load %arg9[%get3A] {strides = array<i32>} : memref<512xi32, #tpu.memory_space<vmem>>, vector<16xi32>,
      %get3A_197 = arith.index_cast %mul3A_195 : i32 to index
      %get3A_198 = tpu.vector_load %arg10[%get3A_197] {strides = array<i32>} : memref<512xi32, #tpu.memory_space<vmem>>, vector<16xi32>,
      %shift_right_arithmetic3A = arith.constant 13 : i32
      %shift_right_arithmetic3A_199 = vector.broadcast %shift_right_arithmetic3A : i32 to vector<16xi32>
      %shift_right_arithmetic3A_200 = arith.shrsi %get3A_196, %shift_right_arithmetic3A_199 : vector<16xi32>
      %shift_left3A = arith.constant 11 : i32
      %shift_left3A_201 = vector.broadcast %shift_left3A : i32 to vector<16xi32>
      %shift_left3A_202 = arith.shli %shift_right_arithmetic3A_200, %shift_left3A_201 : vector<16xi32>
      %and3A = arith.constant 2047 : i32
      %and3A_203 = vector.broadcast %and3A : i32 to vector<16xi32>
      %and3A_204 = arith.andi %get3A_196, %and3A_203 : vector<16xi32>
      %or3A = arith.ori %shift_left3A_202, %and3A_204 : vector<16xi32>
      %swap3A = arith.index_cast %mul3A_195 : i32 to index
      %swap3A_205 = tpu.vector_load %arg11[%swap3A] {strides = array<i32>} : memref<512xi32, #tpu.memory_space<vmem>>, vector<16xi32>,
      tpu.vector_store %arg11[%swap3A], %or3A {strides = array<i32>} : memref<512xi32, #tpu.memory_space<vmem>>, vector<16xi32>,
      %shift_right_arithmetic3A_206 = arith.constant 13 : i32
      %shift_right_arithmetic3A_207 = vector.broadcast %shift_right_arithmetic3A_206 : i32 to vector<16xi32>
      %shift_right_arithmetic3A_208 = arith.shrsi %get3A_198, %shift_right_arithmetic3A_207 : vector<16xi32>
      %shift_left3A_209 = arith.constant 11 : i32
      %shift_left3A_210 = vector.broadcast %shift_left3A_209 : i32 to vector<16xi32>
      %shift_left3A_211 = arith.shli %shift_right_arithmetic3A_208, %shift_left3A_210 : vector<16xi32>
      %and3A_212 = arith.constant 2047 : i32
      %and3A_213 = vector.broadcast %and3A_212 : i32 to vector<16xi32>
      %and3A_214 = arith.andi %get3A_198, %and3A_213 : vector<16xi32>
      %or3A_215 = arith.ori %shift_left3A_211, %and3A_214 : vector<16xi32>
      %swap3A_216 = arith.index_cast %mul3A_195 : i32 to index
      %swap3A_217 = tpu.vector_load %arg12[%swap3A_216] {strides = array<i32>} : memref<512xi32, #tpu.memory_space<vmem>>, vector<16xi32>,
      tpu.vector_store %arg12[%swap3A_216], %or3A_215 {strides = array<i32>} : memref<512xi32, #tpu.memory_space<vmem>>, vector<16xi32>,
    }
    %scan3A_6 = arith.constant 32 : i32
    %dma_start3A = arith.constant 0 : i32
    %dma_start3A_7 = arith.constant 0 : i32
    %dma_start3A_8 = arith.constant 0 : i32
    %dma_start3A_9 = tpu.memref_slice %arg13[%dma_start3A, %dma_start3A_7, %dma_start3A_8] : memref<2x128x128xf32, #tpu.memory_space<vmem>> -> memref<1x128x128xf32, #tpu.memory_space<vmem>>
    %dma_start3A_10 = tpu.memref_squeeze %dma_start3A_9 : memref<1x128x128xf32, #tpu.memory_space<vmem>> -> memref<128x128xf32, #tpu.memory_space<vmem>>
    %dma_start3A_11 = arith.constant 0 : i32
    %dma_start3A_12 = tpu.memref_slice %arg11[%dma_start3A_11] : memref<512xi32, #tpu.memory_space<vmem>> -> memref<128xi32, #tpu.memory_space<vmem>>
    %dma_start3A_13 = arith.constant 0 : i32
    %dma_start3A_14 = arith.constant 0 : i32
    %dma_start3A_15 = tpu.memref_slice %arg4[%dma_start3A_13, %dma_start3A_14] : memref<251904x128xf32, #tpu.memory_space<hbm>> -> memref<251904x128xf32, #tpu.memory_space<hbm>>
    tpu.enqueue_indirect_dma source(%dma_start3A_15 : memref<251904x128xf32, #tpu.memory_space<hbm>>) target(%dma_start3A_10 : memref<128x128xf32, #tpu.memory_space<vmem>>) offsets(%dma_start3A_12 : memref<128xi32, #tpu.memory_space<vmem>>) semaphore(%arg18 : memref<!tpu.dma_semaphore, #tpu.memory_space<semaphore_mem>>)
    %dma_start3A_16 = arith.constant 0 : i32
    %dma_start3A_17 = arith.constant 0 : i32
    %dma_start3A_18 = arith.constant 0 : i32
    %dma_start3A_19 = tpu.memref_slice %arg14[%dma_start3A_16, %dma_start3A_17, %dma_start3A_18] : memref<2x128x128xf32, #tpu.memory_space<vmem>> -> memref<1x128x128xf32, #tpu.memory_space<vmem>>
    %dma_start3A_20 = tpu.memref_squeeze %dma_start3A_19 : memref<1x128x128xf32, #tpu.memory_space<vmem>> -> memref<128x128xf32, #tpu.memory_space<vmem>>
    %dma_start3A_21 = arith.constant 0 : i32
    %dma_start3A_22 = tpu.memref_slice %arg12[%dma_start3A_21] : memref<512xi32, #tpu.memory_space<vmem>> -> memref<128xi32, #tpu.memory_space<vmem>>
    %dma_start3A_23 = arith.constant 0 : i32
    %dma_start3A_24 = arith.constant 0 : i32
    %dma_start3A_25 = tpu.memref_slice %arg5[%dma_start3A_23, %dma_start3A_24] : memref<251904x128xf32, #tpu.memory_space<hbm>> -> memref<251904x128xf32, #tpu.memory_space<hbm>>
    tpu.enqueue_indirect_dma source(%dma_start3A_25 : memref<251904x128xf32, #tpu.memory_space<hbm>>) target(%dma_start3A_20 : memref<128x128xf32, #tpu.memory_space<vmem>>) offsets(%dma_start3A_22 : memref<128xi32, #tpu.memory_space<vmem>>) semaphore(%arg20 : memref<!tpu.dma_semaphore, #tpu.memory_space<semaphore_mem>>)
    %dma_start3A_26 = arith.constant 1 : i32
    %dma_start3A_27 = arith.constant 0 : i32
    %dma_start3A_28 = arith.constant 0 : i32
    %dma_start3A_29 = tpu.memref_slice %arg13[%dma_start3A_26, %dma_start3A_27, %dma_start3A_28] : memref<2x128x128xf32, #tpu.memory_space<vmem>> -> memref<1x128x128xf32, #tpu.memory_space<vmem>>
    %dma_start3A_30 = tpu.memref_squeeze %dma_start3A_29 : memref<1x128x128xf32, #tpu.memory_space<vmem>> -> memref<128x128xf32, #tpu.memory_space<vmem>>
    %dma_start3A_31 = arith.constant 128 : i32
    %dma_start3A_32 = tpu.memref_slice %arg11[%dma_start3A_31] : memref<512xi32, #tpu.memory_space<vmem>> -> memref<128xi32, #tpu.memory_space<vmem>>
    %dma_start3A_33 = arith.constant 0 : i32
    %dma_start3A_34 = arith.constant 0 : i32
    %dma_start3A_35 = tpu.memref_slice %arg4[%dma_start3A_33, %dma_start3A_34] : memref<251904x128xf32, #tpu.memory_space<hbm>> -> memref<251904x128xf32, #tpu.memory_space<hbm>>
    tpu.enqueue_indirect_dma source(%dma_start3A_35 : memref<251904x128xf32, #tpu.memory_space<hbm>>) target(%dma_start3A_30 : memref<128x128xf32, #tpu.memory_space<vmem>>) offsets(%dma_start3A_32 : memref<128xi32, #tpu.memory_space<vmem>>) semaphore(%arg19 : memref<!tpu.dma_semaphore, #tpu.memory_space<semaphore_mem>>)
    %dma_start3A_36 = arith.constant 1 : i32
    %dma_start3A_37 = arith.constant 0 : i32
    %dma_start3A_38 = arith.constant 0 : i32
    %dma_start3A_39 = tpu.memref_slice %arg14[%dma_start3A_36, %dma_start3A_37, %dma_start3A_38] : memref<2x128x128xf32, #tpu.memory_space<vmem>> -> memref<1x128x128xf32, #tpu.memory_space<vmem>>
    %dma_start3A_40 = tpu.memref_squeeze %dma_start3A_39 : memref<1x128x128xf32, #tpu.memory_space<vmem>> -> memref<128x128xf32, #tpu.memory_space<vmem>>
    %dma_start3A_41 = arith.constant 128 : i32
    %dma_start3A_42 = tpu.memref_slice %arg12[%dma_start3A_41] : memref<512xi32, #tpu.memory_space<vmem>> -> memref<128xi32, #tpu.memory_space<vmem>>
    %dma_start3A_43 = arith.constant 0 : i32
    %dma_start3A_44 = arith.constant 0 : i32
    %dma_start3A_45 = tpu.memref_slice %arg5[%dma_start3A_43, %dma_start3A_44] : memref<251904x128xf32, #tpu.memory_space<hbm>> -> memref<251904x128xf32, #tpu.memory_space<hbm>>
    tpu.enqueue_indirect_dma source(%dma_start3A_45 : memref<251904x128xf32, #tpu.memory_space<hbm>>) target(%dma_start3A_40 : memref<128x128xf32, #tpu.memory_space<vmem>>) offsets(%dma_start3A_42 : memref<128xi32, #tpu.memory_space<vmem>>) semaphore(%arg21 : memref<!tpu.dma_semaphore, #tpu.memory_space<semaphore_mem>>)
    %dma_wait3A = arith.constant 0 : i32
    %dma_wait3A_46 = arith.constant 0 : i32
    %dma_wait3A_47 = arith.constant 0 : i32
    %dma_wait3A_48 = tpu.memref_slice %arg13[%dma_wait3A, %dma_wait3A_46, %dma_wait3A_47] : memref<2x128x128xf32, #tpu.memory_space<vmem>> -> memref<1x128x128xf32, #tpu.memory_space<vmem>>
    %dma_wait3A_49 = tpu.memref_squeeze %dma_wait3A_48 : memref<1x128x128xf32, #tpu.memory_space<vmem>> -> memref<128x128xf32, #tpu.memory_space<vmem>>
    %dma_wait3A_50 = arith.constant 0 : i32
    %dma_wait3A_51 = tpu.memref_slice %arg11[%dma_wait3A_50] : memref<512xi32, #tpu.memory_space<vmem>> -> memref<128xi32, #tpu.memory_space<vmem>>
    %dma_wait3A_52 = arith.constant 0 : i32
    %dma_wait3A_53 = arith.constant 0 : i32
    %dma_wait3A_54 = tpu.memref_slice %arg4[%dma_wait3A_52, %dma_wait3A_53] : memref<251904x128xf32, #tpu.memory_space<hbm>> -> memref<251904x128xf32, #tpu.memory_space<hbm>>
    tpu.wait_indirect_dma semaphore(%arg18 : memref<!tpu.dma_semaphore, #tpu.memory_space<semaphore_mem>>) src(%dma_wait3A_54 : memref<251904x128xf32, #tpu.memory_space<hbm>>) dst(%dma_wait3A_49 : memref<128x128xf32, #tpu.memory_space<vmem>>)
    %dma_wait3A_55 = arith.constant 0 : i32
    %dma_wait3A_56 = arith.constant 0 : i32
    %dma_wait3A_57 = arith.constant 0 : i32
    %dma_wait3A_58 = tpu.memref_slice %arg14[%dma_wait3A_55, %dma_wait3A_56, %dma_wait3A_57] : memref<2x128x128xf32, #tpu.memory_space<vmem>> -> memref<1x128x128xf32, #tpu.memory_space<vmem>>
    %dma_wait3A_59 = tpu.memref_squeeze %dma_wait3A_58 : memref<1x128x128xf32, #tpu.memory_space<vmem>> -> memref<128x128xf32, #tpu.memory_space<vmem>>
    %dma_wait3A_60 = arith.constant 0 : i32
    %dma_wait3A_61 = tpu.memref_slice %arg12[%dma_wait3A_60] : memref<512xi32, #tpu.memory_space<vmem>> -> memref<128xi32, #tpu.memory_space<vmem>>
    %dma_wait3A_62 = arith.constant 0 : i32
    %dma_wait3A_63 = arith.constant 0 : i32
    %dma_wait3A_64 = tpu.memref_slice %arg5[%dma_wait3A_62, %dma_wait3A_63] : memref<251904x128xf32, #tpu.memory_space<hbm>> -> memref<251904x128xf32, #tpu.memory_space<hbm>>
    tpu.wait_indirect_dma semaphore(%arg20 : memref<!tpu.dma_semaphore, #tpu.memory_space<semaphore_mem>>) src(%dma_wait3A_64 : memref<251904x128xf32, #tpu.memory_space<hbm>>) dst(%dma_wait3A_59 : memref<128x128xf32, #tpu.memory_space<vmem>>)
    %scan3A_65 = arith.constant 0 : i32
    %scan3A_66 = arith.constant 8 : i32
    %scan3A_67 = arith.addi %scan3A_65, %scan3A_66 : i32
    %scan3A_68 = arith.constant 1 : i32
    scf.for %scan3A_189 = %scan3A_65 to %scan3A_67 step %scan3A_68  : i32 {
      %mul3A_190 = arith.constant 1 : i32
      %mul3A_191 = arith.muli %scan3A_189, %mul3A_190 : i32
      %add3A_192 = arith.constant 0 : i32
      %add3A_193 = arith.addi %add3A_192, %mul3A_191 : i32
      %mul3A_194 = arith.constant 16 : i32
      %mul3A_195 = arith.muli %add3A_193, %mul3A_194 : i32
      %add3A_196 = arith.constant 0 : i32
      %add3A_197 = arith.addi %add3A_196, %mul3A_195 : i32
      %iota3A = tpu.iota {dimensions = array<i32: 0>} : vector<16xi32>
      %mul3A_198 = arith.constant 16 : i32
      %mul3A_199 = arith.muli %add3A_193, %mul3A_198 : i32
      %add3A_200 = vector.broadcast %mul3A_199 : i32 to vector<16xi32>
      %add3A_201 = arith.addi %iota3A, %add3A_200 : vector<16xi32>
      %get3A = arith.index_cast %add3A_197 : i32 to index
      %get3A_202 = tpu.vector_load %arg9[%get3A] {strides = array<i32>} : memref<512xi32, #tpu.memory_space<vmem>>, vector<16xi32>,
      %get3A_203 = arith.index_cast %add3A_197 : i32 to index
      %get3A_204 = tpu.vector_load %arg10[%get3A_203] {strides = array<i32>} : memref<512xi32, #tpu.memory_space<vmem>>, vector<16xi32>,
      %shift_right_arithmetic3A = arith.constant 11 : i32
      %shift_right_arithmetic3A_205 = vector.broadcast %shift_right_arithmetic3A : i32 to vector<16xi32>
      %shift_right_arithmetic3A_206 = arith.shrsi %get3A_202, %shift_right_arithmetic3A_205 : vector<16xi32>
      %and3A = arith.constant 3 : i32
      %and3A_207 = vector.broadcast %and3A : i32 to vector<16xi32>
      %and3A_208 = arith.andi %shift_right_arithmetic3A_206, %and3A_207 : vector<16xi32>
      %shift_left3A = arith.constant 5 : i32
      %shift_left3A_209 = vector.broadcast %shift_left3A : i32 to vector<16xi32>
      %shift_left3A_210 = arith.shli %and3A_208, %shift_left3A_209 : vector<16xi32>
      %shift_right_arithmetic3A_211 = arith.constant 11 : i32
      %shift_right_arithmetic3A_212 = vector.broadcast %shift_right_arithmetic3A_211 : i32 to vector<16xi32>
      %shift_right_arithmetic3A_213 = arith.shrsi %get3A_204, %shift_right_arithmetic3A_212 : vector<16xi32>
      %and3A_214 = arith.constant 3 : i32
      %and3A_215 = vector.broadcast %and3A_214 : i32 to vector<16xi32>
      %and3A_216 = arith.andi %shift_right_arithmetic3A_213, %and3A_215 : vector<16xi32>
      %shift_left3A_217 = arith.constant 5 : i32
      %shift_left3A_218 = vector.broadcast %shift_left3A_217 : i32 to vector<16xi32>
      %shift_left3A_219 = arith.shli %and3A_216, %shift_left3A_218 : vector<16xi32>
      %add3A_220 = arith.constant 0 : i32
      %add3A_221 = vector.broadcast %add3A_220 : i32 to vector<16xi32>
      %add3A_222 = arith.addi %add3A_201, %add3A_221 : vector<16xi32>
      %shift_left3A_223 = arith.constant 5 : i32
      %shift_left3A_224 = vector.broadcast %shift_left3A_223 : i32 to vector<16xi32>
      %shift_left3A_225 = arith.shli %add3A_222, %shift_left3A_224 : vector<16xi32>
      %broadcast_in_dim3A = arith.constant 0.000000e+00 : f32
      %broadcast_in_dim3A_226 = vector.broadcast %broadcast_in_dim3A : f32 to vector<16xf32>
      %add3A_227 = arith.constant 0 : i32
      %add3A_228 = vector.broadcast %add3A_227 : i32 to vector<16xi32>
      %add3A_229 = arith.addi %shift_left3A_210, %add3A_228 : vector<16xi32>
      %gather3A = arith.constant 0 : i32
      %gather3A_230 = arith.constant 0 : i32
      %gather3A_231 = arith.constant 0 : i32
      %gather3A_232 = tpu.memref_slice %arg13[%gather3A, %gather3A_230, %gather3A_231] : memref<2x128x128xf32, #tpu.memory_space<vmem>> -> memref<1x128x128xf32, #tpu.memory_space<vmem>>
      %gather3A_233 = tpu.memref_squeeze %gather3A_232 : memref<1x128x128xf32, #tpu.memory_space<vmem>> -> memref<128x128xf32, #tpu.memory_space<vmem>>
      %gather3A_234 = tpu.vector_load_idx %gather3A_233[%add3A_201, %add3A_229] : memref<128x128xf32, #tpu.memory_space<vmem>>[vector<16xi32>, vector<16xi32>], vector<16xf32>,
      %add3A_235 = arith.constant 0 : i32
      %add3A_236 = vector.broadcast %add3A_235 : i32 to vector<16xi32>
      %add3A_237 = arith.addi %shift_left3A_219, %add3A_236 : vector<16xi32>
      %gather3A_238 = arith.constant 0 : i32
      %gather3A_239 = arith.constant 0 : i32
      %gather3A_240 = arith.constant 0 : i32
      %gather3A_241 = tpu.memref_slice %arg14[%gather3A_238, %gather3A_239, %gather3A_240] : memref<2x128x128xf32, #tpu.memory_space<vmem>> -> memref<1x128x128xf32, #tpu.memory_space<vmem>>
      %gather3A_242 = tpu.memref_squeeze %gather3A_241 : memref<1x128x128xf32, #tpu.memory_space<vmem>> -> memref<128x128xf32, #tpu.memory_space<vmem>>
      %gather3A_243 = tpu.vector_load_idx %gather3A_242[%add3A_201, %add3A_237] : memref<128x128xf32, #tpu.memory_space<vmem>>[vector<16xi32>, vector<16xi32>], vector<16xf32>,
      %mul3A_244 = arith.mulf %gather3A_234, %gather3A_243 : vector<16xf32>
      %add3A_245 = arith.addf %broadcast_in_dim3A_226, %mul3A_244 : vector<16xf32>
      %add3A_246 = arith.constant 0 : i32
      %add3A_247 = vector.broadcast %add3A_246 : i32 to vector<16xi32>
      %add3A_248 = arith.addi %shift_left3A_225, %add3A_247 : vector<16xi32>
      tpu.vector_store_idx %arg15[%add3A_248], %gather3A_234 : memref<16384xf32, #tpu.memory_space<vmem>>[vector<16xi32>], vector<16xf32>,
      %add3A_249 = arith.constant 0 : i32
      %add3A_250 = vector.broadcast %add3A_249 : i32 to vector<16xi32>
      %add3A_251 = arith.addi %shift_left3A_225, %add3A_250 : vector<16xi32>
      tpu.vector_store_idx %arg16[%add3A_251], %gather3A_243 : memref<16384xf32, #tpu.memory_space<vmem>>[vector<16xi32>], vector<16xf32>,
      %add3A_252 = arith.constant 1 : i32
      %add3A_253 = vector.broadcast %add3A_252 : i32 to vector<16xi32>
      %add3A_254 = arith.addi %shift_left3A_210, %add3A_253 : vector<16xi32>
      %gather3A_255 = arith.constant 0 : i32
      %gather3A_256 = arith.constant 0 : i32
      %gather3A_257 = arith.constant 0 : i32
      %gather3A_258 = tpu.memref_slice %arg13[%gather3A_255, %gather3A_256, %gather3A_257] : memref<2x128x128xf32, #tpu.memory_space<vmem>> -> memref<1x128x128xf32, #tpu.memory_space<vmem>>
      %gather3A_259 = tpu.memref_squeeze %gather3A_258 : memref<1x128x128xf32, #tpu.memory_space<vmem>> -> memref<128x128xf32, #tpu.memory_space<vmem>>
      %gather3A_260 = tpu.vector_load_idx %gather3A_259[%add3A_201, %add3A_254] : memref<128x128xf32, #tpu.memory_space<vmem>>[vector<16xi32>, vector<16xi32>], vector<16xf32>,
      %add3A_261 = arith.constant 1 : i32
      %add3A_262 = vector.broadcast %add3A_261 : i32 to vector<16xi32>
      %add3A_263 = arith.addi %shift_left3A_219, %add3A_262 : vector<16xi32>
      %gather3A_264 = arith.constant 0 : i32
      %gather3A_265 = arith.constant 0 : i32
      %gather3A_266 = arith.constant 0 : i32
      %gather3A_267 = tpu.memref_slice %arg14[%gather3A_264, %gather3A_265, %gather3A_266] : memref<2x128x128xf32, #tpu.memory_space<vmem>> -> memref<1x128x128xf32, #tpu.memory_space<vmem>>
      %gather3A_268 = tpu.memref_squeeze %gather3A_267 : memref<1x128x128xf32, #tpu.memory_space<vmem>> -> memref<128x128xf32, #tpu.memory_space<vmem>>
      %gather3A_269 = tpu.vector_load_idx %gather3A_268[%add3A_201, %add3A_263] : memref<128x128xf32, #tpu.memory_space<vmem>>[vector<16xi32>, vector<16xi32>], vector<16xf32>,
      %mul3A_270 = arith.mulf %gather3A_260, %gather3A_269 : vector<16xf32>
      %add3A_271 = arith.addf %add3A_245, %mul3A_270 : vector<16xf32>
      %add3A_272 = arith.constant 1 : i32
      %add3A_273 = vector.broadcast %add3A_272 : i32 to vector<16xi32>
      %add3A_274 = arith.addi %shift_left3A_225, %add3A_273 : vector<16xi32>
      tpu.vector_store_idx %arg15[%add3A_274], %gather3A_260 : memref<16384xf32, #tpu.memory_space<vmem>>[vector<16xi32>], vector<16xf32>,
      %add3A_275 = arith.constant 1 : i32
      %add3A_276 = vector.broadcast %add3A_275 : i32 to vector<16xi32>
      %add3A_277 = arith.addi %shift_left3A_225, %add3A_276 : vector<16xi32>
      tpu.vector_store_idx %arg16[%add3A_277], %gather3A_269 : memref<16384xf32, #tpu.memory_space<vmem>>[vector<16xi32>], vector<16xf32>,
      %add3A_278 = arith.constant 2 : i32
      %add3A_279 = vector.broadcast %add3A_278 : i32 to vector<16xi32>
      %add3A_280 = arith.addi %shift_left3A_210, %add3A_279 : vector<16xi32>
      %gather3A_281 = arith.constant 0 : i32
      %gather3A_282 = arith.constant 0 : i32
      %gather3A_283 = arith.constant 0 : i32
      %gather3A_284 = tpu.memref_slice %arg13[%gather3A_281, %gather3A_282, %gather3A_283] : memref<2x128x128xf32, #tpu.memory_space<vmem>> -> memref<1x128x128xf32, #tpu.memory_space<vmem>>
      %gather3A_285 = tpu.memref_squeeze %gather3A_284 : memref<1x128x128xf32, #tpu.memory_space<vmem>> -> memref<128x128xf32, #tpu.memory_space<vmem>>
      %gather3A_286 = tpu.vector_load_idx %gather3A_285[%add3A_201, %add3A_280] : memref<128x128xf32, #tpu.memory_space<vmem>>[vector<16xi32>, vector<16xi32>], vector<16xf32>,
      %add3A_287 = arith.constant 2 : i32
      %add3A_288 = vector.broadcast %add3A_287 : i32 to vector<16xi32>
      %add3A_289 = arith.addi %shift_left3A_219, %add3A_288 : vector<16xi32>
      %gather3A_290 = arith.constant 0 : i32
      %gather3A_291 = arith.constant 0 : i32
      %gather3A_292 = arith.constant 0 : i32
      %gather3A_293 = tpu.memref_slice %arg14[%gather3A_290, %gather3A_291, %gather3A_292] : memref<2x128x128xf32, #tpu.memory_space<vmem>> -> memref<1x128x128xf32, #tpu.memory_space<vmem>>
      %gather3A_294 = tpu.memref_squeeze %gather3A_293 : memref<1x128x128xf32, #tpu.memory_space<vmem>> -> memref<128x128xf32, #tpu.memory_space<vmem>>
      %gather3A_295 = tpu.vector_load_idx %gather3A_294[%add3A_201, %add3A_289] : memref<128x128xf32, #tpu.memory_space<vmem>>[vector<16xi32>, vector<16xi32>], vector<16xf32>,
      %mul3A_296 = arith.mulf %gather3A_286, %gather3A_295 : vector<16xf32>
      %add3A_297 = arith.addf %add3A_271, %mul3A_296 : vector<16xf32>
      %add3A_298 = arith.constant 2 : i32
      %add3A_299 = vector.broadcast %add3A_298 : i32 to vector<16xi32>
      %add3A_300 = arith.addi %shift_left3A_225, %add3A_299 : vector<16xi32>
      tpu.vector_store_idx %arg15[%add3A_300], %gather3A_286 : memref<16384xf32, #tpu.memory_space<vmem>>[vector<16xi32>], vector<16xf32>,
      %add3A_301 = arith.constant 2 : i32
      %add3A_302 = vector.broadcast %add3A_301 : i32 to vector<16xi32>
      %add3A_303 = arith.addi %shift_left3A_225, %add3A_302 : vector<16xi32>
      tpu.vector_store_idx %arg16[%add3A_303], %gather3A_295 : memref<16384xf32, #tpu.memory_space<vmem>>[vector<16xi32>], vector<16xf32>,
      %add3A_304 = arith.constant 3 : i32
      %add3A_305 = vector.broadcast %add3A_304 : i32 to vector<16xi32>
      %add3A_306 = arith.addi %shift_left3A_210, %add3A_305 : vector<16xi32>
      %gather3A_307 = arith.constant 0 : i32
      %gather3A_308 = arith.constant 0 : i32
      %gather3A_309 = arith.constant 0 : i32
      %gather3A_310 = tpu.memref_slice %arg13[%gather3A_307, %gather3A_308, %gather3A_309] : memref<2x128x128xf32, #tpu.memory_space<vmem>> -> memref<1x128x128xf32, #tpu.memory_space<vmem>>
      %gather3A_311 = tpu.memref_squeeze %gather3A_310 : memref<1x128x128xf32, #tpu.memory_space<vmem>> -> memref<128x128xf32, #tpu.memory_space<vmem>>
      %gather3A_312 = tpu.vector_load_idx %gather3A_311[%add3A_201, %add3A_306] : memref<128x128xf32, #tpu.memory_space<vmem>>[vector<16xi32>, vector<16xi32>], vector<16xf32>,
      %add3A_313 = arith.constant 3 : i32
      %add3A_314 = vector.broadcast %add3A_313 : i32 to vector<16xi32>
      %add3A_315 = arith.addi %shift_left3A_219, %add3A_314 : vector<16xi32>
      %gather3A_316 = arith.constant 0 : i32
      %gather3A_317 = arith.constant 0 : i32
      %gather3A_318 = arith.constant 0 : i32
      %gather3A_319 = tpu.memref_slice %arg14[%gather3A_316, %gather3A_317, %gather3A_318] : memref<2x128x128xf32, #tpu.memory_space<vmem>> -> memref<1x128x128xf32, #tpu.memory_space<vmem>>
      %gather3A_320 = tpu.memref_squeeze %gather3A_319 : memref<1x128x128xf32, #tpu.memory_space<vmem>> -> memref<128x128xf32, #tpu.memory_space<vmem>>
      %gather3A_321 = tpu.vector_load_idx %gather3A_320[%add3A_201, %add3A_315] : memref<128x128xf32, #tpu.memory_space<vmem>>[vector<16xi32>, vector<16xi32>], vector<16xf32>,
      %mul3A_322 = arith.mulf %gather3A_312, %gather3A_321 : vector<16xf32>
      %add3A_323 = arith.addf %add3A_297, %mul3A_322 : vector<16xf32>
      %add3A_324 = arith.constant 3 : i32
      %add3A_325 = vector.broadcast %add3A_324 : i32 to vector<16xi32>
      %add3A_326 = arith.addi %shift_left3A_225, %add3A_325 : vector<16xi32>
      tpu.vector_store_idx %arg15[%add3A_326], %gather3A_312 : memref<16384xf32, #tpu.memory_space<vmem>>[vector<16xi32>], vector<16xf32>,
      %add3A_327 = arith.constant 3 : i32
      %add3A_328 = vector.broadcast %add3A_327 : i32 to vector<16xi32>
      %add3A_329 = arith.addi %shift_left3A_225, %add3A_328 : vector<16xi32>
      tpu.vector_store_idx %arg16[%add3A_329], %gather3A_321 : memref<16384xf32, #tpu.memory_space<vmem>>[vector<16xi32>], vector<16xf32>,
      %add3A_330 = arith.constant 4 : i32
      %add3A_331 = vector.broadcast %add3A_330 : i32 to vector<16xi32>
      %add3A_332 = arith.addi %shift_left3A_210, %add3A_331 : vector<16xi32>
      %gather3A_333 = arith.constant 0 : i32
      %gather3A_334 = arith.constant 0 : i32
      %gather3A_335 = arith.constant 0 : i32
      %gather3A_336 = tpu.memref_slice %arg13[%gather3A_333, %gather3A_334, %gather3A_335] : memref<2x128x128xf32, #tpu.memory_space<vmem>> -> memref<1x128x128xf32, #tpu.memory_space<vmem>>
      %gather3A_337 = tpu.memref_squeeze %gather3A_336 : memref<1x128x128xf32, #tpu.memory_space<vmem>> -> memref<128x128xf32, #tpu.memory_space<vmem>>
      %gather3A_338 = tpu.vector_load_idx %gather3A_337[%add3A_201, %add3A_332] : memref<128x128xf32, #tpu.memory_space<vmem>>[vector<16xi32>, vector<16xi32>], vector<16xf32>,
      %add3A_339 = arith.constant 4 : i32
      %add3A_340 = vector.broadcast %add3A_339 : i32 to vector<16xi32>
      %add3A_341 = arith.addi %shift_left3A_219, %add3A_340 : vector<16xi32>
      %gather3A_342 = arith.constant 0 : i32
      %gather3A_343 = arith.constant 0 : i32
      %gather3A_344 = arith.constant 0 : i32
      %gather3A_345 = tpu.memref_slice %arg14[%gather3A_342, %gather3A_343, %gather3A_344] : memref<2x128x128xf32, #tpu.memory_space<vmem>> -> memref<1x128x128xf32, #tpu.memory_space<vmem>>
      %gather3A_346 = tpu.memref_squeeze %gather3A_345 : memref<1x128x128xf32, #tpu.memory_space<vmem>> -> memref<128x128xf32, #tpu.memory_space<vmem>>
      %gather3A_347 = tpu.vector_load_idx %gather3A_346[%add3A_201, %add3A_341] : memref<128x128xf32, #tpu.memory_space<vmem>>[vector<16xi32>, vector<16xi32>], vector<16xf32>,
      %mul3A_348 = arith.mulf %gather3A_338, %gather3A_347 : vector<16xf32>
      %add3A_349 = arith.addf %add3A_323, %mul3A_348 : vector<16xf32>
      %add3A_350 = arith.constant 4 : i32
      %add3A_351 = vector.broadcast %add3A_350 : i32 to vector<16xi32>
      %add3A_352 = arith.addi %shift_left3A_225, %add3A_351 : vector<16xi32>
      tpu.vector_store_idx %arg15[%add3A_352], %gather3A_338 : memref<16384xf32, #tpu.memory_space<vmem>>[vector<16xi32>], vector<16xf32>,
      %add3A_353 = arith.constant 4 : i32
      %add3A_354 = vector.broadcast %add3A_353 : i32 to vector<16xi32>
      %add3A_355 = arith.addi %shift_left3A_225, %add3A_354 : vector<16xi32>
      tpu.vector_store_idx %arg16[%add3A_355], %gather3A_347 : memref<16384xf32, #tpu.memory_space<vmem>>[vector<16xi32>], vector<16xf32>,
      %add3A_356 = arith.constant 5 : i32
      %add3A_357 = vector.broadcast %add3A_356 : i32 to vector<16xi32>
      %add3A_358 = arith.addi %shift_left3A_210, %add3A_357 : vector<16xi32>
      %gather3A_359 = arith.constant 0 : i32
      %gather3A_360 = arith.constant 0 : i32
      %gather3A_361 = arith.constant 0 : i32
      %gather3A_362 = tpu.memref_slice %arg13[%gather3A_359, %gather3A_360, %gather3A_361] : memref<2x128x128xf32, #tpu.memory_space<vmem>> -> memref<1x128x128xf32, #tpu.memory_space<vmem>>
      %gather3A_363 = tpu.memref_squeeze %gather3A_362 : memref<1x128x128xf32, #tpu.memory_space<vmem>> -> memref<128x128xf32, #tpu.memory_space<vmem>>
      %gather3A_364 = tpu.vector_load_idx %gather3A_363[%add3A_201, %add3A_358] : memref<128x128xf32, #tpu.memory_space<vmem>>[vector<16xi32>, vector<16xi32>], vector<16xf32>,
      %add3A_365 = arith.constant 5 : i32
      %add3A_366 = vector.broadcast %add3A_365 : i32 to vector<16xi32>
      %add3A_367 = arith.addi %shift_left3A_219, %add3A_366 : vector<16xi32>
      %gather3A_368 = arith.constant 0 : i32
      %gather3A_369 = arith.constant 0 : i32
      %gather3A_370 = arith.constant 0 : i32
      %gather3A_371 = tpu.memref_slice %arg14[%gather3A_368, %gather3A_369, %gather3A_370] : memref<2x128x128xf32, #tpu.memory_space<vmem>> -> memref<1x128x128xf32, #tpu.memory_space<vmem>>
      %gather3A_372 = tpu.memref_squeeze %gather3A_371 : memref<1x128x128xf32, #tpu.memory_space<vmem>> -> memref<128x128xf32, #tpu.memory_space<vmem>>
      %gather3A_373 = tpu.vector_load_idx %gather3A_372[%add3A_201, %add3A_367] : memref<128x128xf32, #tpu.memory_space<vmem>>[vector<16xi32>, vector<16xi32>], vector<16xf32>,
      %mul3A_374 = arith.mulf %gather3A_364, %gather3A_373 : vector<16xf32>
      %add3A_375 = arith.addf %add3A_349, %mul3A_374 : vector<16xf32>
      %add3A_376 = arith.constant 5 : i32
      %add3A_377 = vector.broadcast %add3A_376 : i32 to vector<16xi32>
      %add3A_378 = arith.addi %shift_left3A_225, %add3A_377 : vector<16xi32>
      tpu.vector_store_idx %arg15[%add3A_378], %gather3A_364 : memref<16384xf32, #tpu.memory_space<vmem>>[vector<16xi32>], vector<16xf32>,
      %add3A_379 = arith.constant 5 : i32
      %add3A_380 = vector.broadcast %add3A_379 : i32 to vector<16xi32>
      %add3A_381 = arith.addi %shift_left3A_225, %add3A_380 : vector<16xi32>
      tpu.vector_store_idx %arg16[%add3A_381], %gather3A_373 : memref<16384xf32, #tpu.memory_space<vmem>>[vector<16xi32>], vector<16xf32>,
      %add3A_382 = arith.constant 6 : i32
      %add3A_383 = vector.broadcast %add3A_382 : i32 to vector<16xi32>
      %add3A_384 = arith.addi %shift_left3A_210, %add3A_383 : vector<16xi32>
      %gather3A_385 = arith.constant 0 : i32
      %gather3A_386 = arith.constant 0 : i32
      %gather3A_387 = arith.constant 0 : i32
      %gather3A_388 = tpu.memref_slice %arg13[%gather3A_385, %gather3A_386, %gather3A_387] : memref<2x128x128xf32, #tpu.memory_space<vmem>> -> memref<1x128x128xf32, #tpu.memory_space<vmem>>
      %gather3A_389 = tpu.memref_squeeze %gather3A_388 : memref<1x128x128xf32, #tpu.memory_space<vmem>> -> memref<128x128xf32, #tpu.memory_space<vmem>>
      %gather3A_390 = tpu.vector_load_idx %gather3A_389[%add3A_201, %add3A_384] : memref<128x128xf32, #tpu.memory_space<vmem>>[vector<16xi32>, vector<16xi32>], vector<16xf32>,
      %add3A_391 = arith.constant 6 : i32
      %add3A_392 = vector.broadcast %add3A_391 : i32 to vector<16xi32>
      %add3A_393 = arith.addi %shift_left3A_219, %add3A_392 : vector<16xi32>
      %gather3A_394 = arith.constant 0 : i32
      %gather3A_395 = arith.constant 0 : i32
      %gather3A_396 = arith.constant 0 : i32
      %gather3A_397 = tpu.memref_slice %arg14[%gather3A_394, %gather3A_395, %gather3A_396] : memref<2x128x128xf32, #tpu.memory_space<vmem>> -> memref<1x128x128xf32, #tpu.memory_space<vmem>>
      %gather3A_398 = tpu.memref_squeeze %gather3A_397 : memref<1x128x128xf32, #tpu.memory_space<vmem>> -> memref<128x128xf32, #tpu.memory_space<vmem>>
      %gather3A_399 = tpu.vector_load_idx %gather3A_398[%add3A_201, %add3A_393] : memref<128x128xf32, #tpu.memory_space<vmem>>[vector<16xi32>, vector<16xi32>], vector<16xf32>,
      %mul3A_400 = arith.mulf %gather3A_390, %gather3A_399 : vector<16xf32>
      %add3A_401 = arith.addf %add3A_375, %mul3A_400 : vector<16xf32>
      %add3A_402 = arith.constant 6 : i32
      %add3A_403 = vector.broadcast %add3A_402 : i32 to vector<16xi32>
      %add3A_404 = arith.addi %shift_left3A_225, %add3A_403 : vector<16xi32>
      tpu.vector_store_idx %arg15[%add3A_404], %gather3A_390 : memref<16384xf32, #tpu.memory_space<vmem>>[vector<16xi32>], vector<16xf32>,
      %add3A_405 = arith.constant 6 : i32
      %add3A_406 = vector.broadcast %add3A_405 : i32 to vector<16xi32>
      %add3A_407 = arith.addi %shift_left3A_225, %add3A_406 : vector<16xi32>
      tpu.vector_store_idx %arg16[%add3A_407], %gather3A_399 : memref<16384xf32, #tpu.memory_space<vmem>>[vector<16xi32>], vector<16xf32>,
      %add3A_408 = arith.constant 7 : i32
      %add3A_409 = vector.broadcast %add3A_408 : i32 to vector<16xi32>
      %add3A_410 = arith.addi %shift_left3A_210, %add3A_409 : vector<16xi32>
      %gather3A_411 = arith.constant 0 : i32
      %gather3A_412 = arith.constant 0 : i32
      %gather3A_413 = arith.constant 0 : i32
      %gather3A_414 = tpu.memref_slice %arg13[%gather3A_411, %gather3A_412, %gather3A_413] : memref<2x128x128xf32, #tpu.memory_space<vmem>> -> memref<1x128x128xf32, #tpu.memory_space<vmem>>
      %gather3A_415 = tpu.memref_squeeze %gather3A_414 : memref<1x128x128xf32, #tpu.memory_space<vmem>> -> memref<128x128xf32, #tpu.memory_space<vmem>>
      %gather3A_416 = tpu.vector_load_idx %gather3A_415[%add3A_201, %add3A_410] : memref<128x128xf32, #tpu.memory_space<vmem>>[vector<16xi32>, vector<16xi32>], vector<16xf32>,
      %add3A_417 = arith.constant 7 : i32
      %add3A_418 = vector.broadcast %add3A_417 : i32 to vector<16xi32>
      %add3A_419 = arith.addi %shift_left3A_219, %add3A_418 : vector<16xi32>
      %gather3A_420 = arith.constant 0 : i32
      %gather3A_421 = arith.constant 0 : i32
      %gather3A_422 = arith.constant 0 : i32
      %gather3A_423 = tpu.memref_slice %arg14[%gather3A_420, %gather3A_421, %gather3A_422] : memref<2x128x128xf32, #tpu.memory_space<vmem>> -> memref<1x128x128xf32, #tpu.memory_space<vmem>>
      %gather3A_424 = tpu.memref_squeeze %gather3A_423 : memref<1x128x128xf32, #tpu.memory_space<vmem>> -> memref<128x128xf32, #tpu.memory_space<vmem>>
      %gather3A_425 = tpu.vector_load_idx %gather3A_424[%add3A_201, %add3A_419] : memref<128x128xf32, #tpu.memory_space<vmem>>[vector<16xi32>, vector<16xi32>], vector<16xf32>,
      %mul3A_426 = arith.mulf %gather3A_416, %gather3A_425 : vector<16xf32>
      %add3A_427 = arith.addf %add3A_401, %mul3A_426 : vector<16xf32>
      %add3A_428 = arith.constant 7 : i32
      %add3A_429 = vector.broadcast %add3A_428 : i32 to vector<16xi32>
      %add3A_430 = arith.addi %shift_left3A_225, %add3A_429 : vector<16xi32>
      tpu.vector_store_idx %arg15[%add3A_430], %gather3A_416 : memref<16384xf32, #tpu.memory_space<vmem>>[vector<16xi32>], vector<16xf32>,
      %add3A_431 = arith.constant 7 : i32
      %add3A_432 = vector.broadcast %add3A_431 : i32 to vector<16xi32>
      %add3A_433 = arith.addi %shift_left3A_225, %add3A_432 : vector<16xi32>
      tpu.vector_store_idx %arg16[%add3A_433], %gather3A_425 : memref<16384xf32, #tpu.memory_space<vmem>>[vector<16xi32>], vector<16xf32>,
      %add3A_434 = arith.constant 8 : i32
      %add3A_435 = vector.broadcast %add3A_434 : i32 to vector<16xi32>
      %add3A_436 = arith.addi %shift_left3A_210, %add3A_435 : vector<16xi32>
      %gather3A_437 = arith.constant 0 : i32
      %gather3A_438 = arith.constant 0 : i32
      %gather3A_439 = arith.constant 0 : i32
      %gather3A_440 = tpu.memref_slice %arg13[%gather3A_437, %gather3A_438, %gather3A_439] : memref<2x128x128xf32, #tpu.memory_space<vmem>> -> memref<1x128x128xf32, #tpu.memory_space<vmem>>
      %gather3A_441 = tpu.memref_squeeze %gather3A_440 : memref<1x128x128xf32, #tpu.memory_space<vmem>> -> memref<128x128xf32, #tpu.memory_space<vmem>>
      %gather3A_442 = tpu.vector_load_idx %gather3A_441[%add3A_201, %add3A_436] : memref<128x128xf32, #tpu.memory_space<vmem>>[vector<16xi32>, vector<16xi32>], vector<16xf32>,
      %add3A_443 = arith.constant 8 : i32
      %add3A_444 = vector.broadcast %add3A_443 : i32 to vector<16xi32>
      %add3A_445 = arith.addi %shift_left3A_219, %add3A_444 : vector<16xi32>
      %gather3A_446 = arith.constant 0 : i32
      %gather3A_447 = arith.constant 0 : i32
      %gather3A_448 = arith.constant 0 : i32
      %gather3A_449 = tpu.memref_slice %arg14[%gather3A_446, %gather3A_447, %gather3A_448] : memref<2x128x128xf32, #tpu.memory_space<vmem>> -> memref<1x128x128xf32, #tpu.memory_space<vmem>>
      %gather3A_450 = tpu.memref_squeeze %gather3A_449 : memref<1x128x128xf32, #tpu.memory_space<vmem>> -> memref<128x128xf32, #tpu.memory_space<vmem>>
      %gather3A_451 = tpu.vector_load_idx %gather3A_450[%add3A_201, %add3A_445] : memref<128x128xf32, #tpu.memory_space<vmem>>[vector<16xi32>, vector<16xi32>], vector<16xf32>,
      %mul3A_452 = arith.mulf %gather3A_442, %gather3A_451 : vector<16xf32>
      %add3A_453 = arith.addf %add3A_427, %mul3A_452 : vector<16xf32>
      %add3A_454 = arith.constant 8 : i32
      %add3A_455 = vector.broadcast %add3A_454 : i32 to vector<16xi32>
      %add3A_456 = arith.addi %shift_left3A_225, %add3A_455 : vector<16xi32>
      tpu.vector_store_idx %arg15[%add3A_456], %gather3A_442 : memref<16384xf32, #tpu.memory_space<vmem>>[vector<16xi32>], vector<16xf32>,
      %add3A_457 = arith.constant 8 : i32
      %add3A_458 = vector.broadcast %add3A_457 : i32 to vector<16xi32>
      %add3A_459 = arith.addi %shift_left3A_225, %add3A_458 : vector<16xi32>
      tpu.vector_store_idx %arg16[%add3A_459], %gather3A_451 : memref<16384xf32, #tpu.memory_space<vmem>>[vector<16xi32>], vector<16xf32>,
      %add3A_460 = arith.constant 9 : i32
      %add3A_461 = vector.broadcast %add3A_460 : i32 to vector<16xi32>
      %add3A_462 = arith.addi %shift_left3A_210, %add3A_461 : vector<16xi32>
      %gather3A_463 = arith.constant 0 : i32
      %gather3A_464 = arith.constant 0 : i32
      %gather3A_465 = arith.constant 0 : i32
      %gather3A_466 = tpu.memref_slice %arg13[%gather3A_463, %gather3A_464, %gather3A_465] : memref<2x128x128xf32, #tpu.memory_space<vmem>> -> memref<1x128x128xf32, #tpu.memory_space<vmem>>
      %gather3A_467 = tpu.memref_squeeze %gather3A_466 : memref<1x128x128xf32, #tpu.memory_space<vmem>> -> memref<128x128xf32, #tpu.memory_space<vmem>>
      %gather3A_468 = tpu.vector_load_idx %gather3A_467[%add3A_201, %add3A_462] : memref<128x128xf32, #tpu.memory_space<vmem>>[vector<16xi32>, vector<16xi32>], vector<16xf32>,
      %add3A_469 = arith.constant 9 : i32
      %add3A_470 = vector.broadcast %add3A_469 : i32 to vector<16xi32>
      %add3A_471 = arith.addi %shift_left3A_219, %add3A_470 : vector<16xi32>
      %gather3A_472 = arith.constant 0 : i32
      %gather3A_473 = arith.constant 0 : i32
      %gather3A_474 = arith.constant 0 : i32
      %gather3A_475 = tpu.memref_slice %arg14[%gather3A_472, %gather3A_473, %gather3A_474] : memref<2x128x128xf32, #tpu.memory_space<vmem>> -> memref<1x128x128xf32, #tpu.memory_space<vmem>>
      %gather3A_476 = tpu.memref_squeeze %gather3A_475 : memref<1x128x128xf32, #tpu.memory_space<vmem>> -> memref<128x128xf32, #tpu.memory_space<vmem>>
      %gather3A_477 = tpu.vector_load_idx %gather3A_476[%add3A_201, %add3A_471] : memref<128x128xf32, #tpu.memory_space<vmem>>[vector<16xi32>, vector<16xi32>], vector<16xf32>,
      %mul3A_478 = arith.mulf %gather3A_468, %gather3A_477 : vector<16xf32>
      %add3A_479 = arith.addf %add3A_453, %mul3A_478 : vector<16xf32>
      %add3A_480 = arith.constant 9 : i32
      %add3A_481 = vector.broadcast %add3A_480 : i32 to vector<16xi32>
      %add3A_482 = arith.addi %shift_left3A_225, %add3A_481 : vector<16xi32>
      tpu.vector_store_idx %arg15[%add3A_482], %gather3A_468 : memref<16384xf32, #tpu.memory_space<vmem>>[vector<16xi32>], vector<16xf32>,
      %add3A_483 = arith.constant 9 : i32
      %add3A_484 = vector.broadcast %add3A_483 : i32 to vector<16xi32>
      %add3A_485 = arith.addi %shift_left3A_225, %add3A_484 : vector<16xi32>
      tpu.vector_store_idx %arg16[%add3A_485], %gather3A_477 : memref<16384xf32, #tpu.memory_space<vmem>>[vector<16xi32>], vector<16xf32>,
      %add3A_486 = arith.constant 10 : i32
      %add3A_487 = vector.broadcast %add3A_486 : i32 to vector<16xi32>
      %add3A_488 = arith.addi %shift_left3A_210, %add3A_487 : vector<16xi32>
      %gather3A_489 = arith.constant 0 : i32
      %gather3A_490 = arith.constant 0 : i32
      %gather3A_491 = arith.constant 0 : i32
      %gather3A_492 = tpu.memref_slice %arg13[%gather3A_489, %gather3A_490, %gather3A_491] : memref<2x128x128xf32, #tpu.memory_space<vmem>> -> memref<1x128x128xf32, #tpu.memory_space<vmem>>
      %gather3A_493 = tpu.memref_squeeze %gather3A_492 : memref<1x128x128xf32, #tpu.memory_space<vmem>> -> memref<128x128xf32, #tpu.memory_space<vmem>>
      %gather3A_494 = tpu.vector_load_idx %gather3A_493[%add3A_201, %add3A_488] : memref<128x128xf32, #tpu.memory_space<vmem>>[vector<16xi32>, vector<16xi32>], vector<16xf32>,
      %add3A_495 = arith.constant 10 : i32
      %add3A_496 = vector.broadcast %add3A_495 : i32 to vector<16xi32>
      %add3A_497 = arith.addi %shift_left3A_219, %add3A_496 : vector<16xi32>
      %gather3A_498 = arith.constant 0 : i32
      %gather3A_499 = arith.constant 0 : i32
      %gather3A_500 = arith.constant 0 : i32
      %gather3A_501 = tpu.memref_slice %arg14[%gather3A_498, %gather3A_499, %gather3A_500] : memref<2x128x128xf32, #tpu.memory_space<vmem>> -> memref<1x128x128xf32, #tpu.memory_space<vmem>>
      %gather3A_502 = tpu.memref_squeeze %gather3A_501 : memref<1x128x128xf32, #tpu.memory_space<vmem>> -> memref<128x128xf32, #tpu.memory_space<vmem>>
      %gather3A_503 = tpu.vector_load_idx %gather3A_502[%add3A_201, %add3A_497] : memref<128x128xf32, #tpu.memory_space<vmem>>[vector<16xi32>, vector<16xi32>], vector<16xf32>,
      %mul3A_504 = arith.mulf %gather3A_494, %gather3A_503 : vector<16xf32>
      %add3A_505 = arith.addf %add3A_479, %mul3A_504 : vector<16xf32>
      %add3A_506 = arith.constant 10 : i32
      %add3A_507 = vector.broadcast %add3A_506 : i32 to vector<16xi32>
      %add3A_508 = arith.addi %shift_left3A_225, %add3A_507 : vector<16xi32>
      tpu.vector_store_idx %arg15[%add3A_508], %gather3A_494 : memref<16384xf32, #tpu.memory_space<vmem>>[vector<16xi32>], vector<16xf32>,
      %add3A_509 = arith.constant 10 : i32
      %add3A_510 = vector.broadcast %add3A_509 : i32 to vector<16xi32>
      %add3A_511 = arith.addi %shift_left3A_225, %add3A_510 : vector<16xi32>
      tpu.vector_store_idx %arg16[%add3A_511], %gather3A_503 : memref<16384xf32, #tpu.memory_space<vmem>>[vector<16xi32>], vector<16xf32>,
      %add3A_512 = arith.constant 11 : i32
      %add3A_513 = vector.broadcast %add3A_512 : i32 to vector<16xi32>
      %add3A_514 = arith.addi %shift_left3A_210, %add3A_513 : vector<16xi32>
      %gather3A_515 = arith.constant 0 : i32
      %gather3A_516 = arith.constant 0 : i32
      %gather3A_517 = arith.constant 0 : i32
      %gather3A_518 = tpu.memref_slice %arg13[%gather3A_515, %gather3A_516, %gather3A_517] : memref<2x128x128xf32, #tpu.memory_space<vmem>> -> memref<1x128x128xf32, #tpu.memory_space<vmem>>
      %gather3A_519 = tpu.memref_squeeze %gather3A_518 : memref<1x128x128xf32, #tpu.memory_space<vmem>> -> memref<128x128xf32, #tpu.memory_space<vmem>>
      %gather3A_520 = tpu.vector_load_idx %gather3A_519[%add3A_201, %add3A_514] : memref<128x128xf32, #tpu.memory_space<vmem>>[vector<16xi32>, vector<16xi32>], vector<16xf32>,
      %add3A_521 = arith.constant 11 : i32
      %add3A_522 = vector.broadcast %add3A_521 : i32 to vector<16xi32>
      %add3A_523 = arith.addi %shift_left3A_219, %add3A_522 : vector<16xi32>
      %gather3A_524 = arith.constant 0 : i32
      %gather3A_525 = arith.constant 0 : i32
      %gather3A_526 = arith.constant 0 : i32
      %gather3A_527 = tpu.memref_slice %arg14[%gather3A_524, %gather3A_525, %gather3A_526] : memref<2x128x128xf32, #tpu.memory_space<vmem>> -> memref<1x128x128xf32, #tpu.memory_space<vmem>>
      %gather3A_528 = tpu.memref_squeeze %gather3A_527 : memref<1x128x128xf32, #tpu.memory_space<vmem>> -> memref<128x128xf32, #tpu.memory_space<vmem>>
      %gather3A_529 = tpu.vector_load_idx %gather3A_528[%add3A_201, %add3A_523] : memref<128x128xf32, #tpu.memory_space<vmem>>[vector<16xi32>, vector<16xi32>], vector<16xf32>,
      %mul3A_530 = arith.mulf %gather3A_520, %gather3A_529 : vector<16xf32>
      %add3A_531 = arith.addf %add3A_505, %mul3A_530 : vector<16xf32>
      %add3A_532 = arith.constant 11 : i32
      %add3A_533 = vector.broadcast %add3A_532 : i32 to vector<16xi32>
      %add3A_534 = arith.addi %shift_left3A_225, %add3A_533 : vector<16xi32>
      tpu.vector_store_idx %arg15[%add3A_534], %gather3A_520 : memref<16384xf32, #tpu.memory_space<vmem>>[vector<16xi32>], vector<16xf32>,
      %add3A_535 = arith.constant 11 : i32
      %add3A_536 = vector.broadcast %add3A_535 : i32 to vector<16xi32>
      %add3A_537 = arith.addi %shift_left3A_225, %add3A_536 : vector<16xi32>
      tpu.vector_store_idx %arg16[%add3A_537], %gather3A_529 : memref<16384xf32, #tpu.memory_space<vmem>>[vector<16xi32>], vector<16xf32>,
      %add3A_538 = arith.constant 12 : i32
      %add3A_539 = vector.broadcast %add3A_538 : i32 to vector<16xi32>
      %add3A_540 = arith.addi %shift_left3A_210, %add3A_539 : vector<16xi32>
      %gather3A_541 = arith.constant 0 : i32
      %gather3A_542 = arith.constant 0 : i32
      %gather3A_543 = arith.constant 0 : i32
      %gather3A_544 = tpu.memref_slice %arg13[%gather3A_541, %gather3A_542, %gather3A_543] : memref<2x128x128xf32, #tpu.memory_space<vmem>> -> memref<1x128x128xf32, #tpu.memory_space<vmem>>
      %gather3A_545 = tpu.memref_squeeze %gather3A_544 : memref<1x128x128xf32, #tpu.memory_space<vmem>> -> memref<128x128xf32, #tpu.memory_space<vmem>>
      %gather3A_546 = tpu.vector_load_idx %gather3A_545[%add3A_201, %add3A_540] : memref<128x128xf32, #tpu.memory_space<vmem>>[vector<16xi32>, vector<16xi32>], vector<16xf32>,
      %add3A_547 = arith.constant 12 : i32
      %add3A_548 = vector.broadcast %add3A_547 : i32 to vector<16xi32>
      %add3A_549 = arith.addi %shift_left3A_219, %add3A_548 : vector<16xi32>
      %gather3A_550 = arith.constant 0 : i32
      %gather3A_551 = arith.constant 0 : i32
      %gather3A_552 = arith.constant 0 : i32
      %gather3A_553 = tpu.memref_slice %arg14[%gather3A_550, %gather3A_551, %gather3A_552] : memref<2x128x128xf32, #tpu.memory_space<vmem>> -> memref<1x128x128xf32, #tpu.memory_space<vmem>>
      %gather3A_554 = tpu.memref_squeeze %gather3A_553 : memref<1x128x128xf32, #tpu.memory_space<vmem>> -> memref<128x128xf32, #tpu.memory_space<vmem>>
      %gather3A_555 = tpu.vector_load_idx %gather3A_554[%add3A_201, %add3A_549] : memref<128x128xf32, #tpu.memory_space<vmem>>[vector<16xi32>, vector<16xi32>], vector<16xf32>,
      %mul3A_556 = arith.mulf %gather3A_546, %gather3A_555 : vector<16xf32>
      %add3A_557 = arith.addf %add3A_531, %mul3A_556 : vector<16xf32>
      %add3A_558 = arith.constant 12 : i32
      %add3A_559 = vector.broadcast %add3A_558 : i32 to vector<16xi32>
      %add3A_560 = arith.addi %shift_left3A_225, %add3A_559 : vector<16xi32>
      tpu.vector_store_idx %arg15[%add3A_560], %gather3A_546 : memref<16384xf32, #tpu.memory_space<vmem>>[vector<16xi32>], vector<16xf32>,
      %add3A_561 = arith.constant 12 : i32
      %add3A_562 = vector.broadcast %add3A_561 : i32 to vector<16xi32>
      %add3A_563 = arith.addi %shift_left3A_225, %add3A_562 : vector<16xi32>
      tpu.vector_store_idx %arg16[%add3A_563], %gather3A_555 : memref<16384xf32, #tpu.memory_space<vmem>>[vector<16xi32>], vector<16xf32>,
      %add3A_564 = arith.constant 13 : i32
      %add3A_565 = vector.broadcast %add3A_564 : i32 to vector<16xi32>
      %add3A_566 = arith.addi %shift_left3A_210, %add3A_565 : vector<16xi32>
      %gather3A_567 = arith.constant 0 : i32
      %gather3A_568 = arith.constant 0 : i32
      %gather3A_569 = arith.constant 0 : i32
      %gather3A_570 = tpu.memref_slice %arg13[%gather3A_567, %gather3A_568, %gather3A_569] : memref<2x128x128xf32, #tpu.memory_space<vmem>> -> memref<1x128x128xf32, #tpu.memory_space<vmem>>
      %gather3A_571 = tpu.memref_squeeze %gather3A_570 : memref<1x128x128xf32, #tpu.memory_space<vmem>> -> memref<128x128xf32, #tpu.memory_space<vmem>>
      %gather3A_572 = tpu.vector_load_idx %gather3A_571[%add3A_201, %add3A_566] : memref<128x128xf32, #tpu.memory_space<vmem>>[vector<16xi32>, vector<16xi32>], vector<16xf32>,
      %add3A_573 = arith.constant 13 : i32
      %add3A_574 = vector.broadcast %add3A_573 : i32 to vector<16xi32>
      %add3A_575 = arith.addi %shift_left3A_219, %add3A_574 : vector<16xi32>
      %gather3A_576 = arith.constant 0 : i32
      %gather3A_577 = arith.constant 0 : i32
      %gather3A_578 = arith.constant 0 : i32
      %gather3A_579 = tpu.memref_slice %arg14[%gather3A_576, %gather3A_577, %gather3A_578] : memref<2x128x128xf32, #tpu.memory_space<vmem>> -> memref<1x128x128xf32, #tpu.memory_space<vmem>>
      %gather3A_580 = tpu.memref_squeeze %gather3A_579 : memref<1x128x128xf32, #tpu.memory_space<vmem>> -> memref<128x128xf32, #tpu.memory_space<vmem>>
      %gather3A_581 = tpu.vector_load_idx %gather3A_580[%add3A_201, %add3A_575] : memref<128x128xf32, #tpu.memory_space<vmem>>[vector<16xi32>, vector<16xi32>], vector<16xf32>,
      %mul3A_582 = arith.mulf %gather3A_572, %gather3A_581 : vector<16xf32>
      %add3A_583 = arith.addf %add3A_557, %mul3A_582 : vector<16xf32>
      %add3A_584 = arith.constant 13 : i32
      %add3A_585 = vector.broadcast %add3A_584 : i32 to vector<16xi32>
      %add3A_586 = arith.addi %shift_left3A_225, %add3A_585 : vector<16xi32>
      tpu.vector_store_idx %arg15[%add3A_586], %gather3A_572 : memref<16384xf32, #tpu.memory_space<vmem>>[vector<16xi32>], vector<16xf32>,
      %add3A_587 = arith.constant 13 : i32
      %add3A_588 = vector.broadcast %add3A_587 : i32 to vector<16xi32>
      %add3A_589 = arith.addi %shift_left3A_225, %add3A_588 : vector<16xi32>
      tpu.vector_store_idx %arg16[%add3A_589], %gather3A_581 : memref<16384xf32, #tpu.memory_space<vmem>>[vector<16xi32>], vector<16xf32>,
      %add3A_590 = arith.constant 14 : i32
      %add3A_591 = vector.broadcast %add3A_590 : i32 to vector<16xi32>
      %add3A_592 = arith.addi %shift_left3A_210, %add3A_591 : vector<16xi32>
      %gather3A_593 = arith.constant 0 : i32
      %gather3A_594 = arith.constant 0 : i32
      %gather3A_595 = arith.constant 0 : i32
      %gather3A_596 = tpu.memref_slice %arg13[%gather3A_593, %gather3A_594, %gather3A_595] : memref<2x128x128xf32, #tpu.memory_space<vmem>> -> memref<1x128x128xf32, #tpu.memory_space<vmem>>
      %gather3A_597 = tpu.memref_squeeze %gather3A_596 : memref<1x128x128xf32, #tpu.memory_space<vmem>> -> memref<128x128xf32, #tpu.memory_space<vmem>>
      %gather3A_598 = tpu.vector_load_idx %gather3A_597[%add3A_201, %add3A_592] : memref<128x128xf32, #tpu.memory_space<vmem>>[vector<16xi32>, vector<16xi32>], vector<16xf32>,
      %add3A_599 = arith.constant 14 : i32
      %add3A_600 = vector.broadcast %add3A_599 : i32 to vector<16xi32>
      %add3A_601 = arith.addi %shift_left3A_219, %add3A_600 : vector<16xi32>
      %gather3A_602 = arith.constant 0 : i32
      %gather3A_603 = arith.constant 0 : i32
      %gather3A_604 = arith.constant 0 : i32
      %gather3A_605 = tpu.memref_slice %arg14[%gather3A_602, %gather3A_603, %gather3A_604] : memref<2x128x128xf32, #tpu.memory_space<vmem>> -> memref<1x128x128xf32, #tpu.memory_space<vmem>>
      %gather3A_606 = tpu.memref_squeeze %gather3A_605 : memref<1x128x128xf32, #tpu.memory_space<vmem>> -> memref<128x128xf32, #tpu.memory_space<vmem>>
      %gather3A_607 = tpu.vector_load_idx %gather3A_606[%add3A_201, %add3A_601] : memref<128x128xf32, #tpu.memory_space<vmem>>[vector<16xi32>, vector<16xi32>], vector<16xf32>,
      %mul3A_608 = arith.mulf %gather3A_598, %gather3A_607 : vector<16xf32>
      %add3A_609 = arith.addf %add3A_583, %mul3A_608 : vector<16xf32>
      %add3A_610 = arith.constant 14 : i32
      %add3A_611 = vector.broadcast %add3A_610 : i32 to vector<16xi32>
      %add3A_612 = arith.addi %shift_left3A_225, %add3A_611 : vector<16xi32>
      tpu.vector_store_idx %arg15[%add3A_612], %gather3A_598 : memref<16384xf32, #tpu.memory_space<vmem>>[vector<16xi32>], vector<16xf32>,
      %add3A_613 = arith.constant 14 : i32
      %add3A_614 = vector.broadcast %add3A_613 : i32 to vector<16xi32>
      %add3A_615 = arith.addi %shift_left3A_225, %add3A_614 : vector<16xi32>
      tpu.vector_store_idx %arg16[%add3A_615], %gather3A_607 : memref<16384xf32, #tpu.memory_space<vmem>>[vector<16xi32>], vector<16xf32>,
      %add3A_616 = arith.constant 15 : i32
      %add3A_617 = vector.broadcast %add3A_616 : i32 to vector<16xi32>
      %add3A_618 = arith.addi %shift_left3A_210, %add3A_617 : vector<16xi32>
      %gather3A_619 = arith.constant 0 : i32
      %gather3A_620 = arith.constant 0 : i32
      %gather3A_621 = arith.constant 0 : i32
      %gather3A_622 = tpu.memref_slice %arg13[%gather3A_619, %gather3A_620, %gather3A_621] : memref<2x128x128xf32, #tpu.memory_space<vmem>> -> memref<1x128x128xf32, #tpu.memory_space<vmem>>
      %gather3A_623 = tpu.memref_squeeze %gather3A_622 : memref<1x128x128xf32, #tpu.memory_space<vmem>> -> memref<128x128xf32, #tpu.memory_space<vmem>>
      %gather3A_624 = tpu.vector_load_idx %gather3A_623[%add3A_201, %add3A_618] : memref<128x128xf32, #tpu.memory_space<vmem>>[vector<16xi32>, vector<16xi32>], vector<16xf32>,
      %add3A_625 = arith.constant 15 : i32
      %add3A_626 = vector.broadcast %add3A_625 : i32 to vector<16xi32>
      %add3A_627 = arith.addi %shift_left3A_219, %add3A_626 : vector<16xi32>
      %gather3A_628 = arith.constant 0 : i32
      %gather3A_629 = arith.constant 0 : i32
      %gather3A_630 = arith.constant 0 : i32
      %gather3A_631 = tpu.memref_slice %arg14[%gather3A_628, %gather3A_629, %gather3A_630] : memref<2x128x128xf32, #tpu.memory_space<vmem>> -> memref<1x128x128xf32, #tpu.memory_space<vmem>>
      %gather3A_632 = tpu.memref_squeeze %gather3A_631 : memref<1x128x128xf32, #tpu.memory_space<vmem>> -> memref<128x128xf32, #tpu.memory_space<vmem>>
      %gather3A_633 = tpu.vector_load_idx %gather3A_632[%add3A_201, %add3A_627] : memref<128x128xf32, #tpu.memory_space<vmem>>[vector<16xi32>, vector<16xi32>], vector<16xf32>,
      %mul3A_634 = arith.mulf %gather3A_624, %gather3A_633 : vector<16xf32>
      %add3A_635 = arith.addf %add3A_609, %mul3A_634 : vector<16xf32>
      %add3A_636 = arith.constant 15 : i32
      %add3A_637 = vector.broadcast %add3A_636 : i32 to vector<16xi32>
      %add3A_638 = arith.addi %shift_left3A_225, %add3A_637 : vector<16xi32>
      tpu.vector_store_idx %arg15[%add3A_638], %gather3A_624 : memref<16384xf32, #tpu.memory_space<vmem>>[vector<16xi32>], vector<16xf32>,
      %add3A_639 = arith.constant 15 : i32
      %add3A_640 = vector.broadcast %add3A_639 : i32 to vector<16xi32>
      %add3A_641 = arith.addi %shift_left3A_225, %add3A_640 : vector<16xi32>
      tpu.vector_store_idx %arg16[%add3A_641], %gather3A_633 : memref<16384xf32, #tpu.memory_space<vmem>>[vector<16xi32>], vector<16xf32>,
      %add3A_642 = arith.constant 16 : i32
      %add3A_643 = vector.broadcast %add3A_642 : i32 to vector<16xi32>
      %add3A_644 = arith.addi %shift_left3A_210, %add3A_643 : vector<16xi32>
      %gather3A_645 = arith.constant 0 : i32
      %gather3A_646 = arith.constant 0 : i32
      %gather3A_647 = arith.constant 0 : i32
      %gather3A_648 = tpu.memref_slice %arg13[%gather3A_645, %gather3A_646, %gather3A_647] : memref<2x128x128xf32, #tpu.memory_space<vmem>> -> memref<1x128x128xf32, #tpu.memory_space<vmem>>
      %gather3A_649 = tpu.memref_squeeze %gather3A_648 : memref<1x128x128xf32, #tpu.memory_space<vmem>> -> memref<128x128xf32, #tpu.memory_space<vmem>>
      %gather3A_650 = tpu.vector_load_idx %gather3A_649[%add3A_201, %add3A_644] : memref<128x128xf32, #tpu.memory_space<vmem>>[vector<16xi32>, vector<16xi32>], vector<16xf32>,
      %add3A_651 = arith.constant 16 : i32
      %add3A_652 = vector.broadcast %add3A_651 : i32 to vector<16xi32>
      %add3A_653 = arith.addi %shift_left3A_219, %add3A_652 : vector<16xi32>
      %gather3A_654 = arith.constant 0 : i32
      %gather3A_655 = arith.constant 0 : i32
      %gather3A_656 = arith.constant 0 : i32
      %gather3A_657 = tpu.memref_slice %arg14[%gather3A_654, %gather3A_655, %gather3A_656] : memref<2x128x128xf32, #tpu.memory_space<vmem>> -> memref<1x128x128xf32, #tpu.memory_space<vmem>>
      %gather3A_658 = tpu.memref_squeeze %gather3A_657 : memref<1x128x128xf32, #tpu.memory_space<vmem>> -> memref<128x128xf32, #tpu.memory_space<vmem>>
      %gather3A_659 = tpu.vector_load_idx %gather3A_658[%add3A_201, %add3A_653] : memref<128x128xf32, #tpu.memory_space<vmem>>[vector<16xi32>, vector<16xi32>], vector<16xf32>,
      %mul3A_660 = arith.mulf %gather3A_650, %gather3A_659 : vector<16xf32>
      %add3A_661 = arith.addf %add3A_635, %mul3A_660 : vector<16xf32>
      %add3A_662 = arith.constant 16 : i32
      %add3A_663 = vector.broadcast %add3A_662 : i32 to vector<16xi32>
      %add3A_664 = arith.addi %shift_left3A_225, %add3A_663 : vector<16xi32>
      tpu.vector_store_idx %arg15[%add3A_664], %gather3A_650 : memref<16384xf32, #tpu.memory_space<vmem>>[vector<16xi32>], vector<16xf32>,
      %add3A_665 = arith.constant 16 : i32
      %add3A_666 = vector.broadcast %add3A_665 : i32 to vector<16xi32>
      %add3A_667 = arith.addi %shift_left3A_225, %add3A_666 : vector<16xi32>
      tpu.vector_store_idx %arg16[%add3A_667], %gather3A_659 : memref<16384xf32, #tpu.memory_space<vmem>>[vector<16xi32>], vector<16xf32>,
      %add3A_668 = arith.constant 17 : i32
      %add3A_669 = vector.broadcast %add3A_668 : i32 to vector<16xi32>
      %add3A_670 = arith.addi %shift_left3A_210, %add3A_669 : vector<16xi32>
      %gather3A_671 = arith.constant 0 : i32
      %gather3A_672 = arith.constant 0 : i32
      %gather3A_673 = arith.constant 0 : i32
      %gather3A_674 = tpu.memref_slice %arg13[%gather3A_671, %gather3A_672, %gather3A_673] : memref<2x128x128xf32, #tpu.memory_space<vmem>> -> memref<1x128x128xf32, #tpu.memory_space<vmem>>
      %gather3A_675 = tpu.memref_squeeze %gather3A_674 : memref<1x128x128xf32, #tpu.memory_space<vmem>> -> memref<128x128xf32, #tpu.memory_space<vmem>>
      %gather3A_676 = tpu.vector_load_idx %gather3A_675[%add3A_201, %add3A_670] : memref<128x128xf32, #tpu.memory_space<vmem>>[vector<16xi32>, vector<16xi32>], vector<16xf32>,
      %add3A_677 = arith.constant 17 : i32
      %add3A_678 = vector.broadcast %add3A_677 : i32 to vector<16xi32>
      %add3A_679 = arith.addi %shift_left3A_219, %add3A_678 : vector<16xi32>
      %gather3A_680 = arith.constant 0 : i32
      %gather3A_681 = arith.constant 0 : i32
      %gather3A_682 = arith.constant 0 : i32
      %gather3A_683 = tpu.memref_slice %arg14[%gather3A_680, %gather3A_681, %gather3A_682] : memref<2x128x128xf32, #tpu.memory_space<vmem>> -> memref<1x128x128xf32, #tpu.memory_space<vmem>>
      %gather3A_684 = tpu.memref_squeeze %gather3A_683 : memref<1x128x128xf32, #tpu.memory_space<vmem>> -> memref<128x128xf32, #tpu.memory_space<vmem>>
      %gather3A_685 = tpu.vector_load_idx %gather3A_684[%add3A_201, %add3A_679] : memref<128x128xf32, #tpu.memory_space<vmem>>[vector<16xi32>, vector<16xi32>], vector<16xf32>,
      %mul3A_686 = arith.mulf %gather3A_676, %gather3A_685 : vector<16xf32>
      %add3A_687 = arith.addf %add3A_661, %mul3A_686 : vector<16xf32>
      %add3A_688 = arith.constant 17 : i32
      %add3A_689 = vector.broadcast %add3A_688 : i32 to vector<16xi32>
      %add3A_690 = arith.addi %shift_left3A_225, %add3A_689 : vector<16xi32>
      tpu.vector_store_idx %arg15[%add3A_690], %gather3A_676 : memref<16384xf32, #tpu.memory_space<vmem>>[vector<16xi32>], vector<16xf32>,
      %add3A_691 = arith.constant 17 : i32
      %add3A_692 = vector.broadcast %add3A_691 : i32 to vector<16xi32>
      %add3A_693 = arith.addi %shift_left3A_225, %add3A_692 : vector<16xi32>
      tpu.vector_store_idx %arg16[%add3A_693], %gather3A_685 : memref<16384xf32, #tpu.memory_space<vmem>>[vector<16xi32>], vector<16xf32>,
      %add3A_694 = arith.constant 18 : i32
      %add3A_695 = vector.broadcast %add3A_694 : i32 to vector<16xi32>
      %add3A_696 = arith.addi %shift_left3A_210, %add3A_695 : vector<16xi32>
      %gather3A_697 = arith.constant 0 : i32
      %gather3A_698 = arith.constant 0 : i32
      %gather3A_699 = arith.constant 0 : i32
      %gather3A_700 = tpu.memref_slice %arg13[%gather3A_697, %gather3A_698, %gather3A_699] : memref<2x128x128xf32, #tpu.memory_space<vmem>> -> memref<1x128x128xf32, #tpu.memory_space<vmem>>
      %gather3A_701 = tpu.memref_squeeze %gather3A_700 : memref<1x128x128xf32, #tpu.memory_space<vmem>> -> memref<128x128xf32, #tpu.memory_space<vmem>>
      %gather3A_702 = tpu.vector_load_idx %gather3A_701[%add3A_201, %add3A_696] : memref<128x128xf32, #tpu.memory_space<vmem>>[vector<16xi32>, vector<16xi32>], vector<16xf32>,
      %add3A_703 = arith.constant 18 : i32
      %add3A_704 = vector.broadcast %add3A_703 : i32 to vector<16xi32>
      %add3A_705 = arith.addi %shift_left3A_219, %add3A_704 : vector<16xi32>
      %gather3A_706 = arith.constant 0 : i32
      %gather3A_707 = arith.constant 0 : i32
      %gather3A_708 = arith.constant 0 : i32
      %gather3A_709 = tpu.memref_slice %arg14[%gather3A_706, %gather3A_707, %gather3A_708] : memref<2x128x128xf32, #tpu.memory_space<vmem>> -> memref<1x128x128xf32, #tpu.memory_space<vmem>>
      %gather3A_710 = tpu.memref_squeeze %gather3A_709 : memref<1x128x128xf32, #tpu.memory_space<vmem>> -> memref<128x128xf32, #tpu.memory_space<vmem>>
      %gather3A_711 = tpu.vector_load_idx %gather3A_710[%add3A_201, %add3A_705] : memref<128x128xf32, #tpu.memory_space<vmem>>[vector<16xi32>, vector<16xi32>], vector<16xf32>,
      %mul3A_712 = arith.mulf %gather3A_702, %gather3A_711 : vector<16xf32>
      %add3A_713 = arith.addf %add3A_687, %mul3A_712 : vector<16xf32>
      %add3A_714 = arith.constant 18 : i32
      %add3A_715 = vector.broadcast %add3A_714 : i32 to vector<16xi32>
      %add3A_716 = arith.addi %shift_left3A_225, %add3A_715 : vector<16xi32>
      tpu.vector_store_idx %arg15[%add3A_716], %gather3A_702 : memref<16384xf32, #tpu.memory_space<vmem>>[vector<16xi32>], vector<16xf32>,
      %add3A_717 = arith.constant 18 : i32
      %add3A_718 = vector.broadcast %add3A_717 : i32 to vector<16xi32>
      %add3A_719 = arith.addi %shift_left3A_225, %add3A_718 : vector<16xi32>
      tpu.vector_store_idx %arg16[%add3A_719], %gather3A_711 : memref<16384xf32, #tpu.memory_space<vmem>>[vector<16xi32>], vector<16xf32>,
      %add3A_720 = arith.constant 19 : i32
      %add3A_721 = vector.broadcast %add3A_720 : i32 to vector<16xi32>
      %add3A_722 = arith.addi %shift_left3A_210, %add3A_721 : vector<16xi32>
      %gather3A_723 = arith.constant 0 : i32
      %gather3A_724 = arith.constant 0 : i32
      %gather3A_725 = arith.constant 0 : i32
      %gather3A_726 = tpu.memref_slice %arg13[%gather3A_723, %gather3A_724, %gather3A_725] : memref<2x128x128xf32, #tpu.memory_space<vmem>> -> memref<1x128x128xf32, #tpu.memory_space<vmem>>
      %gather3A_727 = tpu.memref_squeeze %gather3A_726 : memref<1x128x128xf32, #tpu.memory_space<vmem>> -> memref<128x128xf32, #tpu.memory_space<vmem>>
      %gather3A_728 = tpu.vector_load_idx %gather3A_727[%add3A_201, %add3A_722] : memref<128x128xf32, #tpu.memory_space<vmem>>[vector<16xi32>, vector<16xi32>], vector<16xf32>,
      %add3A_729 = arith.constant 19 : i32
      %add3A_730 = vector.broadcast %add3A_729 : i32 to vector<16xi32>
      %add3A_731 = arith.addi %shift_left3A_219, %add3A_730 : vector<16xi32>
      %gather3A_732 = arith.constant 0 : i32
      %gather3A_733 = arith.constant 0 : i32
      %gather3A_734 = arith.constant 0 : i32
      %gather3A_735 = tpu.memref_slice %arg14[%gather3A_732, %gather3A_733, %gather3A_734] : memref<2x128x128xf32, #tpu.memory_space<vmem>> -> memref<1x128x128xf32, #tpu.memory_space<vmem>>
      %gather3A_736 = tpu.memref_squeeze %gather3A_735 : memref<1x128x128xf32, #tpu.memory_space<vmem>> -> memref<128x128xf32, #tpu.memory_space<vmem>>
      %gather3A_737 = tpu.vector_load_idx %gather3A_736[%add3A_201, %add3A_731] : memref<128x128xf32, #tpu.memory_space<vmem>>[vector<16xi32>, vector<16xi32>], vector<16xf32>,
      %mul3A_738 = arith.mulf %gather3A_728, %gather3A_737 : vector<16xf32>
      %add3A_739 = arith.addf %add3A_713, %mul3A_738 : vector<16xf32>
      %add3A_740 = arith.constant 19 : i32
      %add3A_741 = vector.broadcast %add3A_740 : i32 to vector<16xi32>
      %add3A_742 = arith.addi %shift_left3A_225, %add3A_741 : vector<16xi32>
      tpu.vector_store_idx %arg15[%add3A_742], %gather3A_728 : memref<16384xf32, #tpu.memory_space<vmem>>[vector<16xi32>], vector<16xf32>,
      %add3A_743 = arith.constant 19 : i32
      %add3A_744 = vector.broadcast %add3A_743 : i32 to vector<16xi32>
      %add3A_745 = arith.addi %shift_left3A_225, %add3A_744 : vector<16xi32>
      tpu.vector_store_idx %arg16[%add3A_745], %gather3A_737 : memref<16384xf32, #tpu.memory_space<vmem>>[vector<16xi32>], vector<16xf32>,
      %add3A_746 = arith.constant 20 : i32
      %add3A_747 = vector.broadcast %add3A_746 : i32 to vector<16xi32>
      %add3A_748 = arith.addi %shift_left3A_210, %add3A_747 : vector<16xi32>
      %gather3A_749 = arith.constant 0 : i32
      %gather3A_750 = arith.constant 0 : i32
      %gather3A_751 = arith.constant 0 : i32
      %gather3A_752 = tpu.memref_slice %arg13[%gather3A_749, %gather3A_750, %gather3A_751] : memref<2x128x128xf32, #tpu.memory_space<vmem>> -> memref<1x128x128xf32, #tpu.memory_space<vmem>>
      %gather3A_753 = tpu.memref_squeeze %gather3A_752 : memref<1x128x128xf32, #tpu.memory_space<vmem>> -> memref<128x128xf32, #tpu.memory_space<vmem>>
      %gather3A_754 = tpu.vector_load_idx %gather3A_753[%add3A_201, %add3A_748] : memref<128x128xf32, #tpu.memory_space<vmem>>[vector<16xi32>, vector<16xi32>], vector<16xf32>,
      %add3A_755 = arith.constant 20 : i32
      %add3A_756 = vector.broadcast %add3A_755 : i32 to vector<16xi32>
      %add3A_757 = arith.addi %shift_left3A_219, %add3A_756 : vector<16xi32>
      %gather3A_758 = arith.constant 0 : i32
      %gather3A_759 = arith.constant 0 : i32
      %gather3A_760 = arith.constant 0 : i32
      %gather3A_761 = tpu.memref_slice %arg14[%gather3A_758, %gather3A_759, %gather3A_760] : memref<2x128x128xf32, #tpu.memory_space<vmem>> -> memref<1x128x128xf32, #tpu.memory_space<vmem>>
      %gather3A_762 = tpu.memref_squeeze %gather3A_761 : memref<1x128x128xf32, #tpu.memory_space<vmem>> -> memref<128x128xf32, #tpu.memory_space<vmem>>
      %gather3A_763 = tpu.vector_load_idx %gather3A_762[%add3A_201, %add3A_757] : memref<128x128xf32, #tpu.memory_space<vmem>>[vector<16xi32>, vector<16xi32>], vector<16xf32>,
      %mul3A_764 = arith.mulf %gather3A_754, %gather3A_763 : vector<16xf32>
      %add3A_765 = arith.addf %add3A_739, %mul3A_764 : vector<16xf32>
      %add3A_766 = arith.constant 20 : i32
      %add3A_767 = vector.broadcast %add3A_766 : i32 to vector<16xi32>
      %add3A_768 = arith.addi %shift_left3A_225, %add3A_767 : vector<16xi32>
      tpu.vector_store_idx %arg15[%add3A_768], %gather3A_754 : memref<16384xf32, #tpu.memory_space<vmem>>[vector<16xi32>], vector<16xf32>,
      %add3A_769 = arith.constant 20 : i32
      %add3A_770 = vector.broadcast %add3A_769 : i32 to vector<16xi32>
      %add3A_771 = arith.addi %shift_left3A_225, %add3A_770 : vector<16xi32>
      tpu.vector_store_idx %arg16[%add3A_771], %gather3A_763 : memref<16384xf32, #tpu.memory_space<vmem>>[vector<16xi32>], vector<16xf32>,
      %add3A_772 = arith.constant 21 : i32
      %add3A_773 = vector.broadcast %add3A_772 : i32 to vector<16xi32>
      %add3A_774 = arith.addi %shift_left3A_210, %add3A_773 : vector<16xi32>
      %gather3A_775 = arith.constant 0 : i32
      %gather3A_776 = arith.constant 0 : i32
      %gather3A_777 = arith.constant 0 : i32
      %gather3A_778 = tpu.memref_slice %arg13[%gather3A_775, %gather3A_776, %gather3A_777] : memref<2x128x128xf32, #tpu.memory_space<vmem>> -> memref<1x128x128xf32, #tpu.memory_space<vmem>>
      %gather3A_779 = tpu.memref_squeeze %gather3A_778 : memref<1x128x128xf32, #tpu.memory_space<vmem>> -> memref<128x128xf32, #tpu.memory_space<vmem>>
      %gather3A_780 = tpu.vector_load_idx %gather3A_779[%add3A_201, %add3A_774] : memref<128x128xf32, #tpu.memory_space<vmem>>[vector<16xi32>, vector<16xi32>], vector<16xf32>,
      %add3A_781 = arith.constant 21 : i32
      %add3A_782 = vector.broadcast %add3A_781 : i32 to vector<16xi32>
      %add3A_783 = arith.addi %shift_left3A_219, %add3A_782 : vector<16xi32>
      %gather3A_784 = arith.constant 0 : i32
      %gather3A_785 = arith.constant 0 : i32
      %gather3A_786 = arith.constant 0 : i32
      %gather3A_787 = tpu.memref_slice %arg14[%gather3A_784, %gather3A_785, %gather3A_786] : memref<2x128x128xf32, #tpu.memory_space<vmem>> -> memref<1x128x128xf32, #tpu.memory_space<vmem>>
      %gather3A_788 = tpu.memref_squeeze %gather3A_787 : memref<1x128x128xf32, #tpu.memory_space<vmem>> -> memref<128x128xf32, #tpu.memory_space<vmem>>
      %gather3A_789 = tpu.vector_load_idx %gather3A_788[%add3A_201, %add3A_783] : memref<128x128xf32, #tpu.memory_space<vmem>>[vector<16xi32>, vector<16xi32>], vector<16xf32>,
      %mul3A_790 = arith.mulf %gather3A_780, %gather3A_789 : vector<16xf32>
      %add3A_791 = arith.addf %add3A_765, %mul3A_790 : vector<16xf32>
      %add3A_792 = arith.constant 21 : i32
      %add3A_793 = vector.broadcast %add3A_792 : i32 to vector<16xi32>
      %add3A_794 = arith.addi %shift_left3A_225, %add3A_793 : vector<16xi32>
      tpu.vector_store_idx %arg15[%add3A_794], %gather3A_780 : memref<16384xf32, #tpu.memory_space<vmem>>[vector<16xi32>], vector<16xf32>,
      %add3A_795 = arith.constant 21 : i32
      %add3A_796 = vector.broadcast %add3A_795 : i32 to vector<16xi32>
      %add3A_797 = arith.addi %shift_left3A_225, %add3A_796 : vector<16xi32>
      tpu.vector_store_idx %arg16[%add3A_797], %gather3A_789 : memref<16384xf32, #tpu.memory_space<vmem>>[vector<16xi32>], vector<16xf32>,
      %add3A_798 = arith.constant 22 : i32
      %add3A_799 = vector.broadcast %add3A_798 : i32 to vector<16xi32>
      %add3A_800 = arith.addi %shift_left3A_210, %add3A_799 : vector<16xi32>
      %gather3A_801 = arith.constant 0 : i32
      %gather3A_802 = arith.constant 0 : i32
      %gather3A_803 = arith.constant 0 : i32
      %gather3A_804 = tpu.memref_slice %arg13[%gather3A_801, %gather3A_802, %gather3A_803] : memref<2x128x128xf32, #tpu.memory_space<vmem>> -> memref<1x128x128xf32, #tpu.memory_space<vmem>>
      %gather3A_805 = tpu.memref_squeeze %gather3A_804 : memref<1x128x128xf32, #tpu.memory_space<vmem>> -> memref<128x128xf32, #tpu.memory_space<vmem>>
      %gather3A_806 = tpu.vector_load_idx %gather3A_805[%add3A_201, %add3A_800] : memref<128x128xf32, #tpu.memory_space<vmem>>[vector<16xi32>, vector<16xi32>], vector<16xf32>,
      %add3A_807 = arith.constant 22 : i32
      %add3A_808 = vector.broadcast %add3A_807 : i32 to vector<16xi32>
      %add3A_809 = arith.addi %shift_left3A_219, %add3A_808 : vector<16xi32>
      %gather3A_810 = arith.constant 0 : i32
      %gather3A_811 = arith.constant 0 : i32
      %gather3A_812 = arith.constant 0 : i32
      %gather3A_813 = tpu.memref_slice %arg14[%gather3A_810, %gather3A_811, %gather3A_812] : memref<2x128x128xf32, #tpu.memory_space<vmem>> -> memref<1x128x128xf32, #tpu.memory_space<vmem>>
      %gather3A_814 = tpu.memref_squeeze %gather3A_813 : memref<1x128x128xf32, #tpu.memory_space<vmem>> -> memref<128x128xf32, #tpu.memory_space<vmem>>
      %gather3A_815 = tpu.vector_load_idx %gather3A_814[%add3A_201, %add3A_809] : memref<128x128xf32, #tpu.memory_space<vmem>>[vector<16xi32>, vector<16xi32>], vector<16xf32>,
      %mul3A_816 = arith.mulf %gather3A_806, %gather3A_815 : vector<16xf32>
      %add3A_817 = arith.addf %add3A_791, %mul3A_816 : vector<16xf32>
      %add3A_818 = arith.constant 22 : i32
      %add3A_819 = vector.broadcast %add3A_818 : i32 to vector<16xi32>
      %add3A_820 = arith.addi %shift_left3A_225, %add3A_819 : vector<16xi32>
      tpu.vector_store_idx %arg15[%add3A_820], %gather3A_806 : memref<16384xf32, #tpu.memory_space<vmem>>[vector<16xi32>], vector<16xf32>,
      %add3A_821 = arith.constant 22 : i32
      %add3A_822 = vector.broadcast %add3A_821 : i32 to vector<16xi32>
      %add3A_823 = arith.addi %shift_left3A_225, %add3A_822 : vector<16xi32>
      tpu.vector_store_idx %arg16[%add3A_823], %gather3A_815 : memref<16384xf32, #tpu.memory_space<vmem>>[vector<16xi32>], vector<16xf32>,
      %add3A_824 = arith.constant 23 : i32
      %add3A_825 = vector.broadcast %add3A_824 : i32 to vector<16xi32>
      %add3A_826 = arith.addi %shift_left3A_210, %add3A_825 : vector<16xi32>
      %gather3A_827 = arith.constant 0 : i32
      %gather3A_828 = arith.constant 0 : i32
      %gather3A_829 = arith.constant 0 : i32
      %gather3A_830 = tpu.memref_slice %arg13[%gather3A_827, %gather3A_828, %gather3A_829] : memref<2x128x128xf32, #tpu.memory_space<vmem>> -> memref<1x128x128xf32, #tpu.memory_space<vmem>>
      %gather3A_831 = tpu.memref_squeeze %gather3A_830 : memref<1x128x128xf32, #tpu.memory_space<vmem>> -> memref<128x128xf32, #tpu.memory_space<vmem>>
      %gather3A_832 = tpu.vector_load_idx %gather3A_831[%add3A_201, %add3A_826] : memref<128x128xf32, #tpu.memory_space<vmem>>[vector<16xi32>, vector<16xi32>], vector<16xf32>,
      %add3A_833 = arith.constant 23 : i32
      %add3A_834 = vector.broadcast %add3A_833 : i32 to vector<16xi32>
      %add3A_835 = arith.addi %shift_left3A_219, %add3A_834 : vector<16xi32>
      %gather3A_836 = arith.constant 0 : i32
      %gather3A_837 = arith.constant 0 : i32
      %gather3A_838 = arith.constant 0 : i32
      %gather3A_839 = tpu.memref_slice %arg14[%gather3A_836, %gather3A_837, %gather3A_838] : memref<2x128x128xf32, #tpu.memory_space<vmem>> -> memref<1x128x128xf32, #tpu.memory_space<vmem>>
      %gather3A_840 = tpu.memref_squeeze %gather3A_839 : memref<1x128x128xf32, #tpu.memory_space<vmem>> -> memref<128x128xf32, #tpu.memory_space<vmem>>
      %gather3A_841 = tpu.vector_load_idx %gather3A_840[%add3A_201, %add3A_835] : memref<128x128xf32, #tpu.memory_space<vmem>>[vector<16xi32>, vector<16xi32>], vector<16xf32>,
      %mul3A_842 = arith.mulf %gather3A_832, %gather3A_841 : vector<16xf32>
      %add3A_843 = arith.addf %add3A_817, %mul3A_842 : vector<16xf32>
      %add3A_844 = arith.constant 23 : i32
      %add3A_845 = vector.broadcast %add3A_844 : i32 to vector<16xi32>
      %add3A_846 = arith.addi %shift_left3A_225, %add3A_845 : vector<16xi32>
      tpu.vector_store_idx %arg15[%add3A_846], %gather3A_832 : memref<16384xf32, #tpu.memory_space<vmem>>[vector<16xi32>], vector<16xf32>,
      %add3A_847 = arith.constant 23 : i32
      %add3A_848 = vector.broadcast %add3A_847 : i32 to vector<16xi32>
      %add3A_849 = arith.addi %shift_left3A_225, %add3A_848 : vector<16xi32>
      tpu.vector_store_idx %arg16[%add3A_849], %gather3A_841 : memref<16384xf32, #tpu.memory_space<vmem>>[vector<16xi32>], vector<16xf32>,
      %add3A_850 = arith.constant 24 : i32
      %add3A_851 = vector.broadcast %add3A_850 : i32 to vector<16xi32>
      %add3A_852 = arith.addi %shift_left3A_210, %add3A_851 : vector<16xi32>
      %gather3A_853 = arith.constant 0 : i32
      %gather3A_854 = arith.constant 0 : i32
      %gather3A_855 = arith.constant 0 : i32
      %gather3A_856 = tpu.memref_slice %arg13[%gather3A_853, %gather3A_854, %gather3A_855] : memref<2x128x128xf32, #tpu.memory_space<vmem>> -> memref<1x128x128xf32, #tpu.memory_space<vmem>>
      %gather3A_857 = tpu.memref_squeeze %gather3A_856 : memref<1x128x128xf32, #tpu.memory_space<vmem>> -> memref<128x128xf32, #tpu.memory_space<vmem>>
      %gather3A_858 = tpu.vector_load_idx %gather3A_857[%add3A_201, %add3A_852] : memref<128x128xf32, #tpu.memory_space<vmem>>[vector<16xi32>, vector<16xi32>], vector<16xf32>,
      %add3A_859 = arith.constant 24 : i32
      %add3A_860 = vector.broadcast %add3A_859 : i32 to vector<16xi32>
      %add3A_861 = arith.addi %shift_left3A_219, %add3A_860 : vector<16xi32>
      %gather3A_862 = arith.constant 0 : i32
      %gather3A_863 = arith.constant 0 : i32
      %gather3A_864 = arith.constant 0 : i32
      %gather3A_865 = tpu.memref_slice %arg14[%gather3A_862, %gather3A_863, %gather3A_864] : memref<2x128x128xf32, #tpu.memory_space<vmem>> -> memref<1x128x128xf32, #tpu.memory_space<vmem>>
      %gather3A_866 = tpu.memref_squeeze %gather3A_865 : memref<1x128x128xf32, #tpu.memory_space<vmem>> -> memref<128x128xf32, #tpu.memory_space<vmem>>
      %gather3A_867 = tpu.vector_load_idx %gather3A_866[%add3A_201, %add3A_861] : memref<128x128xf32, #tpu.memory_space<vmem>>[vector<16xi32>, vector<16xi32>], vector<16xf32>,
      %mul3A_868 = arith.mulf %gather3A_858, %gather3A_867 : vector<16xf32>
      %add3A_869 = arith.addf %add3A_843, %mul3A_868 : vector<16xf32>
      %add3A_870 = arith.constant 24 : i32
      %add3A_871 = vector.broadcast %add3A_870 : i32 to vector<16xi32>
      %add3A_872 = arith.addi %shift_left3A_225, %add3A_871 : vector<16xi32>
      tpu.vector_store_idx %arg15[%add3A_872], %gather3A_858 : memref<16384xf32, #tpu.memory_space<vmem>>[vector<16xi32>], vector<16xf32>,
      %add3A_873 = arith.constant 24 : i32
      %add3A_874 = vector.broadcast %add3A_873 : i32 to vector<16xi32>
      %add3A_875 = arith.addi %shift_left3A_225, %add3A_874 : vector<16xi32>
      tpu.vector_store_idx %arg16[%add3A_875], %gather3A_867 : memref<16384xf32, #tpu.memory_space<vmem>>[vector<16xi32>], vector<16xf32>,
      %add3A_876 = arith.constant 25 : i32
      %add3A_877 = vector.broadcast %add3A_876 : i32 to vector<16xi32>
      %add3A_878 = arith.addi %shift_left3A_210, %add3A_877 : vector<16xi32>
      %gather3A_879 = arith.constant 0 : i32
      %gather3A_880 = arith.constant 0 : i32
      %gather3A_881 = arith.constant 0 : i32
      %gather3A_882 = tpu.memref_slice %arg13[%gather3A_879, %gather3A_880, %gather3A_881] : memref<2x128x128xf32, #tpu.memory_space<vmem>> -> memref<1x128x128xf32, #tpu.memory_space<vmem>>
      %gather3A_883 = tpu.memref_squeeze %gather3A_882 : memref<1x128x128xf32, #tpu.memory_space<vmem>> -> memref<128x128xf32, #tpu.memory_space<vmem>>
      %gather3A_884 = tpu.vector_load_idx %gather3A_883[%add3A_201, %add3A_878] : memref<128x128xf32, #tpu.memory_space<vmem>>[vector<16xi32>, vector<16xi32>], vector<16xf32>,
      %add3A_885 = arith.constant 25 : i32
      %add3A_886 = vector.broadcast %add3A_885 : i32 to vector<16xi32>
      %add3A_887 = arith.addi %shift_left3A_219, %add3A_886 : vector<16xi32>
      %gather3A_888 = arith.constant 0 : i32
      %gather3A_889 = arith.constant 0 : i32
      %gather3A_890 = arith.constant 0 : i32
      %gather3A_891 = tpu.memref_slice %arg14[%gather3A_888, %gather3A_889, %gather3A_890] : memref<2x128x128xf32, #tpu.memory_space<vmem>> -> memref<1x128x128xf32, #tpu.memory_space<vmem>>
      %gather3A_892 = tpu.memref_squeeze %gather3A_891 : memref<1x128x128xf32, #tpu.memory_space<vmem>> -> memref<128x128xf32, #tpu.memory_space<vmem>>
      %gather3A_893 = tpu.vector_load_idx %gather3A_892[%add3A_201, %add3A_887] : memref<128x128xf32, #tpu.memory_space<vmem>>[vector<16xi32>, vector<16xi32>], vector<16xf32>,
      %mul3A_894 = arith.mulf %gather3A_884, %gather3A_893 : vector<16xf32>
      %add3A_895 = arith.addf %add3A_869, %mul3A_894 : vector<16xf32>
      %add3A_896 = arith.constant 25 : i32
      %add3A_897 = vector.broadcast %add3A_896 : i32 to vector<16xi32>
      %add3A_898 = arith.addi %shift_left3A_225, %add3A_897 : vector<16xi32>
      tpu.vector_store_idx %arg15[%add3A_898], %gather3A_884 : memref<16384xf32, #tpu.memory_space<vmem>>[vector<16xi32>], vector<16xf32>,
      %add3A_899 = arith.constant 25 : i32
      %add3A_900 = vector.broadcast %add3A_899 : i32 to vector<16xi32>
      %add3A_901 = arith.addi %shift_left3A_225, %add3A_900 : vector<16xi32>
      tpu.vector_store_idx %arg16[%add3A_901], %gather3A_893 : memref<16384xf32, #tpu.memory_space<vmem>>[vector<16xi32>], vector<16xf32>,
      %add3A_902 = arith.constant 26 : i32
      %add3A_903 = vector.broadcast %add3A_902 : i32 to vector<16xi32>
      %add3A_904 = arith.addi %shift_left3A_210, %add3A_903 : vector<16xi32>
      %gather3A_905 = arith.constant 0 : i32
      %gather3A_906 = arith.constant 0 : i32
      %gather3A_907 = arith.constant 0 : i32
      %gather3A_908 = tpu.memref_slice %arg13[%gather3A_905, %gather3A_906, %gather3A_907] : memref<2x128x128xf32, #tpu.memory_space<vmem>> -> memref<1x128x128xf32, #tpu.memory_space<vmem>>
      %gather3A_909 = tpu.memref_squeeze %gather3A_908 : memref<1x128x128xf32, #tpu.memory_space<vmem>> -> memref<128x128xf32, #tpu.memory_space<vmem>>
      %gather3A_910 = tpu.vector_load_idx %gather3A_909[%add3A_201, %add3A_904] : memref<128x128xf32, #tpu.memory_space<vmem>>[vector<16xi32>, vector<16xi32>], vector<16xf32>,
      %add3A_911 = arith.constant 26 : i32
      %add3A_912 = vector.broadcast %add3A_911 : i32 to vector<16xi32>
      %add3A_913 = arith.addi %shift_left3A_219, %add3A_912 : vector<16xi32>
      %gather3A_914 = arith.constant 0 : i32
      %gather3A_915 = arith.constant 0 : i32
      %gather3A_916 = arith.constant 0 : i32
      %gather3A_917 = tpu.memref_slice %arg14[%gather3A_914, %gather3A_915, %gather3A_916] : memref<2x128x128xf32, #tpu.memory_space<vmem>> -> memref<1x128x128xf32, #tpu.memory_space<vmem>>
      %gather3A_918 = tpu.memref_squeeze %gather3A_917 : memref<1x128x128xf32, #tpu.memory_space<vmem>> -> memref<128x128xf32, #tpu.memory_space<vmem>>
      %gather3A_919 = tpu.vector_load_idx %gather3A_918[%add3A_201, %add3A_913] : memref<128x128xf32, #tpu.memory_space<vmem>>[vector<16xi32>, vector<16xi32>], vector<16xf32>,
      %mul3A_920 = arith.mulf %gather3A_910, %gather3A_919 : vector<16xf32>
      %add3A_921 = arith.addf %add3A_895, %mul3A_920 : vector<16xf32>
      %add3A_922 = arith.constant 26 : i32
      %add3A_923 = vector.broadcast %add3A_922 : i32 to vector<16xi32>
      %add3A_924 = arith.addi %shift_left3A_225, %add3A_923 : vector<16xi32>
      tpu.vector_store_idx %arg15[%add3A_924], %gather3A_910 : memref<16384xf32, #tpu.memory_space<vmem>>[vector<16xi32>], vector<16xf32>,
      %add3A_925 = arith.constant 26 : i32
      %add3A_926 = vector.broadcast %add3A_925 : i32 to vector<16xi32>
      %add3A_927 = arith.addi %shift_left3A_225, %add3A_926 : vector<16xi32>
      tpu.vector_store_idx %arg16[%add3A_927], %gather3A_919 : memref<16384xf32, #tpu.memory_space<vmem>>[vector<16xi32>], vector<16xf32>,
      %add3A_928 = arith.constant 27 : i32
      %add3A_929 = vector.broadcast %add3A_928 : i32 to vector<16xi32>
      %add3A_930 = arith.addi %shift_left3A_210, %add3A_929 : vector<16xi32>
      %gather3A_931 = arith.constant 0 : i32
      %gather3A_932 = arith.constant 0 : i32
      %gather3A_933 = arith.constant 0 : i32
      %gather3A_934 = tpu.memref_slice %arg13[%gather3A_931, %gather3A_932, %gather3A_933] : memref<2x128x128xf32, #tpu.memory_space<vmem>> -> memref<1x128x128xf32, #tpu.memory_space<vmem>>
      %gather3A_935 = tpu.memref_squeeze %gather3A_934 : memref<1x128x128xf32, #tpu.memory_space<vmem>> -> memref<128x128xf32, #tpu.memory_space<vmem>>
      %gather3A_936 = tpu.vector_load_idx %gather3A_935[%add3A_201, %add3A_930] : memref<128x128xf32, #tpu.memory_space<vmem>>[vector<16xi32>, vector<16xi32>], vector<16xf32>,
      %add3A_937 = arith.constant 27 : i32
      %add3A_938 = vector.broadcast %add3A_937 : i32 to vector<16xi32>
      %add3A_939 = arith.addi %shift_left3A_219, %add3A_938 : vector<16xi32>
      %gather3A_940 = arith.constant 0 : i32
      %gather3A_941 = arith.constant 0 : i32
      %gather3A_942 = arith.constant 0 : i32
      %gather3A_943 = tpu.memref_slice %arg14[%gather3A_940, %gather3A_941, %gather3A_942] : memref<2x128x128xf32, #tpu.memory_space<vmem>> -> memref<1x128x128xf32, #tpu.memory_space<vmem>>
      %gather3A_944 = tpu.memref_squeeze %gather3A_943 : memref<1x128x128xf32, #tpu.memory_space<vmem>> -> memref<128x128xf32, #tpu.memory_space<vmem>>
      %gather3A_945 = tpu.vector_load_idx %gather3A_944[%add3A_201, %add3A_939] : memref<128x128xf32, #tpu.memory_space<vmem>>[vector<16xi32>, vector<16xi32>], vector<16xf32>,
      %mul3A_946 = arith.mulf %gather3A_936, %gather3A_945 : vector<16xf32>
      %add3A_947 = arith.addf %add3A_921, %mul3A_946 : vector<16xf32>
      %add3A_948 = arith.constant 27 : i32
      %add3A_949 = vector.broadcast %add3A_948 : i32 to vector<16xi32>
      %add3A_950 = arith.addi %shift_left3A_225, %add3A_949 : vector<16xi32>
      tpu.vector_store_idx %arg15[%add3A_950], %gather3A_936 : memref<16384xf32, #tpu.memory_space<vmem>>[vector<16xi32>], vector<16xf32>,
      %add3A_951 = arith.constant 27 : i32
      %add3A_952 = vector.broadcast %add3A_951 : i32 to vector<16xi32>
      %add3A_953 = arith.addi %shift_left3A_225, %add3A_952 : vector<16xi32>
      tpu.vector_store_idx %arg16[%add3A_953], %gather3A_945 : memref<16384xf32, #tpu.memory_space<vmem>>[vector<16xi32>], vector<16xf32>,
      %add3A_954 = arith.constant 28 : i32
      %add3A_955 = vector.broadcast %add3A_954 : i32 to vector<16xi32>
      %add3A_956 = arith.addi %shift_left3A_210, %add3A_955 : vector<16xi32>
      %gather3A_957 = arith.constant 0 : i32
      %gather3A_958 = arith.constant 0 : i32
      %gather3A_959 = arith.constant 0 : i32
      %gather3A_960 = tpu.memref_slice %arg13[%gather3A_957, %gather3A_958, %gather3A_959] : memref<2x128x128xf32, #tpu.memory_space<vmem>> -> memref<1x128x128xf32, #tpu.memory_space<vmem>>
      %gather3A_961 = tpu.memref_squeeze %gather3A_960 : memref<1x128x128xf32, #tpu.memory_space<vmem>> -> memref<128x128xf32, #tpu.memory_space<vmem>>
      %gather3A_962 = tpu.vector_load_idx %gather3A_961[%add3A_201, %add3A_956] : memref<128x128xf32, #tpu.memory_space<vmem>>[vector<16xi32>, vector<16xi32>], vector<16xf32>,
      %add3A_963 = arith.constant 28 : i32
      %add3A_964 = vector.broadcast %add3A_963 : i32 to vector<16xi32>
      %add3A_965 = arith.addi %shift_left3A_219, %add3A_964 : vector<16xi32>
      %gather3A_966 = arith.constant 0 : i32
      %gather3A_967 = arith.constant 0 : i32
      %gather3A_968 = arith.constant 0 : i32
      %gather3A_969 = tpu.memref_slice %arg14[%gather3A_966, %gather3A_967, %gather3A_968] : memref<2x128x128xf32, #tpu.memory_space<vmem>> -> memref<1x128x128xf32, #tpu.memory_space<vmem>>
      %gather3A_970 = tpu.memref_squeeze %gather3A_969 : memref<1x128x128xf32, #tpu.memory_space<vmem>> -> memref<128x128xf32, #tpu.memory_space<vmem>>
      %gather3A_971 = tpu.vector_load_idx %gather3A_970[%add3A_201, %add3A_965] : memref<128x128xf32, #tpu.memory_space<vmem>>[vector<16xi32>, vector<16xi32>], vector<16xf32>,
      %mul3A_972 = arith.mulf %gather3A_962, %gather3A_971 : vector<16xf32>
      %add3A_973 = arith.addf %add3A_947, %mul3A_972 : vector<16xf32>
      %add3A_974 = arith.constant 28 : i32
      %add3A_975 = vector.broadcast %add3A_974 : i32 to vector<16xi32>
      %add3A_976 = arith.addi %shift_left3A_225, %add3A_975 : vector<16xi32>
      tpu.vector_store_idx %arg15[%add3A_976], %gather3A_962 : memref<16384xf32, #tpu.memory_space<vmem>>[vector<16xi32>], vector<16xf32>,
      %add3A_977 = arith.constant 28 : i32
      %add3A_978 = vector.broadcast %add3A_977 : i32 to vector<16xi32>
      %add3A_979 = arith.addi %shift_left3A_225, %add3A_978 : vector<16xi32>
      tpu.vector_store_idx %arg16[%add3A_979], %gather3A_971 : memref<16384xf32, #tpu.memory_space<vmem>>[vector<16xi32>], vector<16xf32>,
      %add3A_980 = arith.constant 29 : i32
      %add3A_981 = vector.broadcast %add3A_980 : i32 to vector<16xi32>
      %add3A_982 = arith.addi %shift_left3A_210, %add3A_981 : vector<16xi32>
      %gather3A_983 = arith.constant 0 : i32
      %gather3A_984 = arith.constant 0 : i32
      %gather3A_985 = arith.constant 0 : i32
      %gather3A_986 = tpu.memref_slice %arg13[%gather3A_983, %gather3A_984, %gather3A_985] : memref<2x128x128xf32, #tpu.memory_space<vmem>> -> memref<1x128x128xf32, #tpu.memory_space<vmem>>
      %gather3A_987 = tpu.memref_squeeze %gather3A_986 : memref<1x128x128xf32, #tpu.memory_space<vmem>> -> memref<128x128xf32, #tpu.memory_space<vmem>>
      %gather3A_988 = tpu.vector_load_idx %gather3A_987[%add3A_201, %add3A_982] : memref<128x128xf32, #tpu.memory_space<vmem>>[vector<16xi32>, vector<16xi32>], vector<16xf32>,
      %add3A_989 = arith.constant 29 : i32
      %add3A_990 = vector.broadcast %add3A_989 : i32 to vector<16xi32>
      %add3A_991 = arith.addi %shift_left3A_219, %add3A_990 : vector<16xi32>
      %gather3A_992 = arith.constant 0 : i32
      %gather3A_993 = arith.constant 0 : i32
      %gather3A_994 = arith.constant 0 : i32
      %gather3A_995 = tpu.memref_slice %arg14[%gather3A_992, %gather3A_993, %gather3A_994] : memref<2x128x128xf32, #tpu.memory_space<vmem>> -> memref<1x128x128xf32, #tpu.memory_space<vmem>>
      %gather3A_996 = tpu.memref_squeeze %gather3A_995 : memref<1x128x128xf32, #tpu.memory_space<vmem>> -> memref<128x128xf32, #tpu.memory_space<vmem>>
      %gather3A_997 = tpu.vector_load_idx %gather3A_996[%add3A_201, %add3A_991] : memref<128x128xf32, #tpu.memory_space<vmem>>[vector<16xi32>, vector<16xi32>], vector<16xf32>,
      %mul3A_998 = arith.mulf %gather3A_988, %gather3A_997 : vector<16xf32>
      %add3A_999 = arith.addf %add3A_973, %mul3A_998 : vector<16xf32>
      %add3A_1000 = arith.constant 29 : i32
      %add3A_1001 = vector.broadcast %add3A_1000 : i32 to vector<16xi32>
      %add3A_1002 = arith.addi %shift_left3A_225, %add3A_1001 : vector<16xi32>
      tpu.vector_store_idx %arg15[%add3A_1002], %gather3A_988 : memref<16384xf32, #tpu.memory_space<vmem>>[vector<16xi32>], vector<16xf32>,
      %add3A_1003 = arith.constant 29 : i32
      %add3A_1004 = vector.broadcast %add3A_1003 : i32 to vector<16xi32>
      %add3A_1005 = arith.addi %shift_left3A_225, %add3A_1004 : vector<16xi32>
      tpu.vector_store_idx %arg16[%add3A_1005], %gather3A_997 : memref<16384xf32, #tpu.memory_space<vmem>>[vector<16xi32>], vector<16xf32>,
      %add3A_1006 = arith.constant 30 : i32
      %add3A_1007 = vector.broadcast %add3A_1006 : i32 to vector<16xi32>
      %add3A_1008 = arith.addi %shift_left3A_210, %add3A_1007 : vector<16xi32>
      %gather3A_1009 = arith.constant 0 : i32
      %gather3A_1010 = arith.constant 0 : i32
      %gather3A_1011 = arith.constant 0 : i32
      %gather3A_1012 = tpu.memref_slice %arg13[%gather3A_1009, %gather3A_1010, %gather3A_1011] : memref<2x128x128xf32, #tpu.memory_space<vmem>> -> memref<1x128x128xf32, #tpu.memory_space<vmem>>
      %gather3A_1013 = tpu.memref_squeeze %gather3A_1012 : memref<1x128x128xf32, #tpu.memory_space<vmem>> -> memref<128x128xf32, #tpu.memory_space<vmem>>
      %gather3A_1014 = tpu.vector_load_idx %gather3A_1013[%add3A_201, %add3A_1008] : memref<128x128xf32, #tpu.memory_space<vmem>>[vector<16xi32>, vector<16xi32>], vector<16xf32>,
      %add3A_1015 = arith.constant 30 : i32
      %add3A_1016 = vector.broadcast %add3A_1015 : i32 to vector<16xi32>
      %add3A_1017 = arith.addi %shift_left3A_219, %add3A_1016 : vector<16xi32>
      %gather3A_1018 = arith.constant 0 : i32
      %gather3A_1019 = arith.constant 0 : i32
      %gather3A_1020 = arith.constant 0 : i32
      %gather3A_1021 = tpu.memref_slice %arg14[%gather3A_1018, %gather3A_1019, %gather3A_1020] : memref<2x128x128xf32, #tpu.memory_space<vmem>> -> memref<1x128x128xf32, #tpu.memory_space<vmem>>
      %gather3A_1022 = tpu.memref_squeeze %gather3A_1021 : memref<1x128x128xf32, #tpu.memory_space<vmem>> -> memref<128x128xf32, #tpu.memory_space<vmem>>
      %gather3A_1023 = tpu.vector_load_idx %gather3A_1022[%add3A_201, %add3A_1017] : memref<128x128xf32, #tpu.memory_space<vmem>>[vector<16xi32>, vector<16xi32>], vector<16xf32>,
      %mul3A_1024 = arith.mulf %gather3A_1014, %gather3A_1023 : vector<16xf32>
      %add3A_1025 = arith.addf %add3A_999, %mul3A_1024 : vector<16xf32>
      %add3A_1026 = arith.constant 30 : i32
      %add3A_1027 = vector.broadcast %add3A_1026 : i32 to vector<16xi32>
      %add3A_1028 = arith.addi %shift_left3A_225, %add3A_1027 : vector<16xi32>
      tpu.vector_store_idx %arg15[%add3A_1028], %gather3A_1014 : memref<16384xf32, #tpu.memory_space<vmem>>[vector<16xi32>], vector<16xf32>,
      %add3A_1029 = arith.constant 30 : i32
      %add3A_1030 = vector.broadcast %add3A_1029 : i32 to vector<16xi32>
      %add3A_1031 = arith.addi %shift_left3A_225, %add3A_1030 : vector<16xi32>
      tpu.vector_store_idx %arg16[%add3A_1031], %gather3A_1023 : memref<16384xf32, #tpu.memory_space<vmem>>[vector<16xi32>], vector<16xf32>,
      %add3A_1032 = arith.constant 31 : i32
      %add3A_1033 = vector.broadcast %add3A_1032 : i32 to vector<16xi32>
      %add3A_1034 = arith.addi %shift_left3A_210, %add3A_1033 : vector<16xi32>
      %gather3A_1035 = arith.constant 0 : i32
      %gather3A_1036 = arith.constant 0 : i32
      %gather3A_1037 = arith.constant 0 : i32
      %gather3A_1038 = tpu.memref_slice %arg13[%gather3A_1035, %gather3A_1036, %gather3A_1037] : memref<2x128x128xf32, #tpu.memory_space<vmem>> -> memref<1x128x128xf32, #tpu.memory_space<vmem>>
      %gather3A_1039 = tpu.memref_squeeze %gather3A_1038 : memref<1x128x128xf32, #tpu.memory_space<vmem>> -> memref<128x128xf32, #tpu.memory_space<vmem>>
      %gather3A_1040 = tpu.vector_load_idx %gather3A_1039[%add3A_201, %add3A_1034] : memref<128x128xf32, #tpu.memory_space<vmem>>[vector<16xi32>, vector<16xi32>], vector<16xf32>,
      %add3A_1041 = arith.constant 31 : i32
      %add3A_1042 = vector.broadcast %add3A_1041 : i32 to vector<16xi32>
      %add3A_1043 = arith.addi %shift_left3A_219, %add3A_1042 : vector<16xi32>
      %gather3A_1044 = arith.constant 0 : i32
      %gather3A_1045 = arith.constant 0 : i32
      %gather3A_1046 = arith.constant 0 : i32
      %gather3A_1047 = tpu.memref_slice %arg14[%gather3A_1044, %gather3A_1045, %gather3A_1046] : memref<2x128x128xf32, #tpu.memory_space<vmem>> -> memref<1x128x128xf32, #tpu.memory_space<vmem>>
      %gather3A_1048 = tpu.memref_squeeze %gather3A_1047 : memref<1x128x128xf32, #tpu.memory_space<vmem>> -> memref<128x128xf32, #tpu.memory_space<vmem>>
      %gather3A_1049 = tpu.vector_load_idx %gather3A_1048[%add3A_201, %add3A_1043] : memref<128x128xf32, #tpu.memory_space<vmem>>[vector<16xi32>, vector<16xi32>], vector<16xf32>,
      %mul3A_1050 = arith.mulf %gather3A_1040, %gather3A_1049 : vector<16xf32>
      %add3A_1051 = arith.addf %add3A_1025, %mul3A_1050 : vector<16xf32>
      %add3A_1052 = arith.constant 31 : i32
      %add3A_1053 = vector.broadcast %add3A_1052 : i32 to vector<16xi32>
      %add3A_1054 = arith.addi %shift_left3A_225, %add3A_1053 : vector<16xi32>
      tpu.vector_store_idx %arg15[%add3A_1054], %gather3A_1040 : memref<16384xf32, #tpu.memory_space<vmem>>[vector<16xi32>], vector<16xf32>,
      %add3A_1055 = arith.constant 31 : i32
      %add3A_1056 = vector.broadcast %add3A_1055 : i32 to vector<16xi32>
      %add3A_1057 = arith.addi %shift_left3A_225, %add3A_1056 : vector<16xi32>
      tpu.vector_store_idx %arg16[%add3A_1057], %gather3A_1049 : memref<16384xf32, #tpu.memory_space<vmem>>[vector<16xi32>], vector<16xf32>,
      %swap3A = arith.index_cast %add3A_197 : i32 to index
      %swap3A_1058 = tpu.vector_load %arg17[%swap3A] {strides = array<i32>} : memref<512xf32, #tpu.memory_space<vmem>>, vector<16xf32>,
      tpu.vector_store %arg17[%swap3A], %add3A_1051 {strides = array<i32>} : memref<512xf32, #tpu.memory_space<vmem>>, vector<16xf32>,
    }
    %scan3A_69 = arith.constant 8 : i32
    %dma_start3A_70 = arith.constant 0 : i32
    %dma_start3A_71 = arith.constant 0 : i32
    %dma_start3A_72 = arith.constant 0 : i32
    %dma_start3A_73 = tpu.memref_slice %arg13[%dma_start3A_70, %dma_start3A_71, %dma_start3A_72] : memref<2x128x128xf32, #tpu.memory_space<vmem>> -> memref<1x128x128xf32, #tpu.memory_space<vmem>>
    %dma_start3A_74 = tpu.memref_squeeze %dma_start3A_73 : memref<1x128x128xf32, #tpu.memory_space<vmem>> -> memref<128x128xf32, #tpu.memory_space<vmem>>
    %dma_start3A_75 = arith.constant 256 : i32
    %dma_start3A_76 = tpu.memref_slice %arg11[%dma_start3A_75] : memref<512xi32, #tpu.memory_space<vmem>> -> memref<128xi32, #tpu.memory_space<vmem>>
    %dma_start3A_77 = arith.constant 0 : i32
    %dma_start3A_78 = arith.constant 0 : i32
    %dma_start3A_79 = tpu.memref_slice %arg4[%dma_start3A_77, %dma_start3A_78] : memref<251904x128xf32, #tpu.memory_space<hbm>> -> memref<251904x128xf32, #tpu.memory_space<hbm>>
    tpu.enqueue_indirect_dma source(%dma_start3A_79 : memref<251904x128xf32, #tpu.memory_space<hbm>>) target(%dma_start3A_74 : memref<128x128xf32, #tpu.memory_space<vmem>>) offsets(%dma_start3A_76 : memref<128xi32, #tpu.memory_space<vmem>>) semaphore(%arg18 : memref<!tpu.dma_semaphore, #tpu.memory_space<semaphore_mem>>)
    %dma_start3A_80 = arith.constant 0 : i32
    %dma_start3A_81 = arith.constant 0 : i32
    %dma_start3A_82 = arith.constant 0 : i32
    %dma_start3A_83 = tpu.memref_slice %arg14[%dma_start3A_80, %dma_start3A_81, %dma_start3A_82] : memref<2x128x128xf32, #tpu.memory_space<vmem>> -> memref<1x128x128xf32, #tpu.memory_space<vmem>>
    %dma_start3A_84 = tpu.memref_squeeze %dma_start3A_83 : memref<1x128x128xf32, #tpu.memory_space<vmem>> -> memref<128x128xf32, #tpu.memory_space<vmem>>
    %dma_start3A_85 = arith.constant 256 : i32
    %dma_start3A_86 = tpu.memref_slice %arg12[%dma_start3A_85] : memref<512xi32, #tpu.memory_space<vmem>> -> memref<128xi32, #tpu.memory_space<vmem>>
    %dma_start3A_87 = arith.constant 0 : i32
    %dma_start3A_88 = arith.constant 0 : i32
    %dma_start3A_89 = tpu.memref_slice %arg5[%dma_start3A_87, %dma_start3A_88] : memref<251904x128xf32, #tpu.memory_space<hbm>> -> memref<251904x128xf32, #tpu.memory_space<hbm>>
    tpu.enqueue_indirect_dma source(%dma_start3A_89 : memref<251904x128xf32, #tpu.memory_space<hbm>>) target(%dma_start3A_84 : memref<128x128xf32, #tpu.memory_space<vmem>>) offsets(%dma_start3A_86 : memref<128xi32, #tpu.memory_space<vmem>>) semaphore(%arg20 : memref<!tpu.dma_semaphore, #tpu.memory_space<semaphore_mem>>)
    %dma_wait3A_90 = arith.constant 1 : i32
    %dma_wait3A_91 = arith.constant 0 : i32
    %dma_wait3A_92 = arith.constant 0 : i32
    %dma_wait3A_93 = tpu.memref_slice %arg13[%dma_wait3A_90, %dma_wait3A_91, %dma_wait3A_92] : memref<2x128x128xf32, #tpu.memory_space<vmem>> -> memref<1x128x128xf32, #tpu.memory_space<vmem>>
    %dma_wait3A_94 = tpu.memref_squeeze %dma_wait3A_93 : memref<1x128x128xf32, #tpu.memory_space<vmem>> -> memref<128x128xf32, #tpu.memory_space<vmem>>
    %dma_wait3A_95 = arith.constant 128 : i32
    %dma_wait3A_96 = tpu.memref_slice %arg11[%dma_wait3A_95] : memref<512xi32, #tpu.memory_space<vmem>> -> memref<128xi32, #tpu.memory_space<vmem>>
    %dma_wait3A_97 = arith.constant 0 : i32
    %dma_wait3A_98 = arith.constant 0 : i32
    %dma_wait3A_99 = tpu.memref_slice %arg4[%dma_wait3A_97, %dma_wait3A_98] : memref<251904x128xf32, #tpu.memory_space<hbm>> -> memref<251904x128xf32, #tpu.memory_space<hbm>>
    tpu.wait_indirect_dma semaphore(%arg19 : memref<!tpu.dma_semaphore, #tpu.memory_space<semaphore_mem>>) src(%dma_wait3A_99 : memref<251904x128xf32, #tpu.memory_space<hbm>>) dst(%dma_wait3A_94 : memref<128x128xf32, #tpu.memory_space<vmem>>)
    %dma_wait3A_100 = arith.constant 1 : i32
    %dma_wait3A_101 = arith.constant 0 : i32
    %dma_wait3A_102 = arith.constant 0 : i32
    %dma_wait3A_103 = tpu.memref_slice %arg14[%dma_wait3A_100, %dma_wait3A_101, %dma_wait3A_102] : memref<2x128x128xf32, #tpu.memory_space<vmem>> -> memref<1x128x128xf32, #tpu.memory_space<vmem>>
    %dma_wait3A_104 = tpu.memref_squeeze %dma_wait3A_103 : memref<1x128x128xf32, #tpu.memory_space<vmem>> -> memref<128x128xf32, #tpu.memory_space<vmem>>
    %dma_wait3A_105 = arith.constant 128 : i32
    %dma_wait3A_106 = tpu.memref_slice %arg12[%dma_wait3A_105] : memref<512xi32, #tpu.memory_space<vmem>> -> memref<128xi32, #tpu.memory_space<vmem>>
    %dma_wait3A_107 = arith.constant 0 : i32
    %dma_wait3A_108 = arith.constant 0 : i32
    %dma_wait3A_109 = tpu.memref_slice %arg5[%dma_wait3A_107, %dma_wait3A_108] : memref<251904x128xf32, #tpu.memory_space<hbm>> -> memref<251904x128xf32, #tpu.memory_space<hbm>>
    tpu.wait_indirect_dma semaphore(%arg21 : memref<!tpu.dma_semaphore, #tpu.memory_space<semaphore_mem>>) src(%dma_wait3A_109 : memref<251904x128xf32, #tpu.memory_space<hbm>>) dst(%dma_wait3A_104 : memref<128x128xf32, #tpu.memory_space<vmem>>)
    %scan3A_110 = arith.constant 0 : i32
    %scan3A_111 = arith.constant 8 : i32
    %scan3A_112 = arith.addi %scan3A_110, %scan3A_111 : i32
    %scan3A_113 = arith.constant 1 : i32
    scf.for %scan3A_189 = %scan3A_110 to %scan3A_112 step %scan3A_113  : i32 {
      %mul3A_190 = arith.constant 1 : i32
      %mul3A_191 = arith.muli %scan3A_189, %mul3A_190 : i32
      %add3A_192 = arith.constant 0 : i32
      %add3A_193 = arith.addi %add3A_192, %mul3A_191 : i32
      %mul3A_194 = arith.constant 16 : i32
      %mul3A_195 = arith.muli %add3A_193, %mul3A_194 : i32
      %add3A_196 = arith.constant 128 : i32
      %add3A_197 = arith.addi %add3A_196, %mul3A_195 : i32
      %iota3A = tpu.iota {dimensions = array<i32: 0>} : vector<16xi32>
      %mul3A_198 = arith.constant 16 : i32
      %mul3A_199 = arith.muli %add3A_193, %mul3A_198 : i32
      %add3A_200 = vector.broadcast %mul3A_199 : i32 to vector<16xi32>
      %add3A_201 = arith.addi %iota3A, %add3A_200 : vector<16xi32>
      %get3A = arith.index_cast %add3A_197 : i32 to index
      %get3A_202 = tpu.vector_load %arg9[%get3A] {strides = array<i32>} : memref<512xi32, #tpu.memory_space<vmem>>, vector<16xi32>,
      %get3A_203 = arith.index_cast %add3A_197 : i32 to index
      %get3A_204 = tpu.vector_load %arg10[%get3A_203] {strides = array<i32>} : memref<512xi32, #tpu.memory_space<vmem>>, vector<16xi32>,
      %shift_right_arithmetic3A = arith.constant 11 : i32
      %shift_right_arithmetic3A_205 = vector.broadcast %shift_right_arithmetic3A : i32 to vector<16xi32>
      %shift_right_arithmetic3A_206 = arith.shrsi %get3A_202, %shift_right_arithmetic3A_205 : vector<16xi32>
      %and3A = arith.constant 3 : i32
      %and3A_207 = vector.broadcast %and3A : i32 to vector<16xi32>
      %and3A_208 = arith.andi %shift_right_arithmetic3A_206, %and3A_207 : vector<16xi32>
      %shift_left3A = arith.constant 5 : i32
      %shift_left3A_209 = vector.broadcast %shift_left3A : i32 to vector<16xi32>
      %shift_left3A_210 = arith.shli %and3A_208, %shift_left3A_209 : vector<16xi32>
      %shift_right_arithmetic3A_211 = arith.constant 11 : i32
      %shift_right_arithmetic3A_212 = vector.broadcast %shift_right_arithmetic3A_211 : i32 to vector<16xi32>
      %shift_right_arithmetic3A_213 = arith.shrsi %get3A_204, %shift_right_arithmetic3A_212 : vector<16xi32>
      %and3A_214 = arith.constant 3 : i32
      %and3A_215 = vector.broadcast %and3A_214 : i32 to vector<16xi32>
      %and3A_216 = arith.andi %shift_right_arithmetic3A_213, %and3A_215 : vector<16xi32>
      %shift_left3A_217 = arith.constant 5 : i32
      %shift_left3A_218 = vector.broadcast %shift_left3A_217 : i32 to vector<16xi32>
      %shift_left3A_219 = arith.shli %and3A_216, %shift_left3A_218 : vector<16xi32>
      %add3A_220 = arith.constant 128 : i32
      %add3A_221 = vector.broadcast %add3A_220 : i32 to vector<16xi32>
      %add3A_222 = arith.addi %add3A_201, %add3A_221 : vector<16xi32>
      %shift_left3A_223 = arith.constant 5 : i32
      %shift_left3A_224 = vector.broadcast %shift_left3A_223 : i32 to vector<16xi32>
      %shift_left3A_225 = arith.shli %add3A_222, %shift_left3A_224 : vector<16xi32>
      %broadcast_in_dim3A = arith.constant 0.000000e+00 : f32
      %broadcast_in_dim3A_226 = vector.broadcast %broadcast_in_dim3A : f32 to vector<16xf32>
      %add3A_227 = arith.constant 0 : i32
      %add3A_228 = vector.broadcast %add3A_227 : i32 to vector<16xi32>
      %add3A_229 = arith.addi %shift_left3A_210, %add3A_228 : vector<16xi32>
      %gather3A = arith.constant 1 : i32
      %gather3A_230 = arith.constant 0 : i32
      %gather3A_231 = arith.constant 0 : i32
      %gather3A_232 = tpu.memref_slice %arg13[%gather3A, %gather3A_230, %gather3A_231] : memref<2x128x128xf32, #tpu.memory_space<vmem>> -> memref<1x128x128xf32, #tpu.memory_space<vmem>>
      %gather3A_233 = tpu.memref_squeeze %gather3A_232 : memref<1x128x128xf32, #tpu.memory_space<vmem>> -> memref<128x128xf32, #tpu.memory_space<vmem>>
      %gather3A_234 = tpu.vector_load_idx %gather3A_233[%add3A_201, %add3A_229] : memref<128x128xf32, #tpu.memory_space<vmem>>[vector<16xi32>, vector<16xi32>], vector<16xf32>,
      %add3A_235 = arith.constant 0 : i32
      %add3A_236 = vector.broadcast %add3A_235 : i32 to vector<16xi32>
      %add3A_237 = arith.addi %shift_left3A_219, %add3A_236 : vector<16xi32>
      %gather3A_238 = arith.constant 1 : i32
      %gather3A_239 = arith.constant 0 : i32
      %gather3A_240 = arith.constant 0 : i32
      %gather3A_241 = tpu.memref_slice %arg14[%gather3A_238, %gather3A_239, %gather3A_240] : memref<2x128x128xf32, #tpu.memory_space<vmem>> -> memref<1x128x128xf32, #tpu.memory_space<vmem>>
      %gather3A_242 = tpu.memref_squeeze %gather3A_241 : memref<1x128x128xf32, #tpu.memory_space<vmem>> -> memref<128x128xf32, #tpu.memory_space<vmem>>
      %gather3A_243 = tpu.vector_load_idx %gather3A_242[%add3A_201, %add3A_237] : memref<128x128xf32, #tpu.memory_space<vmem>>[vector<16xi32>, vector<16xi32>], vector<16xf32>,
      %mul3A_244 = arith.mulf %gather3A_234, %gather3A_243 : vector<16xf32>
      %add3A_245 = arith.addf %broadcast_in_dim3A_226, %mul3A_244 : vector<16xf32>
      %add3A_246 = arith.constant 0 : i32
      %add3A_247 = vector.broadcast %add3A_246 : i32 to vector<16xi32>
      %add3A_248 = arith.addi %shift_left3A_225, %add3A_247 : vector<16xi32>
      tpu.vector_store_idx %arg15[%add3A_248], %gather3A_234 : memref<16384xf32, #tpu.memory_space<vmem>>[vector<16xi32>], vector<16xf32>,
      %add3A_249 = arith.constant 0 : i32
      %add3A_250 = vector.broadcast %add3A_249 : i32 to vector<16xi32>
      %add3A_251 = arith.addi %shift_left3A_225, %add3A_250 : vector<16xi32>
      tpu.vector_store_idx %arg16[%add3A_251], %gather3A_243 : memref<16384xf32, #tpu.memory_space<vmem>>[vector<16xi32>], vector<16xf32>,
      %add3A_252 = arith.constant 1 : i32
      %add3A_253 = vector.broadcast %add3A_252 : i32 to vector<16xi32>
      %add3A_254 = arith.addi %shift_left3A_210, %add3A_253 : vector<16xi32>
      %gather3A_255 = arith.constant 1 : i32
      %gather3A_256 = arith.constant 0 : i32
      %gather3A_257 = arith.constant 0 : i32
      %gather3A_258 = tpu.memref_slice %arg13[%gather3A_255, %gather3A_256, %gather3A_257] : memref<2x128x128xf32, #tpu.memory_space<vmem>> -> memref<1x128x128xf32, #tpu.memory_space<vmem>>
      %gather3A_259 = tpu.memref_squeeze %gather3A_258 : memref<1x128x128xf32, #tpu.memory_space<vmem>> -> memref<128x128xf32, #tpu.memory_space<vmem>>
      %gather3A_260 = tpu.vector_load_idx %gather3A_259[%add3A_201, %add3A_254] : memref<128x128xf32, #tpu.memory_space<vmem>>[vector<16xi32>, vector<16xi32>], vector<16xf32>,
      %add3A_261 = arith.constant 1 : i32
      %add3A_262 = vector.broadcast %add3A_261 : i32 to vector<16xi32>
      %add3A_263 = arith.addi %shift_left3A_219, %add3A_262 : vector<16xi32>
      %gather3A_264 = arith.constant 1 : i32
      %gather3A_265 = arith.constant 0 : i32
      %gather3A_266 = arith.constant 0 : i32
      %gather3A_267 = tpu.memref_slice %arg14[%gather3A_264, %gather3A_265, %gather3A_266] : memref<2x128x128xf32, #tpu.memory_space<vmem>> -> memref<1x128x128xf32, #tpu.memory_space<vmem>>
      %gather3A_268 = tpu.memref_squeeze %gather3A_267 : memref<1x128x128xf32, #tpu.memory_space<vmem>> -> memref<128x128xf32, #tpu.memory_space<vmem>>
      %gather3A_269 = tpu.vector_load_idx %gather3A_268[%add3A_201, %add3A_263] : memref<128x128xf32, #tpu.memory_space<vmem>>[vector<16xi32>, vector<16xi32>], vector<16xf32>,
      %mul3A_270 = arith.mulf %gather3A_260, %gather3A_269 : vector<16xf32>
      %add3A_271 = arith.addf %add3A_245, %mul3A_270 : vector<16xf32>
      %add3A_272 = arith.constant 1 : i32
      %add3A_273 = vector.broadcast %add3A_272 : i32 to vector<16xi32>
      %add3A_274 = arith.addi %shift_left3A_225, %add3A_273 : vector<16xi32>
      tpu.vector_store_idx %arg15[%add3A_274], %gather3A_260 : memref<16384xf32, #tpu.memory_space<vmem>>[vector<16xi32>], vector<16xf32>,
      %add3A_275 = arith.constant 1 : i32
      %add3A_276 = vector.broadcast %add3A_275 : i32 to vector<16xi32>
      %add3A_277 = arith.addi %shift_left3A_225, %add3A_276 : vector<16xi32>
      tpu.vector_store_idx %arg16[%add3A_277], %gather3A_269 : memref<16384xf32, #tpu.memory_space<vmem>>[vector<16xi32>], vector<16xf32>,
      %add3A_278 = arith.constant 2 : i32
      %add3A_279 = vector.broadcast %add3A_278 : i32 to vector<16xi32>
      %add3A_280 = arith.addi %shift_left3A_210, %add3A_279 : vector<16xi32>
      %gather3A_281 = arith.constant 1 : i32
      %gather3A_282 = arith.constant 0 : i32
      %gather3A_283 = arith.constant 0 : i32
      %gather3A_284 = tpu.memref_slice %arg13[%gather3A_281, %gather3A_282, %gather3A_283] : memref<2x128x128xf32, #tpu.memory_space<vmem>> -> memref<1x128x128xf32, #tpu.memory_space<vmem>>
      %gather3A_285 = tpu.memref_squeeze %gather3A_284 : memref<1x128x128xf32, #tpu.memory_space<vmem>> -> memref<128x128xf32, #tpu.memory_space<vmem>>
      %gather3A_286 = tpu.vector_load_idx %gather3A_285[%add3A_201, %add3A_280] : memref<128x128xf32, #tpu.memory_space<vmem>>[vector<16xi32>, vector<16xi32>], vector<16xf32>,
      %add3A_287 = arith.constant 2 : i32
      %add3A_288 = vector.broadcast %add3A_287 : i32 to vector<16xi32>
      %add3A_289 = arith.addi %shift_left3A_219, %add3A_288 : vector<16xi32>
      %gather3A_290 = arith.constant 1 : i32
      %gather3A_291 = arith.constant 0 : i32
      %gather3A_292 = arith.constant 0 : i32
      %gather3A_293 = tpu.memref_slice %arg14[%gather3A_290, %gather3A_291, %gather3A_292] : memref<2x128x128xf32, #tpu.memory_space<vmem>> -> memref<1x128x128xf32, #tpu.memory_space<vmem>>
      %gather3A_294 = tpu.memref_squeeze %gather3A_293 : memref<1x128x128xf32, #tpu.memory_space<vmem>> -> memref<128x128xf32, #tpu.memory_space<vmem>>
      %gather3A_295 = tpu.vector_load_idx %gather3A_294[%add3A_201, %add3A_289] : memref<128x128xf32, #tpu.memory_space<vmem>>[vector<16xi32>, vector<16xi32>], vector<16xf32>,
      %mul3A_296 = arith.mulf %gather3A_286, %gather3A_295 : vector<16xf32>
      %add3A_297 = arith.addf %add3A_271, %mul3A_296 : vector<16xf32>
      %add3A_298 = arith.constant 2 : i32
      %add3A_299 = vector.broadcast %add3A_298 : i32 to vector<16xi32>
      %add3A_300 = arith.addi %shift_left3A_225, %add3A_299 : vector<16xi32>
      tpu.vector_store_idx %arg15[%add3A_300], %gather3A_286 : memref<16384xf32, #tpu.memory_space<vmem>>[vector<16xi32>], vector<16xf32>,
      %add3A_301 = arith.constant 2 : i32
      %add3A_302 = vector.broadcast %add3A_301 : i32 to vector<16xi32>
      %add3A_303 = arith.addi %shift_left3A_225, %add3A_302 : vector<16xi32>
      tpu.vector_store_idx %arg16[%add3A_303], %gather3A_295 : memref<16384xf32, #tpu.memory_space<vmem>>[vector<16xi32>], vector<16xf32>,
      %add3A_304 = arith.constant 3 : i32
      %add3A_305 = vector.broadcast %add3A_304 : i32 to vector<16xi32>
      %add3A_306 = arith.addi %shift_left3A_210, %add3A_305 : vector<16xi32>
      %gather3A_307 = arith.constant 1 : i32
      %gather3A_308 = arith.constant 0 : i32
      %gather3A_309 = arith.constant 0 : i32
      %gather3A_310 = tpu.memref_slice %arg13[%gather3A_307, %gather3A_308, %gather3A_309] : memref<2x128x128xf32, #tpu.memory_space<vmem>> -> memref<1x128x128xf32, #tpu.memory_space<vmem>>
      %gather3A_311 = tpu.memref_squeeze %gather3A_310 : memref<1x128x128xf32, #tpu.memory_space<vmem>> -> memref<128x128xf32, #tpu.memory_space<vmem>>
      %gather3A_312 = tpu.vector_load_idx %gather3A_311[%add3A_201, %add3A_306] : memref<128x128xf32, #tpu.memory_space<vmem>>[vector<16xi32>, vector<16xi32>], vector<16xf32>,
      %add3A_313 = arith.constant 3 : i32
      %add3A_314 = vector.broadcast %add3A_313 : i32 to vector<16xi32>
      %add3A_315 = arith.addi %shift_left3A_219, %add3A_314 : vector<16xi32>
      %gather3A_316 = arith.constant 1 : i32
      %gather3A_317 = arith.constant 0 : i32
      %gather3A_318 = arith.constant 0 : i32
      %gather3A_319 = tpu.memref_slice %arg14[%gather3A_316, %gather3A_317, %gather3A_318] : memref<2x128x128xf32, #tpu.memory_space<vmem>> -> memref<1x128x128xf32, #tpu.memory_space<vmem>>
      %gather3A_320 = tpu.memref_squeeze %gather3A_319 : memref<1x128x128xf32, #tpu.memory_space<vmem>> -> memref<128x128xf32, #tpu.memory_space<vmem>>
      %gather3A_321 = tpu.vector_load_idx %gather3A_320[%add3A_201, %add3A_315] : memref<128x128xf32, #tpu.memory_space<vmem>>[vector<16xi32>, vector<16xi32>], vector<16xf32>,
      %mul3A_322 = arith.mulf %gather3A_312, %gather3A_321 : vector<16xf32>
      %add3A_323 = arith.addf %add3A_297, %mul3A_322 : vector<16xf32>
      %add3A_324 = arith.constant 3 : i32
      %add3A_325 = vector.broadcast %add3A_324 : i32 to vector<16xi32>
      %add3A_326 = arith.addi %shift_left3A_225, %add3A_325 : vector<16xi32>
      tpu.vector_store_idx %arg15[%add3A_326], %gather3A_312 : memref<16384xf32, #tpu.memory_space<vmem>>[vector<16xi32>], vector<16xf32>,
      %add3A_327 = arith.constant 3 : i32
      %add3A_328 = vector.broadcast %add3A_327 : i32 to vector<16xi32>
      %add3A_329 = arith.addi %shift_left3A_225, %add3A_328 : vector<16xi32>
      tpu.vector_store_idx %arg16[%add3A_329], %gather3A_321 : memref<16384xf32, #tpu.memory_space<vmem>>[vector<16xi32>], vector<16xf32>,
      %add3A_330 = arith.constant 4 : i32
      %add3A_331 = vector.broadcast %add3A_330 : i32 to vector<16xi32>
      %add3A_332 = arith.addi %shift_left3A_210, %add3A_331 : vector<16xi32>
      %gather3A_333 = arith.constant 1 : i32
      %gather3A_334 = arith.constant 0 : i32
      %gather3A_335 = arith.constant 0 : i32
      %gather3A_336 = tpu.memref_slice %arg13[%gather3A_333, %gather3A_334, %gather3A_335] : memref<2x128x128xf32, #tpu.memory_space<vmem>> -> memref<1x128x128xf32, #tpu.memory_space<vmem>>
      %gather3A_337 = tpu.memref_squeeze %gather3A_336 : memref<1x128x128xf32, #tpu.memory_space<vmem>> -> memref<128x128xf32, #tpu.memory_space<vmem>>
      %gather3A_338 = tpu.vector_load_idx %gather3A_337[%add3A_201, %add3A_332] : memref<128x128xf32, #tpu.memory_space<vmem>>[vector<16xi32>, vector<16xi32>], vector<16xf32>,
      %add3A_339 = arith.constant 4 : i32
      %add3A_340 = vector.broadcast %add3A_339 : i32 to vector<16xi32>
      %add3A_341 = arith.addi %shift_left3A_219, %add3A_340 : vector<16xi32>
      %gather3A_342 = arith.constant 1 : i32
      %gather3A_343 = arith.constant 0 : i32
      %gather3A_344 = arith.constant 0 : i32
      %gather3A_345 = tpu.memref_slice %arg14[%gather3A_342, %gather3A_343, %gather3A_344] : memref<2x128x128xf32, #tpu.memory_space<vmem>> -> memref<1x128x128xf32, #tpu.memory_space<vmem>>
      %gather3A_346 = tpu.memref_squeeze %gather3A_345 : memref<1x128x128xf32, #tpu.memory_space<vmem>> -> memref<128x128xf32, #tpu.memory_space<vmem>>
      %gather3A_347 = tpu.vector_load_idx %gather3A_346[%add3A_201, %add3A_341] : memref<128x128xf32, #tpu.memory_space<vmem>>[vector<16xi32>, vector<16xi32>], vector<16xf32>,
      %mul3A_348 = arith.mulf %gather3A_338, %gather3A_347 : vector<16xf32>
      %add3A_349 = arith.addf %add3A_323, %mul3A_348 : vector<16xf32>
      %add3A_350 = arith.constant 4 : i32
      %add3A_351 = vector.broadcast %add3A_350 : i32 to vector<16xi32>
      %add3A_352 = arith.addi %shift_left3A_225, %add3A_351 : vector<16xi32>
      tpu.vector_store_idx %arg15[%add3A_352], %gather3A_338 : memref<16384xf32, #tpu.memory_space<vmem>>[vector<16xi32>], vector<16xf32>,
      %add3A_353 = arith.constant 4 : i32
      %add3A_354 = vector.broadcast %add3A_353 : i32 to vector<16xi32>
      %add3A_355 = arith.addi %shift_left3A_225, %add3A_354 : vector<16xi32>
      tpu.vector_store_idx %arg16[%add3A_355], %gather3A_347 : memref<16384xf32, #tpu.memory_space<vmem>>[vector<16xi32>], vector<16xf32>,
      %add3A_356 = arith.constant 5 : i32
      %add3A_357 = vector.broadcast %add3A_356 : i32 to vector<16xi32>
      %add3A_358 = arith.addi %shift_left3A_210, %add3A_357 : vector<16xi32>
      %gather3A_359 = arith.constant 1 : i32
      %gather3A_360 = arith.constant 0 : i32
      %gather3A_361 = arith.constant 0 : i32
      %gather3A_362 = tpu.memref_slice %arg13[%gather3A_359, %gather3A_360, %gather3A_361] : memref<2x128x128xf32, #tpu.memory_space<vmem>> -> memref<1x128x128xf32, #tpu.memory_space<vmem>>
      %gather3A_363 = tpu.memref_squeeze %gather3A_362 : memref<1x128x128xf32, #tpu.memory_space<vmem>> -> memref<128x128xf32, #tpu.memory_space<vmem>>
      %gather3A_364 = tpu.vector_load_idx %gather3A_363[%add3A_201, %add3A_358] : memref<128x128xf32, #tpu.memory_space<vmem>>[vector<16xi32>, vector<16xi32>], vector<16xf32>,
      %add3A_365 = arith.constant 5 : i32
      %add3A_366 = vector.broadcast %add3A_365 : i32 to vector<16xi32>
      %add3A_367 = arith.addi %shift_left3A_219, %add3A_366 : vector<16xi32>
      %gather3A_368 = arith.constant 1 : i32
      %gather3A_369 = arith.constant 0 : i32
      %gather3A_370 = arith.constant 0 : i32
      %gather3A_371 = tpu.memref_slice %arg14[%gather3A_368, %gather3A_369, %gather3A_370] : memref<2x128x128xf32, #tpu.memory_space<vmem>> -> memref<1x128x128xf32, #tpu.memory_space<vmem>>
      %gather3A_372 = tpu.memref_squeeze %gather3A_371 : memref<1x128x128xf32, #tpu.memory_space<vmem>> -> memref<128x128xf32, #tpu.memory_space<vmem>>
      %gather3A_373 = tpu.vector_load_idx %gather3A_372[%add3A_201, %add3A_367] : memref<128x128xf32, #tpu.memory_space<vmem>>[vector<16xi32>, vector<16xi32>], vector<16xf32>,
      %mul3A_374 = arith.mulf %gather3A_364, %gather3A_373 : vector<16xf32>
      %add3A_375 = arith.addf %add3A_349, %mul3A_374 : vector<16xf32>
      %add3A_376 = arith.constant 5 : i32
      %add3A_377 = vector.broadcast %add3A_376 : i32 to vector<16xi32>
      %add3A_378 = arith.addi %shift_left3A_225, %add3A_377 : vector<16xi32>
      tpu.vector_store_idx %arg15[%add3A_378], %gather3A_364 : memref<16384xf32, #tpu.memory_space<vmem>>[vector<16xi32>], vector<16xf32>,
      %add3A_379 = arith.constant 5 : i32
      %add3A_380 = vector.broadcast %add3A_379 : i32 to vector<16xi32>
      %add3A_381 = arith.addi %shift_left3A_225, %add3A_380 : vector<16xi32>
      tpu.vector_store_idx %arg16[%add3A_381], %gather3A_373 : memref<16384xf32, #tpu.memory_space<vmem>>[vector<16xi32>], vector<16xf32>,
      %add3A_382 = arith.constant 6 : i32
      %add3A_383 = vector.broadcast %add3A_382 : i32 to vector<16xi32>
      %add3A_384 = arith.addi %shift_left3A_210, %add3A_383 : vector<16xi32>
      %gather3A_385 = arith.constant 1 : i32
      %gather3A_386 = arith.constant 0 : i32
      %gather3A_387 = arith.constant 0 : i32
      %gather3A_388 = tpu.memref_slice %arg13[%gather3A_385, %gather3A_386, %gather3A_387] : memref<2x128x128xf32, #tpu.memory_space<vmem>> -> memref<1x128x128xf32, #tpu.memory_space<vmem>>
      %gather3A_389 = tpu.memref_squeeze %gather3A_388 : memref<1x128x128xf32, #tpu.memory_space<vmem>> -> memref<128x128xf32, #tpu.memory_space<vmem>>
      %gather3A_390 = tpu.vector_load_idx %gather3A_389[%add3A_201, %add3A_384] : memref<128x128xf32, #tpu.memory_space<vmem>>[vector<16xi32>, vector<16xi32>], vector<16xf32>,
      %add3A_391 = arith.constant 6 : i32
      %add3A_392 = vector.broadcast %add3A_391 : i32 to vector<16xi32>
      %add3A_393 = arith.addi %shift_left3A_219, %add3A_392 : vector<16xi32>
      %gather3A_394 = arith.constant 1 : i32
      %gather3A_395 = arith.constant 0 : i32
      %gather3A_396 = arith.constant 0 : i32
      %gather3A_397 = tpu.memref_slice %arg14[%gather3A_394, %gather3A_395, %gather3A_396] : memref<2x128x128xf32, #tpu.memory_space<vmem>> -> memref<1x128x128xf32, #tpu.memory_space<vmem>>
      %gather3A_398 = tpu.memref_squeeze %gather3A_397 : memref<1x128x128xf32, #tpu.memory_space<vmem>> -> memref<128x128xf32, #tpu.memory_space<vmem>>
      %gather3A_399 = tpu.vector_load_idx %gather3A_398[%add3A_201, %add3A_393] : memref<128x128xf32, #tpu.memory_space<vmem>>[vector<16xi32>, vector<16xi32>], vector<16xf32>,
      %mul3A_400 = arith.mulf %gather3A_390, %gather3A_399 : vector<16xf32>
      %add3A_401 = arith.addf %add3A_375, %mul3A_400 : vector<16xf32>
      %add3A_402 = arith.constant 6 : i32
      %add3A_403 = vector.broadcast %add3A_402 : i32 to vector<16xi32>
      %add3A_404 = arith.addi %shift_left3A_225, %add3A_403 : vector<16xi32>
      tpu.vector_store_idx %arg15[%add3A_404], %gather3A_390 : memref<16384xf32, #tpu.memory_space<vmem>>[vector<16xi32>], vector<16xf32>,
      %add3A_405 = arith.constant 6 : i32
      %add3A_406 = vector.broadcast %add3A_405 : i32 to vector<16xi32>
      %add3A_407 = arith.addi %shift_left3A_225, %add3A_406 : vector<16xi32>
      tpu.vector_store_idx %arg16[%add3A_407], %gather3A_399 : memref<16384xf32, #tpu.memory_space<vmem>>[vector<16xi32>], vector<16xf32>,
      %add3A_408 = arith.constant 7 : i32
      %add3A_409 = vector.broadcast %add3A_408 : i32 to vector<16xi32>
      %add3A_410 = arith.addi %shift_left3A_210, %add3A_409 : vector<16xi32>
      %gather3A_411 = arith.constant 1 : i32
      %gather3A_412 = arith.constant 0 : i32
      %gather3A_413 = arith.constant 0 : i32
      %gather3A_414 = tpu.memref_slice %arg13[%gather3A_411, %gather3A_412, %gather3A_413] : memref<2x128x128xf32, #tpu.memory_space<vmem>> -> memref<1x128x128xf32, #tpu.memory_space<vmem>>
      %gather3A_415 = tpu.memref_squeeze %gather3A_414 : memref<1x128x128xf32, #tpu.memory_space<vmem>> -> memref<128x128xf32, #tpu.memory_space<vmem>>
      %gather3A_416 = tpu.vector_load_idx %gather3A_415[%add3A_201, %add3A_410] : memref<128x128xf32, #tpu.memory_space<vmem>>[vector<16xi32>, vector<16xi32>], vector<16xf32>,
      %add3A_417 = arith.constant 7 : i32
      %add3A_418 = vector.broadcast %add3A_417 : i32 to vector<16xi32>
      %add3A_419 = arith.addi %shift_left3A_219, %add3A_418 : vector<16xi32>
      %gather3A_420 = arith.constant 1 : i32
      %gather3A_421 = arith.constant 0 : i32
      %gather3A_422 = arith.constant 0 : i32
      %gather3A_423 = tpu.memref_slice %arg14[%gather3A_420, %gather3A_421, %gather3A_422] : memref<2x128x128xf32, #tpu.memory_space<vmem>> -> memref<1x128x128xf32, #tpu.memory_space<vmem>>
      %gather3A_424 = tpu.memref_squeeze %gather3A_423 : memref<1x128x128xf32, #tpu.memory_space<vmem>> -> memref<128x128xf32, #tpu.memory_space<vmem>>
      %gather3A_425 = tpu.vector_load_idx %gather3A_424[%add3A_201, %add3A_419] : memref<128x128xf32, #tpu.memory_space<vmem>>[vector<16xi32>, vector<16xi32>], vector<16xf32>,
      %mul3A_426 = arith.mulf %gather3A_416, %gather3A_425 : vector<16xf32>
      %add3A_427 = arith.addf %add3A_401, %mul3A_426 : vector<16xf32>
      %add3A_428 = arith.constant 7 : i32
      %add3A_429 = vector.broadcast %add3A_428 : i32 to vector<16xi32>
      %add3A_430 = arith.addi %shift_left3A_225, %add3A_429 : vector<16xi32>
      tpu.vector_store_idx %arg15[%add3A_430], %gather3A_416 : memref<16384xf32, #tpu.memory_space<vmem>>[vector<16xi32>], vector<16xf32>,
      %add3A_431 = arith.constant 7 : i32
      %add3A_432 = vector.broadcast %add3A_431 : i32 to vector<16xi32>
      %add3A_433 = arith.addi %shift_left3A_225, %add3A_432 : vector<16xi32>
      tpu.vector_store_idx %arg16[%add3A_433], %gather3A_425 : memref<16384xf32, #tpu.memory_space<vmem>>[vector<16xi32>], vector<16xf32>,
      %add3A_434 = arith.constant 8 : i32
      %add3A_435 = vector.broadcast %add3A_434 : i32 to vector<16xi32>
      %add3A_436 = arith.addi %shift_left3A_210, %add3A_435 : vector<16xi32>
      %gather3A_437 = arith.constant 1 : i32
      %gather3A_438 = arith.constant 0 : i32
      %gather3A_439 = arith.constant 0 : i32
      %gather3A_440 = tpu.memref_slice %arg13[%gather3A_437, %gather3A_438, %gather3A_439] : memref<2x128x128xf32, #tpu.memory_space<vmem>> -> memref<1x128x128xf32, #tpu.memory_space<vmem>>
      %gather3A_441 = tpu.memref_squeeze %gather3A_440 : memref<1x128x128xf32, #tpu.memory_space<vmem>> -> memref<128x128xf32, #tpu.memory_space<vmem>>
      %gather3A_442 = tpu.vector_load_idx %gather3A_441[%add3A_201, %add3A_436] : memref<128x128xf32, #tpu.memory_space<vmem>>[vector<16xi32>, vector<16xi32>], vector<16xf32>,
      %add3A_443 = arith.constant 8 : i32
      %add3A_444 = vector.broadcast %add3A_443 : i32 to vector<16xi32>
      %add3A_445 = arith.addi %shift_left3A_219, %add3A_444 : vector<16xi32>
      %gather3A_446 = arith.constant 1 : i32
      %gather3A_447 = arith.constant 0 : i32
      %gather3A_448 = arith.constant 0 : i32
      %gather3A_449 = tpu.memref_slice %arg14[%gather3A_446, %gather3A_447, %gather3A_448] : memref<2x128x128xf32, #tpu.memory_space<vmem>> -> memref<1x128x128xf32, #tpu.memory_space<vmem>>
      %gather3A_450 = tpu.memref_squeeze %gather3A_449 : memref<1x128x128xf32, #tpu.memory_space<vmem>> -> memref<128x128xf32, #tpu.memory_space<vmem>>
      %gather3A_451 = tpu.vector_load_idx %gather3A_450[%add3A_201, %add3A_445] : memref<128x128xf32, #tpu.memory_space<vmem>>[vector<16xi32>, vector<16xi32>], vector<16xf32>,
      %mul3A_452 = arith.mulf %gather3A_442, %gather3A_451 : vector<16xf32>
      %add3A_453 = arith.addf %add3A_427, %mul3A_452 : vector<16xf32>
      %add3A_454 = arith.constant 8 : i32
      %add3A_455 = vector.broadcast %add3A_454 : i32 to vector<16xi32>
      %add3A_456 = arith.addi %shift_left3A_225, %add3A_455 : vector<16xi32>
      tpu.vector_store_idx %arg15[%add3A_456], %gather3A_442 : memref<16384xf32, #tpu.memory_space<vmem>>[vector<16xi32>], vector<16xf32>,
      %add3A_457 = arith.constant 8 : i32
      %add3A_458 = vector.broadcast %add3A_457 : i32 to vector<16xi32>
      %add3A_459 = arith.addi %shift_left3A_225, %add3A_458 : vector<16xi32>
      tpu.vector_store_idx %arg16[%add3A_459], %gather3A_451 : memref<16384xf32, #tpu.memory_space<vmem>>[vector<16xi32>], vector<16xf32>,
      %add3A_460 = arith.constant 9 : i32
      %add3A_461 = vector.broadcast %add3A_460 : i32 to vector<16xi32>
      %add3A_462 = arith.addi %shift_left3A_210, %add3A_461 : vector<16xi32>
      %gather3A_463 = arith.constant 1 : i32
      %gather3A_464 = arith.constant 0 : i32
      %gather3A_465 = arith.constant 0 : i32
      %gather3A_466 = tpu.memref_slice %arg13[%gather3A_463, %gather3A_464, %gather3A_465] : memref<2x128x128xf32, #tpu.memory_space<vmem>> -> memref<1x128x128xf32, #tpu.memory_space<vmem>>
      %gather3A_467 = tpu.memref_squeeze %gather3A_466 : memref<1x128x128xf32, #tpu.memory_space<vmem>> -> memref<128x128xf32, #tpu.memory_space<vmem>>
      %gather3A_468 = tpu.vector_load_idx %gather3A_467[%add3A_201, %add3A_462] : memref<128x128xf32, #tpu.memory_space<vmem>>[vector<16xi32>, vector<16xi32>], vector<16xf32>,
      %add3A_469 = arith.constant 9 : i32
      %add3A_470 = vector.broadcast %add3A_469 : i32 to vector<16xi32>
      %add3A_471 = arith.addi %shift_left3A_219, %add3A_470 : vector<16xi32>
      %gather3A_472 = arith.constant 1 : i32
      %gather3A_473 = arith.constant 0 : i32
      %gather3A_474 = arith.constant 0 : i32
      %gather3A_475 = tpu.memref_slice %arg14[%gather3A_472, %gather3A_473, %gather3A_474] : memref<2x128x128xf32, #tpu.memory_space<vmem>> -> memref<1x128x128xf32, #tpu.memory_space<vmem>>
      %gather3A_476 = tpu.memref_squeeze %gather3A_475 : memref<1x128x128xf32, #tpu.memory_space<vmem>> -> memref<128x128xf32, #tpu.memory_space<vmem>>
      %gather3A_477 = tpu.vector_load_idx %gather3A_476[%add3A_201, %add3A_471] : memref<128x128xf32, #tpu.memory_space<vmem>>[vector<16xi32>, vector<16xi32>], vector<16xf32>,
      %mul3A_478 = arith.mulf %gather3A_468, %gather3A_477 : vector<16xf32>
      %add3A_479 = arith.addf %add3A_453, %mul3A_478 : vector<16xf32>
      %add3A_480 = arith.constant 9 : i32
      %add3A_481 = vector.broadcast %add3A_480 : i32 to vector<16xi32>
      %add3A_482 = arith.addi %shift_left3A_225, %add3A_481 : vector<16xi32>
      tpu.vector_store_idx %arg15[%add3A_482], %gather3A_468 : memref<16384xf32, #tpu.memory_space<vmem>>[vector<16xi32>], vector<16xf32>,
      %add3A_483 = arith.constant 9 : i32
      %add3A_484 = vector.broadcast %add3A_483 : i32 to vector<16xi32>
      %add3A_485 = arith.addi %shift_left3A_225, %add3A_484 : vector<16xi32>
      tpu.vector_store_idx %arg16[%add3A_485], %gather3A_477 : memref<16384xf32, #tpu.memory_space<vmem>>[vector<16xi32>], vector<16xf32>,
      %add3A_486 = arith.constant 10 : i32
      %add3A_487 = vector.broadcast %add3A_486 : i32 to vector<16xi32>
      %add3A_488 = arith.addi %shift_left3A_210, %add3A_487 : vector<16xi32>
      %gather3A_489 = arith.constant 1 : i32
      %gather3A_490 = arith.constant 0 : i32
      %gather3A_491 = arith.constant 0 : i32
      %gather3A_492 = tpu.memref_slice %arg13[%gather3A_489, %gather3A_490, %gather3A_491] : memref<2x128x128xf32, #tpu.memory_space<vmem>> -> memref<1x128x128xf32, #tpu.memory_space<vmem>>
      %gather3A_493 = tpu.memref_squeeze %gather3A_492 : memref<1x128x128xf32, #tpu.memory_space<vmem>> -> memref<128x128xf32, #tpu.memory_space<vmem>>
      %gather3A_494 = tpu.vector_load_idx %gather3A_493[%add3A_201, %add3A_488] : memref<128x128xf32, #tpu.memory_space<vmem>>[vector<16xi32>, vector<16xi32>], vector<16xf32>,
      %add3A_495 = arith.constant 10 : i32
      %add3A_496 = vector.broadcast %add3A_495 : i32 to vector<16xi32>
      %add3A_497 = arith.addi %shift_left3A_219, %add3A_496 : vector<16xi32>
      %gather3A_498 = arith.constant 1 : i32
      %gather3A_499 = arith.constant 0 : i32
      %gather3A_500 = arith.constant 0 : i32
      %gather3A_501 = tpu.memref_slice %arg14[%gather3A_498, %gather3A_499, %gather3A_500] : memref<2x128x128xf32, #tpu.memory_space<vmem>> -> memref<1x128x128xf32, #tpu.memory_space<vmem>>
      %gather3A_502 = tpu.memref_squeeze %gather3A_501 : memref<1x128x128xf32, #tpu.memory_space<vmem>> -> memref<128x128xf32, #tpu.memory_space<vmem>>
      %gather3A_503 = tpu.vector_load_idx %gather3A_502[%add3A_201, %add3A_497] : memref<128x128xf32, #tpu.memory_space<vmem>>[vector<16xi32>, vector<16xi32>], vector<16xf32>,
      %mul3A_504 = arith.mulf %gather3A_494, %gather3A_503 : vector<16xf32>
      %add3A_505 = arith.addf %add3A_479, %mul3A_504 : vector<16xf32>
      %add3A_506 = arith.constant 10 : i32
      %add3A_507 = vector.broadcast %add3A_506 : i32 to vector<16xi32>
      %add3A_508 = arith.addi %shift_left3A_225, %add3A_507 : vector<16xi32>
      tpu.vector_store_idx %arg15[%add3A_508], %gather3A_494 : memref<16384xf32, #tpu.memory_space<vmem>>[vector<16xi32>], vector<16xf32>,
      %add3A_509 = arith.constant 10 : i32
      %add3A_510 = vector.broadcast %add3A_509 : i32 to vector<16xi32>
      %add3A_511 = arith.addi %shift_left3A_225, %add3A_510 : vector<16xi32>
      tpu.vector_store_idx %arg16[%add3A_511], %gather3A_503 : memref<16384xf32, #tpu.memory_space<vmem>>[vector<16xi32>], vector<16xf32>,
      %add3A_512 = arith.constant 11 : i32
      %add3A_513 = vector.broadcast %add3A_512 : i32 to vector<16xi32>
      %add3A_514 = arith.addi %shift_left3A_210, %add3A_513 : vector<16xi32>
      %gather3A_515 = arith.constant 1 : i32
      %gather3A_516 = arith.constant 0 : i32
      %gather3A_517 = arith.constant 0 : i32
      %gather3A_518 = tpu.memref_slice %arg13[%gather3A_515, %gather3A_516, %gather3A_517] : memref<2x128x128xf32, #tpu.memory_space<vmem>> -> memref<1x128x128xf32, #tpu.memory_space<vmem>>
      %gather3A_519 = tpu.memref_squeeze %gather3A_518 : memref<1x128x128xf32, #tpu.memory_space<vmem>> -> memref<128x128xf32, #tpu.memory_space<vmem>>
      %gather3A_520 = tpu.vector_load_idx %gather3A_519[%add3A_201, %add3A_514] : memref<128x128xf32, #tpu.memory_space<vmem>>[vector<16xi32>, vector<16xi32>], vector<16xf32>,
      %add3A_521 = arith.constant 11 : i32
      %add3A_522 = vector.broadcast %add3A_521 : i32 to vector<16xi32>
      %add3A_523 = arith.addi %shift_left3A_219, %add3A_522 : vector<16xi32>
      %gather3A_524 = arith.constant 1 : i32
      %gather3A_525 = arith.constant 0 : i32
      %gather3A_526 = arith.constant 0 : i32
      %gather3A_527 = tpu.memref_slice %arg14[%gather3A_524, %gather3A_525, %gather3A_526] : memref<2x128x128xf32, #tpu.memory_space<vmem>> -> memref<1x128x128xf32, #tpu.memory_space<vmem>>
      %gather3A_528 = tpu.memref_squeeze %gather3A_527 : memref<1x128x128xf32, #tpu.memory_space<vmem>> -> memref<128x128xf32, #tpu.memory_space<vmem>>
      %gather3A_529 = tpu.vector_load_idx %gather3A_528[%add3A_201, %add3A_523] : memref<128x128xf32, #tpu.memory_space<vmem>>[vector<16xi32>, vector<16xi32>], vector<16xf32>,
      %mul3A_530 = arith.mulf %gather3A_520, %gather3A_529 : vector<16xf32>
      %add3A_531 = arith.addf %add3A_505, %mul3A_530 : vector<16xf32>
      %add3A_532 = arith.constant 11 : i32
      %add3A_533 = vector.broadcast %add3A_532 : i32 to vector<16xi32>
      %add3A_534 = arith.addi %shift_left3A_225, %add3A_533 : vector<16xi32>
      tpu.vector_store_idx %arg15[%add3A_534], %gather3A_520 : memref<16384xf32, #tpu.memory_space<vmem>>[vector<16xi32>], vector<16xf32>,
      %add3A_535 = arith.constant 11 : i32
      %add3A_536 = vector.broadcast %add3A_535 : i32 to vector<16xi32>
      %add3A_537 = arith.addi %shift_left3A_225, %add3A_536 : vector<16xi32>
      tpu.vector_store_idx %arg16[%add3A_537], %gather3A_529 : memref<16384xf32, #tpu.memory_space<vmem>>[vector<16xi32>], vector<16xf32>,
      %add3A_538 = arith.constant 12 : i32
      %add3A_539 = vector.broadcast %add3A_538 : i32 to vector<16xi32>
      %add3A_540 = arith.addi %shift_left3A_210, %add3A_539 : vector<16xi32>
      %gather3A_541 = arith.constant 1 : i32
      %gather3A_542 = arith.constant 0 : i32
      %gather3A_543 = arith.constant 0 : i32
      %gather3A_544 = tpu.memref_slice %arg13[%gather3A_541, %gather3A_542, %gather3A_543] : memref<2x128x128xf32, #tpu.memory_space<vmem>> -> memref<1x128x128xf32, #tpu.memory_space<vmem>>
      %gather3A_545 = tpu.memref_squeeze %gather3A_544 : memref<1x128x128xf32, #tpu.memory_space<vmem>> -> memref<128x128xf32, #tpu.memory_space<vmem>>
      %gather3A_546 = tpu.vector_load_idx %gather3A_545[%add3A_201, %add3A_540] : memref<128x128xf32, #tpu.memory_space<vmem>>[vector<16xi32>, vector<16xi32>], vector<16xf32>,
      %add3A_547 = arith.constant 12 : i32
      %add3A_548 = vector.broadcast %add3A_547 : i32 to vector<16xi32>
      %add3A_549 = arith.addi %shift_left3A_219, %add3A_548 : vector<16xi32>
      %gather3A_550 = arith.constant 1 : i32
      %gather3A_551 = arith.constant 0 : i32
      %gather3A_552 = arith.constant 0 : i32
      %gather3A_553 = tpu.memref_slice %arg14[%gather3A_550, %gather3A_551, %gather3A_552] : memref<2x128x128xf32, #tpu.memory_space<vmem>> -> memref<1x128x128xf32, #tpu.memory_space<vmem>>
      %gather3A_554 = tpu.memref_squeeze %gather3A_553 : memref<1x128x128xf32, #tpu.memory_space<vmem>> -> memref<128x128xf32, #tpu.memory_space<vmem>>
      %gather3A_555 = tpu.vector_load_idx %gather3A_554[%add3A_201, %add3A_549] : memref<128x128xf32, #tpu.memory_space<vmem>>[vector<16xi32>, vector<16xi32>], vector<16xf32>,
      %mul3A_556 = arith.mulf %gather3A_546, %gather3A_555 : vector<16xf32>
      %add3A_557 = arith.addf %add3A_531, %mul3A_556 : vector<16xf32>
      %add3A_558 = arith.constant 12 : i32
      %add3A_559 = vector.broadcast %add3A_558 : i32 to vector<16xi32>
      %add3A_560 = arith.addi %shift_left3A_225, %add3A_559 : vector<16xi32>
      tpu.vector_store_idx %arg15[%add3A_560], %gather3A_546 : memref<16384xf32, #tpu.memory_space<vmem>>[vector<16xi32>], vector<16xf32>,
      %add3A_561 = arith.constant 12 : i32
      %add3A_562 = vector.broadcast %add3A_561 : i32 to vector<16xi32>
      %add3A_563 = arith.addi %shift_left3A_225, %add3A_562 : vector<16xi32>
      tpu.vector_store_idx %arg16[%add3A_563], %gather3A_555 : memref<16384xf32, #tpu.memory_space<vmem>>[vector<16xi32>], vector<16xf32>,
      %add3A_564 = arith.constant 13 : i32
      %add3A_565 = vector.broadcast %add3A_564 : i32 to vector<16xi32>
      %add3A_566 = arith.addi %shift_left3A_210, %add3A_565 : vector<16xi32>
      %gather3A_567 = arith.constant 1 : i32
      %gather3A_568 = arith.constant 0 : i32
      %gather3A_569 = arith.constant 0 : i32
      %gather3A_570 = tpu.memref_slice %arg13[%gather3A_567, %gather3A_568, %gather3A_569] : memref<2x128x128xf32, #tpu.memory_space<vmem>> -> memref<1x128x128xf32, #tpu.memory_space<vmem>>
      %gather3A_571 = tpu.memref_squeeze %gather3A_570 : memref<1x128x128xf32, #tpu.memory_space<vmem>> -> memref<128x128xf32, #tpu.memory_space<vmem>>
      %gather3A_572 = tpu.vector_load_idx %gather3A_571[%add3A_201, %add3A_566] : memref<128x128xf32, #tpu.memory_space<vmem>>[vector<16xi32>, vector<16xi32>], vector<16xf32>,
      %add3A_573 = arith.constant 13 : i32
      %add3A_574 = vector.broadcast %add3A_573 : i32 to vector<16xi32>
      %add3A_575 = arith.addi %shift_left3A_219, %add3A_574 : vector<16xi32>
      %gather3A_576 = arith.constant 1 : i32
      %gather3A_577 = arith.constant 0 : i32
      %gather3A_578 = arith.constant 0 : i32
      %gather3A_579 = tpu.memref_slice %arg14[%gather3A_576, %gather3A_577, %gather3A_578] : memref<2x128x128xf32, #tpu.memory_space<vmem>> -> memref<1x128x128xf32, #tpu.memory_space<vmem>>
      %gather3A_580 = tpu.memref_squeeze %gather3A_579 : memref<1x128x128xf32, #tpu.memory_space<vmem>> -> memref<128x128xf32, #tpu.memory_space<vmem>>
      %gather3A_581 = tpu.vector_load_idx %gather3A_580[%add3A_201, %add3A_575] : memref<128x128xf32, #tpu.memory_space<vmem>>[vector<16xi32>, vector<16xi32>], vector<16xf32>,
      %mul3A_582 = arith.mulf %gather3A_572, %gather3A_581 : vector<16xf32>
      %add3A_583 = arith.addf %add3A_557, %mul3A_582 : vector<16xf32>
      %add3A_584 = arith.constant 13 : i32
      %add3A_585 = vector.broadcast %add3A_584 : i32 to vector<16xi32>
      %add3A_586 = arith.addi %shift_left3A_225, %add3A_585 : vector<16xi32>
      tpu.vector_store_idx %arg15[%add3A_586], %gather3A_572 : memref<16384xf32, #tpu.memory_space<vmem>>[vector<16xi32>], vector<16xf32>,
      %add3A_587 = arith.constant 13 : i32
      %add3A_588 = vector.broadcast %add3A_587 : i32 to vector<16xi32>
      %add3A_589 = arith.addi %shift_left3A_225, %add3A_588 : vector<16xi32>
      tpu.vector_store_idx %arg16[%add3A_589], %gather3A_581 : memref<16384xf32, #tpu.memory_space<vmem>>[vector<16xi32>], vector<16xf32>,
      %add3A_590 = arith.constant 14 : i32
      %add3A_591 = vector.broadcast %add3A_590 : i32 to vector<16xi32>
      %add3A_592 = arith.addi %shift_left3A_210, %add3A_591 : vector<16xi32>
      %gather3A_593 = arith.constant 1 : i32
      %gather3A_594 = arith.constant 0 : i32
      %gather3A_595 = arith.constant 0 : i32
      %gather3A_596 = tpu.memref_slice %arg13[%gather3A_593, %gather3A_594, %gather3A_595] : memref<2x128x128xf32, #tpu.memory_space<vmem>> -> memref<1x128x128xf32, #tpu.memory_space<vmem>>
      %gather3A_597 = tpu.memref_squeeze %gather3A_596 : memref<1x128x128xf32, #tpu.memory_space<vmem>> -> memref<128x128xf32, #tpu.memory_space<vmem>>
      %gather3A_598 = tpu.vector_load_idx %gather3A_597[%add3A_201, %add3A_592] : memref<128x128xf32, #tpu.memory_space<vmem>>[vector<16xi32>, vector<16xi32>], vector<16xf32>,
      %add3A_599 = arith.constant 14 : i32
      %add3A_600 = vector.broadcast %add3A_599 : i32 to vector<16xi32>
      %add3A_601 = arith.addi %shift_left3A_219, %add3A_600 : vector<16xi32>
      %gather3A_602 = arith.constant 1 : i32
      %gather3A_603 = arith.constant 0 : i32
      %gather3A_604 = arith.constant 0 : i32
      %gather3A_605 = tpu.memref_slice %arg14[%gather3A_602, %gather3A_603, %gather3A_604] : memref<2x128x128xf32, #tpu.memory_space<vmem>> -> memref<1x128x128xf32, #tpu.memory_space<vmem>>
      %gather3A_606 = tpu.memref_squeeze %gather3A_605 : memref<1x128x128xf32, #tpu.memory_space<vmem>> -> memref<128x128xf32, #tpu.memory_space<vmem>>
      %gather3A_607 = tpu.vector_load_idx %gather3A_606[%add3A_201, %add3A_601] : memref<128x128xf32, #tpu.memory_space<vmem>>[vector<16xi32>, vector<16xi32>], vector<16xf32>,
      %mul3A_608 = arith.mulf %gather3A_598, %gather3A_607 : vector<16xf32>
      %add3A_609 = arith.addf %add3A_583, %mul3A_608 : vector<16xf32>
      %add3A_610 = arith.constant 14 : i32
      %add3A_611 = vector.broadcast %add3A_610 : i32 to vector<16xi32>
      %add3A_612 = arith.addi %shift_left3A_225, %add3A_611 : vector<16xi32>
      tpu.vector_store_idx %arg15[%add3A_612], %gather3A_598 : memref<16384xf32, #tpu.memory_space<vmem>>[vector<16xi32>], vector<16xf32>,
      %add3A_613 = arith.constant 14 : i32
      %add3A_614 = vector.broadcast %add3A_613 : i32 to vector<16xi32>
      %add3A_615 = arith.addi %shift_left3A_225, %add3A_614 : vector<16xi32>
      tpu.vector_store_idx %arg16[%add3A_615], %gather3A_607 : memref<16384xf32, #tpu.memory_space<vmem>>[vector<16xi32>], vector<16xf32>,
      %add3A_616 = arith.constant 15 : i32
      %add3A_617 = vector.broadcast %add3A_616 : i32 to vector<16xi32>
      %add3A_618 = arith.addi %shift_left3A_210, %add3A_617 : vector<16xi32>
      %gather3A_619 = arith.constant 1 : i32
      %gather3A_620 = arith.constant 0 : i32
      %gather3A_621 = arith.constant 0 : i32
      %gather3A_622 = tpu.memref_slice %arg13[%gather3A_619, %gather3A_620, %gather3A_621] : memref<2x128x128xf32, #tpu.memory_space<vmem>> -> memref<1x128x128xf32, #tpu.memory_space<vmem>>
      %gather3A_623 = tpu.memref_squeeze %gather3A_622 : memref<1x128x128xf32, #tpu.memory_space<vmem>> -> memref<128x128xf32, #tpu.memory_space<vmem>>
      %gather3A_624 = tpu.vector_load_idx %gather3A_623[%add3A_201, %add3A_618] : memref<128x128xf32, #tpu.memory_space<vmem>>[vector<16xi32>, vector<16xi32>], vector<16xf32>,
      %add3A_625 = arith.constant 15 : i32
      %add3A_626 = vector.broadcast %add3A_625 : i32 to vector<16xi32>
      %add3A_627 = arith.addi %shift_left3A_219, %add3A_626 : vector<16xi32>
      %gather3A_628 = arith.constant 1 : i32
      %gather3A_629 = arith.constant 0 : i32
      %gather3A_630 = arith.constant 0 : i32
      %gather3A_631 = tpu.memref_slice %arg14[%gather3A_628, %gather3A_629, %gather3A_630] : memref<2x128x128xf32, #tpu.memory_space<vmem>> -> memref<1x128x128xf32, #tpu.memory_space<vmem>>
      %gather3A_632 = tpu.memref_squeeze %gather3A_631 : memref<1x128x128xf32, #tpu.memory_space<vmem>> -> memref<128x128xf32, #tpu.memory_space<vmem>>
      %gather3A_633 = tpu.vector_load_idx %gather3A_632[%add3A_201, %add3A_627] : memref<128x128xf32, #tpu.memory_space<vmem>>[vector<16xi32>, vector<16xi32>], vector<16xf32>,
      %mul3A_634 = arith.mulf %gather3A_624, %gather3A_633 : vector<16xf32>
      %add3A_635 = arith.addf %add3A_609, %mul3A_634 : vector<16xf32>
      %add3A_636 = arith.constant 15 : i32
      %add3A_637 = vector.broadcast %add3A_636 : i32 to vector<16xi32>
      %add3A_638 = arith.addi %shift_left3A_225, %add3A_637 : vector<16xi32>
      tpu.vector_store_idx %arg15[%add3A_638], %gather3A_624 : memref<16384xf32, #tpu.memory_space<vmem>>[vector<16xi32>], vector<16xf32>,
      %add3A_639 = arith.constant 15 : i32
      %add3A_640 = vector.broadcast %add3A_639 : i32 to vector<16xi32>
      %add3A_641 = arith.addi %shift_left3A_225, %add3A_640 : vector<16xi32>
      tpu.vector_store_idx %arg16[%add3A_641], %gather3A_633 : memref<16384xf32, #tpu.memory_space<vmem>>[vector<16xi32>], vector<16xf32>,
      %add3A_642 = arith.constant 16 : i32
      %add3A_643 = vector.broadcast %add3A_642 : i32 to vector<16xi32>
      %add3A_644 = arith.addi %shift_left3A_210, %add3A_643 : vector<16xi32>
      %gather3A_645 = arith.constant 1 : i32
      %gather3A_646 = arith.constant 0 : i32
      %gather3A_647 = arith.constant 0 : i32
      %gather3A_648 = tpu.memref_slice %arg13[%gather3A_645, %gather3A_646, %gather3A_647] : memref<2x128x128xf32, #tpu.memory_space<vmem>> -> memref<1x128x128xf32, #tpu.memory_space<vmem>>
      %gather3A_649 = tpu.memref_squeeze %gather3A_648 : memref<1x128x128xf32, #tpu.memory_space<vmem>> -> memref<128x128xf32, #tpu.memory_space<vmem>>
      %gather3A_650 = tpu.vector_load_idx %gather3A_649[%add3A_201, %add3A_644] : memref<128x128xf32, #tpu.memory_space<vmem>>[vector<16xi32>, vector<16xi32>], vector<16xf32>,
      %add3A_651 = arith.constant 16 : i32
      %add3A_652 = vector.broadcast %add3A_651 : i32 to vector<16xi32>
      %add3A_653 = arith.addi %shift_left3A_219, %add3A_652 : vector<16xi32>
      %gather3A_654 = arith.constant 1 : i32
      %gather3A_655 = arith.constant 0 : i32
      %gather3A_656 = arith.constant 0 : i32
      %gather3A_657 = tpu.memref_slice %arg14[%gather3A_654, %gather3A_655, %gather3A_656] : memref<2x128x128xf32, #tpu.memory_space<vmem>> -> memref<1x128x128xf32, #tpu.memory_space<vmem>>
      %gather3A_658 = tpu.memref_squeeze %gather3A_657 : memref<1x128x128xf32, #tpu.memory_space<vmem>> -> memref<128x128xf32, #tpu.memory_space<vmem>>
      %gather3A_659 = tpu.vector_load_idx %gather3A_658[%add3A_201, %add3A_653] : memref<128x128xf32, #tpu.memory_space<vmem>>[vector<16xi32>, vector<16xi32>], vector<16xf32>,
      %mul3A_660 = arith.mulf %gather3A_650, %gather3A_659 : vector<16xf32>
      %add3A_661 = arith.addf %add3A_635, %mul3A_660 : vector<16xf32>
      %add3A_662 = arith.constant 16 : i32
      %add3A_663 = vector.broadcast %add3A_662 : i32 to vector<16xi32>
      %add3A_664 = arith.addi %shift_left3A_225, %add3A_663 : vector<16xi32>
      tpu.vector_store_idx %arg15[%add3A_664], %gather3A_650 : memref<16384xf32, #tpu.memory_space<vmem>>[vector<16xi32>], vector<16xf32>,
      %add3A_665 = arith.constant 16 : i32
      %add3A_666 = vector.broadcast %add3A_665 : i32 to vector<16xi32>
      %add3A_667 = arith.addi %shift_left3A_225, %add3A_666 : vector<16xi32>
      tpu.vector_store_idx %arg16[%add3A_667], %gather3A_659 : memref<16384xf32, #tpu.memory_space<vmem>>[vector<16xi32>], vector<16xf32>,
      %add3A_668 = arith.constant 17 : i32
      %add3A_669 = vector.broadcast %add3A_668 : i32 to vector<16xi32>
      %add3A_670 = arith.addi %shift_left3A_210, %add3A_669 : vector<16xi32>
      %gather3A_671 = arith.constant 1 : i32
      %gather3A_672 = arith.constant 0 : i32
      %gather3A_673 = arith.constant 0 : i32
      %gather3A_674 = tpu.memref_slice %arg13[%gather3A_671, %gather3A_672, %gather3A_673] : memref<2x128x128xf32, #tpu.memory_space<vmem>> -> memref<1x128x128xf32, #tpu.memory_space<vmem>>
      %gather3A_675 = tpu.memref_squeeze %gather3A_674 : memref<1x128x128xf32, #tpu.memory_space<vmem>> -> memref<128x128xf32, #tpu.memory_space<vmem>>
      %gather3A_676 = tpu.vector_load_idx %gather3A_675[%add3A_201, %add3A_670] : memref<128x128xf32, #tpu.memory_space<vmem>>[vector<16xi32>, vector<16xi32>], vector<16xf32>,
      %add3A_677 = arith.constant 17 : i32
      %add3A_678 = vector.broadcast %add3A_677 : i32 to vector<16xi32>
      %add3A_679 = arith.addi %shift_left3A_219, %add3A_678 : vector<16xi32>
      %gather3A_680 = arith.constant 1 : i32
      %gather3A_681 = arith.constant 0 : i32
      %gather3A_682 = arith.constant 0 : i32
      %gather3A_683 = tpu.memref_slice %arg14[%gather3A_680, %gather3A_681, %gather3A_682] : memref<2x128x128xf32, #tpu.memory_space<vmem>> -> memref<1x128x128xf32, #tpu.memory_space<vmem>>
      %gather3A_684 = tpu.memref_squeeze %gather3A_683 : memref<1x128x128xf32, #tpu.memory_space<vmem>> -> memref<128x128xf32, #tpu.memory_space<vmem>>
      %gather3A_685 = tpu.vector_load_idx %gather3A_684[%add3A_201, %add3A_679] : memref<128x128xf32, #tpu.memory_space<vmem>>[vector<16xi32>, vector<16xi32>], vector<16xf32>,
      %mul3A_686 = arith.mulf %gather3A_676, %gather3A_685 : vector<16xf32>
      %add3A_687 = arith.addf %add3A_661, %mul3A_686 : vector<16xf32>
      %add3A_688 = arith.constant 17 : i32
      %add3A_689 = vector.broadcast %add3A_688 : i32 to vector<16xi32>
      %add3A_690 = arith.addi %shift_left3A_225, %add3A_689 : vector<16xi32>
      tpu.vector_store_idx %arg15[%add3A_690], %gather3A_676 : memref<16384xf32, #tpu.memory_space<vmem>>[vector<16xi32>], vector<16xf32>,
      %add3A_691 = arith.constant 17 : i32
      %add3A_692 = vector.broadcast %add3A_691 : i32 to vector<16xi32>
      %add3A_693 = arith.addi %shift_left3A_225, %add3A_692 : vector<16xi32>
      tpu.vector_store_idx %arg16[%add3A_693], %gather3A_685 : memref<16384xf32, #tpu.memory_space<vmem>>[vector<16xi32>], vector<16xf32>,
      %add3A_694 = arith.constant 18 : i32
      %add3A_695 = vector.broadcast %add3A_694 : i32 to vector<16xi32>
      %add3A_696 = arith.addi %shift_left3A_210, %add3A_695 : vector<16xi32>
      %gather3A_697 = arith.constant 1 : i32
      %gather3A_698 = arith.constant 0 : i32
      %gather3A_699 = arith.constant 0 : i32
      %gather3A_700 = tpu.memref_slice %arg13[%gather3A_697, %gather3A_698, %gather3A_699] : memref<2x128x128xf32, #tpu.memory_space<vmem>> -> memref<1x128x128xf32, #tpu.memory_space<vmem>>
      %gather3A_701 = tpu.memref_squeeze %gather3A_700 : memref<1x128x128xf32, #tpu.memory_space<vmem>> -> memref<128x128xf32, #tpu.memory_space<vmem>>
      %gather3A_702 = tpu.vector_load_idx %gather3A_701[%add3A_201, %add3A_696] : memref<128x128xf32, #tpu.memory_space<vmem>>[vector<16xi32>, vector<16xi32>], vector<16xf32>,
      %add3A_703 = arith.constant 18 : i32
      %add3A_704 = vector.broadcast %add3A_703 : i32 to vector<16xi32>
      %add3A_705 = arith.addi %shift_left3A_219, %add3A_704 : vector<16xi32>
      %gather3A_706 = arith.constant 1 : i32
      %gather3A_707 = arith.constant 0 : i32
      %gather3A_708 = arith.constant 0 : i32
      %gather3A_709 = tpu.memref_slice %arg14[%gather3A_706, %gather3A_707, %gather3A_708] : memref<2x128x128xf32, #tpu.memory_space<vmem>> -> memref<1x128x128xf32, #tpu.memory_space<vmem>>
      %gather3A_710 = tpu.memref_squeeze %gather3A_709 : memref<1x128x128xf32, #tpu.memory_space<vmem>> -> memref<128x128xf32, #tpu.memory_space<vmem>>
      %gather3A_711 = tpu.vector_load_idx %gather3A_710[%add3A_201, %add3A_705] : memref<128x128xf32, #tpu.memory_space<vmem>>[vector<16xi32>, vector<16xi32>], vector<16xf32>,
      %mul3A_712 = arith.mulf %gather3A_702, %gather3A_711 : vector<16xf32>
      %add3A_713 = arith.addf %add3A_687, %mul3A_712 : vector<16xf32>
      %add3A_714 = arith.constant 18 : i32
      %add3A_715 = vector.broadcast %add3A_714 : i32 to vector<16xi32>
      %add3A_716 = arith.addi %shift_left3A_225, %add3A_715 : vector<16xi32>
      tpu.vector_store_idx %arg15[%add3A_716], %gather3A_702 : memref<16384xf32, #tpu.memory_space<vmem>>[vector<16xi32>], vector<16xf32>,
      %add3A_717 = arith.constant 18 : i32
      %add3A_718 = vector.broadcast %add3A_717 : i32 to vector<16xi32>
      %add3A_719 = arith.addi %shift_left3A_225, %add3A_718 : vector<16xi32>
      tpu.vector_store_idx %arg16[%add3A_719], %gather3A_711 : memref<16384xf32, #tpu.memory_space<vmem>>[vector<16xi32>], vector<16xf32>,
      %add3A_720 = arith.constant 19 : i32
      %add3A_721 = vector.broadcast %add3A_720 : i32 to vector<16xi32>
      %add3A_722 = arith.addi %shift_left3A_210, %add3A_721 : vector<16xi32>
      %gather3A_723 = arith.constant 1 : i32
      %gather3A_724 = arith.constant 0 : i32
      %gather3A_725 = arith.constant 0 : i32
      %gather3A_726 = tpu.memref_slice %arg13[%gather3A_723, %gather3A_724, %gather3A_725] : memref<2x128x128xf32, #tpu.memory_space<vmem>> -> memref<1x128x128xf32, #tpu.memory_space<vmem>>
      %gather3A_727 = tpu.memref_squeeze %gather3A_726 : memref<1x128x128xf32, #tpu.memory_space<vmem>> -> memref<128x128xf32, #tpu.memory_space<vmem>>
      %gather3A_728 = tpu.vector_load_idx %gather3A_727[%add3A_201, %add3A_722] : memref<128x128xf32, #tpu.memory_space<vmem>>[vector<16xi32>, vector<16xi32>], vector<16xf32>,
      %add3A_729 = arith.constant 19 : i32
      %add3A_730 = vector.broadcast %add3A_729 : i32 to vector<16xi32>
      %add3A_731 = arith.addi %shift_left3A_219, %add3A_730 : vector<16xi32>
      %gather3A_732 = arith.constant 1 : i32
      %gather3A_733 = arith.constant 0 : i32
      %gather3A_734 = arith.constant 0 : i32
      %gather3A_735 = tpu.memref_slice %arg14[%gather3A_732, %gather3A_733, %gather3A_734] : memref<2x128x128xf32, #tpu.memory_space<vmem>> -> memref<1x128x128xf32, #tpu.memory_space<vmem>>
      %gather3A_736 = tpu.memref_squeeze %gather3A_735 : memref<1x128x128xf32, #tpu.memory_space<vmem>> -> memref<128x128xf32, #tpu.memory_space<vmem>>
      %gather3A_737 = tpu.vector_load_idx %gather3A_736[%add3A_201, %add3A_731] : memref<128x128xf32, #tpu.memory_space<vmem>>[vector<16xi32>, vector<16xi32>], vector<16xf32>,
      %mul3A_738 = arith.mulf %gather3A_728, %gather3A_737 : vector<16xf32>
      %add3A_739 = arith.addf %add3A_713, %mul3A_738 : vector<16xf32>
      %add3A_740 = arith.constant 19 : i32
      %add3A_741 = vector.broadcast %add3A_740 : i32 to vector<16xi32>
      %add3A_742 = arith.addi %shift_left3A_225, %add3A_741 : vector<16xi32>
      tpu.vector_store_idx %arg15[%add3A_742], %gather3A_728 : memref<16384xf32, #tpu.memory_space<vmem>>[vector<16xi32>], vector<16xf32>,
      %add3A_743 = arith.constant 19 : i32
      %add3A_744 = vector.broadcast %add3A_743 : i32 to vector<16xi32>
      %add3A_745 = arith.addi %shift_left3A_225, %add3A_744 : vector<16xi32>
      tpu.vector_store_idx %arg16[%add3A_745], %gather3A_737 : memref<16384xf32, #tpu.memory_space<vmem>>[vector<16xi32>], vector<16xf32>,
      %add3A_746 = arith.constant 20 : i32
      %add3A_747 = vector.broadcast %add3A_746 : i32 to vector<16xi32>
      %add3A_748 = arith.addi %shift_left3A_210, %add3A_747 : vector<16xi32>
      %gather3A_749 = arith.constant 1 : i32
      %gather3A_750 = arith.constant 0 : i32
      %gather3A_751 = arith.constant 0 : i32
      %gather3A_752 = tpu.memref_slice %arg13[%gather3A_749, %gather3A_750, %gather3A_751] : memref<2x128x128xf32, #tpu.memory_space<vmem>> -> memref<1x128x128xf32, #tpu.memory_space<vmem>>
      %gather3A_753 = tpu.memref_squeeze %gather3A_752 : memref<1x128x128xf32, #tpu.memory_space<vmem>> -> memref<128x128xf32, #tpu.memory_space<vmem>>
      %gather3A_754 = tpu.vector_load_idx %gather3A_753[%add3A_201, %add3A_748] : memref<128x128xf32, #tpu.memory_space<vmem>>[vector<16xi32>, vector<16xi32>], vector<16xf32>,
      %add3A_755 = arith.constant 20 : i32
      %add3A_756 = vector.broadcast %add3A_755 : i32 to vector<16xi32>
      %add3A_757 = arith.addi %shift_left3A_219, %add3A_756 : vector<16xi32>
      %gather3A_758 = arith.constant 1 : i32
      %gather3A_759 = arith.constant 0 : i32
      %gather3A_760 = arith.constant 0 : i32
      %gather3A_761 = tpu.memref_slice %arg14[%gather3A_758, %gather3A_759, %gather3A_760] : memref<2x128x128xf32, #tpu.memory_space<vmem>> -> memref<1x128x128xf32, #tpu.memory_space<vmem>>
      %gather3A_762 = tpu.memref_squeeze %gather3A_761 : memref<1x128x128xf32, #tpu.memory_space<vmem>> -> memref<128x128xf32, #tpu.memory_space<vmem>>
      %gather3A_763 = tpu.vector_load_idx %gather3A_762[%add3A_201, %add3A_757] : memref<128x128xf32, #tpu.memory_space<vmem>>[vector<16xi32>, vector<16xi32>], vector<16xf32>,
      %mul3A_764 = arith.mulf %gather3A_754, %gather3A_763 : vector<16xf32>
      %add3A_765 = arith.addf %add3A_739, %mul3A_764 : vector<16xf32>
      %add3A_766 = arith.constant 20 : i32
      %add3A_767 = vector.broadcast %add3A_766 : i32 to vector<16xi32>
      %add3A_768 = arith.addi %shift_left3A_225, %add3A_767 : vector<16xi32>
      tpu.vector_store_idx %arg15[%add3A_768], %gather3A_754 : memref<16384xf32, #tpu.memory_space<vmem>>[vector<16xi32>], vector<16xf32>,
      %add3A_769 = arith.constant 20 : i32
      %add3A_770 = vector.broadcast %add3A_769 : i32 to vector<16xi32>
      %add3A_771 = arith.addi %shift_left3A_225, %add3A_770 : vector<16xi32>
      tpu.vector_store_idx %arg16[%add3A_771], %gather3A_763 : memref<16384xf32, #tpu.memory_space<vmem>>[vector<16xi32>], vector<16xf32>,
      %add3A_772 = arith.constant 21 : i32
      %add3A_773 = vector.broadcast %add3A_772 : i32 to vector<16xi32>
      %add3A_774 = arith.addi %shift_left3A_210, %add3A_773 : vector<16xi32>
      %gather3A_775 = arith.constant 1 : i32
      %gather3A_776 = arith.constant 0 : i32
      %gather3A_777 = arith.constant 0 : i32
      %gather3A_778 = tpu.memref_slice %arg13[%gather3A_775, %gather3A_776, %gather3A_777] : memref<2x128x128xf32, #tpu.memory_space<vmem>> -> memref<1x128x128xf32, #tpu.memory_space<vmem>>
      %gather3A_779 = tpu.memref_squeeze %gather3A_778 : memref<1x128x128xf32, #tpu.memory_space<vmem>> -> memref<128x128xf32, #tpu.memory_space<vmem>>
      %gather3A_780 = tpu.vector_load_idx %gather3A_779[%add3A_201, %add3A_774] : memref<128x128xf32, #tpu.memory_space<vmem>>[vector<16xi32>, vector<16xi32>], vector<16xf32>,
      %add3A_781 = arith.constant 21 : i32
      %add3A_782 = vector.broadcast %add3A_781 : i32 to vector<16xi32>
      %add3A_783 = arith.addi %shift_left3A_219, %add3A_782 : vector<16xi32>
      %gather3A_784 = arith.constant 1 : i32
      %gather3A_785 = arith.constant 0 : i32
      %gather3A_786 = arith.constant 0 : i32
      %gather3A_787 = tpu.memref_slice %arg14[%gather3A_784, %gather3A_785, %gather3A_786] : memref<2x128x128xf32, #tpu.memory_space<vmem>> -> memref<1x128x128xf32, #tpu.memory_space<vmem>>
      %gather3A_788 = tpu.memref_squeeze %gather3A_787 : memref<1x128x128xf32, #tpu.memory_space<vmem>> -> memref<128x128xf32, #tpu.memory_space<vmem>>
      %gather3A_789 = tpu.vector_load_idx %gather3A_788[%add3A_201, %add3A_783] : memref<128x128xf32, #tpu.memory_space<vmem>>[vector<16xi32>, vector<16xi32>], vector<16xf32>,
      %mul3A_790 = arith.mulf %gather3A_780, %gather3A_789 : vector<16xf32>
      %add3A_791 = arith.addf %add3A_765, %mul3A_790 : vector<16xf32>
      %add3A_792 = arith.constant 21 : i32
      %add3A_793 = vector.broadcast %add3A_792 : i32 to vector<16xi32>
      %add3A_794 = arith.addi %shift_left3A_225, %add3A_793 : vector<16xi32>
      tpu.vector_store_idx %arg15[%add3A_794], %gather3A_780 : memref<16384xf32, #tpu.memory_space<vmem>>[vector<16xi32>], vector<16xf32>,
      %add3A_795 = arith.constant 21 : i32
      %add3A_796 = vector.broadcast %add3A_795 : i32 to vector<16xi32>
      %add3A_797 = arith.addi %shift_left3A_225, %add3A_796 : vector<16xi32>
      tpu.vector_store_idx %arg16[%add3A_797], %gather3A_789 : memref<16384xf32, #tpu.memory_space<vmem>>[vector<16xi32>], vector<16xf32>,
      %add3A_798 = arith.constant 22 : i32
      %add3A_799 = vector.broadcast %add3A_798 : i32 to vector<16xi32>
      %add3A_800 = arith.addi %shift_left3A_210, %add3A_799 : vector<16xi32>
      %gather3A_801 = arith.constant 1 : i32
      %gather3A_802 = arith.constant 0 : i32
      %gather3A_803 = arith.constant 0 : i32
      %gather3A_804 = tpu.memref_slice %arg13[%gather3A_801, %gather3A_802, %gather3A_803] : memref<2x128x128xf32, #tpu.memory_space<vmem>> -> memref<1x128x128xf32, #tpu.memory_space<vmem>>
      %gather3A_805 = tpu.memref_squeeze %gather3A_804 : memref<1x128x128xf32, #tpu.memory_space<vmem>> -> memref<128x128xf32, #tpu.memory_space<vmem>>
      %gather3A_806 = tpu.vector_load_idx %gather3A_805[%add3A_201, %add3A_800] : memref<128x128xf32, #tpu.memory_space<vmem>>[vector<16xi32>, vector<16xi32>], vector<16xf32>,
      %add3A_807 = arith.constant 22 : i32
      %add3A_808 = vector.broadcast %add3A_807 : i32 to vector<16xi32>
      %add3A_809 = arith.addi %shift_left3A_219, %add3A_808 : vector<16xi32>
      %gather3A_810 = arith.constant 1 : i32
      %gather3A_811 = arith.constant 0 : i32
      %gather3A_812 = arith.constant 0 : i32
      %gather3A_813 = tpu.memref_slice %arg14[%gather3A_810, %gather3A_811, %gather3A_812] : memref<2x128x128xf32, #tpu.memory_space<vmem>> -> memref<1x128x128xf32, #tpu.memory_space<vmem>>
      %gather3A_814 = tpu.memref_squeeze %gather3A_813 : memref<1x128x128xf32, #tpu.memory_space<vmem>> -> memref<128x128xf32, #tpu.memory_space<vmem>>
      %gather3A_815 = tpu.vector_load_idx %gather3A_814[%add3A_201, %add3A_809] : memref<128x128xf32, #tpu.memory_space<vmem>>[vector<16xi32>, vector<16xi32>], vector<16xf32>,
      %mul3A_816 = arith.mulf %gather3A_806, %gather3A_815 : vector<16xf32>
      %add3A_817 = arith.addf %add3A_791, %mul3A_816 : vector<16xf32>
      %add3A_818 = arith.constant 22 : i32
      %add3A_819 = vector.broadcast %add3A_818 : i32 to vector<16xi32>
      %add3A_820 = arith.addi %shift_left3A_225, %add3A_819 : vector<16xi32>
      tpu.vector_store_idx %arg15[%add3A_820], %gather3A_806 : memref<16384xf32, #tpu.memory_space<vmem>>[vector<16xi32>], vector<16xf32>,
      %add3A_821 = arith.constant 22 : i32
      %add3A_822 = vector.broadcast %add3A_821 : i32 to vector<16xi32>
      %add3A_823 = arith.addi %shift_left3A_225, %add3A_822 : vector<16xi32>
      tpu.vector_store_idx %arg16[%add3A_823], %gather3A_815 : memref<16384xf32, #tpu.memory_space<vmem>>[vector<16xi32>], vector<16xf32>,
      %add3A_824 = arith.constant 23 : i32
      %add3A_825 = vector.broadcast %add3A_824 : i32 to vector<16xi32>
      %add3A_826 = arith.addi %shift_left3A_210, %add3A_825 : vector<16xi32>
      %gather3A_827 = arith.constant 1 : i32
      %gather3A_828 = arith.constant 0 : i32
      %gather3A_829 = arith.constant 0 : i32
      %gather3A_830 = tpu.memref_slice %arg13[%gather3A_827, %gather3A_828, %gather3A_829] : memref<2x128x128xf32, #tpu.memory_space<vmem>> -> memref<1x128x128xf32, #tpu.memory_space<vmem>>
      %gather3A_831 = tpu.memref_squeeze %gather3A_830 : memref<1x128x128xf32, #tpu.memory_space<vmem>> -> memref<128x128xf32, #tpu.memory_space<vmem>>
      %gather3A_832 = tpu.vector_load_idx %gather3A_831[%add3A_201, %add3A_826] : memref<128x128xf32, #tpu.memory_space<vmem>>[vector<16xi32>, vector<16xi32>], vector<16xf32>,
      %add3A_833 = arith.constant 23 : i32
      %add3A_834 = vector.broadcast %add3A_833 : i32 to vector<16xi32>
      %add3A_835 = arith.addi %shift_left3A_219, %add3A_834 : vector<16xi32>
      %gather3A_836 = arith.constant 1 : i32
      %gather3A_837 = arith.constant 0 : i32
      %gather3A_838 = arith.constant 0 : i32
      %gather3A_839 = tpu.memref_slice %arg14[%gather3A_836, %gather3A_837, %gather3A_838] : memref<2x128x128xf32, #tpu.memory_space<vmem>> -> memref<1x128x128xf32, #tpu.memory_space<vmem>>
      %gather3A_840 = tpu.memref_squeeze %gather3A_839 : memref<1x128x128xf32, #tpu.memory_space<vmem>> -> memref<128x128xf32, #tpu.memory_space<vmem>>
      %gather3A_841 = tpu.vector_load_idx %gather3A_840[%add3A_201, %add3A_835] : memref<128x128xf32, #tpu.memory_space<vmem>>[vector<16xi32>, vector<16xi32>], vector<16xf32>,
      %mul3A_842 = arith.mulf %gather3A_832, %gather3A_841 : vector<16xf32>
      %add3A_843 = arith.addf %add3A_817, %mul3A_842 : vector<16xf32>
      %add3A_844 = arith.constant 23 : i32
      %add3A_845 = vector.broadcast %add3A_844 : i32 to vector<16xi32>
      %add3A_846 = arith.addi %shift_left3A_225, %add3A_845 : vector<16xi32>
      tpu.vector_store_idx %arg15[%add3A_846], %gather3A_832 : memref<16384xf32, #tpu.memory_space<vmem>>[vector<16xi32>], vector<16xf32>,
      %add3A_847 = arith.constant 23 : i32
      %add3A_848 = vector.broadcast %add3A_847 : i32 to vector<16xi32>
      %add3A_849 = arith.addi %shift_left3A_225, %add3A_848 : vector<16xi32>
      tpu.vector_store_idx %arg16[%add3A_849], %gather3A_841 : memref<16384xf32, #tpu.memory_space<vmem>>[vector<16xi32>], vector<16xf32>,
      %add3A_850 = arith.constant 24 : i32
      %add3A_851 = vector.broadcast %add3A_850 : i32 to vector<16xi32>
      %add3A_852 = arith.addi %shift_left3A_210, %add3A_851 : vector<16xi32>
      %gather3A_853 = arith.constant 1 : i32
      %gather3A_854 = arith.constant 0 : i32
      %gather3A_855 = arith.constant 0 : i32
      %gather3A_856 = tpu.memref_slice %arg13[%gather3A_853, %gather3A_854, %gather3A_855] : memref<2x128x128xf32, #tpu.memory_space<vmem>> -> memref<1x128x128xf32, #tpu.memory_space<vmem>>
      %gather3A_857 = tpu.memref_squeeze %gather3A_856 : memref<1x128x128xf32, #tpu.memory_space<vmem>> -> memref<128x128xf32, #tpu.memory_space<vmem>>
      %gather3A_858 = tpu.vector_load_idx %gather3A_857[%add3A_201, %add3A_852] : memref<128x128xf32, #tpu.memory_space<vmem>>[vector<16xi32>, vector<16xi32>], vector<16xf32>,
      %add3A_859 = arith.constant 24 : i32
      %add3A_860 = vector.broadcast %add3A_859 : i32 to vector<16xi32>
      %add3A_861 = arith.addi %shift_left3A_219, %add3A_860 : vector<16xi32>
      %gather3A_862 = arith.constant 1 : i32
      %gather3A_863 = arith.constant 0 : i32
      %gather3A_864 = arith.constant 0 : i32
      %gather3A_865 = tpu.memref_slice %arg14[%gather3A_862, %gather3A_863, %gather3A_864] : memref<2x128x128xf32, #tpu.memory_space<vmem>> -> memref<1x128x128xf32, #tpu.memory_space<vmem>>
      %gather3A_866 = tpu.memref_squeeze %gather3A_865 : memref<1x128x128xf32, #tpu.memory_space<vmem>> -> memref<128x128xf32, #tpu.memory_space<vmem>>
      %gather3A_867 = tpu.vector_load_idx %gather3A_866[%add3A_201, %add3A_861] : memref<128x128xf32, #tpu.memory_space<vmem>>[vector<16xi32>, vector<16xi32>], vector<16xf32>,
      %mul3A_868 = arith.mulf %gather3A_858, %gather3A_867 : vector<16xf32>
      %add3A_869 = arith.addf %add3A_843, %mul3A_868 : vector<16xf32>
      %add3A_870 = arith.constant 24 : i32
      %add3A_871 = vector.broadcast %add3A_870 : i32 to vector<16xi32>
      %add3A_872 = arith.addi %shift_left3A_225, %add3A_871 : vector<16xi32>
      tpu.vector_store_idx %arg15[%add3A_872], %gather3A_858 : memref<16384xf32, #tpu.memory_space<vmem>>[vector<16xi32>], vector<16xf32>,
      %add3A_873 = arith.constant 24 : i32
      %add3A_874 = vector.broadcast %add3A_873 : i32 to vector<16xi32>
      %add3A_875 = arith.addi %shift_left3A_225, %add3A_874 : vector<16xi32>
      tpu.vector_store_idx %arg16[%add3A_875], %gather3A_867 : memref<16384xf32, #tpu.memory_space<vmem>>[vector<16xi32>], vector<16xf32>,
      %add3A_876 = arith.constant 25 : i32
      %add3A_877 = vector.broadcast %add3A_876 : i32 to vector<16xi32>
      %add3A_878 = arith.addi %shift_left3A_210, %add3A_877 : vector<16xi32>
      %gather3A_879 = arith.constant 1 : i32
      %gather3A_880 = arith.constant 0 : i32
      %gather3A_881 = arith.constant 0 : i32
      %gather3A_882 = tpu.memref_slice %arg13[%gather3A_879, %gather3A_880, %gather3A_881] : memref<2x128x128xf32, #tpu.memory_space<vmem>> -> memref<1x128x128xf32, #tpu.memory_space<vmem>>
      %gather3A_883 = tpu.memref_squeeze %gather3A_882 : memref<1x128x128xf32, #tpu.memory_space<vmem>> -> memref<128x128xf32, #tpu.memory_space<vmem>>
      %gather3A_884 = tpu.vector_load_idx %gather3A_883[%add3A_201, %add3A_878] : memref<128x128xf32, #tpu.memory_space<vmem>>[vector<16xi32>, vector<16xi32>], vector<16xf32>,
      %add3A_885 = arith.constant 25 : i32
      %add3A_886 = vector.broadcast %add3A_885 : i32 to vector<16xi32>
      %add3A_887 = arith.addi %shift_left3A_219, %add3A_886 : vector<16xi32>
      %gather3A_888 = arith.constant 1 : i32
      %gather3A_889 = arith.constant 0 : i32
      %gather3A_890 = arith.constant 0 : i32
      %gather3A_891 = tpu.memref_slice %arg14[%gather3A_888, %gather3A_889, %gather3A_890] : memref<2x128x128xf32, #tpu.memory_space<vmem>> -> memref<1x128x128xf32, #tpu.memory_space<vmem>>
      %gather3A_892 = tpu.memref_squeeze %gather3A_891 : memref<1x128x128xf32, #tpu.memory_space<vmem>> -> memref<128x128xf32, #tpu.memory_space<vmem>>
      %gather3A_893 = tpu.vector_load_idx %gather3A_892[%add3A_201, %add3A_887] : memref<128x128xf32, #tpu.memory_space<vmem>>[vector<16xi32>, vector<16xi32>], vector<16xf32>,
      %mul3A_894 = arith.mulf %gather3A_884, %gather3A_893 : vector<16xf32>
      %add3A_895 = arith.addf %add3A_869, %mul3A_894 : vector<16xf32>
      %add3A_896 = arith.constant 25 : i32
      %add3A_897 = vector.broadcast %add3A_896 : i32 to vector<16xi32>
      %add3A_898 = arith.addi %shift_left3A_225, %add3A_897 : vector<16xi32>
      tpu.vector_store_idx %arg15[%add3A_898], %gather3A_884 : memref<16384xf32, #tpu.memory_space<vmem>>[vector<16xi32>], vector<16xf32>,
      %add3A_899 = arith.constant 25 : i32
      %add3A_900 = vector.broadcast %add3A_899 : i32 to vector<16xi32>
      %add3A_901 = arith.addi %shift_left3A_225, %add3A_900 : vector<16xi32>
      tpu.vector_store_idx %arg16[%add3A_901], %gather3A_893 : memref<16384xf32, #tpu.memory_space<vmem>>[vector<16xi32>], vector<16xf32>,
      %add3A_902 = arith.constant 26 : i32
      %add3A_903 = vector.broadcast %add3A_902 : i32 to vector<16xi32>
      %add3A_904 = arith.addi %shift_left3A_210, %add3A_903 : vector<16xi32>
      %gather3A_905 = arith.constant 1 : i32
      %gather3A_906 = arith.constant 0 : i32
      %gather3A_907 = arith.constant 0 : i32
      %gather3A_908 = tpu.memref_slice %arg13[%gather3A_905, %gather3A_906, %gather3A_907] : memref<2x128x128xf32, #tpu.memory_space<vmem>> -> memref<1x128x128xf32, #tpu.memory_space<vmem>>
      %gather3A_909 = tpu.memref_squeeze %gather3A_908 : memref<1x128x128xf32, #tpu.memory_space<vmem>> -> memref<128x128xf32, #tpu.memory_space<vmem>>
      %gather3A_910 = tpu.vector_load_idx %gather3A_909[%add3A_201, %add3A_904] : memref<128x128xf32, #tpu.memory_space<vmem>>[vector<16xi32>, vector<16xi32>], vector<16xf32>,
      %add3A_911 = arith.constant 26 : i32
      %add3A_912 = vector.broadcast %add3A_911 : i32 to vector<16xi32>
      %add3A_913 = arith.addi %shift_left3A_219, %add3A_912 : vector<16xi32>
      %gather3A_914 = arith.constant 1 : i32
      %gather3A_915 = arith.constant 0 : i32
      %gather3A_916 = arith.constant 0 : i32
      %gather3A_917 = tpu.memref_slice %arg14[%gather3A_914, %gather3A_915, %gather3A_916] : memref<2x128x128xf32, #tpu.memory_space<vmem>> -> memref<1x128x128xf32, #tpu.memory_space<vmem>>
      %gather3A_918 = tpu.memref_squeeze %gather3A_917 : memref<1x128x128xf32, #tpu.memory_space<vmem>> -> memref<128x128xf32, #tpu.memory_space<vmem>>
      %gather3A_919 = tpu.vector_load_idx %gather3A_918[%add3A_201, %add3A_913] : memref<128x128xf32, #tpu.memory_space<vmem>>[vector<16xi32>, vector<16xi32>], vector<16xf32>,
      %mul3A_920 = arith.mulf %gather3A_910, %gather3A_919 : vector<16xf32>
      %add3A_921 = arith.addf %add3A_895, %mul3A_920 : vector<16xf32>
      %add3A_922 = arith.constant 26 : i32
      %add3A_923 = vector.broadcast %add3A_922 : i32 to vector<16xi32>
      %add3A_924 = arith.addi %shift_left3A_225, %add3A_923 : vector<16xi32>
      tpu.vector_store_idx %arg15[%add3A_924], %gather3A_910 : memref<16384xf32, #tpu.memory_space<vmem>>[vector<16xi32>], vector<16xf32>,
      %add3A_925 = arith.constant 26 : i32
      %add3A_926 = vector.broadcast %add3A_925 : i32 to vector<16xi32>
      %add3A_927 = arith.addi %shift_left3A_225, %add3A_926 : vector<16xi32>
      tpu.vector_store_idx %arg16[%add3A_927], %gather3A_919 : memref<16384xf32, #tpu.memory_space<vmem>>[vector<16xi32>], vector<16xf32>,
      %add3A_928 = arith.constant 27 : i32
      %add3A_929 = vector.broadcast %add3A_928 : i32 to vector<16xi32>
      %add3A_930 = arith.addi %shift_left3A_210, %add3A_929 : vector<16xi32>
      %gather3A_931 = arith.constant 1 : i32
      %gather3A_932 = arith.constant 0 : i32
      %gather3A_933 = arith.constant 0 : i32
      %gather3A_934 = tpu.memref_slice %arg13[%gather3A_931, %gather3A_932, %gather3A_933] : memref<2x128x128xf32, #tpu.memory_space<vmem>> -> memref<1x128x128xf32, #tpu.memory_space<vmem>>
      %gather3A_935 = tpu.memref_squeeze %gather3A_934 : memref<1x128x128xf32, #tpu.memory_space<vmem>> -> memref<128x128xf32, #tpu.memory_space<vmem>>
      %gather3A_936 = tpu.vector_load_idx %gather3A_935[%add3A_201, %add3A_930] : memref<128x128xf32, #tpu.memory_space<vmem>>[vector<16xi32>, vector<16xi32>], vector<16xf32>,
      %add3A_937 = arith.constant 27 : i32
      %add3A_938 = vector.broadcast %add3A_937 : i32 to vector<16xi32>
      %add3A_939 = arith.addi %shift_left3A_219, %add3A_938 : vector<16xi32>
      %gather3A_940 = arith.constant 1 : i32
      %gather3A_941 = arith.constant 0 : i32
      %gather3A_942 = arith.constant 0 : i32
      %gather3A_943 = tpu.memref_slice %arg14[%gather3A_940, %gather3A_941, %gather3A_942] : memref<2x128x128xf32, #tpu.memory_space<vmem>> -> memref<1x128x128xf32, #tpu.memory_space<vmem>>
      %gather3A_944 = tpu.memref_squeeze %gather3A_943 : memref<1x128x128xf32, #tpu.memory_space<vmem>> -> memref<128x128xf32, #tpu.memory_space<vmem>>
      %gather3A_945 = tpu.vector_load_idx %gather3A_944[%add3A_201, %add3A_939] : memref<128x128xf32, #tpu.memory_space<vmem>>[vector<16xi32>, vector<16xi32>], vector<16xf32>,
      %mul3A_946 = arith.mulf %gather3A_936, %gather3A_945 : vector<16xf32>
      %add3A_947 = arith.addf %add3A_921, %mul3A_946 : vector<16xf32>
      %add3A_948 = arith.constant 27 : i32
      %add3A_949 = vector.broadcast %add3A_948 : i32 to vector<16xi32>
      %add3A_950 = arith.addi %shift_left3A_225, %add3A_949 : vector<16xi32>
      tpu.vector_store_idx %arg15[%add3A_950], %gather3A_936 : memref<16384xf32, #tpu.memory_space<vmem>>[vector<16xi32>], vector<16xf32>,
      %add3A_951 = arith.constant 27 : i32
      %add3A_952 = vector.broadcast %add3A_951 : i32 to vector<16xi32>
      %add3A_953 = arith.addi %shift_left3A_225, %add3A_952 : vector<16xi32>
      tpu.vector_store_idx %arg16[%add3A_953], %gather3A_945 : memref<16384xf32, #tpu.memory_space<vmem>>[vector<16xi32>], vector<16xf32>,
      %add3A_954 = arith.constant 28 : i32
      %add3A_955 = vector.broadcast %add3A_954 : i32 to vector<16xi32>
      %add3A_956 = arith.addi %shift_left3A_210, %add3A_955 : vector<16xi32>
      %gather3A_957 = arith.constant 1 : i32
      %gather3A_958 = arith.constant 0 : i32
      %gather3A_959 = arith.constant 0 : i32
      %gather3A_960 = tpu.memref_slice %arg13[%gather3A_957, %gather3A_958, %gather3A_959] : memref<2x128x128xf32, #tpu.memory_space<vmem>> -> memref<1x128x128xf32, #tpu.memory_space<vmem>>
      %gather3A_961 = tpu.memref_squeeze %gather3A_960 : memref<1x128x128xf32, #tpu.memory_space<vmem>> -> memref<128x128xf32, #tpu.memory_space<vmem>>
      %gather3A_962 = tpu.vector_load_idx %gather3A_961[%add3A_201, %add3A_956] : memref<128x128xf32, #tpu.memory_space<vmem>>[vector<16xi32>, vector<16xi32>], vector<16xf32>,
      %add3A_963 = arith.constant 28 : i32
      %add3A_964 = vector.broadcast %add3A_963 : i32 to vector<16xi32>
      %add3A_965 = arith.addi %shift_left3A_219, %add3A_964 : vector<16xi32>
      %gather3A_966 = arith.constant 1 : i32
      %gather3A_967 = arith.constant 0 : i32
      %gather3A_968 = arith.constant 0 : i32
      %gather3A_969 = tpu.memref_slice %arg14[%gather3A_966, %gather3A_967, %gather3A_968] : memref<2x128x128xf32, #tpu.memory_space<vmem>> -> memref<1x128x128xf32, #tpu.memory_space<vmem>>
      %gather3A_970 = tpu.memref_squeeze %gather3A_969 : memref<1x128x128xf32, #tpu.memory_space<vmem>> -> memref<128x128xf32, #tpu.memory_space<vmem>>
      %gather3A_971 = tpu.vector_load_idx %gather3A_970[%add3A_201, %add3A_965] : memref<128x128xf32, #tpu.memory_space<vmem>>[vector<16xi32>, vector<16xi32>], vector<16xf32>,
      %mul3A_972 = arith.mulf %gather3A_962, %gather3A_971 : vector<16xf32>
      %add3A_973 = arith.addf %add3A_947, %mul3A_972 : vector<16xf32>
      %add3A_974 = arith.constant 28 : i32
      %add3A_975 = vector.broadcast %add3A_974 : i32 to vector<16xi32>
      %add3A_976 = arith.addi %shift_left3A_225, %add3A_975 : vector<16xi32>
      tpu.vector_store_idx %arg15[%add3A_976], %gather3A_962 : memref<16384xf32, #tpu.memory_space<vmem>>[vector<16xi32>], vector<16xf32>,
      %add3A_977 = arith.constant 28 : i32
      %add3A_978 = vector.broadcast %add3A_977 : i32 to vector<16xi32>
      %add3A_979 = arith.addi %shift_left3A_225, %add3A_978 : vector<16xi32>
      tpu.vector_store_idx %arg16[%add3A_979], %gather3A_971 : memref<16384xf32, #tpu.memory_space<vmem>>[vector<16xi32>], vector<16xf32>,
      %add3A_980 = arith.constant 29 : i32
      %add3A_981 = vector.broadcast %add3A_980 : i32 to vector<16xi32>
      %add3A_982 = arith.addi %shift_left3A_210, %add3A_981 : vector<16xi32>
      %gather3A_983 = arith.constant 1 : i32
      %gather3A_984 = arith.constant 0 : i32
      %gather3A_985 = arith.constant 0 : i32
      %gather3A_986 = tpu.memref_slice %arg13[%gather3A_983, %gather3A_984, %gather3A_985] : memref<2x128x128xf32, #tpu.memory_space<vmem>> -> memref<1x128x128xf32, #tpu.memory_space<vmem>>
      %gather3A_987 = tpu.memref_squeeze %gather3A_986 : memref<1x128x128xf32, #tpu.memory_space<vmem>> -> memref<128x128xf32, #tpu.memory_space<vmem>>
      %gather3A_988 = tpu.vector_load_idx %gather3A_987[%add3A_201, %add3A_982] : memref<128x128xf32, #tpu.memory_space<vmem>>[vector<16xi32>, vector<16xi32>], vector<16xf32>,
      %add3A_989 = arith.constant 29 : i32
      %add3A_990 = vector.broadcast %add3A_989 : i32 to vector<16xi32>
      %add3A_991 = arith.addi %shift_left3A_219, %add3A_990 : vector<16xi32>
      %gather3A_992 = arith.constant 1 : i32
      %gather3A_993 = arith.constant 0 : i32
      %gather3A_994 = arith.constant 0 : i32
      %gather3A_995 = tpu.memref_slice %arg14[%gather3A_992, %gather3A_993, %gather3A_994] : memref<2x128x128xf32, #tpu.memory_space<vmem>> -> memref<1x128x128xf32, #tpu.memory_space<vmem>>
      %gather3A_996 = tpu.memref_squeeze %gather3A_995 : memref<1x128x128xf32, #tpu.memory_space<vmem>> -> memref<128x128xf32, #tpu.memory_space<vmem>>
      %gather3A_997 = tpu.vector_load_idx %gather3A_996[%add3A_201, %add3A_991] : memref<128x128xf32, #tpu.memory_space<vmem>>[vector<16xi32>, vector<16xi32>], vector<16xf32>,
      %mul3A_998 = arith.mulf %gather3A_988, %gather3A_997 : vector<16xf32>
      %add3A_999 = arith.addf %add3A_973, %mul3A_998 : vector<16xf32>
      %add3A_1000 = arith.constant 29 : i32
      %add3A_1001 = vector.broadcast %add3A_1000 : i32 to vector<16xi32>
      %add3A_1002 = arith.addi %shift_left3A_225, %add3A_1001 : vector<16xi32>
      tpu.vector_store_idx %arg15[%add3A_1002], %gather3A_988 : memref<16384xf32, #tpu.memory_space<vmem>>[vector<16xi32>], vector<16xf32>,
      %add3A_1003 = arith.constant 29 : i32
      %add3A_1004 = vector.broadcast %add3A_1003 : i32 to vector<16xi32>
      %add3A_1005 = arith.addi %shift_left3A_225, %add3A_1004 : vector<16xi32>
      tpu.vector_store_idx %arg16[%add3A_1005], %gather3A_997 : memref<16384xf32, #tpu.memory_space<vmem>>[vector<16xi32>], vector<16xf32>,
      %add3A_1006 = arith.constant 30 : i32
      %add3A_1007 = vector.broadcast %add3A_1006 : i32 to vector<16xi32>
      %add3A_1008 = arith.addi %shift_left3A_210, %add3A_1007 : vector<16xi32>
      %gather3A_1009 = arith.constant 1 : i32
      %gather3A_1010 = arith.constant 0 : i32
      %gather3A_1011 = arith.constant 0 : i32
      %gather3A_1012 = tpu.memref_slice %arg13[%gather3A_1009, %gather3A_1010, %gather3A_1011] : memref<2x128x128xf32, #tpu.memory_space<vmem>> -> memref<1x128x128xf32, #tpu.memory_space<vmem>>
      %gather3A_1013 = tpu.memref_squeeze %gather3A_1012 : memref<1x128x128xf32, #tpu.memory_space<vmem>> -> memref<128x128xf32, #tpu.memory_space<vmem>>
      %gather3A_1014 = tpu.vector_load_idx %gather3A_1013[%add3A_201, %add3A_1008] : memref<128x128xf32, #tpu.memory_space<vmem>>[vector<16xi32>, vector<16xi32>], vector<16xf32>,
      %add3A_1015 = arith.constant 30 : i32
      %add3A_1016 = vector.broadcast %add3A_1015 : i32 to vector<16xi32>
      %add3A_1017 = arith.addi %shift_left3A_219, %add3A_1016 : vector<16xi32>
      %gather3A_1018 = arith.constant 1 : i32
      %gather3A_1019 = arith.constant 0 : i32
      %gather3A_1020 = arith.constant 0 : i32
      %gather3A_1021 = tpu.memref_slice %arg14[%gather3A_1018, %gather3A_1019, %gather3A_1020] : memref<2x128x128xf32, #tpu.memory_space<vmem>> -> memref<1x128x128xf32, #tpu.memory_space<vmem>>
      %gather3A_1022 = tpu.memref_squeeze %gather3A_1021 : memref<1x128x128xf32, #tpu.memory_space<vmem>> -> memref<128x128xf32, #tpu.memory_space<vmem>>
      %gather3A_1023 = tpu.vector_load_idx %gather3A_1022[%add3A_201, %add3A_1017] : memref<128x128xf32, #tpu.memory_space<vmem>>[vector<16xi32>, vector<16xi32>], vector<16xf32>,
      %mul3A_1024 = arith.mulf %gather3A_1014, %gather3A_1023 : vector<16xf32>
      %add3A_1025 = arith.addf %add3A_999, %mul3A_1024 : vector<16xf32>
      %add3A_1026 = arith.constant 30 : i32
      %add3A_1027 = vector.broadcast %add3A_1026 : i32 to vector<16xi32>
      %add3A_1028 = arith.addi %shift_left3A_225, %add3A_1027 : vector<16xi32>
      tpu.vector_store_idx %arg15[%add3A_1028], %gather3A_1014 : memref<16384xf32, #tpu.memory_space<vmem>>[vector<16xi32>], vector<16xf32>,
      %add3A_1029 = arith.constant 30 : i32
      %add3A_1030 = vector.broadcast %add3A_1029 : i32 to vector<16xi32>
      %add3A_1031 = arith.addi %shift_left3A_225, %add3A_1030 : vector<16xi32>
      tpu.vector_store_idx %arg16[%add3A_1031], %gather3A_1023 : memref<16384xf32, #tpu.memory_space<vmem>>[vector<16xi32>], vector<16xf32>,
      %add3A_1032 = arith.constant 31 : i32
      %add3A_1033 = vector.broadcast %add3A_1032 : i32 to vector<16xi32>
      %add3A_1034 = arith.addi %shift_left3A_210, %add3A_1033 : vector<16xi32>
      %gather3A_1035 = arith.constant 1 : i32
      %gather3A_1036 = arith.constant 0 : i32
      %gather3A_1037 = arith.constant 0 : i32
      %gather3A_1038 = tpu.memref_slice %arg13[%gather3A_1035, %gather3A_1036, %gather3A_1037] : memref<2x128x128xf32, #tpu.memory_space<vmem>> -> memref<1x128x128xf32, #tpu.memory_space<vmem>>
      %gather3A_1039 = tpu.memref_squeeze %gather3A_1038 : memref<1x128x128xf32, #tpu.memory_space<vmem>> -> memref<128x128xf32, #tpu.memory_space<vmem>>
      %gather3A_1040 = tpu.vector_load_idx %gather3A_1039[%add3A_201, %add3A_1034] : memref<128x128xf32, #tpu.memory_space<vmem>>[vector<16xi32>, vector<16xi32>], vector<16xf32>,
      %add3A_1041 = arith.constant 31 : i32
      %add3A_1042 = vector.broadcast %add3A_1041 : i32 to vector<16xi32>
      %add3A_1043 = arith.addi %shift_left3A_219, %add3A_1042 : vector<16xi32>
      %gather3A_1044 = arith.constant 1 : i32
      %gather3A_1045 = arith.constant 0 : i32
      %gather3A_1046 = arith.constant 0 : i32
      %gather3A_1047 = tpu.memref_slice %arg14[%gather3A_1044, %gather3A_1045, %gather3A_1046] : memref<2x128x128xf32, #tpu.memory_space<vmem>> -> memref<1x128x128xf32, #tpu.memory_space<vmem>>
      %gather3A_1048 = tpu.memref_squeeze %gather3A_1047 : memref<1x128x128xf32, #tpu.memory_space<vmem>> -> memref<128x128xf32, #tpu.memory_space<vmem>>
      %gather3A_1049 = tpu.vector_load_idx %gather3A_1048[%add3A_201, %add3A_1043] : memref<128x128xf32, #tpu.memory_space<vmem>>[vector<16xi32>, vector<16xi32>], vector<16xf32>,
      %mul3A_1050 = arith.mulf %gather3A_1040, %gather3A_1049 : vector<16xf32>
      %add3A_1051 = arith.addf %add3A_1025, %mul3A_1050 : vector<16xf32>
      %add3A_1052 = arith.constant 31 : i32
      %add3A_1053 = vector.broadcast %add3A_1052 : i32 to vector<16xi32>
      %add3A_1054 = arith.addi %shift_left3A_225, %add3A_1053 : vector<16xi32>
      tpu.vector_store_idx %arg15[%add3A_1054], %gather3A_1040 : memref<16384xf32, #tpu.memory_space<vmem>>[vector<16xi32>], vector<16xf32>,
      %add3A_1055 = arith.constant 31 : i32
      %add3A_1056 = vector.broadcast %add3A_1055 : i32 to vector<16xi32>
      %add3A_1057 = arith.addi %shift_left3A_225, %add3A_1056 : vector<16xi32>
      tpu.vector_store_idx %arg16[%add3A_1057], %gather3A_1049 : memref<16384xf32, #tpu.memory_space<vmem>>[vector<16xi32>], vector<16xf32>,
      %swap3A = arith.index_cast %add3A_197 : i32 to index
      %swap3A_1058 = tpu.vector_load %arg17[%swap3A] {strides = array<i32>} : memref<512xf32, #tpu.memory_space<vmem>>, vector<16xf32>,
      tpu.vector_store %arg17[%swap3A], %add3A_1051 {strides = array<i32>} : memref<512xf32, #tpu.memory_space<vmem>>, vector<16xf32>,
    }
    %scan3A_114 = arith.constant 8 : i32
    %dma_start3A_115 = arith.constant 1 : i32
    %dma_start3A_116 = arith.constant 0 : i32
    %dma_start3A_117 = arith.constant 0 : i32
    %dma_start3A_118 = tpu.memref_slice %arg13[%dma_start3A_115, %dma_start3A_116, %dma_start3A_117] : memref<2x128x128xf32, #tpu.memory_space<vmem>> -> memref<1x128x128xf32, #tpu.memory_space<vmem>>
    %dma_start3A_119 = tpu.memref_squeeze %dma_start3A_118 : memref<1x128x128xf32, #tpu.memory_space<vmem>> -> memref<128x128xf32, #tpu.memory_space<vmem>>
    %dma_start3A_120 = arith.constant 384 : i32
    %dma_start3A_121 = tpu.memref_slice %arg11[%dma_start3A_120] : memref<512xi32, #tpu.memory_space<vmem>> -> memref<128xi32, #tpu.memory_space<vmem>>
    %dma_start3A_122 = arith.constant 0 : i32
    %dma_start3A_123 = arith.constant 0 : i32
    %dma_start3A_124 = tpu.memref_slice %arg4[%dma_start3A_122, %dma_start3A_123] : memref<251904x128xf32, #tpu.memory_space<hbm>> -> memref<251904x128xf32, #tpu.memory_space<hbm>>
    tpu.enqueue_indirect_dma source(%dma_start3A_124 : memref<251904x128xf32, #tpu.memory_space<hbm>>) target(%dma_start3A_119 : memref<128x128xf32, #tpu.memory_space<vmem>>) offsets(%dma_start3A_121 : memref<128xi32, #tpu.memory_space<vmem>>) semaphore(%arg19 : memref<!tpu.dma_semaphore, #tpu.memory_space<semaphore_mem>>)
    %dma_start3A_125 = arith.constant 1 : i32
    %dma_start3A_126 = arith.constant 0 : i32
    %dma_start3A_127 = arith.constant 0 : i32
    %dma_start3A_128 = tpu.memref_slice %arg14[%dma_start3A_125, %dma_start3A_126, %dma_start3A_127] : memref<2x128x128xf32, #tpu.memory_space<vmem>> -> memref<1x128x128xf32, #tpu.memory_space<vmem>>
    %dma_start3A_129 = tpu.memref_squeeze %dma_start3A_128 : memref<1x128x128xf32, #tpu.memory_space<vmem>> -> memref<128x128xf32, #tpu.memory_space<vmem>>
    %dma_start3A_130 = arith.constant 384 : i32
    %dma_start3A_131 = tpu.memref_slice %arg12[%dma_start3A_130] : memref<512xi32, #tpu.memory_space<vmem>> -> memref<128xi32, #tpu.memory_space<vmem>>
    %dma_start3A_132 = arith.constant 0 : i32
    %dma_start3A_133 = arith.constant 0 : i32
    %dma_start3A_134 = tpu.memref_slice %arg5[%dma_start3A_132, %dma_start3A_133] : memref<251904x128xf32, #tpu.memory_space<hbm>> -> memref<251904x128xf32, #tpu.memory_space<hbm>>
    tpu.enqueue_indirect_dma source(%dma_start3A_134 : memref<251904x128xf32, #tpu.memory_space<hbm>>) target(%dma_start3A_129 : memref<128x128xf32, #tpu.memory_space<vmem>>) offsets(%dma_start3A_131 : memref<128xi32, #tpu.memory_space<vmem>>) semaphore(%arg21 : memref<!tpu.dma_semaphore, #tpu.memory_space<semaphore_mem>>)
    %dma_wait3A_135 = arith.constant 0 : i32
    %dma_wait3A_136 = arith.constant 0 : i32
    %dma_wait3A_137 = arith.constant 0 : i32
    %dma_wait3A_138 = tpu.memref_slice %arg13[%dma_wait3A_135, %dma_wait3A_136, %dma_wait3A_137] : memref<2x128x128xf32, #tpu.memory_space<vmem>> -> memref<1x128x128xf32, #tpu.memory_space<vmem>>
    %dma_wait3A_139 = tpu.memref_squeeze %dma_wait3A_138 : memref<1x128x128xf32, #tpu.memory_space<vmem>> -> memref<128x128xf32, #tpu.memory_space<vmem>>
    %dma_wait3A_140 = arith.constant 256 : i32
    %dma_wait3A_141 = tpu.memref_slice %arg11[%dma_wait3A_140] : memref<512xi32, #tpu.memory_space<vmem>> -> memref<128xi32, #tpu.memory_space<vmem>>
    %dma_wait3A_142 = arith.constant 0 : i32
    %dma_wait3A_143 = arith.constant 0 : i32
    %dma_wait3A_144 = tpu.memref_slice %arg4[%dma_wait3A_142, %dma_wait3A_143] : memref<251904x128xf32, #tpu.memory_space<hbm>> -> memref<251904x128xf32, #tpu.memory_space<hbm>>
    tpu.wait_indirect_dma semaphore(%arg18 : memref<!tpu.dma_semaphore, #tpu.memory_space<semaphore_mem>>) src(%dma_wait3A_144 : memref<251904x128xf32, #tpu.memory_space<hbm>>) dst(%dma_wait3A_139 : memref<128x128xf32, #tpu.memory_space<vmem>>)
    %dma_wait3A_145 = arith.constant 0 : i32
    %dma_wait3A_146 = arith.constant 0 : i32
    %dma_wait3A_147 = arith.constant 0 : i32
    %dma_wait3A_148 = tpu.memref_slice %arg14[%dma_wait3A_145, %dma_wait3A_146, %dma_wait3A_147] : memref<2x128x128xf32, #tpu.memory_space<vmem>> -> memref<1x128x128xf32, #tpu.memory_space<vmem>>
    %dma_wait3A_149 = tpu.memref_squeeze %dma_wait3A_148 : memref<1x128x128xf32, #tpu.memory_space<vmem>> -> memref<128x128xf32, #tpu.memory_space<vmem>>
    %dma_wait3A_150 = arith.constant 256 : i32
    %dma_wait3A_151 = tpu.memref_slice %arg12[%dma_wait3A_150] : memref<512xi32, #tpu.memory_space<vmem>> -> memref<128xi32, #tpu.memory_space<vmem>>
    %dma_wait3A_152 = arith.constant 0 : i32
    %dma_wait3A_153 = arith.constant 0 : i32
    %dma_wait3A_154 = tpu.memref_slice %arg5[%dma_wait3A_152, %dma_wait3A_153] : memref<251904x128xf32, #tpu.memory_space<hbm>> -> memref<251904x128xf32, #tpu.memory_space<hbm>>
    tpu.wait_indirect_dma semaphore(%arg20 : memref<!tpu.dma_semaphore, #tpu.memory_space<semaphore_mem>>) src(%dma_wait3A_154 : memref<251904x128xf32, #tpu.memory_space<hbm>>) dst(%dma_wait3A_149 : memref<128x128xf32, #tpu.memory_space<vmem>>)
    %scan3A_155 = arith.constant 0 : i32
    %scan3A_156 = arith.constant 8 : i32
    %scan3A_157 = arith.addi %scan3A_155, %scan3A_156 : i32
    %scan3A_158 = arith.constant 1 : i32
    scf.for %scan3A_189 = %scan3A_155 to %scan3A_157 step %scan3A_158  : i32 {
      %mul3A_190 = arith.constant 1 : i32
      %mul3A_191 = arith.muli %scan3A_189, %mul3A_190 : i32
      %add3A_192 = arith.constant 0 : i32
      %add3A_193 = arith.addi %add3A_192, %mul3A_191 : i32
      %mul3A_194 = arith.constant 16 : i32
      %mul3A_195 = arith.muli %add3A_193, %mul3A_194 : i32
      %add3A_196 = arith.constant 256 : i32
      %add3A_197 = arith.addi %add3A_196, %mul3A_195 : i32
      %iota3A = tpu.iota {dimensions = array<i32: 0>} : vector<16xi32>
      %mul3A_198 = arith.constant 16 : i32
      %mul3A_199 = arith.muli %add3A_193, %mul3A_198 : i32
      %add3A_200 = vector.broadcast %mul3A_199 : i32 to vector<16xi32>
      %add3A_201 = arith.addi %iota3A, %add3A_200 : vector<16xi32>
      %get3A = arith.index_cast %add3A_197 : i32 to index
      %get3A_202 = tpu.vector_load %arg9[%get3A] {strides = array<i32>} : memref<512xi32, #tpu.memory_space<vmem>>, vector<16xi32>,
      %get3A_203 = arith.index_cast %add3A_197 : i32 to index
      %get3A_204 = tpu.vector_load %arg10[%get3A_203] {strides = array<i32>} : memref<512xi32, #tpu.memory_space<vmem>>, vector<16xi32>,
      %shift_right_arithmetic3A = arith.constant 11 : i32
      %shift_right_arithmetic3A_205 = vector.broadcast %shift_right_arithmetic3A : i32 to vector<16xi32>
      %shift_right_arithmetic3A_206 = arith.shrsi %get3A_202, %shift_right_arithmetic3A_205 : vector<16xi32>
      %and3A = arith.constant 3 : i32
      %and3A_207 = vector.broadcast %and3A : i32 to vector<16xi32>
      %and3A_208 = arith.andi %shift_right_arithmetic3A_206, %and3A_207 : vector<16xi32>
      %shift_left3A = arith.constant 5 : i32
      %shift_left3A_209 = vector.broadcast %shift_left3A : i32 to vector<16xi32>
      %shift_left3A_210 = arith.shli %and3A_208, %shift_left3A_209 : vector<16xi32>
      %shift_right_arithmetic3A_211 = arith.constant 11 : i32
      %shift_right_arithmetic3A_212 = vector.broadcast %shift_right_arithmetic3A_211 : i32 to vector<16xi32>
      %shift_right_arithmetic3A_213 = arith.shrsi %get3A_204, %shift_right_arithmetic3A_212 : vector<16xi32>
      %and3A_214 = arith.constant 3 : i32
      %and3A_215 = vector.broadcast %and3A_214 : i32 to vector<16xi32>
      %and3A_216 = arith.andi %shift_right_arithmetic3A_213, %and3A_215 : vector<16xi32>
      %shift_left3A_217 = arith.constant 5 : i32
      %shift_left3A_218 = vector.broadcast %shift_left3A_217 : i32 to vector<16xi32>
      %shift_left3A_219 = arith.shli %and3A_216, %shift_left3A_218 : vector<16xi32>
      %add3A_220 = arith.constant 256 : i32
      %add3A_221 = vector.broadcast %add3A_220 : i32 to vector<16xi32>
      %add3A_222 = arith.addi %add3A_201, %add3A_221 : vector<16xi32>
      %shift_left3A_223 = arith.constant 5 : i32
      %shift_left3A_224 = vector.broadcast %shift_left3A_223 : i32 to vector<16xi32>
      %shift_left3A_225 = arith.shli %add3A_222, %shift_left3A_224 : vector<16xi32>
      %broadcast_in_dim3A = arith.constant 0.000000e+00 : f32
      %broadcast_in_dim3A_226 = vector.broadcast %broadcast_in_dim3A : f32 to vector<16xf32>
      %add3A_227 = arith.constant 0 : i32
      %add3A_228 = vector.broadcast %add3A_227 : i32 to vector<16xi32>
      %add3A_229 = arith.addi %shift_left3A_210, %add3A_228 : vector<16xi32>
      %gather3A = arith.constant 0 : i32
      %gather3A_230 = arith.constant 0 : i32
      %gather3A_231 = arith.constant 0 : i32
      %gather3A_232 = tpu.memref_slice %arg13[%gather3A, %gather3A_230, %gather3A_231] : memref<2x128x128xf32, #tpu.memory_space<vmem>> -> memref<1x128x128xf32, #tpu.memory_space<vmem>>
      %gather3A_233 = tpu.memref_squeeze %gather3A_232 : memref<1x128x128xf32, #tpu.memory_space<vmem>> -> memref<128x128xf32, #tpu.memory_space<vmem>>
      %gather3A_234 = tpu.vector_load_idx %gather3A_233[%add3A_201, %add3A_229] : memref<128x128xf32, #tpu.memory_space<vmem>>[vector<16xi32>, vector<16xi32>], vector<16xf32>,
      %add3A_235 = arith.constant 0 : i32
      %add3A_236 = vector.broadcast %add3A_235 : i32 to vector<16xi32>
      %add3A_237 = arith.addi %shift_left3A_219, %add3A_236 : vector<16xi32>
      %gather3A_238 = arith.constant 0 : i32
      %gather3A_239 = arith.constant 0 : i32
      %gather3A_240 = arith.constant 0 : i32
      %gather3A_241 = tpu.memref_slice %arg14[%gather3A_238, %gather3A_239, %gather3A_240] : memref<2x128x128xf32, #tpu.memory_space<vmem>> -> memref<1x128x128xf32, #tpu.memory_space<vmem>>
      %gather3A_242 = tpu.memref_squeeze %gather3A_241 : memref<1x128x128xf32, #tpu.memory_space<vmem>> -> memref<128x128xf32, #tpu.memory_space<vmem>>
      %gather3A_243 = tpu.vector_load_idx %gather3A_242[%add3A_201, %add3A_237] : memref<128x128xf32, #tpu.memory_space<vmem>>[vector<16xi32>, vector<16xi32>], vector<16xf32>,
      %mul3A_244 = arith.mulf %gather3A_234, %gather3A_243 : vector<16xf32>
      %add3A_245 = arith.addf %broadcast_in_dim3A_226, %mul3A_244 : vector<16xf32>
      %add3A_246 = arith.constant 0 : i32
      %add3A_247 = vector.broadcast %add3A_246 : i32 to vector<16xi32>
      %add3A_248 = arith.addi %shift_left3A_225, %add3A_247 : vector<16xi32>
      tpu.vector_store_idx %arg15[%add3A_248], %gather3A_234 : memref<16384xf32, #tpu.memory_space<vmem>>[vector<16xi32>], vector<16xf32>,
      %add3A_249 = arith.constant 0 : i32
      %add3A_250 = vector.broadcast %add3A_249 : i32 to vector<16xi32>
      %add3A_251 = arith.addi %shift_left3A_225, %add3A_250 : vector<16xi32>
      tpu.vector_store_idx %arg16[%add3A_251], %gather3A_243 : memref<16384xf32, #tpu.memory_space<vmem>>[vector<16xi32>], vector<16xf32>,
      %add3A_252 = arith.constant 1 : i32
      %add3A_253 = vector.broadcast %add3A_252 : i32 to vector<16xi32>
      %add3A_254 = arith.addi %shift_left3A_210, %add3A_253 : vector<16xi32>
      %gather3A_255 = arith.constant 0 : i32
      %gather3A_256 = arith.constant 0 : i32
      %gather3A_257 = arith.constant 0 : i32
      %gather3A_258 = tpu.memref_slice %arg13[%gather3A_255, %gather3A_256, %gather3A_257] : memref<2x128x128xf32, #tpu.memory_space<vmem>> -> memref<1x128x128xf32, #tpu.memory_space<vmem>>
      %gather3A_259 = tpu.memref_squeeze %gather3A_258 : memref<1x128x128xf32, #tpu.memory_space<vmem>> -> memref<128x128xf32, #tpu.memory_space<vmem>>
      %gather3A_260 = tpu.vector_load_idx %gather3A_259[%add3A_201, %add3A_254] : memref<128x128xf32, #tpu.memory_space<vmem>>[vector<16xi32>, vector<16xi32>], vector<16xf32>,
      %add3A_261 = arith.constant 1 : i32
      %add3A_262 = vector.broadcast %add3A_261 : i32 to vector<16xi32>
      %add3A_263 = arith.addi %shift_left3A_219, %add3A_262 : vector<16xi32>
      %gather3A_264 = arith.constant 0 : i32
      %gather3A_265 = arith.constant 0 : i32
      %gather3A_266 = arith.constant 0 : i32
      %gather3A_267 = tpu.memref_slice %arg14[%gather3A_264, %gather3A_265, %gather3A_266] : memref<2x128x128xf32, #tpu.memory_space<vmem>> -> memref<1x128x128xf32, #tpu.memory_space<vmem>>
      %gather3A_268 = tpu.memref_squeeze %gather3A_267 : memref<1x128x128xf32, #tpu.memory_space<vmem>> -> memref<128x128xf32, #tpu.memory_space<vmem>>
      %gather3A_269 = tpu.vector_load_idx %gather3A_268[%add3A_201, %add3A_263] : memref<128x128xf32, #tpu.memory_space<vmem>>[vector<16xi32>, vector<16xi32>], vector<16xf32>,
      %mul3A_270 = arith.mulf %gather3A_260, %gather3A_269 : vector<16xf32>
      %add3A_271 = arith.addf %add3A_245, %mul3A_270 : vector<16xf32>
      %add3A_272 = arith.constant 1 : i32
      %add3A_273 = vector.broadcast %add3A_272 : i32 to vector<16xi32>
      %add3A_274 = arith.addi %shift_left3A_225, %add3A_273 : vector<16xi32>
      tpu.vector_store_idx %arg15[%add3A_274], %gather3A_260 : memref<16384xf32, #tpu.memory_space<vmem>>[vector<16xi32>], vector<16xf32>,
      %add3A_275 = arith.constant 1 : i32
      %add3A_276 = vector.broadcast %add3A_275 : i32 to vector<16xi32>
      %add3A_277 = arith.addi %shift_left3A_225, %add3A_276 : vector<16xi32>
      tpu.vector_store_idx %arg16[%add3A_277], %gather3A_269 : memref<16384xf32, #tpu.memory_space<vmem>>[vector<16xi32>], vector<16xf32>,
      %add3A_278 = arith.constant 2 : i32
      %add3A_279 = vector.broadcast %add3A_278 : i32 to vector<16xi32>
      %add3A_280 = arith.addi %shift_left3A_210, %add3A_279 : vector<16xi32>
      %gather3A_281 = arith.constant 0 : i32
      %gather3A_282 = arith.constant 0 : i32
      %gather3A_283 = arith.constant 0 : i32
      %gather3A_284 = tpu.memref_slice %arg13[%gather3A_281, %gather3A_282, %gather3A_283] : memref<2x128x128xf32, #tpu.memory_space<vmem>> -> memref<1x128x128xf32, #tpu.memory_space<vmem>>
      %gather3A_285 = tpu.memref_squeeze %gather3A_284 : memref<1x128x128xf32, #tpu.memory_space<vmem>> -> memref<128x128xf32, #tpu.memory_space<vmem>>
      %gather3A_286 = tpu.vector_load_idx %gather3A_285[%add3A_201, %add3A_280] : memref<128x128xf32, #tpu.memory_space<vmem>>[vector<16xi32>, vector<16xi32>], vector<16xf32>,
      %add3A_287 = arith.constant 2 : i32
      %add3A_288 = vector.broadcast %add3A_287 : i32 to vector<16xi32>
      %add3A_289 = arith.addi %shift_left3A_219, %add3A_288 : vector<16xi32>
      %gather3A_290 = arith.constant 0 : i32
      %gather3A_291 = arith.constant 0 : i32
      %gather3A_292 = arith.constant 0 : i32
      %gather3A_293 = tpu.memref_slice %arg14[%gather3A_290, %gather3A_291, %gather3A_292] : memref<2x128x128xf32, #tpu.memory_space<vmem>> -> memref<1x128x128xf32, #tpu.memory_space<vmem>>
      %gather3A_294 = tpu.memref_squeeze %gather3A_293 : memref<1x128x128xf32, #tpu.memory_space<vmem>> -> memref<128x128xf32, #tpu.memory_space<vmem>>
      %gather3A_295 = tpu.vector_load_idx %gather3A_294[%add3A_201, %add3A_289] : memref<128x128xf32, #tpu.memory_space<vmem>>[vector<16xi32>, vector<16xi32>], vector<16xf32>,
      %mul3A_296 = arith.mulf %gather3A_286, %gather3A_295 : vector<16xf32>
      %add3A_297 = arith.addf %add3A_271, %mul3A_296 : vector<16xf32>
      %add3A_298 = arith.constant 2 : i32
      %add3A_299 = vector.broadcast %add3A_298 : i32 to vector<16xi32>
      %add3A_300 = arith.addi %shift_left3A_225, %add3A_299 : vector<16xi32>
      tpu.vector_store_idx %arg15[%add3A_300], %gather3A_286 : memref<16384xf32, #tpu.memory_space<vmem>>[vector<16xi32>], vector<16xf32>,
      %add3A_301 = arith.constant 2 : i32
      %add3A_302 = vector.broadcast %add3A_301 : i32 to vector<16xi32>
      %add3A_303 = arith.addi %shift_left3A_225, %add3A_302 : vector<16xi32>
      tpu.vector_store_idx %arg16[%add3A_303], %gather3A_295 : memref<16384xf32, #tpu.memory_space<vmem>>[vector<16xi32>], vector<16xf32>,
      %add3A_304 = arith.constant 3 : i32
      %add3A_305 = vector.broadcast %add3A_304 : i32 to vector<16xi32>
      %add3A_306 = arith.addi %shift_left3A_210, %add3A_305 : vector<16xi32>
      %gather3A_307 = arith.constant 0 : i32
      %gather3A_308 = arith.constant 0 : i32
      %gather3A_309 = arith.constant 0 : i32
      %gather3A_310 = tpu.memref_slice %arg13[%gather3A_307, %gather3A_308, %gather3A_309] : memref<2x128x128xf32, #tpu.memory_space<vmem>> -> memref<1x128x128xf32, #tpu.memory_space<vmem>>
      %gather3A_311 = tpu.memref_squeeze %gather3A_310 : memref<1x128x128xf32, #tpu.memory_space<vmem>> -> memref<128x128xf32, #tpu.memory_space<vmem>>
      %gather3A_312 = tpu.vector_load_idx %gather3A_311[%add3A_201, %add3A_306] : memref<128x128xf32, #tpu.memory_space<vmem>>[vector<16xi32>, vector<16xi32>], vector<16xf32>,
      %add3A_313 = arith.constant 3 : i32
      %add3A_314 = vector.broadcast %add3A_313 : i32 to vector<16xi32>
      %add3A_315 = arith.addi %shift_left3A_219, %add3A_314 : vector<16xi32>
      %gather3A_316 = arith.constant 0 : i32
      %gather3A_317 = arith.constant 0 : i32
      %gather3A_318 = arith.constant 0 : i32
      %gather3A_319 = tpu.memref_slice %arg14[%gather3A_316, %gather3A_317, %gather3A_318] : memref<2x128x128xf32, #tpu.memory_space<vmem>> -> memref<1x128x128xf32, #tpu.memory_space<vmem>>
      %gather3A_320 = tpu.memref_squeeze %gather3A_319 : memref<1x128x128xf32, #tpu.memory_space<vmem>> -> memref<128x128xf32, #tpu.memory_space<vmem>>
      %gather3A_321 = tpu.vector_load_idx %gather3A_320[%add3A_201, %add3A_315] : memref<128x128xf32, #tpu.memory_space<vmem>>[vector<16xi32>, vector<16xi32>], vector<16xf32>,
      %mul3A_322 = arith.mulf %gather3A_312, %gather3A_321 : vector<16xf32>
      %add3A_323 = arith.addf %add3A_297, %mul3A_322 : vector<16xf32>
      %add3A_324 = arith.constant 3 : i32
      %add3A_325 = vector.broadcast %add3A_324 : i32 to vector<16xi32>
      %add3A_326 = arith.addi %shift_left3A_225, %add3A_325 : vector<16xi32>
      tpu.vector_store_idx %arg15[%add3A_326], %gather3A_312 : memref<16384xf32, #tpu.memory_space<vmem>>[vector<16xi32>], vector<16xf32>,
      %add3A_327 = arith.constant 3 : i32
      %add3A_328 = vector.broadcast %add3A_327 : i32 to vector<16xi32>
      %add3A_329 = arith.addi %shift_left3A_225, %add3A_328 : vector<16xi32>
      tpu.vector_store_idx %arg16[%add3A_329], %gather3A_321 : memref<16384xf32, #tpu.memory_space<vmem>>[vector<16xi32>], vector<16xf32>,
      %add3A_330 = arith.constant 4 : i32
      %add3A_331 = vector.broadcast %add3A_330 : i32 to vector<16xi32>
      %add3A_332 = arith.addi %shift_left3A_210, %add3A_331 : vector<16xi32>
      %gather3A_333 = arith.constant 0 : i32
      %gather3A_334 = arith.constant 0 : i32
      %gather3A_335 = arith.constant 0 : i32
      %gather3A_336 = tpu.memref_slice %arg13[%gather3A_333, %gather3A_334, %gather3A_335] : memref<2x128x128xf32, #tpu.memory_space<vmem>> -> memref<1x128x128xf32, #tpu.memory_space<vmem>>
      %gather3A_337 = tpu.memref_squeeze %gather3A_336 : memref<1x128x128xf32, #tpu.memory_space<vmem>> -> memref<128x128xf32, #tpu.memory_space<vmem>>
      %gather3A_338 = tpu.vector_load_idx %gather3A_337[%add3A_201, %add3A_332] : memref<128x128xf32, #tpu.memory_space<vmem>>[vector<16xi32>, vector<16xi32>], vector<16xf32>,
      %add3A_339 = arith.constant 4 : i32
      %add3A_340 = vector.broadcast %add3A_339 : i32 to vector<16xi32>
      %add3A_341 = arith.addi %shift_left3A_219, %add3A_340 : vector<16xi32>
      %gather3A_342 = arith.constant 0 : i32
      %gather3A_343 = arith.constant 0 : i32
      %gather3A_344 = arith.constant 0 : i32
      %gather3A_345 = tpu.memref_slice %arg14[%gather3A_342, %gather3A_343, %gather3A_344] : memref<2x128x128xf32, #tpu.memory_space<vmem>> -> memref<1x128x128xf32, #tpu.memory_space<vmem>>
      %gather3A_346 = tpu.memref_squeeze %gather3A_345 : memref<1x128x128xf32, #tpu.memory_space<vmem>> -> memref<128x128xf32, #tpu.memory_space<vmem>>
      %gather3A_347 = tpu.vector_load_idx %gather3A_346[%add3A_201, %add3A_341] : memref<128x128xf32, #tpu.memory_space<vmem>>[vector<16xi32>, vector<16xi32>], vector<16xf32>,
      %mul3A_348 = arith.mulf %gather3A_338, %gather3A_347 : vector<16xf32>
      %add3A_349 = arith.addf %add3A_323, %mul3A_348 : vector<16xf32>
      %add3A_350 = arith.constant 4 : i32
      %add3A_351 = vector.broadcast %add3A_350 : i32 to vector<16xi32>
      %add3A_352 = arith.addi %shift_left3A_225, %add3A_351 : vector<16xi32>
      tpu.vector_store_idx %arg15[%add3A_352], %gather3A_338 : memref<16384xf32, #tpu.memory_space<vmem>>[vector<16xi32>], vector<16xf32>,
      %add3A_353 = arith.constant 4 : i32
      %add3A_354 = vector.broadcast %add3A_353 : i32 to vector<16xi32>
      %add3A_355 = arith.addi %shift_left3A_225, %add3A_354 : vector<16xi32>
      tpu.vector_store_idx %arg16[%add3A_355], %gather3A_347 : memref<16384xf32, #tpu.memory_space<vmem>>[vector<16xi32>], vector<16xf32>,
      %add3A_356 = arith.constant 5 : i32
      %add3A_357 = vector.broadcast %add3A_356 : i32 to vector<16xi32>
      %add3A_358 = arith.addi %shift_left3A_210, %add3A_357 : vector<16xi32>
      %gather3A_359 = arith.constant 0 : i32
      %gather3A_360 = arith.constant 0 : i32
      %gather3A_361 = arith.constant 0 : i32
      %gather3A_362 = tpu.memref_slice %arg13[%gather3A_359, %gather3A_360, %gather3A_361] : memref<2x128x128xf32, #tpu.memory_space<vmem>> -> memref<1x128x128xf32, #tpu.memory_space<vmem>>
      %gather3A_363 = tpu.memref_squeeze %gather3A_362 : memref<1x128x128xf32, #tpu.memory_space<vmem>> -> memref<128x128xf32, #tpu.memory_space<vmem>>
      %gather3A_364 = tpu.vector_load_idx %gather3A_363[%add3A_201, %add3A_358] : memref<128x128xf32, #tpu.memory_space<vmem>>[vector<16xi32>, vector<16xi32>], vector<16xf32>,
      %add3A_365 = arith.constant 5 : i32
      %add3A_366 = vector.broadcast %add3A_365 : i32 to vector<16xi32>
      %add3A_367 = arith.addi %shift_left3A_219, %add3A_366 : vector<16xi32>
      %gather3A_368 = arith.constant 0 : i32
      %gather3A_369 = arith.constant 0 : i32
      %gather3A_370 = arith.constant 0 : i32
      %gather3A_371 = tpu.memref_slice %arg14[%gather3A_368, %gather3A_369, %gather3A_370] : memref<2x128x128xf32, #tpu.memory_space<vmem>> -> memref<1x128x128xf32, #tpu.memory_space<vmem>>
      %gather3A_372 = tpu.memref_squeeze %gather3A_371 : memref<1x128x128xf32, #tpu.memory_space<vmem>> -> memref<128x128xf32, #tpu.memory_space<vmem>>
      %gather3A_373 = tpu.vector_load_idx %gather3A_372[%add3A_201, %add3A_367] : memref<128x128xf32, #tpu.memory_space<vmem>>[vector<16xi32>, vector<16xi32>], vector<16xf32>,
      %mul3A_374 = arith.mulf %gather3A_364, %gather3A_373 : vector<16xf32>
      %add3A_375 = arith.addf %add3A_349, %mul3A_374 : vector<16xf32>
      %add3A_376 = arith.constant 5 : i32
      %add3A_377 = vector.broadcast %add3A_376 : i32 to vector<16xi32>
      %add3A_378 = arith.addi %shift_left3A_225, %add3A_377 : vector<16xi32>
      tpu.vector_store_idx %arg15[%add3A_378], %gather3A_364 : memref<16384xf32, #tpu.memory_space<vmem>>[vector<16xi32>], vector<16xf32>,
      %add3A_379 = arith.constant 5 : i32
      %add3A_380 = vector.broadcast %add3A_379 : i32 to vector<16xi32>
      %add3A_381 = arith.addi %shift_left3A_225, %add3A_380 : vector<16xi32>
      tpu.vector_store_idx %arg16[%add3A_381], %gather3A_373 : memref<16384xf32, #tpu.memory_space<vmem>>[vector<16xi32>], vector<16xf32>,
      %add3A_382 = arith.constant 6 : i32
      %add3A_383 = vector.broadcast %add3A_382 : i32 to vector<16xi32>
      %add3A_384 = arith.addi %shift_left3A_210, %add3A_383 : vector<16xi32>
      %gather3A_385 = arith.constant 0 : i32
      %gather3A_386 = arith.constant 0 : i32
      %gather3A_387 = arith.constant 0 : i32
      %gather3A_388 = tpu.memref_slice %arg13[%gather3A_385, %gather3A_386, %gather3A_387] : memref<2x128x128xf32, #tpu.memory_space<vmem>> -> memref<1x128x128xf32, #tpu.memory_space<vmem>>
      %gather3A_389 = tpu.memref_squeeze %gather3A_388 : memref<1x128x128xf32, #tpu.memory_space<vmem>> -> memref<128x128xf32, #tpu.memory_space<vmem>>
      %gather3A_390 = tpu.vector_load_idx %gather3A_389[%add3A_201, %add3A_384] : memref<128x128xf32, #tpu.memory_space<vmem>>[vector<16xi32>, vector<16xi32>], vector<16xf32>,
      %add3A_391 = arith.constant 6 : i32
      %add3A_392 = vector.broadcast %add3A_391 : i32 to vector<16xi32>
      %add3A_393 = arith.addi %shift_left3A_219, %add3A_392 : vector<16xi32>
      %gather3A_394 = arith.constant 0 : i32
      %gather3A_395 = arith.constant 0 : i32
      %gather3A_396 = arith.constant 0 : i32
      %gather3A_397 = tpu.memref_slice %arg14[%gather3A_394, %gather3A_395, %gather3A_396] : memref<2x128x128xf32, #tpu.memory_space<vmem>> -> memref<1x128x128xf32, #tpu.memory_space<vmem>>
      %gather3A_398 = tpu.memref_squeeze %gather3A_397 : memref<1x128x128xf32, #tpu.memory_space<vmem>> -> memref<128x128xf32, #tpu.memory_space<vmem>>
      %gather3A_399 = tpu.vector_load_idx %gather3A_398[%add3A_201, %add3A_393] : memref<128x128xf32, #tpu.memory_space<vmem>>[vector<16xi32>, vector<16xi32>], vector<16xf32>,
      %mul3A_400 = arith.mulf %gather3A_390, %gather3A_399 : vector<16xf32>
      %add3A_401 = arith.addf %add3A_375, %mul3A_400 : vector<16xf32>
      %add3A_402 = arith.constant 6 : i32
      %add3A_403 = vector.broadcast %add3A_402 : i32 to vector<16xi32>
      %add3A_404 = arith.addi %shift_left3A_225, %add3A_403 : vector<16xi32>
      tpu.vector_store_idx %arg15[%add3A_404], %gather3A_390 : memref<16384xf32, #tpu.memory_space<vmem>>[vector<16xi32>], vector<16xf32>,
      %add3A_405 = arith.constant 6 : i32
      %add3A_406 = vector.broadcast %add3A_405 : i32 to vector<16xi32>
      %add3A_407 = arith.addi %shift_left3A_225, %add3A_406 : vector<16xi32>
      tpu.vector_store_idx %arg16[%add3A_407], %gather3A_399 : memref<16384xf32, #tpu.memory_space<vmem>>[vector<16xi32>], vector<16xf32>,
      %add3A_408 = arith.constant 7 : i32
      %add3A_409 = vector.broadcast %add3A_408 : i32 to vector<16xi32>
      %add3A_410 = arith.addi %shift_left3A_210, %add3A_409 : vector<16xi32>
      %gather3A_411 = arith.constant 0 : i32
      %gather3A_412 = arith.constant 0 : i32
      %gather3A_413 = arith.constant 0 : i32
      %gather3A_414 = tpu.memref_slice %arg13[%gather3A_411, %gather3A_412, %gather3A_413] : memref<2x128x128xf32, #tpu.memory_space<vmem>> -> memref<1x128x128xf32, #tpu.memory_space<vmem>>
      %gather3A_415 = tpu.memref_squeeze %gather3A_414 : memref<1x128x128xf32, #tpu.memory_space<vmem>> -> memref<128x128xf32, #tpu.memory_space<vmem>>
      %gather3A_416 = tpu.vector_load_idx %gather3A_415[%add3A_201, %add3A_410] : memref<128x128xf32, #tpu.memory_space<vmem>>[vector<16xi32>, vector<16xi32>], vector<16xf32>,
      %add3A_417 = arith.constant 7 : i32
      %add3A_418 = vector.broadcast %add3A_417 : i32 to vector<16xi32>
      %add3A_419 = arith.addi %shift_left3A_219, %add3A_418 : vector<16xi32>
      %gather3A_420 = arith.constant 0 : i32
      %gather3A_421 = arith.constant 0 : i32
      %gather3A_422 = arith.constant 0 : i32
      %gather3A_423 = tpu.memref_slice %arg14[%gather3A_420, %gather3A_421, %gather3A_422] : memref<2x128x128xf32, #tpu.memory_space<vmem>> -> memref<1x128x128xf32, #tpu.memory_space<vmem>>
      %gather3A_424 = tpu.memref_squeeze %gather3A_423 : memref<1x128x128xf32, #tpu.memory_space<vmem>> -> memref<128x128xf32, #tpu.memory_space<vmem>>
      %gather3A_425 = tpu.vector_load_idx %gather3A_424[%add3A_201, %add3A_419] : memref<128x128xf32, #tpu.memory_space<vmem>>[vector<16xi32>, vector<16xi32>], vector<16xf32>,
      %mul3A_426 = arith.mulf %gather3A_416, %gather3A_425 : vector<16xf32>
      %add3A_427 = arith.addf %add3A_401, %mul3A_426 : vector<16xf32>
      %add3A_428 = arith.constant 7 : i32
      %add3A_429 = vector.broadcast %add3A_428 : i32 to vector<16xi32>
      %add3A_430 = arith.addi %shift_left3A_225, %add3A_429 : vector<16xi32>
      tpu.vector_store_idx %arg15[%add3A_430], %gather3A_416 : memref<16384xf32, #tpu.memory_space<vmem>>[vector<16xi32>], vector<16xf32>,
      %add3A_431 = arith.constant 7 : i32
      %add3A_432 = vector.broadcast %add3A_431 : i32 to vector<16xi32>
      %add3A_433 = arith.addi %shift_left3A_225, %add3A_432 : vector<16xi32>
      tpu.vector_store_idx %arg16[%add3A_433], %gather3A_425 : memref<16384xf32, #tpu.memory_space<vmem>>[vector<16xi32>], vector<16xf32>,
      %add3A_434 = arith.constant 8 : i32
      %add3A_435 = vector.broadcast %add3A_434 : i32 to vector<16xi32>
      %add3A_436 = arith.addi %shift_left3A_210, %add3A_435 : vector<16xi32>
      %gather3A_437 = arith.constant 0 : i32
      %gather3A_438 = arith.constant 0 : i32
      %gather3A_439 = arith.constant 0 : i32
      %gather3A_440 = tpu.memref_slice %arg13[%gather3A_437, %gather3A_438, %gather3A_439] : memref<2x128x128xf32, #tpu.memory_space<vmem>> -> memref<1x128x128xf32, #tpu.memory_space<vmem>>
      %gather3A_441 = tpu.memref_squeeze %gather3A_440 : memref<1x128x128xf32, #tpu.memory_space<vmem>> -> memref<128x128xf32, #tpu.memory_space<vmem>>
      %gather3A_442 = tpu.vector_load_idx %gather3A_441[%add3A_201, %add3A_436] : memref<128x128xf32, #tpu.memory_space<vmem>>[vector<16xi32>, vector<16xi32>], vector<16xf32>,
      %add3A_443 = arith.constant 8 : i32
      %add3A_444 = vector.broadcast %add3A_443 : i32 to vector<16xi32>
      %add3A_445 = arith.addi %shift_left3A_219, %add3A_444 : vector<16xi32>
      %gather3A_446 = arith.constant 0 : i32
      %gather3A_447 = arith.constant 0 : i32
      %gather3A_448 = arith.constant 0 : i32
      %gather3A_449 = tpu.memref_slice %arg14[%gather3A_446, %gather3A_447, %gather3A_448] : memref<2x128x128xf32, #tpu.memory_space<vmem>> -> memref<1x128x128xf32, #tpu.memory_space<vmem>>
      %gather3A_450 = tpu.memref_squeeze %gather3A_449 : memref<1x128x128xf32, #tpu.memory_space<vmem>> -> memref<128x128xf32, #tpu.memory_space<vmem>>
      %gather3A_451 = tpu.vector_load_idx %gather3A_450[%add3A_201, %add3A_445] : memref<128x128xf32, #tpu.memory_space<vmem>>[vector<16xi32>, vector<16xi32>], vector<16xf32>,
      %mul3A_452 = arith.mulf %gather3A_442, %gather3A_451 : vector<16xf32>
      %add3A_453 = arith.addf %add3A_427, %mul3A_452 : vector<16xf32>
      %add3A_454 = arith.constant 8 : i32
      %add3A_455 = vector.broadcast %add3A_454 : i32 to vector<16xi32>
      %add3A_456 = arith.addi %shift_left3A_225, %add3A_455 : vector<16xi32>
      tpu.vector_store_idx %arg15[%add3A_456], %gather3A_442 : memref<16384xf32, #tpu.memory_space<vmem>>[vector<16xi32>], vector<16xf32>,
      %add3A_457 = arith.constant 8 : i32
      %add3A_458 = vector.broadcast %add3A_457 : i32 to vector<16xi32>
      %add3A_459 = arith.addi %shift_left3A_225, %add3A_458 : vector<16xi32>
      tpu.vector_store_idx %arg16[%add3A_459], %gather3A_451 : memref<16384xf32, #tpu.memory_space<vmem>>[vector<16xi32>], vector<16xf32>,
      %add3A_460 = arith.constant 9 : i32
      %add3A_461 = vector.broadcast %add3A_460 : i32 to vector<16xi32>
      %add3A_462 = arith.addi %shift_left3A_210, %add3A_461 : vector<16xi32>
      %gather3A_463 = arith.constant 0 : i32
      %gather3A_464 = arith.constant 0 : i32
      %gather3A_465 = arith.constant 0 : i32
      %gather3A_466 = tpu.memref_slice %arg13[%gather3A_463, %gather3A_464, %gather3A_465] : memref<2x128x128xf32, #tpu.memory_space<vmem>> -> memref<1x128x128xf32, #tpu.memory_space<vmem>>
      %gather3A_467 = tpu.memref_squeeze %gather3A_466 : memref<1x128x128xf32, #tpu.memory_space<vmem>> -> memref<128x128xf32, #tpu.memory_space<vmem>>
      %gather3A_468 = tpu.vector_load_idx %gather3A_467[%add3A_201, %add3A_462] : memref<128x128xf32, #tpu.memory_space<vmem>>[vector<16xi32>, vector<16xi32>], vector<16xf32>,
      %add3A_469 = arith.constant 9 : i32
      %add3A_470 = vector.broadcast %add3A_469 : i32 to vector<16xi32>
      %add3A_471 = arith.addi %shift_left3A_219, %add3A_470 : vector<16xi32>
      %gather3A_472 = arith.constant 0 : i32
      %gather3A_473 = arith.constant 0 : i32
      %gather3A_474 = arith.constant 0 : i32
      %gather3A_475 = tpu.memref_slice %arg14[%gather3A_472, %gather3A_473, %gather3A_474] : memref<2x128x128xf32, #tpu.memory_space<vmem>> -> memref<1x128x128xf32, #tpu.memory_space<vmem>>
      %gather3A_476 = tpu.memref_squeeze %gather3A_475 : memref<1x128x128xf32, #tpu.memory_space<vmem>> -> memref<128x128xf32, #tpu.memory_space<vmem>>
      %gather3A_477 = tpu.vector_load_idx %gather3A_476[%add3A_201, %add3A_471] : memref<128x128xf32, #tpu.memory_space<vmem>>[vector<16xi32>, vector<16xi32>], vector<16xf32>,
      %mul3A_478 = arith.mulf %gather3A_468, %gather3A_477 : vector<16xf32>
      %add3A_479 = arith.addf %add3A_453, %mul3A_478 : vector<16xf32>
      %add3A_480 = arith.constant 9 : i32
      %add3A_481 = vector.broadcast %add3A_480 : i32 to vector<16xi32>
      %add3A_482 = arith.addi %shift_left3A_225, %add3A_481 : vector<16xi32>
      tpu.vector_store_idx %arg15[%add3A_482], %gather3A_468 : memref<16384xf32, #tpu.memory_space<vmem>>[vector<16xi32>], vector<16xf32>,
      %add3A_483 = arith.constant 9 : i32
      %add3A_484 = vector.broadcast %add3A_483 : i32 to vector<16xi32>
      %add3A_485 = arith.addi %shift_left3A_225, %add3A_484 : vector<16xi32>
      tpu.vector_store_idx %arg16[%add3A_485], %gather3A_477 : memref<16384xf32, #tpu.memory_space<vmem>>[vector<16xi32>], vector<16xf32>,
      %add3A_486 = arith.constant 10 : i32
      %add3A_487 = vector.broadcast %add3A_486 : i32 to vector<16xi32>
      %add3A_488 = arith.addi %shift_left3A_210, %add3A_487 : vector<16xi32>
      %gather3A_489 = arith.constant 0 : i32
      %gather3A_490 = arith.constant 0 : i32
      %gather3A_491 = arith.constant 0 : i32
      %gather3A_492 = tpu.memref_slice %arg13[%gather3A_489, %gather3A_490, %gather3A_491] : memref<2x128x128xf32, #tpu.memory_space<vmem>> -> memref<1x128x128xf32, #tpu.memory_space<vmem>>
      %gather3A_493 = tpu.memref_squeeze %gather3A_492 : memref<1x128x128xf32, #tpu.memory_space<vmem>> -> memref<128x128xf32, #tpu.memory_space<vmem>>
      %gather3A_494 = tpu.vector_load_idx %gather3A_493[%add3A_201, %add3A_488] : memref<128x128xf32, #tpu.memory_space<vmem>>[vector<16xi32>, vector<16xi32>], vector<16xf32>,
      %add3A_495 = arith.constant 10 : i32
      %add3A_496 = vector.broadcast %add3A_495 : i32 to vector<16xi32>
      %add3A_497 = arith.addi %shift_left3A_219, %add3A_496 : vector<16xi32>
      %gather3A_498 = arith.constant 0 : i32
      %gather3A_499 = arith.constant 0 : i32
      %gather3A_500 = arith.constant 0 : i32
      %gather3A_501 = tpu.memref_slice %arg14[%gather3A_498, %gather3A_499, %gather3A_500] : memref<2x128x128xf32, #tpu.memory_space<vmem>> -> memref<1x128x128xf32, #tpu.memory_space<vmem>>
      %gather3A_502 = tpu.memref_squeeze %gather3A_501 : memref<1x128x128xf32, #tpu.memory_space<vmem>> -> memref<128x128xf32, #tpu.memory_space<vmem>>
      %gather3A_503 = tpu.vector_load_idx %gather3A_502[%add3A_201, %add3A_497] : memref<128x128xf32, #tpu.memory_space<vmem>>[vector<16xi32>, vector<16xi32>], vector<16xf32>,
      %mul3A_504 = arith.mulf %gather3A_494, %gather3A_503 : vector<16xf32>
      %add3A_505 = arith.addf %add3A_479, %mul3A_504 : vector<16xf32>
      %add3A_506 = arith.constant 10 : i32
      %add3A_507 = vector.broadcast %add3A_506 : i32 to vector<16xi32>
      %add3A_508 = arith.addi %shift_left3A_225, %add3A_507 : vector<16xi32>
      tpu.vector_store_idx %arg15[%add3A_508], %gather3A_494 : memref<16384xf32, #tpu.memory_space<vmem>>[vector<16xi32>], vector<16xf32>,
      %add3A_509 = arith.constant 10 : i32
      %add3A_510 = vector.broadcast %add3A_509 : i32 to vector<16xi32>
      %add3A_511 = arith.addi %shift_left3A_225, %add3A_510 : vector<16xi32>
      tpu.vector_store_idx %arg16[%add3A_511], %gather3A_503 : memref<16384xf32, #tpu.memory_space<vmem>>[vector<16xi32>], vector<16xf32>,
      %add3A_512 = arith.constant 11 : i32
      %add3A_513 = vector.broadcast %add3A_512 : i32 to vector<16xi32>
      %add3A_514 = arith.addi %shift_left3A_210, %add3A_513 : vector<16xi32>
      %gather3A_515 = arith.constant 0 : i32
      %gather3A_516 = arith.constant 0 : i32
      %gather3A_517 = arith.constant 0 : i32
      %gather3A_518 = tpu.memref_slice %arg13[%gather3A_515, %gather3A_516, %gather3A_517] : memref<2x128x128xf32, #tpu.memory_space<vmem>> -> memref<1x128x128xf32, #tpu.memory_space<vmem>>
      %gather3A_519 = tpu.memref_squeeze %gather3A_518 : memref<1x128x128xf32, #tpu.memory_space<vmem>> -> memref<128x128xf32, #tpu.memory_space<vmem>>
      %gather3A_520 = tpu.vector_load_idx %gather3A_519[%add3A_201, %add3A_514] : memref<128x128xf32, #tpu.memory_space<vmem>>[vector<16xi32>, vector<16xi32>], vector<16xf32>,
      %add3A_521 = arith.constant 11 : i32
      %add3A_522 = vector.broadcast %add3A_521 : i32 to vector<16xi32>
      %add3A_523 = arith.addi %shift_left3A_219, %add3A_522 : vector<16xi32>
      %gather3A_524 = arith.constant 0 : i32
      %gather3A_525 = arith.constant 0 : i32
      %gather3A_526 = arith.constant 0 : i32
      %gather3A_527 = tpu.memref_slice %arg14[%gather3A_524, %gather3A_525, %gather3A_526] : memref<2x128x128xf32, #tpu.memory_space<vmem>> -> memref<1x128x128xf32, #tpu.memory_space<vmem>>
      %gather3A_528 = tpu.memref_squeeze %gather3A_527 : memref<1x128x128xf32, #tpu.memory_space<vmem>> -> memref<128x128xf32, #tpu.memory_space<vmem>>
      %gather3A_529 = tpu.vector_load_idx %gather3A_528[%add3A_201, %add3A_523] : memref<128x128xf32, #tpu.memory_space<vmem>>[vector<16xi32>, vector<16xi32>], vector<16xf32>,
      %mul3A_530 = arith.mulf %gather3A_520, %gather3A_529 : vector<16xf32>
      %add3A_531 = arith.addf %add3A_505, %mul3A_530 : vector<16xf32>
      %add3A_532 = arith.constant 11 : i32
      %add3A_533 = vector.broadcast %add3A_532 : i32 to vector<16xi32>
      %add3A_534 = arith.addi %shift_left3A_225, %add3A_533 : vector<16xi32>
      tpu.vector_store_idx %arg15[%add3A_534], %gather3A_520 : memref<16384xf32, #tpu.memory_space<vmem>>[vector<16xi32>], vector<16xf32>,
      %add3A_535 = arith.constant 11 : i32
      %add3A_536 = vector.broadcast %add3A_535 : i32 to vector<16xi32>
      %add3A_537 = arith.addi %shift_left3A_225, %add3A_536 : vector<16xi32>
      tpu.vector_store_idx %arg16[%add3A_537], %gather3A_529 : memref<16384xf32, #tpu.memory_space<vmem>>[vector<16xi32>], vector<16xf32>,
      %add3A_538 = arith.constant 12 : i32
      %add3A_539 = vector.broadcast %add3A_538 : i32 to vector<16xi32>
      %add3A_540 = arith.addi %shift_left3A_210, %add3A_539 : vector<16xi32>
      %gather3A_541 = arith.constant 0 : i32
      %gather3A_542 = arith.constant 0 : i32
      %gather3A_543 = arith.constant 0 : i32
      %gather3A_544 = tpu.memref_slice %arg13[%gather3A_541, %gather3A_542, %gather3A_543] : memref<2x128x128xf32, #tpu.memory_space<vmem>> -> memref<1x128x128xf32, #tpu.memory_space<vmem>>
      %gather3A_545 = tpu.memref_squeeze %gather3A_544 : memref<1x128x128xf32, #tpu.memory_space<vmem>> -> memref<128x128xf32, #tpu.memory_space<vmem>>
      %gather3A_546 = tpu.vector_load_idx %gather3A_545[%add3A_201, %add3A_540] : memref<128x128xf32, #tpu.memory_space<vmem>>[vector<16xi32>, vector<16xi32>], vector<16xf32>,
      %add3A_547 = arith.constant 12 : i32
      %add3A_548 = vector.broadcast %add3A_547 : i32 to vector<16xi32>
      %add3A_549 = arith.addi %shift_left3A_219, %add3A_548 : vector<16xi32>
      %gather3A_550 = arith.constant 0 : i32
      %gather3A_551 = arith.constant 0 : i32
      %gather3A_552 = arith.constant 0 : i32
      %gather3A_553 = tpu.memref_slice %arg14[%gather3A_550, %gather3A_551, %gather3A_552] : memref<2x128x128xf32, #tpu.memory_space<vmem>> -> memref<1x128x128xf32, #tpu.memory_space<vmem>>
      %gather3A_554 = tpu.memref_squeeze %gather3A_553 : memref<1x128x128xf32, #tpu.memory_space<vmem>> -> memref<128x128xf32, #tpu.memory_space<vmem>>
      %gather3A_555 = tpu.vector_load_idx %gather3A_554[%add3A_201, %add3A_549] : memref<128x128xf32, #tpu.memory_space<vmem>>[vector<16xi32>, vector<16xi32>], vector<16xf32>,
      %mul3A_556 = arith.mulf %gather3A_546, %gather3A_555 : vector<16xf32>
      %add3A_557 = arith.addf %add3A_531, %mul3A_556 : vector<16xf32>
      %add3A_558 = arith.constant 12 : i32
      %add3A_559 = vector.broadcast %add3A_558 : i32 to vector<16xi32>
      %add3A_560 = arith.addi %shift_left3A_225, %add3A_559 : vector<16xi32>
      tpu.vector_store_idx %arg15[%add3A_560], %gather3A_546 : memref<16384xf32, #tpu.memory_space<vmem>>[vector<16xi32>], vector<16xf32>,
      %add3A_561 = arith.constant 12 : i32
      %add3A_562 = vector.broadcast %add3A_561 : i32 to vector<16xi32>
      %add3A_563 = arith.addi %shift_left3A_225, %add3A_562 : vector<16xi32>
      tpu.vector_store_idx %arg16[%add3A_563], %gather3A_555 : memref<16384xf32, #tpu.memory_space<vmem>>[vector<16xi32>], vector<16xf32>,
      %add3A_564 = arith.constant 13 : i32
      %add3A_565 = vector.broadcast %add3A_564 : i32 to vector<16xi32>
      %add3A_566 = arith.addi %shift_left3A_210, %add3A_565 : vector<16xi32>
      %gather3A_567 = arith.constant 0 : i32
      %gather3A_568 = arith.constant 0 : i32
      %gather3A_569 = arith.constant 0 : i32
      %gather3A_570 = tpu.memref_slice %arg13[%gather3A_567, %gather3A_568, %gather3A_569] : memref<2x128x128xf32, #tpu.memory_space<vmem>> -> memref<1x128x128xf32, #tpu.memory_space<vmem>>
      %gather3A_571 = tpu.memref_squeeze %gather3A_570 : memref<1x128x128xf32, #tpu.memory_space<vmem>> -> memref<128x128xf32, #tpu.memory_space<vmem>>
      %gather3A_572 = tpu.vector_load_idx %gather3A_571[%add3A_201, %add3A_566] : memref<128x128xf32, #tpu.memory_space<vmem>>[vector<16xi32>, vector<16xi32>], vector<16xf32>,
      %add3A_573 = arith.constant 13 : i32
      %add3A_574 = vector.broadcast %add3A_573 : i32 to vector<16xi32>
      %add3A_575 = arith.addi %shift_left3A_219, %add3A_574 : vector<16xi32>
      %gather3A_576 = arith.constant 0 : i32
      %gather3A_577 = arith.constant 0 : i32
      %gather3A_578 = arith.constant 0 : i32
      %gather3A_579 = tpu.memref_slice %arg14[%gather3A_576, %gather3A_577, %gather3A_578] : memref<2x128x128xf32, #tpu.memory_space<vmem>> -> memref<1x128x128xf32, #tpu.memory_space<vmem>>
      %gather3A_580 = tpu.memref_squeeze %gather3A_579 : memref<1x128x128xf32, #tpu.memory_space<vmem>> -> memref<128x128xf32, #tpu.memory_space<vmem>>
      %gather3A_581 = tpu.vector_load_idx %gather3A_580[%add3A_201, %add3A_575] : memref<128x128xf32, #tpu.memory_space<vmem>>[vector<16xi32>, vector<16xi32>], vector<16xf32>,
      %mul3A_582 = arith.mulf %gather3A_572, %gather3A_581 : vector<16xf32>
      %add3A_583 = arith.addf %add3A_557, %mul3A_582 : vector<16xf32>
      %add3A_584 = arith.constant 13 : i32
      %add3A_585 = vector.broadcast %add3A_584 : i32 to vector<16xi32>
      %add3A_586 = arith.addi %shift_left3A_225, %add3A_585 : vector<16xi32>
      tpu.vector_store_idx %arg15[%add3A_586], %gather3A_572 : memref<16384xf32, #tpu.memory_space<vmem>>[vector<16xi32>], vector<16xf32>,
      %add3A_587 = arith.constant 13 : i32
      %add3A_588 = vector.broadcast %add3A_587 : i32 to vector<16xi32>
      %add3A_589 = arith.addi %shift_left3A_225, %add3A_588 : vector<16xi32>
      tpu.vector_store_idx %arg16[%add3A_589], %gather3A_581 : memref<16384xf32, #tpu.memory_space<vmem>>[vector<16xi32>], vector<16xf32>,
      %add3A_590 = arith.constant 14 : i32
      %add3A_591 = vector.broadcast %add3A_590 : i32 to vector<16xi32>
      %add3A_592 = arith.addi %shift_left3A_210, %add3A_591 : vector<16xi32>
      %gather3A_593 = arith.constant 0 : i32
      %gather3A_594 = arith.constant 0 : i32
      %gather3A_595 = arith.constant 0 : i32
      %gather3A_596 = tpu.memref_slice %arg13[%gather3A_593, %gather3A_594, %gather3A_595] : memref<2x128x128xf32, #tpu.memory_space<vmem>> -> memref<1x128x128xf32, #tpu.memory_space<vmem>>
      %gather3A_597 = tpu.memref_squeeze %gather3A_596 : memref<1x128x128xf32, #tpu.memory_space<vmem>> -> memref<128x128xf32, #tpu.memory_space<vmem>>
      %gather3A_598 = tpu.vector_load_idx %gather3A_597[%add3A_201, %add3A_592] : memref<128x128xf32, #tpu.memory_space<vmem>>[vector<16xi32>, vector<16xi32>], vector<16xf32>,
      %add3A_599 = arith.constant 14 : i32
      %add3A_600 = vector.broadcast %add3A_599 : i32 to vector<16xi32>
      %add3A_601 = arith.addi %shift_left3A_219, %add3A_600 : vector<16xi32>
      %gather3A_602 = arith.constant 0 : i32
      %gather3A_603 = arith.constant 0 : i32
      %gather3A_604 = arith.constant 0 : i32
      %gather3A_605 = tpu.memref_slice %arg14[%gather3A_602, %gather3A_603, %gather3A_604] : memref<2x128x128xf32, #tpu.memory_space<vmem>> -> memref<1x128x128xf32, #tpu.memory_space<vmem>>
      %gather3A_606 = tpu.memref_squeeze %gather3A_605 : memref<1x128x128xf32, #tpu.memory_space<vmem>> -> memref<128x128xf32, #tpu.memory_space<vmem>>
      %gather3A_607 = tpu.vector_load_idx %gather3A_606[%add3A_201, %add3A_601] : memref<128x128xf32, #tpu.memory_space<vmem>>[vector<16xi32>, vector<16xi32>], vector<16xf32>,
      %mul3A_608 = arith.mulf %gather3A_598, %gather3A_607 : vector<16xf32>
      %add3A_609 = arith.addf %add3A_583, %mul3A_608 : vector<16xf32>
      %add3A_610 = arith.constant 14 : i32
      %add3A_611 = vector.broadcast %add3A_610 : i32 to vector<16xi32>
      %add3A_612 = arith.addi %shift_left3A_225, %add3A_611 : vector<16xi32>
      tpu.vector_store_idx %arg15[%add3A_612], %gather3A_598 : memref<16384xf32, #tpu.memory_space<vmem>>[vector<16xi32>], vector<16xf32>,
      %add3A_613 = arith.constant 14 : i32
      %add3A_614 = vector.broadcast %add3A_613 : i32 to vector<16xi32>
      %add3A_615 = arith.addi %shift_left3A_225, %add3A_614 : vector<16xi32>
      tpu.vector_store_idx %arg16[%add3A_615], %gather3A_607 : memref<16384xf32, #tpu.memory_space<vmem>>[vector<16xi32>], vector<16xf32>,
      %add3A_616 = arith.constant 15 : i32
      %add3A_617 = vector.broadcast %add3A_616 : i32 to vector<16xi32>
      %add3A_618 = arith.addi %shift_left3A_210, %add3A_617 : vector<16xi32>
      %gather3A_619 = arith.constant 0 : i32
      %gather3A_620 = arith.constant 0 : i32
      %gather3A_621 = arith.constant 0 : i32
      %gather3A_622 = tpu.memref_slice %arg13[%gather3A_619, %gather3A_620, %gather3A_621] : memref<2x128x128xf32, #tpu.memory_space<vmem>> -> memref<1x128x128xf32, #tpu.memory_space<vmem>>
      %gather3A_623 = tpu.memref_squeeze %gather3A_622 : memref<1x128x128xf32, #tpu.memory_space<vmem>> -> memref<128x128xf32, #tpu.memory_space<vmem>>
      %gather3A_624 = tpu.vector_load_idx %gather3A_623[%add3A_201, %add3A_618] : memref<128x128xf32, #tpu.memory_space<vmem>>[vector<16xi32>, vector<16xi32>], vector<16xf32>,
      %add3A_625 = arith.constant 15 : i32
      %add3A_626 = vector.broadcast %add3A_625 : i32 to vector<16xi32>
      %add3A_627 = arith.addi %shift_left3A_219, %add3A_626 : vector<16xi32>
      %gather3A_628 = arith.constant 0 : i32
      %gather3A_629 = arith.constant 0 : i32
      %gather3A_630 = arith.constant 0 : i32
      %gather3A_631 = tpu.memref_slice %arg14[%gather3A_628, %gather3A_629, %gather3A_630] : memref<2x128x128xf32, #tpu.memory_space<vmem>> -> memref<1x128x128xf32, #tpu.memory_space<vmem>>
      %gather3A_632 = tpu.memref_squeeze %gather3A_631 : memref<1x128x128xf32, #tpu.memory_space<vmem>> -> memref<128x128xf32, #tpu.memory_space<vmem>>
      %gather3A_633 = tpu.vector_load_idx %gather3A_632[%add3A_201, %add3A_627] : memref<128x128xf32, #tpu.memory_space<vmem>>[vector<16xi32>, vector<16xi32>], vector<16xf32>,
      %mul3A_634 = arith.mulf %gather3A_624, %gather3A_633 : vector<16xf32>
      %add3A_635 = arith.addf %add3A_609, %mul3A_634 : vector<16xf32>
      %add3A_636 = arith.constant 15 : i32
      %add3A_637 = vector.broadcast %add3A_636 : i32 to vector<16xi32>
      %add3A_638 = arith.addi %shift_left3A_225, %add3A_637 : vector<16xi32>
      tpu.vector_store_idx %arg15[%add3A_638], %gather3A_624 : memref<16384xf32, #tpu.memory_space<vmem>>[vector<16xi32>], vector<16xf32>,
      %add3A_639 = arith.constant 15 : i32
      %add3A_640 = vector.broadcast %add3A_639 : i32 to vector<16xi32>
      %add3A_641 = arith.addi %shift_left3A_225, %add3A_640 : vector<16xi32>
      tpu.vector_store_idx %arg16[%add3A_641], %gather3A_633 : memref<16384xf32, #tpu.memory_space<vmem>>[vector<16xi32>], vector<16xf32>,
      %add3A_642 = arith.constant 16 : i32
      %add3A_643 = vector.broadcast %add3A_642 : i32 to vector<16xi32>
      %add3A_644 = arith.addi %shift_left3A_210, %add3A_643 : vector<16xi32>
      %gather3A_645 = arith.constant 0 : i32
      %gather3A_646 = arith.constant 0 : i32
      %gather3A_647 = arith.constant 0 : i32
      %gather3A_648 = tpu.memref_slice %arg13[%gather3A_645, %gather3A_646, %gather3A_647] : memref<2x128x128xf32, #tpu.memory_space<vmem>> -> memref<1x128x128xf32, #tpu.memory_space<vmem>>
      %gather3A_649 = tpu.memref_squeeze %gather3A_648 : memref<1x128x128xf32, #tpu.memory_space<vmem>> -> memref<128x128xf32, #tpu.memory_space<vmem>>
      %gather3A_650 = tpu.vector_load_idx %gather3A_649[%add3A_201, %add3A_644] : memref<128x128xf32, #tpu.memory_space<vmem>>[vector<16xi32>, vector<16xi32>], vector<16xf32>,
      %add3A_651 = arith.constant 16 : i32
      %add3A_652 = vector.broadcast %add3A_651 : i32 to vector<16xi32>
      %add3A_653 = arith.addi %shift_left3A_219, %add3A_652 : vector<16xi32>
      %gather3A_654 = arith.constant 0 : i32
      %gather3A_655 = arith.constant 0 : i32
      %gather3A_656 = arith.constant 0 : i32
      %gather3A_657 = tpu.memref_slice %arg14[%gather3A_654, %gather3A_655, %gather3A_656] : memref<2x128x128xf32, #tpu.memory_space<vmem>> -> memref<1x128x128xf32, #tpu.memory_space<vmem>>
      %gather3A_658 = tpu.memref_squeeze %gather3A_657 : memref<1x128x128xf32, #tpu.memory_space<vmem>> -> memref<128x128xf32, #tpu.memory_space<vmem>>
      %gather3A_659 = tpu.vector_load_idx %gather3A_658[%add3A_201, %add3A_653] : memref<128x128xf32, #tpu.memory_space<vmem>>[vector<16xi32>, vector<16xi32>], vector<16xf32>,
      %mul3A_660 = arith.mulf %gather3A_650, %gather3A_659 : vector<16xf32>
      %add3A_661 = arith.addf %add3A_635, %mul3A_660 : vector<16xf32>
      %add3A_662 = arith.constant 16 : i32
      %add3A_663 = vector.broadcast %add3A_662 : i32 to vector<16xi32>
      %add3A_664 = arith.addi %shift_left3A_225, %add3A_663 : vector<16xi32>
      tpu.vector_store_idx %arg15[%add3A_664], %gather3A_650 : memref<16384xf32, #tpu.memory_space<vmem>>[vector<16xi32>], vector<16xf32>,
      %add3A_665 = arith.constant 16 : i32
      %add3A_666 = vector.broadcast %add3A_665 : i32 to vector<16xi32>
      %add3A_667 = arith.addi %shift_left3A_225, %add3A_666 : vector<16xi32>
      tpu.vector_store_idx %arg16[%add3A_667], %gather3A_659 : memref<16384xf32, #tpu.memory_space<vmem>>[vector<16xi32>], vector<16xf32>,
      %add3A_668 = arith.constant 17 : i32
      %add3A_669 = vector.broadcast %add3A_668 : i32 to vector<16xi32>
      %add3A_670 = arith.addi %shift_left3A_210, %add3A_669 : vector<16xi32>
      %gather3A_671 = arith.constant 0 : i32
      %gather3A_672 = arith.constant 0 : i32
      %gather3A_673 = arith.constant 0 : i32
      %gather3A_674 = tpu.memref_slice %arg13[%gather3A_671, %gather3A_672, %gather3A_673] : memref<2x128x128xf32, #tpu.memory_space<vmem>> -> memref<1x128x128xf32, #tpu.memory_space<vmem>>
      %gather3A_675 = tpu.memref_squeeze %gather3A_674 : memref<1x128x128xf32, #tpu.memory_space<vmem>> -> memref<128x128xf32, #tpu.memory_space<vmem>>
      %gather3A_676 = tpu.vector_load_idx %gather3A_675[%add3A_201, %add3A_670] : memref<128x128xf32, #tpu.memory_space<vmem>>[vector<16xi32>, vector<16xi32>], vector<16xf32>,
      %add3A_677 = arith.constant 17 : i32
      %add3A_678 = vector.broadcast %add3A_677 : i32 to vector<16xi32>
      %add3A_679 = arith.addi %shift_left3A_219, %add3A_678 : vector<16xi32>
      %gather3A_680 = arith.constant 0 : i32
      %gather3A_681 = arith.constant 0 : i32
      %gather3A_682 = arith.constant 0 : i32
      %gather3A_683 = tpu.memref_slice %arg14[%gather3A_680, %gather3A_681, %gather3A_682] : memref<2x128x128xf32, #tpu.memory_space<vmem>> -> memref<1x128x128xf32, #tpu.memory_space<vmem>>
      %gather3A_684 = tpu.memref_squeeze %gather3A_683 : memref<1x128x128xf32, #tpu.memory_space<vmem>> -> memref<128x128xf32, #tpu.memory_space<vmem>>
      %gather3A_685 = tpu.vector_load_idx %gather3A_684[%add3A_201, %add3A_679] : memref<128x128xf32, #tpu.memory_space<vmem>>[vector<16xi32>, vector<16xi32>], vector<16xf32>,
      %mul3A_686 = arith.mulf %gather3A_676, %gather3A_685 : vector<16xf32>
      %add3A_687 = arith.addf %add3A_661, %mul3A_686 : vector<16xf32>
      %add3A_688 = arith.constant 17 : i32
      %add3A_689 = vector.broadcast %add3A_688 : i32 to vector<16xi32>
      %add3A_690 = arith.addi %shift_left3A_225, %add3A_689 : vector<16xi32>
      tpu.vector_store_idx %arg15[%add3A_690], %gather3A_676 : memref<16384xf32, #tpu.memory_space<vmem>>[vector<16xi32>], vector<16xf32>,
      %add3A_691 = arith.constant 17 : i32
      %add3A_692 = vector.broadcast %add3A_691 : i32 to vector<16xi32>
      %add3A_693 = arith.addi %shift_left3A_225, %add3A_692 : vector<16xi32>
      tpu.vector_store_idx %arg16[%add3A_693], %gather3A_685 : memref<16384xf32, #tpu.memory_space<vmem>>[vector<16xi32>], vector<16xf32>,
      %add3A_694 = arith.constant 18 : i32
      %add3A_695 = vector.broadcast %add3A_694 : i32 to vector<16xi32>
      %add3A_696 = arith.addi %shift_left3A_210, %add3A_695 : vector<16xi32>
      %gather3A_697 = arith.constant 0 : i32
      %gather3A_698 = arith.constant 0 : i32
      %gather3A_699 = arith.constant 0 : i32
      %gather3A_700 = tpu.memref_slice %arg13[%gather3A_697, %gather3A_698, %gather3A_699] : memref<2x128x128xf32, #tpu.memory_space<vmem>> -> memref<1x128x128xf32, #tpu.memory_space<vmem>>
      %gather3A_701 = tpu.memref_squeeze %gather3A_700 : memref<1x128x128xf32, #tpu.memory_space<vmem>> -> memref<128x128xf32, #tpu.memory_space<vmem>>
      %gather3A_702 = tpu.vector_load_idx %gather3A_701[%add3A_201, %add3A_696] : memref<128x128xf32, #tpu.memory_space<vmem>>[vector<16xi32>, vector<16xi32>], vector<16xf32>,
      %add3A_703 = arith.constant 18 : i32
      %add3A_704 = vector.broadcast %add3A_703 : i32 to vector<16xi32>
      %add3A_705 = arith.addi %shift_left3A_219, %add3A_704 : vector<16xi32>
      %gather3A_706 = arith.constant 0 : i32
      %gather3A_707 = arith.constant 0 : i32
      %gather3A_708 = arith.constant 0 : i32
      %gather3A_709 = tpu.memref_slice %arg14[%gather3A_706, %gather3A_707, %gather3A_708] : memref<2x128x128xf32, #tpu.memory_space<vmem>> -> memref<1x128x128xf32, #tpu.memory_space<vmem>>
      %gather3A_710 = tpu.memref_squeeze %gather3A_709 : memref<1x128x128xf32, #tpu.memory_space<vmem>> -> memref<128x128xf32, #tpu.memory_space<vmem>>
      %gather3A_711 = tpu.vector_load_idx %gather3A_710[%add3A_201, %add3A_705] : memref<128x128xf32, #tpu.memory_space<vmem>>[vector<16xi32>, vector<16xi32>], vector<16xf32>,
      %mul3A_712 = arith.mulf %gather3A_702, %gather3A_711 : vector<16xf32>
      %add3A_713 = arith.addf %add3A_687, %mul3A_712 : vector<16xf32>
      %add3A_714 = arith.constant 18 : i32
      %add3A_715 = vector.broadcast %add3A_714 : i32 to vector<16xi32>
      %add3A_716 = arith.addi %shift_left3A_225, %add3A_715 : vector<16xi32>
      tpu.vector_store_idx %arg15[%add3A_716], %gather3A_702 : memref<16384xf32, #tpu.memory_space<vmem>>[vector<16xi32>], vector<16xf32>,
      %add3A_717 = arith.constant 18 : i32
      %add3A_718 = vector.broadcast %add3A_717 : i32 to vector<16xi32>
      %add3A_719 = arith.addi %shift_left3A_225, %add3A_718 : vector<16xi32>
      tpu.vector_store_idx %arg16[%add3A_719], %gather3A_711 : memref<16384xf32, #tpu.memory_space<vmem>>[vector<16xi32>], vector<16xf32>,
      %add3A_720 = arith.constant 19 : i32
      %add3A_721 = vector.broadcast %add3A_720 : i32 to vector<16xi32>
      %add3A_722 = arith.addi %shift_left3A_210, %add3A_721 : vector<16xi32>
      %gather3A_723 = arith.constant 0 : i32
      %gather3A_724 = arith.constant 0 : i32
      %gather3A_725 = arith.constant 0 : i32
      %gather3A_726 = tpu.memref_slice %arg13[%gather3A_723, %gather3A_724, %gather3A_725] : memref<2x128x128xf32, #tpu.memory_space<vmem>> -> memref<1x128x128xf32, #tpu.memory_space<vmem>>
      %gather3A_727 = tpu.memref_squeeze %gather3A_726 : memref<1x128x128xf32, #tpu.memory_space<vmem>> -> memref<128x128xf32, #tpu.memory_space<vmem>>
      %gather3A_728 = tpu.vector_load_idx %gather3A_727[%add3A_201, %add3A_722] : memref<128x128xf32, #tpu.memory_space<vmem>>[vector<16xi32>, vector<16xi32>], vector<16xf32>,
      %add3A_729 = arith.constant 19 : i32
      %add3A_730 = vector.broadcast %add3A_729 : i32 to vector<16xi32>
      %add3A_731 = arith.addi %shift_left3A_219, %add3A_730 : vector<16xi32>
      %gather3A_732 = arith.constant 0 : i32
      %gather3A_733 = arith.constant 0 : i32
      %gather3A_734 = arith.constant 0 : i32
      %gather3A_735 = tpu.memref_slice %arg14[%gather3A_732, %gather3A_733, %gather3A_734] : memref<2x128x128xf32, #tpu.memory_space<vmem>> -> memref<1x128x128xf32, #tpu.memory_space<vmem>>
      %gather3A_736 = tpu.memref_squeeze %gather3A_735 : memref<1x128x128xf32, #tpu.memory_space<vmem>> -> memref<128x128xf32, #tpu.memory_space<vmem>>
      %gather3A_737 = tpu.vector_load_idx %gather3A_736[%add3A_201, %add3A_731] : memref<128x128xf32, #tpu.memory_space<vmem>>[vector<16xi32>, vector<16xi32>], vector<16xf32>,
      %mul3A_738 = arith.mulf %gather3A_728, %gather3A_737 : vector<16xf32>
      %add3A_739 = arith.addf %add3A_713, %mul3A_738 : vector<16xf32>
      %add3A_740 = arith.constant 19 : i32
      %add3A_741 = vector.broadcast %add3A_740 : i32 to vector<16xi32>
      %add3A_742 = arith.addi %shift_left3A_225, %add3A_741 : vector<16xi32>
      tpu.vector_store_idx %arg15[%add3A_742], %gather3A_728 : memref<16384xf32, #tpu.memory_space<vmem>>[vector<16xi32>], vector<16xf32>,
      %add3A_743 = arith.constant 19 : i32
      %add3A_744 = vector.broadcast %add3A_743 : i32 to vector<16xi32>
      %add3A_745 = arith.addi %shift_left3A_225, %add3A_744 : vector<16xi32>
      tpu.vector_store_idx %arg16[%add3A_745], %gather3A_737 : memref<16384xf32, #tpu.memory_space<vmem>>[vector<16xi32>], vector<16xf32>,
      %add3A_746 = arith.constant 20 : i32
      %add3A_747 = vector.broadcast %add3A_746 : i32 to vector<16xi32>
      %add3A_748 = arith.addi %shift_left3A_210, %add3A_747 : vector<16xi32>
      %gather3A_749 = arith.constant 0 : i32
      %gather3A_750 = arith.constant 0 : i32
      %gather3A_751 = arith.constant 0 : i32
      %gather3A_752 = tpu.memref_slice %arg13[%gather3A_749, %gather3A_750, %gather3A_751] : memref<2x128x128xf32, #tpu.memory_space<vmem>> -> memref<1x128x128xf32, #tpu.memory_space<vmem>>
      %gather3A_753 = tpu.memref_squeeze %gather3A_752 : memref<1x128x128xf32, #tpu.memory_space<vmem>> -> memref<128x128xf32, #tpu.memory_space<vmem>>
      %gather3A_754 = tpu.vector_load_idx %gather3A_753[%add3A_201, %add3A_748] : memref<128x128xf32, #tpu.memory_space<vmem>>[vector<16xi32>, vector<16xi32>], vector<16xf32>,
      %add3A_755 = arith.constant 20 : i32
      %add3A_756 = vector.broadcast %add3A_755 : i32 to vector<16xi32>
      %add3A_757 = arith.addi %shift_left3A_219, %add3A_756 : vector<16xi32>
      %gather3A_758 = arith.constant 0 : i32
      %gather3A_759 = arith.constant 0 : i32
      %gather3A_760 = arith.constant 0 : i32
      %gather3A_761 = tpu.memref_slice %arg14[%gather3A_758, %gather3A_759, %gather3A_760] : memref<2x128x128xf32, #tpu.memory_space<vmem>> -> memref<1x128x128xf32, #tpu.memory_space<vmem>>
      %gather3A_762 = tpu.memref_squeeze %gather3A_761 : memref<1x128x128xf32, #tpu.memory_space<vmem>> -> memref<128x128xf32, #tpu.memory_space<vmem>>
      %gather3A_763 = tpu.vector_load_idx %gather3A_762[%add3A_201, %add3A_757] : memref<128x128xf32, #tpu.memory_space<vmem>>[vector<16xi32>, vector<16xi32>], vector<16xf32>,
      %mul3A_764 = arith.mulf %gather3A_754, %gather3A_763 : vector<16xf32>
      %add3A_765 = arith.addf %add3A_739, %mul3A_764 : vector<16xf32>
      %add3A_766 = arith.constant 20 : i32
      %add3A_767 = vector.broadcast %add3A_766 : i32 to vector<16xi32>
      %add3A_768 = arith.addi %shift_left3A_225, %add3A_767 : vector<16xi32>
      tpu.vector_store_idx %arg15[%add3A_768], %gather3A_754 : memref<16384xf32, #tpu.memory_space<vmem>>[vector<16xi32>], vector<16xf32>,
      %add3A_769 = arith.constant 20 : i32
      %add3A_770 = vector.broadcast %add3A_769 : i32 to vector<16xi32>
      %add3A_771 = arith.addi %shift_left3A_225, %add3A_770 : vector<16xi32>
      tpu.vector_store_idx %arg16[%add3A_771], %gather3A_763 : memref<16384xf32, #tpu.memory_space<vmem>>[vector<16xi32>], vector<16xf32>,
      %add3A_772 = arith.constant 21 : i32
      %add3A_773 = vector.broadcast %add3A_772 : i32 to vector<16xi32>
      %add3A_774 = arith.addi %shift_left3A_210, %add3A_773 : vector<16xi32>
      %gather3A_775 = arith.constant 0 : i32
      %gather3A_776 = arith.constant 0 : i32
      %gather3A_777 = arith.constant 0 : i32
      %gather3A_778 = tpu.memref_slice %arg13[%gather3A_775, %gather3A_776, %gather3A_777] : memref<2x128x128xf32, #tpu.memory_space<vmem>> -> memref<1x128x128xf32, #tpu.memory_space<vmem>>
      %gather3A_779 = tpu.memref_squeeze %gather3A_778 : memref<1x128x128xf32, #tpu.memory_space<vmem>> -> memref<128x128xf32, #tpu.memory_space<vmem>>
      %gather3A_780 = tpu.vector_load_idx %gather3A_779[%add3A_201, %add3A_774] : memref<128x128xf32, #tpu.memory_space<vmem>>[vector<16xi32>, vector<16xi32>], vector<16xf32>,
      %add3A_781 = arith.constant 21 : i32
      %add3A_782 = vector.broadcast %add3A_781 : i32 to vector<16xi32>
      %add3A_783 = arith.addi %shift_left3A_219, %add3A_782 : vector<16xi32>
      %gather3A_784 = arith.constant 0 : i32
      %gather3A_785 = arith.constant 0 : i32
      %gather3A_786 = arith.constant 0 : i32
      %gather3A_787 = tpu.memref_slice %arg14[%gather3A_784, %gather3A_785, %gather3A_786] : memref<2x128x128xf32, #tpu.memory_space<vmem>> -> memref<1x128x128xf32, #tpu.memory_space<vmem>>
      %gather3A_788 = tpu.memref_squeeze %gather3A_787 : memref<1x128x128xf32, #tpu.memory_space<vmem>> -> memref<128x128xf32, #tpu.memory_space<vmem>>
      %gather3A_789 = tpu.vector_load_idx %gather3A_788[%add3A_201, %add3A_783] : memref<128x128xf32, #tpu.memory_space<vmem>>[vector<16xi32>, vector<16xi32>], vector<16xf32>,
      %mul3A_790 = arith.mulf %gather3A_780, %gather3A_789 : vector<16xf32>
      %add3A_791 = arith.addf %add3A_765, %mul3A_790 : vector<16xf32>
      %add3A_792 = arith.constant 21 : i32
      %add3A_793 = vector.broadcast %add3A_792 : i32 to vector<16xi32>
      %add3A_794 = arith.addi %shift_left3A_225, %add3A_793 : vector<16xi32>
      tpu.vector_store_idx %arg15[%add3A_794], %gather3A_780 : memref<16384xf32, #tpu.memory_space<vmem>>[vector<16xi32>], vector<16xf32>,
      %add3A_795 = arith.constant 21 : i32
      %add3A_796 = vector.broadcast %add3A_795 : i32 to vector<16xi32>
      %add3A_797 = arith.addi %shift_left3A_225, %add3A_796 : vector<16xi32>
      tpu.vector_store_idx %arg16[%add3A_797], %gather3A_789 : memref<16384xf32, #tpu.memory_space<vmem>>[vector<16xi32>], vector<16xf32>,
      %add3A_798 = arith.constant 22 : i32
      %add3A_799 = vector.broadcast %add3A_798 : i32 to vector<16xi32>
      %add3A_800 = arith.addi %shift_left3A_210, %add3A_799 : vector<16xi32>
      %gather3A_801 = arith.constant 0 : i32
      %gather3A_802 = arith.constant 0 : i32
      %gather3A_803 = arith.constant 0 : i32
      %gather3A_804 = tpu.memref_slice %arg13[%gather3A_801, %gather3A_802, %gather3A_803] : memref<2x128x128xf32, #tpu.memory_space<vmem>> -> memref<1x128x128xf32, #tpu.memory_space<vmem>>
      %gather3A_805 = tpu.memref_squeeze %gather3A_804 : memref<1x128x128xf32, #tpu.memory_space<vmem>> -> memref<128x128xf32, #tpu.memory_space<vmem>>
      %gather3A_806 = tpu.vector_load_idx %gather3A_805[%add3A_201, %add3A_800] : memref<128x128xf32, #tpu.memory_space<vmem>>[vector<16xi32>, vector<16xi32>], vector<16xf32>,
      %add3A_807 = arith.constant 22 : i32
      %add3A_808 = vector.broadcast %add3A_807 : i32 to vector<16xi32>
      %add3A_809 = arith.addi %shift_left3A_219, %add3A_808 : vector<16xi32>
      %gather3A_810 = arith.constant 0 : i32
      %gather3A_811 = arith.constant 0 : i32
      %gather3A_812 = arith.constant 0 : i32
      %gather3A_813 = tpu.memref_slice %arg14[%gather3A_810, %gather3A_811, %gather3A_812] : memref<2x128x128xf32, #tpu.memory_space<vmem>> -> memref<1x128x128xf32, #tpu.memory_space<vmem>>
      %gather3A_814 = tpu.memref_squeeze %gather3A_813 : memref<1x128x128xf32, #tpu.memory_space<vmem>> -> memref<128x128xf32, #tpu.memory_space<vmem>>
      %gather3A_815 = tpu.vector_load_idx %gather3A_814[%add3A_201, %add3A_809] : memref<128x128xf32, #tpu.memory_space<vmem>>[vector<16xi32>, vector<16xi32>], vector<16xf32>,
      %mul3A_816 = arith.mulf %gather3A_806, %gather3A_815 : vector<16xf32>
      %add3A_817 = arith.addf %add3A_791, %mul3A_816 : vector<16xf32>
      %add3A_818 = arith.constant 22 : i32
      %add3A_819 = vector.broadcast %add3A_818 : i32 to vector<16xi32>
      %add3A_820 = arith.addi %shift_left3A_225, %add3A_819 : vector<16xi32>
      tpu.vector_store_idx %arg15[%add3A_820], %gather3A_806 : memref<16384xf32, #tpu.memory_space<vmem>>[vector<16xi32>], vector<16xf32>,
      %add3A_821 = arith.constant 22 : i32
      %add3A_822 = vector.broadcast %add3A_821 : i32 to vector<16xi32>
      %add3A_823 = arith.addi %shift_left3A_225, %add3A_822 : vector<16xi32>
      tpu.vector_store_idx %arg16[%add3A_823], %gather3A_815 : memref<16384xf32, #tpu.memory_space<vmem>>[vector<16xi32>], vector<16xf32>,
      %add3A_824 = arith.constant 23 : i32
      %add3A_825 = vector.broadcast %add3A_824 : i32 to vector<16xi32>
      %add3A_826 = arith.addi %shift_left3A_210, %add3A_825 : vector<16xi32>
      %gather3A_827 = arith.constant 0 : i32
      %gather3A_828 = arith.constant 0 : i32
      %gather3A_829 = arith.constant 0 : i32
      %gather3A_830 = tpu.memref_slice %arg13[%gather3A_827, %gather3A_828, %gather3A_829] : memref<2x128x128xf32, #tpu.memory_space<vmem>> -> memref<1x128x128xf32, #tpu.memory_space<vmem>>
      %gather3A_831 = tpu.memref_squeeze %gather3A_830 : memref<1x128x128xf32, #tpu.memory_space<vmem>> -> memref<128x128xf32, #tpu.memory_space<vmem>>
      %gather3A_832 = tpu.vector_load_idx %gather3A_831[%add3A_201, %add3A_826] : memref<128x128xf32, #tpu.memory_space<vmem>>[vector<16xi32>, vector<16xi32>], vector<16xf32>,
      %add3A_833 = arith.constant 23 : i32
      %add3A_834 = vector.broadcast %add3A_833 : i32 to vector<16xi32>
      %add3A_835 = arith.addi %shift_left3A_219, %add3A_834 : vector<16xi32>
      %gather3A_836 = arith.constant 0 : i32
      %gather3A_837 = arith.constant 0 : i32
      %gather3A_838 = arith.constant 0 : i32
      %gather3A_839 = tpu.memref_slice %arg14[%gather3A_836, %gather3A_837, %gather3A_838] : memref<2x128x128xf32, #tpu.memory_space<vmem>> -> memref<1x128x128xf32, #tpu.memory_space<vmem>>
      %gather3A_840 = tpu.memref_squeeze %gather3A_839 : memref<1x128x128xf32, #tpu.memory_space<vmem>> -> memref<128x128xf32, #tpu.memory_space<vmem>>
      %gather3A_841 = tpu.vector_load_idx %gather3A_840[%add3A_201, %add3A_835] : memref<128x128xf32, #tpu.memory_space<vmem>>[vector<16xi32>, vector<16xi32>], vector<16xf32>,
      %mul3A_842 = arith.mulf %gather3A_832, %gather3A_841 : vector<16xf32>
      %add3A_843 = arith.addf %add3A_817, %mul3A_842 : vector<16xf32>
      %add3A_844 = arith.constant 23 : i32
      %add3A_845 = vector.broadcast %add3A_844 : i32 to vector<16xi32>
      %add3A_846 = arith.addi %shift_left3A_225, %add3A_845 : vector<16xi32>
      tpu.vector_store_idx %arg15[%add3A_846], %gather3A_832 : memref<16384xf32, #tpu.memory_space<vmem>>[vector<16xi32>], vector<16xf32>,
      %add3A_847 = arith.constant 23 : i32
      %add3A_848 = vector.broadcast %add3A_847 : i32 to vector<16xi32>
      %add3A_849 = arith.addi %shift_left3A_225, %add3A_848 : vector<16xi32>
      tpu.vector_store_idx %arg16[%add3A_849], %gather3A_841 : memref<16384xf32, #tpu.memory_space<vmem>>[vector<16xi32>], vector<16xf32>,
      %add3A_850 = arith.constant 24 : i32
      %add3A_851 = vector.broadcast %add3A_850 : i32 to vector<16xi32>
      %add3A_852 = arith.addi %shift_left3A_210, %add3A_851 : vector<16xi32>
      %gather3A_853 = arith.constant 0 : i32
      %gather3A_854 = arith.constant 0 : i32
      %gather3A_855 = arith.constant 0 : i32
      %gather3A_856 = tpu.memref_slice %arg13[%gather3A_853, %gather3A_854, %gather3A_855] : memref<2x128x128xf32, #tpu.memory_space<vmem>> -> memref<1x128x128xf32, #tpu.memory_space<vmem>>
      %gather3A_857 = tpu.memref_squeeze %gather3A_856 : memref<1x128x128xf32, #tpu.memory_space<vmem>> -> memref<128x128xf32, #tpu.memory_space<vmem>>
      %gather3A_858 = tpu.vector_load_idx %gather3A_857[%add3A_201, %add3A_852] : memref<128x128xf32, #tpu.memory_space<vmem>>[vector<16xi32>, vector<16xi32>], vector<16xf32>,
      %add3A_859 = arith.constant 24 : i32
      %add3A_860 = vector.broadcast %add3A_859 : i32 to vector<16xi32>
      %add3A_861 = arith.addi %shift_left3A_219, %add3A_860 : vector<16xi32>
      %gather3A_862 = arith.constant 0 : i32
      %gather3A_863 = arith.constant 0 : i32
      %gather3A_864 = arith.constant 0 : i32
      %gather3A_865 = tpu.memref_slice %arg14[%gather3A_862, %gather3A_863, %gather3A_864] : memref<2x128x128xf32, #tpu.memory_space<vmem>> -> memref<1x128x128xf32, #tpu.memory_space<vmem>>
      %gather3A_866 = tpu.memref_squeeze %gather3A_865 : memref<1x128x128xf32, #tpu.memory_space<vmem>> -> memref<128x128xf32, #tpu.memory_space<vmem>>
      %gather3A_867 = tpu.vector_load_idx %gather3A_866[%add3A_201, %add3A_861] : memref<128x128xf32, #tpu.memory_space<vmem>>[vector<16xi32>, vector<16xi32>], vector<16xf32>,
      %mul3A_868 = arith.mulf %gather3A_858, %gather3A_867 : vector<16xf32>
      %add3A_869 = arith.addf %add3A_843, %mul3A_868 : vector<16xf32>
      %add3A_870 = arith.constant 24 : i32
      %add3A_871 = vector.broadcast %add3A_870 : i32 to vector<16xi32>
      %add3A_872 = arith.addi %shift_left3A_225, %add3A_871 : vector<16xi32>
      tpu.vector_store_idx %arg15[%add3A_872], %gather3A_858 : memref<16384xf32, #tpu.memory_space<vmem>>[vector<16xi32>], vector<16xf32>,
      %add3A_873 = arith.constant 24 : i32
      %add3A_874 = vector.broadcast %add3A_873 : i32 to vector<16xi32>
      %add3A_875 = arith.addi %shift_left3A_225, %add3A_874 : vector<16xi32>
      tpu.vector_store_idx %arg16[%add3A_875], %gather3A_867 : memref<16384xf32, #tpu.memory_space<vmem>>[vector<16xi32>], vector<16xf32>,
      %add3A_876 = arith.constant 25 : i32
      %add3A_877 = vector.broadcast %add3A_876 : i32 to vector<16xi32>
      %add3A_878 = arith.addi %shift_left3A_210, %add3A_877 : vector<16xi32>
      %gather3A_879 = arith.constant 0 : i32
      %gather3A_880 = arith.constant 0 : i32
      %gather3A_881 = arith.constant 0 : i32
      %gather3A_882 = tpu.memref_slice %arg13[%gather3A_879, %gather3A_880, %gather3A_881] : memref<2x128x128xf32, #tpu.memory_space<vmem>> -> memref<1x128x128xf32, #tpu.memory_space<vmem>>
      %gather3A_883 = tpu.memref_squeeze %gather3A_882 : memref<1x128x128xf32, #tpu.memory_space<vmem>> -> memref<128x128xf32, #tpu.memory_space<vmem>>
      %gather3A_884 = tpu.vector_load_idx %gather3A_883[%add3A_201, %add3A_878] : memref<128x128xf32, #tpu.memory_space<vmem>>[vector<16xi32>, vector<16xi32>], vector<16xf32>,
      %add3A_885 = arith.constant 25 : i32
      %add3A_886 = vector.broadcast %add3A_885 : i32 to vector<16xi32>
      %add3A_887 = arith.addi %shift_left3A_219, %add3A_886 : vector<16xi32>
      %gather3A_888 = arith.constant 0 : i32
      %gather3A_889 = arith.constant 0 : i32
      %gather3A_890 = arith.constant 0 : i32
      %gather3A_891 = tpu.memref_slice %arg14[%gather3A_888, %gather3A_889, %gather3A_890] : memref<2x128x128xf32, #tpu.memory_space<vmem>> -> memref<1x128x128xf32, #tpu.memory_space<vmem>>
      %gather3A_892 = tpu.memref_squeeze %gather3A_891 : memref<1x128x128xf32, #tpu.memory_space<vmem>> -> memref<128x128xf32, #tpu.memory_space<vmem>>
      %gather3A_893 = tpu.vector_load_idx %gather3A_892[%add3A_201, %add3A_887] : memref<128x128xf32, #tpu.memory_space<vmem>>[vector<16xi32>, vector<16xi32>], vector<16xf32>,
      %mul3A_894 = arith.mulf %gather3A_884, %gather3A_893 : vector<16xf32>
      %add3A_895 = arith.addf %add3A_869, %mul3A_894 : vector<16xf32>
      %add3A_896 = arith.constant 25 : i32
      %add3A_897 = vector.broadcast %add3A_896 : i32 to vector<16xi32>
      %add3A_898 = arith.addi %shift_left3A_225, %add3A_897 : vector<16xi32>
      tpu.vector_store_idx %arg15[%add3A_898], %gather3A_884 : memref<16384xf32, #tpu.memory_space<vmem>>[vector<16xi32>], vector<16xf32>,
      %add3A_899 = arith.constant 25 : i32
      %add3A_900 = vector.broadcast %add3A_899 : i32 to vector<16xi32>
      %add3A_901 = arith.addi %shift_left3A_225, %add3A_900 : vector<16xi32>
      tpu.vector_store_idx %arg16[%add3A_901], %gather3A_893 : memref<16384xf32, #tpu.memory_space<vmem>>[vector<16xi32>], vector<16xf32>,
      %add3A_902 = arith.constant 26 : i32
      %add3A_903 = vector.broadcast %add3A_902 : i32 to vector<16xi32>
      %add3A_904 = arith.addi %shift_left3A_210, %add3A_903 : vector<16xi32>
      %gather3A_905 = arith.constant 0 : i32
      %gather3A_906 = arith.constant 0 : i32
      %gather3A_907 = arith.constant 0 : i32
      %gather3A_908 = tpu.memref_slice %arg13[%gather3A_905, %gather3A_906, %gather3A_907] : memref<2x128x128xf32, #tpu.memory_space<vmem>> -> memref<1x128x128xf32, #tpu.memory_space<vmem>>
      %gather3A_909 = tpu.memref_squeeze %gather3A_908 : memref<1x128x128xf32, #tpu.memory_space<vmem>> -> memref<128x128xf32, #tpu.memory_space<vmem>>
      %gather3A_910 = tpu.vector_load_idx %gather3A_909[%add3A_201, %add3A_904] : memref<128x128xf32, #tpu.memory_space<vmem>>[vector<16xi32>, vector<16xi32>], vector<16xf32>,
      %add3A_911 = arith.constant 26 : i32
      %add3A_912 = vector.broadcast %add3A_911 : i32 to vector<16xi32>
      %add3A_913 = arith.addi %shift_left3A_219, %add3A_912 : vector<16xi32>
      %gather3A_914 = arith.constant 0 : i32
      %gather3A_915 = arith.constant 0 : i32
      %gather3A_916 = arith.constant 0 : i32
      %gather3A_917 = tpu.memref_slice %arg14[%gather3A_914, %gather3A_915, %gather3A_916] : memref<2x128x128xf32, #tpu.memory_space<vmem>> -> memref<1x128x128xf32, #tpu.memory_space<vmem>>
      %gather3A_918 = tpu.memref_squeeze %gather3A_917 : memref<1x128x128xf32, #tpu.memory_space<vmem>> -> memref<128x128xf32, #tpu.memory_space<vmem>>
      %gather3A_919 = tpu.vector_load_idx %gather3A_918[%add3A_201, %add3A_913] : memref<128x128xf32, #tpu.memory_space<vmem>>[vector<16xi32>, vector<16xi32>], vector<16xf32>,
      %mul3A_920 = arith.mulf %gather3A_910, %gather3A_919 : vector<16xf32>
      %add3A_921 = arith.addf %add3A_895, %mul3A_920 : vector<16xf32>
      %add3A_922 = arith.constant 26 : i32
      %add3A_923 = vector.broadcast %add3A_922 : i32 to vector<16xi32>
      %add3A_924 = arith.addi %shift_left3A_225, %add3A_923 : vector<16xi32>
      tpu.vector_store_idx %arg15[%add3A_924], %gather3A_910 : memref<16384xf32, #tpu.memory_space<vmem>>[vector<16xi32>], vector<16xf32>,
      %add3A_925 = arith.constant 26 : i32
      %add3A_926 = vector.broadcast %add3A_925 : i32 to vector<16xi32>
      %add3A_927 = arith.addi %shift_left3A_225, %add3A_926 : vector<16xi32>
      tpu.vector_store_idx %arg16[%add3A_927], %gather3A_919 : memref<16384xf32, #tpu.memory_space<vmem>>[vector<16xi32>], vector<16xf32>,
      %add3A_928 = arith.constant 27 : i32
      %add3A_929 = vector.broadcast %add3A_928 : i32 to vector<16xi32>
      %add3A_930 = arith.addi %shift_left3A_210, %add3A_929 : vector<16xi32>
      %gather3A_931 = arith.constant 0 : i32
      %gather3A_932 = arith.constant 0 : i32
      %gather3A_933 = arith.constant 0 : i32
      %gather3A_934 = tpu.memref_slice %arg13[%gather3A_931, %gather3A_932, %gather3A_933] : memref<2x128x128xf32, #tpu.memory_space<vmem>> -> memref<1x128x128xf32, #tpu.memory_space<vmem>>
      %gather3A_935 = tpu.memref_squeeze %gather3A_934 : memref<1x128x128xf32, #tpu.memory_space<vmem>> -> memref<128x128xf32, #tpu.memory_space<vmem>>
      %gather3A_936 = tpu.vector_load_idx %gather3A_935[%add3A_201, %add3A_930] : memref<128x128xf32, #tpu.memory_space<vmem>>[vector<16xi32>, vector<16xi32>], vector<16xf32>,
      %add3A_937 = arith.constant 27 : i32
      %add3A_938 = vector.broadcast %add3A_937 : i32 to vector<16xi32>
      %add3A_939 = arith.addi %shift_left3A_219, %add3A_938 : vector<16xi32>
      %gather3A_940 = arith.constant 0 : i32
      %gather3A_941 = arith.constant 0 : i32
      %gather3A_942 = arith.constant 0 : i32
      %gather3A_943 = tpu.memref_slice %arg14[%gather3A_940, %gather3A_941, %gather3A_942] : memref<2x128x128xf32, #tpu.memory_space<vmem>> -> memref<1x128x128xf32, #tpu.memory_space<vmem>>
      %gather3A_944 = tpu.memref_squeeze %gather3A_943 : memref<1x128x128xf32, #tpu.memory_space<vmem>> -> memref<128x128xf32, #tpu.memory_space<vmem>>
      %gather3A_945 = tpu.vector_load_idx %gather3A_944[%add3A_201, %add3A_939] : memref<128x128xf32, #tpu.memory_space<vmem>>[vector<16xi32>, vector<16xi32>], vector<16xf32>,
      %mul3A_946 = arith.mulf %gather3A_936, %gather3A_945 : vector<16xf32>
      %add3A_947 = arith.addf %add3A_921, %mul3A_946 : vector<16xf32>
      %add3A_948 = arith.constant 27 : i32
      %add3A_949 = vector.broadcast %add3A_948 : i32 to vector<16xi32>
      %add3A_950 = arith.addi %shift_left3A_225, %add3A_949 : vector<16xi32>
      tpu.vector_store_idx %arg15[%add3A_950], %gather3A_936 : memref<16384xf32, #tpu.memory_space<vmem>>[vector<16xi32>], vector<16xf32>,
      %add3A_951 = arith.constant 27 : i32
      %add3A_952 = vector.broadcast %add3A_951 : i32 to vector<16xi32>
      %add3A_953 = arith.addi %shift_left3A_225, %add3A_952 : vector<16xi32>
      tpu.vector_store_idx %arg16[%add3A_953], %gather3A_945 : memref<16384xf32, #tpu.memory_space<vmem>>[vector<16xi32>], vector<16xf32>,
      %add3A_954 = arith.constant 28 : i32
      %add3A_955 = vector.broadcast %add3A_954 : i32 to vector<16xi32>
      %add3A_956 = arith.addi %shift_left3A_210, %add3A_955 : vector<16xi32>
      %gather3A_957 = arith.constant 0 : i32
      %gather3A_958 = arith.constant 0 : i32
      %gather3A_959 = arith.constant 0 : i32
      %gather3A_960 = tpu.memref_slice %arg13[%gather3A_957, %gather3A_958, %gather3A_959] : memref<2x128x128xf32, #tpu.memory_space<vmem>> -> memref<1x128x128xf32, #tpu.memory_space<vmem>>
      %gather3A_961 = tpu.memref_squeeze %gather3A_960 : memref<1x128x128xf32, #tpu.memory_space<vmem>> -> memref<128x128xf32, #tpu.memory_space<vmem>>
      %gather3A_962 = tpu.vector_load_idx %gather3A_961[%add3A_201, %add3A_956] : memref<128x128xf32, #tpu.memory_space<vmem>>[vector<16xi32>, vector<16xi32>], vector<16xf32>,
      %add3A_963 = arith.constant 28 : i32
      %add3A_964 = vector.broadcast %add3A_963 : i32 to vector<16xi32>
      %add3A_965 = arith.addi %shift_left3A_219, %add3A_964 : vector<16xi32>
      %gather3A_966 = arith.constant 0 : i32
      %gather3A_967 = arith.constant 0 : i32
      %gather3A_968 = arith.constant 0 : i32
      %gather3A_969 = tpu.memref_slice %arg14[%gather3A_966, %gather3A_967, %gather3A_968] : memref<2x128x128xf32, #tpu.memory_space<vmem>> -> memref<1x128x128xf32, #tpu.memory_space<vmem>>
      %gather3A_970 = tpu.memref_squeeze %gather3A_969 : memref<1x128x128xf32, #tpu.memory_space<vmem>> -> memref<128x128xf32, #tpu.memory_space<vmem>>
      %gather3A_971 = tpu.vector_load_idx %gather3A_970[%add3A_201, %add3A_965] : memref<128x128xf32, #tpu.memory_space<vmem>>[vector<16xi32>, vector<16xi32>], vector<16xf32>,
      %mul3A_972 = arith.mulf %gather3A_962, %gather3A_971 : vector<16xf32>
      %add3A_973 = arith.addf %add3A_947, %mul3A_972 : vector<16xf32>
      %add3A_974 = arith.constant 28 : i32
      %add3A_975 = vector.broadcast %add3A_974 : i32 to vector<16xi32>
      %add3A_976 = arith.addi %shift_left3A_225, %add3A_975 : vector<16xi32>
      tpu.vector_store_idx %arg15[%add3A_976], %gather3A_962 : memref<16384xf32, #tpu.memory_space<vmem>>[vector<16xi32>], vector<16xf32>,
      %add3A_977 = arith.constant 28 : i32
      %add3A_978 = vector.broadcast %add3A_977 : i32 to vector<16xi32>
      %add3A_979 = arith.addi %shift_left3A_225, %add3A_978 : vector<16xi32>
      tpu.vector_store_idx %arg16[%add3A_979], %gather3A_971 : memref<16384xf32, #tpu.memory_space<vmem>>[vector<16xi32>], vector<16xf32>,
      %add3A_980 = arith.constant 29 : i32
      %add3A_981 = vector.broadcast %add3A_980 : i32 to vector<16xi32>
      %add3A_982 = arith.addi %shift_left3A_210, %add3A_981 : vector<16xi32>
      %gather3A_983 = arith.constant 0 : i32
      %gather3A_984 = arith.constant 0 : i32
      %gather3A_985 = arith.constant 0 : i32
      %gather3A_986 = tpu.memref_slice %arg13[%gather3A_983, %gather3A_984, %gather3A_985] : memref<2x128x128xf32, #tpu.memory_space<vmem>> -> memref<1x128x128xf32, #tpu.memory_space<vmem>>
      %gather3A_987 = tpu.memref_squeeze %gather3A_986 : memref<1x128x128xf32, #tpu.memory_space<vmem>> -> memref<128x128xf32, #tpu.memory_space<vmem>>
      %gather3A_988 = tpu.vector_load_idx %gather3A_987[%add3A_201, %add3A_982] : memref<128x128xf32, #tpu.memory_space<vmem>>[vector<16xi32>, vector<16xi32>], vector<16xf32>,
      %add3A_989 = arith.constant 29 : i32
      %add3A_990 = vector.broadcast %add3A_989 : i32 to vector<16xi32>
      %add3A_991 = arith.addi %shift_left3A_219, %add3A_990 : vector<16xi32>
      %gather3A_992 = arith.constant 0 : i32
      %gather3A_993 = arith.constant 0 : i32
      %gather3A_994 = arith.constant 0 : i32
      %gather3A_995 = tpu.memref_slice %arg14[%gather3A_992, %gather3A_993, %gather3A_994] : memref<2x128x128xf32, #tpu.memory_space<vmem>> -> memref<1x128x128xf32, #tpu.memory_space<vmem>>
      %gather3A_996 = tpu.memref_squeeze %gather3A_995 : memref<1x128x128xf32, #tpu.memory_space<vmem>> -> memref<128x128xf32, #tpu.memory_space<vmem>>
      %gather3A_997 = tpu.vector_load_idx %gather3A_996[%add3A_201, %add3A_991] : memref<128x128xf32, #tpu.memory_space<vmem>>[vector<16xi32>, vector<16xi32>], vector<16xf32>,
      %mul3A_998 = arith.mulf %gather3A_988, %gather3A_997 : vector<16xf32>
      %add3A_999 = arith.addf %add3A_973, %mul3A_998 : vector<16xf32>
      %add3A_1000 = arith.constant 29 : i32
      %add3A_1001 = vector.broadcast %add3A_1000 : i32 to vector<16xi32>
      %add3A_1002 = arith.addi %shift_left3A_225, %add3A_1001 : vector<16xi32>
      tpu.vector_store_idx %arg15[%add3A_1002], %gather3A_988 : memref<16384xf32, #tpu.memory_space<vmem>>[vector<16xi32>], vector<16xf32>,
      %add3A_1003 = arith.constant 29 : i32
      %add3A_1004 = vector.broadcast %add3A_1003 : i32 to vector<16xi32>
      %add3A_1005 = arith.addi %shift_left3A_225, %add3A_1004 : vector<16xi32>
      tpu.vector_store_idx %arg16[%add3A_1005], %gather3A_997 : memref<16384xf32, #tpu.memory_space<vmem>>[vector<16xi32>], vector<16xf32>,
      %add3A_1006 = arith.constant 30 : i32
      %add3A_1007 = vector.broadcast %add3A_1006 : i32 to vector<16xi32>
      %add3A_1008 = arith.addi %shift_left3A_210, %add3A_1007 : vector<16xi32>
      %gather3A_1009 = arith.constant 0 : i32
      %gather3A_1010 = arith.constant 0 : i32
      %gather3A_1011 = arith.constant 0 : i32
      %gather3A_1012 = tpu.memref_slice %arg13[%gather3A_1009, %gather3A_1010, %gather3A_1011] : memref<2x128x128xf32, #tpu.memory_space<vmem>> -> memref<1x128x128xf32, #tpu.memory_space<vmem>>
      %gather3A_1013 = tpu.memref_squeeze %gather3A_1012 : memref<1x128x128xf32, #tpu.memory_space<vmem>> -> memref<128x128xf32, #tpu.memory_space<vmem>>
      %gather3A_1014 = tpu.vector_load_idx %gather3A_1013[%add3A_201, %add3A_1008] : memref<128x128xf32, #tpu.memory_space<vmem>>[vector<16xi32>, vector<16xi32>], vector<16xf32>,
      %add3A_1015 = arith.constant 30 : i32
      %add3A_1016 = vector.broadcast %add3A_1015 : i32 to vector<16xi32>
      %add3A_1017 = arith.addi %shift_left3A_219, %add3A_1016 : vector<16xi32>
      %gather3A_1018 = arith.constant 0 : i32
      %gather3A_1019 = arith.constant 0 : i32
      %gather3A_1020 = arith.constant 0 : i32
      %gather3A_1021 = tpu.memref_slice %arg14[%gather3A_1018, %gather3A_1019, %gather3A_1020] : memref<2x128x128xf32, #tpu.memory_space<vmem>> -> memref<1x128x128xf32, #tpu.memory_space<vmem>>
      %gather3A_1022 = tpu.memref_squeeze %gather3A_1021 : memref<1x128x128xf32, #tpu.memory_space<vmem>> -> memref<128x128xf32, #tpu.memory_space<vmem>>
      %gather3A_1023 = tpu.vector_load_idx %gather3A_1022[%add3A_201, %add3A_1017] : memref<128x128xf32, #tpu.memory_space<vmem>>[vector<16xi32>, vector<16xi32>], vector<16xf32>,
      %mul3A_1024 = arith.mulf %gather3A_1014, %gather3A_1023 : vector<16xf32>
      %add3A_1025 = arith.addf %add3A_999, %mul3A_1024 : vector<16xf32>
      %add3A_1026 = arith.constant 30 : i32
      %add3A_1027 = vector.broadcast %add3A_1026 : i32 to vector<16xi32>
      %add3A_1028 = arith.addi %shift_left3A_225, %add3A_1027 : vector<16xi32>
      tpu.vector_store_idx %arg15[%add3A_1028], %gather3A_1014 : memref<16384xf32, #tpu.memory_space<vmem>>[vector<16xi32>], vector<16xf32>,
      %add3A_1029 = arith.constant 30 : i32
      %add3A_1030 = vector.broadcast %add3A_1029 : i32 to vector<16xi32>
      %add3A_1031 = arith.addi %shift_left3A_225, %add3A_1030 : vector<16xi32>
      tpu.vector_store_idx %arg16[%add3A_1031], %gather3A_1023 : memref<16384xf32, #tpu.memory_space<vmem>>[vector<16xi32>], vector<16xf32>,
      %add3A_1032 = arith.constant 31 : i32
      %add3A_1033 = vector.broadcast %add3A_1032 : i32 to vector<16xi32>
      %add3A_1034 = arith.addi %shift_left3A_210, %add3A_1033 : vector<16xi32>
      %gather3A_1035 = arith.constant 0 : i32
      %gather3A_1036 = arith.constant 0 : i32
      %gather3A_1037 = arith.constant 0 : i32
      %gather3A_1038 = tpu.memref_slice %arg13[%gather3A_1035, %gather3A_1036, %gather3A_1037] : memref<2x128x128xf32, #tpu.memory_space<vmem>> -> memref<1x128x128xf32, #tpu.memory_space<vmem>>
      %gather3A_1039 = tpu.memref_squeeze %gather3A_1038 : memref<1x128x128xf32, #tpu.memory_space<vmem>> -> memref<128x128xf32, #tpu.memory_space<vmem>>
      %gather3A_1040 = tpu.vector_load_idx %gather3A_1039[%add3A_201, %add3A_1034] : memref<128x128xf32, #tpu.memory_space<vmem>>[vector<16xi32>, vector<16xi32>], vector<16xf32>,
      %add3A_1041 = arith.constant 31 : i32
      %add3A_1042 = vector.broadcast %add3A_1041 : i32 to vector<16xi32>
      %add3A_1043 = arith.addi %shift_left3A_219, %add3A_1042 : vector<16xi32>
      %gather3A_1044 = arith.constant 0 : i32
      %gather3A_1045 = arith.constant 0 : i32
      %gather3A_1046 = arith.constant 0 : i32
      %gather3A_1047 = tpu.memref_slice %arg14[%gather3A_1044, %gather3A_1045, %gather3A_1046] : memref<2x128x128xf32, #tpu.memory_space<vmem>> -> memref<1x128x128xf32, #tpu.memory_space<vmem>>
      %gather3A_1048 = tpu.memref_squeeze %gather3A_1047 : memref<1x128x128xf32, #tpu.memory_space<vmem>> -> memref<128x128xf32, #tpu.memory_space<vmem>>
      %gather3A_1049 = tpu.vector_load_idx %gather3A_1048[%add3A_201, %add3A_1043] : memref<128x128xf32, #tpu.memory_space<vmem>>[vector<16xi32>, vector<16xi32>], vector<16xf32>,
      %mul3A_1050 = arith.mulf %gather3A_1040, %gather3A_1049 : vector<16xf32>
      %add3A_1051 = arith.addf %add3A_1025, %mul3A_1050 : vector<16xf32>
      %add3A_1052 = arith.constant 31 : i32
      %add3A_1053 = vector.broadcast %add3A_1052 : i32 to vector<16xi32>
      %add3A_1054 = arith.addi %shift_left3A_225, %add3A_1053 : vector<16xi32>
      tpu.vector_store_idx %arg15[%add3A_1054], %gather3A_1040 : memref<16384xf32, #tpu.memory_space<vmem>>[vector<16xi32>], vector<16xf32>,
      %add3A_1055 = arith.constant 31 : i32
      %add3A_1056 = vector.broadcast %add3A_1055 : i32 to vector<16xi32>
      %add3A_1057 = arith.addi %shift_left3A_225, %add3A_1056 : vector<16xi32>
      tpu.vector_store_idx %arg16[%add3A_1057], %gather3A_1049 : memref<16384xf32, #tpu.memory_space<vmem>>[vector<16xi32>], vector<16xf32>,
      %swap3A = arith.index_cast %add3A_197 : i32 to index
      %swap3A_1058 = tpu.vector_load %arg17[%swap3A] {strides = array<i32>} : memref<512xf32, #tpu.memory_space<vmem>>, vector<16xf32>,
      tpu.vector_store %arg17[%swap3A], %add3A_1051 {strides = array<i32>} : memref<512xf32, #tpu.memory_space<vmem>>, vector<16xf32>,
    }
    %scan3A_159 = arith.constant 8 : i32
    %dma_wait3A_160 = arith.constant 1 : i32
    %dma_wait3A_161 = arith.constant 0 : i32
    %dma_wait3A_162 = arith.constant 0 : i32
    %dma_wait3A_163 = tpu.memref_slice %arg13[%dma_wait3A_160, %dma_wait3A_161, %dma_wait3A_162] : memref<2x128x128xf32, #tpu.memory_space<vmem>> -> memref<1x128x128xf32, #tpu.memory_space<vmem>>
    %dma_wait3A_164 = tpu.memref_squeeze %dma_wait3A_163 : memref<1x128x128xf32, #tpu.memory_space<vmem>> -> memref<128x128xf32, #tpu.memory_space<vmem>>
    %dma_wait3A_165 = arith.constant 384 : i32
    %dma_wait3A_166 = tpu.memref_slice %arg11[%dma_wait3A_165] : memref<512xi32, #tpu.memory_space<vmem>> -> memref<128xi32, #tpu.memory_space<vmem>>
    %dma_wait3A_167 = arith.constant 0 : i32
    %dma_wait3A_168 = arith.constant 0 : i32
    %dma_wait3A_169 = tpu.memref_slice %arg4[%dma_wait3A_167, %dma_wait3A_168] : memref<251904x128xf32, #tpu.memory_space<hbm>> -> memref<251904x128xf32, #tpu.memory_space<hbm>>
    tpu.wait_indirect_dma semaphore(%arg19 : memref<!tpu.dma_semaphore, #tpu.memory_space<semaphore_mem>>) src(%dma_wait3A_169 : memref<251904x128xf32, #tpu.memory_space<hbm>>) dst(%dma_wait3A_164 : memref<128x128xf32, #tpu.memory_space<vmem>>)
    %dma_wait3A_170 = arith.constant 1 : i32
    %dma_wait3A_171 = arith.constant 0 : i32
    %dma_wait3A_172 = arith.constant 0 : i32
    %dma_wait3A_173 = tpu.memref_slice %arg14[%dma_wait3A_170, %dma_wait3A_171, %dma_wait3A_172] : memref<2x128x128xf32, #tpu.memory_space<vmem>> -> memref<1x128x128xf32, #tpu.memory_space<vmem>>
    %dma_wait3A_174 = tpu.memref_squeeze %dma_wait3A_173 : memref<1x128x128xf32, #tpu.memory_space<vmem>> -> memref<128x128xf32, #tpu.memory_space<vmem>>
    %dma_wait3A_175 = arith.constant 384 : i32
    %dma_wait3A_176 = tpu.memref_slice %arg12[%dma_wait3A_175] : memref<512xi32, #tpu.memory_space<vmem>> -> memref<128xi32, #tpu.memory_space<vmem>>
    %dma_wait3A_177 = arith.constant 0 : i32
    %dma_wait3A_178 = arith.constant 0 : i32
    %dma_wait3A_179 = tpu.memref_slice %arg5[%dma_wait3A_177, %dma_wait3A_178] : memref<251904x128xf32, #tpu.memory_space<hbm>> -> memref<251904x128xf32, #tpu.memory_space<hbm>>
    tpu.wait_indirect_dma semaphore(%arg21 : memref<!tpu.dma_semaphore, #tpu.memory_space<semaphore_mem>>) src(%dma_wait3A_179 : memref<251904x128xf32, #tpu.memory_space<hbm>>) dst(%dma_wait3A_174 : memref<128x128xf32, #tpu.memory_space<vmem>>)
    %scan3A_180 = arith.constant 0 : i32
    %scan3A_181 = arith.constant 8 : i32
    %scan3A_182 = arith.addi %scan3A_180, %scan3A_181 : i32
    %scan3A_183 = arith.constant 1 : i32
    scf.for %scan3A_189 = %scan3A_180 to %scan3A_182 step %scan3A_183  : i32 {
      %mul3A_190 = arith.constant 1 : i32
      %mul3A_191 = arith.muli %scan3A_189, %mul3A_190 : i32
      %add3A_192 = arith.constant 0 : i32
      %add3A_193 = arith.addi %add3A_192, %mul3A_191 : i32
      %mul3A_194 = arith.constant 16 : i32
      %mul3A_195 = arith.muli %add3A_193, %mul3A_194 : i32
      %add3A_196 = arith.constant 384 : i32
      %add3A_197 = arith.addi %add3A_196, %mul3A_195 : i32
      %iota3A = tpu.iota {dimensions = array<i32: 0>} : vector<16xi32>
      %mul3A_198 = arith.constant 16 : i32
      %mul3A_199 = arith.muli %add3A_193, %mul3A_198 : i32
      %add3A_200 = vector.broadcast %mul3A_199 : i32 to vector<16xi32>
      %add3A_201 = arith.addi %iota3A, %add3A_200 : vector<16xi32>
      %get3A = arith.index_cast %add3A_197 : i32 to index
      %get3A_202 = tpu.vector_load %arg9[%get3A] {strides = array<i32>} : memref<512xi32, #tpu.memory_space<vmem>>, vector<16xi32>,
      %get3A_203 = arith.index_cast %add3A_197 : i32 to index
      %get3A_204 = tpu.vector_load %arg10[%get3A_203] {strides = array<i32>} : memref<512xi32, #tpu.memory_space<vmem>>, vector<16xi32>,
      %shift_right_arithmetic3A = arith.constant 11 : i32
      %shift_right_arithmetic3A_205 = vector.broadcast %shift_right_arithmetic3A : i32 to vector<16xi32>
      %shift_right_arithmetic3A_206 = arith.shrsi %get3A_202, %shift_right_arithmetic3A_205 : vector<16xi32>
      %and3A = arith.constant 3 : i32
      %and3A_207 = vector.broadcast %and3A : i32 to vector<16xi32>
      %and3A_208 = arith.andi %shift_right_arithmetic3A_206, %and3A_207 : vector<16xi32>
      %shift_left3A = arith.constant 5 : i32
      %shift_left3A_209 = vector.broadcast %shift_left3A : i32 to vector<16xi32>
      %shift_left3A_210 = arith.shli %and3A_208, %shift_left3A_209 : vector<16xi32>
      %shift_right_arithmetic3A_211 = arith.constant 11 : i32
      %shift_right_arithmetic3A_212 = vector.broadcast %shift_right_arithmetic3A_211 : i32 to vector<16xi32>
      %shift_right_arithmetic3A_213 = arith.shrsi %get3A_204, %shift_right_arithmetic3A_212 : vector<16xi32>
      %and3A_214 = arith.constant 3 : i32
      %and3A_215 = vector.broadcast %and3A_214 : i32 to vector<16xi32>
      %and3A_216 = arith.andi %shift_right_arithmetic3A_213, %and3A_215 : vector<16xi32>
      %shift_left3A_217 = arith.constant 5 : i32
      %shift_left3A_218 = vector.broadcast %shift_left3A_217 : i32 to vector<16xi32>
      %shift_left3A_219 = arith.shli %and3A_216, %shift_left3A_218 : vector<16xi32>
      %add3A_220 = arith.constant 384 : i32
      %add3A_221 = vector.broadcast %add3A_220 : i32 to vector<16xi32>
      %add3A_222 = arith.addi %add3A_201, %add3A_221 : vector<16xi32>
      %shift_left3A_223 = arith.constant 5 : i32
      %shift_left3A_224 = vector.broadcast %shift_left3A_223 : i32 to vector<16xi32>
      %shift_left3A_225 = arith.shli %add3A_222, %shift_left3A_224 : vector<16xi32>
      %broadcast_in_dim3A = arith.constant 0.000000e+00 : f32
      %broadcast_in_dim3A_226 = vector.broadcast %broadcast_in_dim3A : f32 to vector<16xf32>
      %add3A_227 = arith.constant 0 : i32
      %add3A_228 = vector.broadcast %add3A_227 : i32 to vector<16xi32>
      %add3A_229 = arith.addi %shift_left3A_210, %add3A_228 : vector<16xi32>
      %gather3A = arith.constant 1 : i32
      %gather3A_230 = arith.constant 0 : i32
      %gather3A_231 = arith.constant 0 : i32
      %gather3A_232 = tpu.memref_slice %arg13[%gather3A, %gather3A_230, %gather3A_231] : memref<2x128x128xf32, #tpu.memory_space<vmem>> -> memref<1x128x128xf32, #tpu.memory_space<vmem>>
      %gather3A_233 = tpu.memref_squeeze %gather3A_232 : memref<1x128x128xf32, #tpu.memory_space<vmem>> -> memref<128x128xf32, #tpu.memory_space<vmem>>
      %gather3A_234 = tpu.vector_load_idx %gather3A_233[%add3A_201, %add3A_229] : memref<128x128xf32, #tpu.memory_space<vmem>>[vector<16xi32>, vector<16xi32>], vector<16xf32>,
      %add3A_235 = arith.constant 0 : i32
      %add3A_236 = vector.broadcast %add3A_235 : i32 to vector<16xi32>
      %add3A_237 = arith.addi %shift_left3A_219, %add3A_236 : vector<16xi32>
      %gather3A_238 = arith.constant 1 : i32
      %gather3A_239 = arith.constant 0 : i32
      %gather3A_240 = arith.constant 0 : i32
      %gather3A_241 = tpu.memref_slice %arg14[%gather3A_238, %gather3A_239, %gather3A_240] : memref<2x128x128xf32, #tpu.memory_space<vmem>> -> memref<1x128x128xf32, #tpu.memory_space<vmem>>
      %gather3A_242 = tpu.memref_squeeze %gather3A_241 : memref<1x128x128xf32, #tpu.memory_space<vmem>> -> memref<128x128xf32, #tpu.memory_space<vmem>>
      %gather3A_243 = tpu.vector_load_idx %gather3A_242[%add3A_201, %add3A_237] : memref<128x128xf32, #tpu.memory_space<vmem>>[vector<16xi32>, vector<16xi32>], vector<16xf32>,
      %mul3A_244 = arith.mulf %gather3A_234, %gather3A_243 : vector<16xf32>
      %add3A_245 = arith.addf %broadcast_in_dim3A_226, %mul3A_244 : vector<16xf32>
      %add3A_246 = arith.constant 0 : i32
      %add3A_247 = vector.broadcast %add3A_246 : i32 to vector<16xi32>
      %add3A_248 = arith.addi %shift_left3A_225, %add3A_247 : vector<16xi32>
      tpu.vector_store_idx %arg15[%add3A_248], %gather3A_234 : memref<16384xf32, #tpu.memory_space<vmem>>[vector<16xi32>], vector<16xf32>,
      %add3A_249 = arith.constant 0 : i32
      %add3A_250 = vector.broadcast %add3A_249 : i32 to vector<16xi32>
      %add3A_251 = arith.addi %shift_left3A_225, %add3A_250 : vector<16xi32>
      tpu.vector_store_idx %arg16[%add3A_251], %gather3A_243 : memref<16384xf32, #tpu.memory_space<vmem>>[vector<16xi32>], vector<16xf32>,
      %add3A_252 = arith.constant 1 : i32
      %add3A_253 = vector.broadcast %add3A_252 : i32 to vector<16xi32>
      %add3A_254 = arith.addi %shift_left3A_210, %add3A_253 : vector<16xi32>
      %gather3A_255 = arith.constant 1 : i32
      %gather3A_256 = arith.constant 0 : i32
      %gather3A_257 = arith.constant 0 : i32
      %gather3A_258 = tpu.memref_slice %arg13[%gather3A_255, %gather3A_256, %gather3A_257] : memref<2x128x128xf32, #tpu.memory_space<vmem>> -> memref<1x128x128xf32, #tpu.memory_space<vmem>>
      %gather3A_259 = tpu.memref_squeeze %gather3A_258 : memref<1x128x128xf32, #tpu.memory_space<vmem>> -> memref<128x128xf32, #tpu.memory_space<vmem>>
      %gather3A_260 = tpu.vector_load_idx %gather3A_259[%add3A_201, %add3A_254] : memref<128x128xf32, #tpu.memory_space<vmem>>[vector<16xi32>, vector<16xi32>], vector<16xf32>,
      %add3A_261 = arith.constant 1 : i32
      %add3A_262 = vector.broadcast %add3A_261 : i32 to vector<16xi32>
      %add3A_263 = arith.addi %shift_left3A_219, %add3A_262 : vector<16xi32>
      %gather3A_264 = arith.constant 1 : i32
      %gather3A_265 = arith.constant 0 : i32
      %gather3A_266 = arith.constant 0 : i32
      %gather3A_267 = tpu.memref_slice %arg14[%gather3A_264, %gather3A_265, %gather3A_266] : memref<2x128x128xf32, #tpu.memory_space<vmem>> -> memref<1x128x128xf32, #tpu.memory_space<vmem>>
      %gather3A_268 = tpu.memref_squeeze %gather3A_267 : memref<1x128x128xf32, #tpu.memory_space<vmem>> -> memref<128x128xf32, #tpu.memory_space<vmem>>
      %gather3A_269 = tpu.vector_load_idx %gather3A_268[%add3A_201, %add3A_263] : memref<128x128xf32, #tpu.memory_space<vmem>>[vector<16xi32>, vector<16xi32>], vector<16xf32>,
      %mul3A_270 = arith.mulf %gather3A_260, %gather3A_269 : vector<16xf32>
      %add3A_271 = arith.addf %add3A_245, %mul3A_270 : vector<16xf32>
      %add3A_272 = arith.constant 1 : i32
      %add3A_273 = vector.broadcast %add3A_272 : i32 to vector<16xi32>
      %add3A_274 = arith.addi %shift_left3A_225, %add3A_273 : vector<16xi32>
      tpu.vector_store_idx %arg15[%add3A_274], %gather3A_260 : memref<16384xf32, #tpu.memory_space<vmem>>[vector<16xi32>], vector<16xf32>,
      %add3A_275 = arith.constant 1 : i32
      %add3A_276 = vector.broadcast %add3A_275 : i32 to vector<16xi32>
      %add3A_277 = arith.addi %shift_left3A_225, %add3A_276 : vector<16xi32>
      tpu.vector_store_idx %arg16[%add3A_277], %gather3A_269 : memref<16384xf32, #tpu.memory_space<vmem>>[vector<16xi32>], vector<16xf32>,
      %add3A_278 = arith.constant 2 : i32
      %add3A_279 = vector.broadcast %add3A_278 : i32 to vector<16xi32>
      %add3A_280 = arith.addi %shift_left3A_210, %add3A_279 : vector<16xi32>
      %gather3A_281 = arith.constant 1 : i32
      %gather3A_282 = arith.constant 0 : i32
      %gather3A_283 = arith.constant 0 : i32
      %gather3A_284 = tpu.memref_slice %arg13[%gather3A_281, %gather3A_282, %gather3A_283] : memref<2x128x128xf32, #tpu.memory_space<vmem>> -> memref<1x128x128xf32, #tpu.memory_space<vmem>>
      %gather3A_285 = tpu.memref_squeeze %gather3A_284 : memref<1x128x128xf32, #tpu.memory_space<vmem>> -> memref<128x128xf32, #tpu.memory_space<vmem>>
      %gather3A_286 = tpu.vector_load_idx %gather3A_285[%add3A_201, %add3A_280] : memref<128x128xf32, #tpu.memory_space<vmem>>[vector<16xi32>, vector<16xi32>], vector<16xf32>,
      %add3A_287 = arith.constant 2 : i32
      %add3A_288 = vector.broadcast %add3A_287 : i32 to vector<16xi32>
      %add3A_289 = arith.addi %shift_left3A_219, %add3A_288 : vector<16xi32>
      %gather3A_290 = arith.constant 1 : i32
      %gather3A_291 = arith.constant 0 : i32
      %gather3A_292 = arith.constant 0 : i32
      %gather3A_293 = tpu.memref_slice %arg14[%gather3A_290, %gather3A_291, %gather3A_292] : memref<2x128x128xf32, #tpu.memory_space<vmem>> -> memref<1x128x128xf32, #tpu.memory_space<vmem>>
      %gather3A_294 = tpu.memref_squeeze %gather3A_293 : memref<1x128x128xf32, #tpu.memory_space<vmem>> -> memref<128x128xf32, #tpu.memory_space<vmem>>
      %gather3A_295 = tpu.vector_load_idx %gather3A_294[%add3A_201, %add3A_289] : memref<128x128xf32, #tpu.memory_space<vmem>>[vector<16xi32>, vector<16xi32>], vector<16xf32>,
      %mul3A_296 = arith.mulf %gather3A_286, %gather3A_295 : vector<16xf32>
      %add3A_297 = arith.addf %add3A_271, %mul3A_296 : vector<16xf32>
      %add3A_298 = arith.constant 2 : i32
      %add3A_299 = vector.broadcast %add3A_298 : i32 to vector<16xi32>
      %add3A_300 = arith.addi %shift_left3A_225, %add3A_299 : vector<16xi32>
      tpu.vector_store_idx %arg15[%add3A_300], %gather3A_286 : memref<16384xf32, #tpu.memory_space<vmem>>[vector<16xi32>], vector<16xf32>,
      %add3A_301 = arith.constant 2 : i32
      %add3A_302 = vector.broadcast %add3A_301 : i32 to vector<16xi32>
      %add3A_303 = arith.addi %shift_left3A_225, %add3A_302 : vector<16xi32>
      tpu.vector_store_idx %arg16[%add3A_303], %gather3A_295 : memref<16384xf32, #tpu.memory_space<vmem>>[vector<16xi32>], vector<16xf32>,
      %add3A_304 = arith.constant 3 : i32
      %add3A_305 = vector.broadcast %add3A_304 : i32 to vector<16xi32>
      %add3A_306 = arith.addi %shift_left3A_210, %add3A_305 : vector<16xi32>
      %gather3A_307 = arith.constant 1 : i32
      %gather3A_308 = arith.constant 0 : i32
      %gather3A_309 = arith.constant 0 : i32
      %gather3A_310 = tpu.memref_slice %arg13[%gather3A_307, %gather3A_308, %gather3A_309] : memref<2x128x128xf32, #tpu.memory_space<vmem>> -> memref<1x128x128xf32, #tpu.memory_space<vmem>>
      %gather3A_311 = tpu.memref_squeeze %gather3A_310 : memref<1x128x128xf32, #tpu.memory_space<vmem>> -> memref<128x128xf32, #tpu.memory_space<vmem>>
      %gather3A_312 = tpu.vector_load_idx %gather3A_311[%add3A_201, %add3A_306] : memref<128x128xf32, #tpu.memory_space<vmem>>[vector<16xi32>, vector<16xi32>], vector<16xf32>,
      %add3A_313 = arith.constant 3 : i32
      %add3A_314 = vector.broadcast %add3A_313 : i32 to vector<16xi32>
      %add3A_315 = arith.addi %shift_left3A_219, %add3A_314 : vector<16xi32>
      %gather3A_316 = arith.constant 1 : i32
      %gather3A_317 = arith.constant 0 : i32
      %gather3A_318 = arith.constant 0 : i32
      %gather3A_319 = tpu.memref_slice %arg14[%gather3A_316, %gather3A_317, %gather3A_318] : memref<2x128x128xf32, #tpu.memory_space<vmem>> -> memref<1x128x128xf32, #tpu.memory_space<vmem>>
      %gather3A_320 = tpu.memref_squeeze %gather3A_319 : memref<1x128x128xf32, #tpu.memory_space<vmem>> -> memref<128x128xf32, #tpu.memory_space<vmem>>
      %gather3A_321 = tpu.vector_load_idx %gather3A_320[%add3A_201, %add3A_315] : memref<128x128xf32, #tpu.memory_space<vmem>>[vector<16xi32>, vector<16xi32>], vector<16xf32>,
      %mul3A_322 = arith.mulf %gather3A_312, %gather3A_321 : vector<16xf32>
      %add3A_323 = arith.addf %add3A_297, %mul3A_322 : vector<16xf32>
      %add3A_324 = arith.constant 3 : i32
      %add3A_325 = vector.broadcast %add3A_324 : i32 to vector<16xi32>
      %add3A_326 = arith.addi %shift_left3A_225, %add3A_325 : vector<16xi32>
      tpu.vector_store_idx %arg15[%add3A_326], %gather3A_312 : memref<16384xf32, #tpu.memory_space<vmem>>[vector<16xi32>], vector<16xf32>,
      %add3A_327 = arith.constant 3 : i32
      %add3A_328 = vector.broadcast %add3A_327 : i32 to vector<16xi32>
      %add3A_329 = arith.addi %shift_left3A_225, %add3A_328 : vector<16xi32>
      tpu.vector_store_idx %arg16[%add3A_329], %gather3A_321 : memref<16384xf32, #tpu.memory_space<vmem>>[vector<16xi32>], vector<16xf32>,
      %add3A_330 = arith.constant 4 : i32
      %add3A_331 = vector.broadcast %add3A_330 : i32 to vector<16xi32>
      %add3A_332 = arith.addi %shift_left3A_210, %add3A_331 : vector<16xi32>
      %gather3A_333 = arith.constant 1 : i32
      %gather3A_334 = arith.constant 0 : i32
      %gather3A_335 = arith.constant 0 : i32
      %gather3A_336 = tpu.memref_slice %arg13[%gather3A_333, %gather3A_334, %gather3A_335] : memref<2x128x128xf32, #tpu.memory_space<vmem>> -> memref<1x128x128xf32, #tpu.memory_space<vmem>>
      %gather3A_337 = tpu.memref_squeeze %gather3A_336 : memref<1x128x128xf32, #tpu.memory_space<vmem>> -> memref<128x128xf32, #tpu.memory_space<vmem>>
      %gather3A_338 = tpu.vector_load_idx %gather3A_337[%add3A_201, %add3A_332] : memref<128x128xf32, #tpu.memory_space<vmem>>[vector<16xi32>, vector<16xi32>], vector<16xf32>,
      %add3A_339 = arith.constant 4 : i32
      %add3A_340 = vector.broadcast %add3A_339 : i32 to vector<16xi32>
      %add3A_341 = arith.addi %shift_left3A_219, %add3A_340 : vector<16xi32>
      %gather3A_342 = arith.constant 1 : i32
      %gather3A_343 = arith.constant 0 : i32
      %gather3A_344 = arith.constant 0 : i32
      %gather3A_345 = tpu.memref_slice %arg14[%gather3A_342, %gather3A_343, %gather3A_344] : memref<2x128x128xf32, #tpu.memory_space<vmem>> -> memref<1x128x128xf32, #tpu.memory_space<vmem>>
      %gather3A_346 = tpu.memref_squeeze %gather3A_345 : memref<1x128x128xf32, #tpu.memory_space<vmem>> -> memref<128x128xf32, #tpu.memory_space<vmem>>
      %gather3A_347 = tpu.vector_load_idx %gather3A_346[%add3A_201, %add3A_341] : memref<128x128xf32, #tpu.memory_space<vmem>>[vector<16xi32>, vector<16xi32>], vector<16xf32>,
      %mul3A_348 = arith.mulf %gather3A_338, %gather3A_347 : vector<16xf32>
      %add3A_349 = arith.addf %add3A_323, %mul3A_348 : vector<16xf32>
      %add3A_350 = arith.constant 4 : i32
      %add3A_351 = vector.broadcast %add3A_350 : i32 to vector<16xi32>
      %add3A_352 = arith.addi %shift_left3A_225, %add3A_351 : vector<16xi32>
      tpu.vector_store_idx %arg15[%add3A_352], %gather3A_338 : memref<16384xf32, #tpu.memory_space<vmem>>[vector<16xi32>], vector<16xf32>,
      %add3A_353 = arith.constant 4 : i32
      %add3A_354 = vector.broadcast %add3A_353 : i32 to vector<16xi32>
      %add3A_355 = arith.addi %shift_left3A_225, %add3A_354 : vector<16xi32>
      tpu.vector_store_idx %arg16[%add3A_355], %gather3A_347 : memref<16384xf32, #tpu.memory_space<vmem>>[vector<16xi32>], vector<16xf32>,
      %add3A_356 = arith.constant 5 : i32
      %add3A_357 = vector.broadcast %add3A_356 : i32 to vector<16xi32>
      %add3A_358 = arith.addi %shift_left3A_210, %add3A_357 : vector<16xi32>
      %gather3A_359 = arith.constant 1 : i32
      %gather3A_360 = arith.constant 0 : i32
      %gather3A_361 = arith.constant 0 : i32
      %gather3A_362 = tpu.memref_slice %arg13[%gather3A_359, %gather3A_360, %gather3A_361] : memref<2x128x128xf32, #tpu.memory_space<vmem>> -> memref<1x128x128xf32, #tpu.memory_space<vmem>>
      %gather3A_363 = tpu.memref_squeeze %gather3A_362 : memref<1x128x128xf32, #tpu.memory_space<vmem>> -> memref<128x128xf32, #tpu.memory_space<vmem>>
      %gather3A_364 = tpu.vector_load_idx %gather3A_363[%add3A_201, %add3A_358] : memref<128x128xf32, #tpu.memory_space<vmem>>[vector<16xi32>, vector<16xi32>], vector<16xf32>,
      %add3A_365 = arith.constant 5 : i32
      %add3A_366 = vector.broadcast %add3A_365 : i32 to vector<16xi32>
      %add3A_367 = arith.addi %shift_left3A_219, %add3A_366 : vector<16xi32>
      %gather3A_368 = arith.constant 1 : i32
      %gather3A_369 = arith.constant 0 : i32
      %gather3A_370 = arith.constant 0 : i32
      %gather3A_371 = tpu.memref_slice %arg14[%gather3A_368, %gather3A_369, %gather3A_370] : memref<2x128x128xf32, #tpu.memory_space<vmem>> -> memref<1x128x128xf32, #tpu.memory_space<vmem>>
      %gather3A_372 = tpu.memref_squeeze %gather3A_371 : memref<1x128x128xf32, #tpu.memory_space<vmem>> -> memref<128x128xf32, #tpu.memory_space<vmem>>
      %gather3A_373 = tpu.vector_load_idx %gather3A_372[%add3A_201, %add3A_367] : memref<128x128xf32, #tpu.memory_space<vmem>>[vector<16xi32>, vector<16xi32>], vector<16xf32>,
      %mul3A_374 = arith.mulf %gather3A_364, %gather3A_373 : vector<16xf32>
      %add3A_375 = arith.addf %add3A_349, %mul3A_374 : vector<16xf32>
      %add3A_376 = arith.constant 5 : i32
      %add3A_377 = vector.broadcast %add3A_376 : i32 to vector<16xi32>
      %add3A_378 = arith.addi %shift_left3A_225, %add3A_377 : vector<16xi32>
      tpu.vector_store_idx %arg15[%add3A_378], %gather3A_364 : memref<16384xf32, #tpu.memory_space<vmem>>[vector<16xi32>], vector<16xf32>,
      %add3A_379 = arith.constant 5 : i32
      %add3A_380 = vector.broadcast %add3A_379 : i32 to vector<16xi32>
      %add3A_381 = arith.addi %shift_left3A_225, %add3A_380 : vector<16xi32>
      tpu.vector_store_idx %arg16[%add3A_381], %gather3A_373 : memref<16384xf32, #tpu.memory_space<vmem>>[vector<16xi32>], vector<16xf32>,
      %add3A_382 = arith.constant 6 : i32
      %add3A_383 = vector.broadcast %add3A_382 : i32 to vector<16xi32>
      %add3A_384 = arith.addi %shift_left3A_210, %add3A_383 : vector<16xi32>
      %gather3A_385 = arith.constant 1 : i32
      %gather3A_386 = arith.constant 0 : i32
      %gather3A_387 = arith.constant 0 : i32
      %gather3A_388 = tpu.memref_slice %arg13[%gather3A_385, %gather3A_386, %gather3A_387] : memref<2x128x128xf32, #tpu.memory_space<vmem>> -> memref<1x128x128xf32, #tpu.memory_space<vmem>>
      %gather3A_389 = tpu.memref_squeeze %gather3A_388 : memref<1x128x128xf32, #tpu.memory_space<vmem>> -> memref<128x128xf32, #tpu.memory_space<vmem>>
      %gather3A_390 = tpu.vector_load_idx %gather3A_389[%add3A_201, %add3A_384] : memref<128x128xf32, #tpu.memory_space<vmem>>[vector<16xi32>, vector<16xi32>], vector<16xf32>,
      %add3A_391 = arith.constant 6 : i32
      %add3A_392 = vector.broadcast %add3A_391 : i32 to vector<16xi32>
      %add3A_393 = arith.addi %shift_left3A_219, %add3A_392 : vector<16xi32>
      %gather3A_394 = arith.constant 1 : i32
      %gather3A_395 = arith.constant 0 : i32
      %gather3A_396 = arith.constant 0 : i32
      %gather3A_397 = tpu.memref_slice %arg14[%gather3A_394, %gather3A_395, %gather3A_396] : memref<2x128x128xf32, #tpu.memory_space<vmem>> -> memref<1x128x128xf32, #tpu.memory_space<vmem>>
      %gather3A_398 = tpu.memref_squeeze %gather3A_397 : memref<1x128x128xf32, #tpu.memory_space<vmem>> -> memref<128x128xf32, #tpu.memory_space<vmem>>
      %gather3A_399 = tpu.vector_load_idx %gather3A_398[%add3A_201, %add3A_393] : memref<128x128xf32, #tpu.memory_space<vmem>>[vector<16xi32>, vector<16xi32>], vector<16xf32>,
      %mul3A_400 = arith.mulf %gather3A_390, %gather3A_399 : vector<16xf32>
      %add3A_401 = arith.addf %add3A_375, %mul3A_400 : vector<16xf32>
      %add3A_402 = arith.constant 6 : i32
      %add3A_403 = vector.broadcast %add3A_402 : i32 to vector<16xi32>
      %add3A_404 = arith.addi %shift_left3A_225, %add3A_403 : vector<16xi32>
      tpu.vector_store_idx %arg15[%add3A_404], %gather3A_390 : memref<16384xf32, #tpu.memory_space<vmem>>[vector<16xi32>], vector<16xf32>,
      %add3A_405 = arith.constant 6 : i32
      %add3A_406 = vector.broadcast %add3A_405 : i32 to vector<16xi32>
      %add3A_407 = arith.addi %shift_left3A_225, %add3A_406 : vector<16xi32>
      tpu.vector_store_idx %arg16[%add3A_407], %gather3A_399 : memref<16384xf32, #tpu.memory_space<vmem>>[vector<16xi32>], vector<16xf32>,
      %add3A_408 = arith.constant 7 : i32
      %add3A_409 = vector.broadcast %add3A_408 : i32 to vector<16xi32>
      %add3A_410 = arith.addi %shift_left3A_210, %add3A_409 : vector<16xi32>
      %gather3A_411 = arith.constant 1 : i32
      %gather3A_412 = arith.constant 0 : i32
      %gather3A_413 = arith.constant 0 : i32
      %gather3A_414 = tpu.memref_slice %arg13[%gather3A_411, %gather3A_412, %gather3A_413] : memref<2x128x128xf32, #tpu.memory_space<vmem>> -> memref<1x128x128xf32, #tpu.memory_space<vmem>>
      %gather3A_415 = tpu.memref_squeeze %gather3A_414 : memref<1x128x128xf32, #tpu.memory_space<vmem>> -> memref<128x128xf32, #tpu.memory_space<vmem>>
      %gather3A_416 = tpu.vector_load_idx %gather3A_415[%add3A_201, %add3A_410] : memref<128x128xf32, #tpu.memory_space<vmem>>[vector<16xi32>, vector<16xi32>], vector<16xf32>,
      %add3A_417 = arith.constant 7 : i32
      %add3A_418 = vector.broadcast %add3A_417 : i32 to vector<16xi32>
      %add3A_419 = arith.addi %shift_left3A_219, %add3A_418 : vector<16xi32>
      %gather3A_420 = arith.constant 1 : i32
      %gather3A_421 = arith.constant 0 : i32
      %gather3A_422 = arith.constant 0 : i32
      %gather3A_423 = tpu.memref_slice %arg14[%gather3A_420, %gather3A_421, %gather3A_422] : memref<2x128x128xf32, #tpu.memory_space<vmem>> -> memref<1x128x128xf32, #tpu.memory_space<vmem>>
      %gather3A_424 = tpu.memref_squeeze %gather3A_423 : memref<1x128x128xf32, #tpu.memory_space<vmem>> -> memref<128x128xf32, #tpu.memory_space<vmem>>
      %gather3A_425 = tpu.vector_load_idx %gather3A_424[%add3A_201, %add3A_419] : memref<128x128xf32, #tpu.memory_space<vmem>>[vector<16xi32>, vector<16xi32>], vector<16xf32>,
      %mul3A_426 = arith.mulf %gather3A_416, %gather3A_425 : vector<16xf32>
      %add3A_427 = arith.addf %add3A_401, %mul3A_426 : vector<16xf32>
      %add3A_428 = arith.constant 7 : i32
      %add3A_429 = vector.broadcast %add3A_428 : i32 to vector<16xi32>
      %add3A_430 = arith.addi %shift_left3A_225, %add3A_429 : vector<16xi32>
      tpu.vector_store_idx %arg15[%add3A_430], %gather3A_416 : memref<16384xf32, #tpu.memory_space<vmem>>[vector<16xi32>], vector<16xf32>,
      %add3A_431 = arith.constant 7 : i32
      %add3A_432 = vector.broadcast %add3A_431 : i32 to vector<16xi32>
      %add3A_433 = arith.addi %shift_left3A_225, %add3A_432 : vector<16xi32>
      tpu.vector_store_idx %arg16[%add3A_433], %gather3A_425 : memref<16384xf32, #tpu.memory_space<vmem>>[vector<16xi32>], vector<16xf32>,
      %add3A_434 = arith.constant 8 : i32
      %add3A_435 = vector.broadcast %add3A_434 : i32 to vector<16xi32>
      %add3A_436 = arith.addi %shift_left3A_210, %add3A_435 : vector<16xi32>
      %gather3A_437 = arith.constant 1 : i32
      %gather3A_438 = arith.constant 0 : i32
      %gather3A_439 = arith.constant 0 : i32
      %gather3A_440 = tpu.memref_slice %arg13[%gather3A_437, %gather3A_438, %gather3A_439] : memref<2x128x128xf32, #tpu.memory_space<vmem>> -> memref<1x128x128xf32, #tpu.memory_space<vmem>>
      %gather3A_441 = tpu.memref_squeeze %gather3A_440 : memref<1x128x128xf32, #tpu.memory_space<vmem>> -> memref<128x128xf32, #tpu.memory_space<vmem>>
      %gather3A_442 = tpu.vector_load_idx %gather3A_441[%add3A_201, %add3A_436] : memref<128x128xf32, #tpu.memory_space<vmem>>[vector<16xi32>, vector<16xi32>], vector<16xf32>,
      %add3A_443 = arith.constant 8 : i32
      %add3A_444 = vector.broadcast %add3A_443 : i32 to vector<16xi32>
      %add3A_445 = arith.addi %shift_left3A_219, %add3A_444 : vector<16xi32>
      %gather3A_446 = arith.constant 1 : i32
      %gather3A_447 = arith.constant 0 : i32
      %gather3A_448 = arith.constant 0 : i32
      %gather3A_449 = tpu.memref_slice %arg14[%gather3A_446, %gather3A_447, %gather3A_448] : memref<2x128x128xf32, #tpu.memory_space<vmem>> -> memref<1x128x128xf32, #tpu.memory_space<vmem>>
      %gather3A_450 = tpu.memref_squeeze %gather3A_449 : memref<1x128x128xf32, #tpu.memory_space<vmem>> -> memref<128x128xf32, #tpu.memory_space<vmem>>
      %gather3A_451 = tpu.vector_load_idx %gather3A_450[%add3A_201, %add3A_445] : memref<128x128xf32, #tpu.memory_space<vmem>>[vector<16xi32>, vector<16xi32>], vector<16xf32>,
      %mul3A_452 = arith.mulf %gather3A_442, %gather3A_451 : vector<16xf32>
      %add3A_453 = arith.addf %add3A_427, %mul3A_452 : vector<16xf32>
      %add3A_454 = arith.constant 8 : i32
      %add3A_455 = vector.broadcast %add3A_454 : i32 to vector<16xi32>
      %add3A_456 = arith.addi %shift_left3A_225, %add3A_455 : vector<16xi32>
      tpu.vector_store_idx %arg15[%add3A_456], %gather3A_442 : memref<16384xf32, #tpu.memory_space<vmem>>[vector<16xi32>], vector<16xf32>,
      %add3A_457 = arith.constant 8 : i32
      %add3A_458 = vector.broadcast %add3A_457 : i32 to vector<16xi32>
      %add3A_459 = arith.addi %shift_left3A_225, %add3A_458 : vector<16xi32>
      tpu.vector_store_idx %arg16[%add3A_459], %gather3A_451 : memref<16384xf32, #tpu.memory_space<vmem>>[vector<16xi32>], vector<16xf32>,
      %add3A_460 = arith.constant 9 : i32
      %add3A_461 = vector.broadcast %add3A_460 : i32 to vector<16xi32>
      %add3A_462 = arith.addi %shift_left3A_210, %add3A_461 : vector<16xi32>
      %gather3A_463 = arith.constant 1 : i32
      %gather3A_464 = arith.constant 0 : i32
      %gather3A_465 = arith.constant 0 : i32
      %gather3A_466 = tpu.memref_slice %arg13[%gather3A_463, %gather3A_464, %gather3A_465] : memref<2x128x128xf32, #tpu.memory_space<vmem>> -> memref<1x128x128xf32, #tpu.memory_space<vmem>>
      %gather3A_467 = tpu.memref_squeeze %gather3A_466 : memref<1x128x128xf32, #tpu.memory_space<vmem>> -> memref<128x128xf32, #tpu.memory_space<vmem>>
      %gather3A_468 = tpu.vector_load_idx %gather3A_467[%add3A_201, %add3A_462] : memref<128x128xf32, #tpu.memory_space<vmem>>[vector<16xi32>, vector<16xi32>], vector<16xf32>,
      %add3A_469 = arith.constant 9 : i32
      %add3A_470 = vector.broadcast %add3A_469 : i32 to vector<16xi32>
      %add3A_471 = arith.addi %shift_left3A_219, %add3A_470 : vector<16xi32>
      %gather3A_472 = arith.constant 1 : i32
      %gather3A_473 = arith.constant 0 : i32
      %gather3A_474 = arith.constant 0 : i32
      %gather3A_475 = tpu.memref_slice %arg14[%gather3A_472, %gather3A_473, %gather3A_474] : memref<2x128x128xf32, #tpu.memory_space<vmem>> -> memref<1x128x128xf32, #tpu.memory_space<vmem>>
      %gather3A_476 = tpu.memref_squeeze %gather3A_475 : memref<1x128x128xf32, #tpu.memory_space<vmem>> -> memref<128x128xf32, #tpu.memory_space<vmem>>
      %gather3A_477 = tpu.vector_load_idx %gather3A_476[%add3A_201, %add3A_471] : memref<128x128xf32, #tpu.memory_space<vmem>>[vector<16xi32>, vector<16xi32>], vector<16xf32>,
      %mul3A_478 = arith.mulf %gather3A_468, %gather3A_477 : vector<16xf32>
      %add3A_479 = arith.addf %add3A_453, %mul3A_478 : vector<16xf32>
      %add3A_480 = arith.constant 9 : i32
      %add3A_481 = vector.broadcast %add3A_480 : i32 to vector<16xi32>
      %add3A_482 = arith.addi %shift_left3A_225, %add3A_481 : vector<16xi32>
      tpu.vector_store_idx %arg15[%add3A_482], %gather3A_468 : memref<16384xf32, #tpu.memory_space<vmem>>[vector<16xi32>], vector<16xf32>,
      %add3A_483 = arith.constant 9 : i32
      %add3A_484 = vector.broadcast %add3A_483 : i32 to vector<16xi32>
      %add3A_485 = arith.addi %shift_left3A_225, %add3A_484 : vector<16xi32>
      tpu.vector_store_idx %arg16[%add3A_485], %gather3A_477 : memref<16384xf32, #tpu.memory_space<vmem>>[vector<16xi32>], vector<16xf32>,
      %add3A_486 = arith.constant 10 : i32
      %add3A_487 = vector.broadcast %add3A_486 : i32 to vector<16xi32>
      %add3A_488 = arith.addi %shift_left3A_210, %add3A_487 : vector<16xi32>
      %gather3A_489 = arith.constant 1 : i32
      %gather3A_490 = arith.constant 0 : i32
      %gather3A_491 = arith.constant 0 : i32
      %gather3A_492 = tpu.memref_slice %arg13[%gather3A_489, %gather3A_490, %gather3A_491] : memref<2x128x128xf32, #tpu.memory_space<vmem>> -> memref<1x128x128xf32, #tpu.memory_space<vmem>>
      %gather3A_493 = tpu.memref_squeeze %gather3A_492 : memref<1x128x128xf32, #tpu.memory_space<vmem>> -> memref<128x128xf32, #tpu.memory_space<vmem>>
      %gather3A_494 = tpu.vector_load_idx %gather3A_493[%add3A_201, %add3A_488] : memref<128x128xf32, #tpu.memory_space<vmem>>[vector<16xi32>, vector<16xi32>], vector<16xf32>,
      %add3A_495 = arith.constant 10 : i32
      %add3A_496 = vector.broadcast %add3A_495 : i32 to vector<16xi32>
      %add3A_497 = arith.addi %shift_left3A_219, %add3A_496 : vector<16xi32>
      %gather3A_498 = arith.constant 1 : i32
      %gather3A_499 = arith.constant 0 : i32
      %gather3A_500 = arith.constant 0 : i32
      %gather3A_501 = tpu.memref_slice %arg14[%gather3A_498, %gather3A_499, %gather3A_500] : memref<2x128x128xf32, #tpu.memory_space<vmem>> -> memref<1x128x128xf32, #tpu.memory_space<vmem>>
      %gather3A_502 = tpu.memref_squeeze %gather3A_501 : memref<1x128x128xf32, #tpu.memory_space<vmem>> -> memref<128x128xf32, #tpu.memory_space<vmem>>
      %gather3A_503 = tpu.vector_load_idx %gather3A_502[%add3A_201, %add3A_497] : memref<128x128xf32, #tpu.memory_space<vmem>>[vector<16xi32>, vector<16xi32>], vector<16xf32>,
      %mul3A_504 = arith.mulf %gather3A_494, %gather3A_503 : vector<16xf32>
      %add3A_505 = arith.addf %add3A_479, %mul3A_504 : vector<16xf32>
      %add3A_506 = arith.constant 10 : i32
      %add3A_507 = vector.broadcast %add3A_506 : i32 to vector<16xi32>
      %add3A_508 = arith.addi %shift_left3A_225, %add3A_507 : vector<16xi32>
      tpu.vector_store_idx %arg15[%add3A_508], %gather3A_494 : memref<16384xf32, #tpu.memory_space<vmem>>[vector<16xi32>], vector<16xf32>,
      %add3A_509 = arith.constant 10 : i32
      %add3A_510 = vector.broadcast %add3A_509 : i32 to vector<16xi32>
      %add3A_511 = arith.addi %shift_left3A_225, %add3A_510 : vector<16xi32>
      tpu.vector_store_idx %arg16[%add3A_511], %gather3A_503 : memref<16384xf32, #tpu.memory_space<vmem>>[vector<16xi32>], vector<16xf32>,
      %add3A_512 = arith.constant 11 : i32
      %add3A_513 = vector.broadcast %add3A_512 : i32 to vector<16xi32>
      %add3A_514 = arith.addi %shift_left3A_210, %add3A_513 : vector<16xi32>
      %gather3A_515 = arith.constant 1 : i32
      %gather3A_516 = arith.constant 0 : i32
      %gather3A_517 = arith.constant 0 : i32
      %gather3A_518 = tpu.memref_slice %arg13[%gather3A_515, %gather3A_516, %gather3A_517] : memref<2x128x128xf32, #tpu.memory_space<vmem>> -> memref<1x128x128xf32, #tpu.memory_space<vmem>>
      %gather3A_519 = tpu.memref_squeeze %gather3A_518 : memref<1x128x128xf32, #tpu.memory_space<vmem>> -> memref<128x128xf32, #tpu.memory_space<vmem>>
      %gather3A_520 = tpu.vector_load_idx %gather3A_519[%add3A_201, %add3A_514] : memref<128x128xf32, #tpu.memory_space<vmem>>[vector<16xi32>, vector<16xi32>], vector<16xf32>,
      %add3A_521 = arith.constant 11 : i32
      %add3A_522 = vector.broadcast %add3A_521 : i32 to vector<16xi32>
      %add3A_523 = arith.addi %shift_left3A_219, %add3A_522 : vector<16xi32>
      %gather3A_524 = arith.constant 1 : i32
      %gather3A_525 = arith.constant 0 : i32
      %gather3A_526 = arith.constant 0 : i32
      %gather3A_527 = tpu.memref_slice %arg14[%gather3A_524, %gather3A_525, %gather3A_526] : memref<2x128x128xf32, #tpu.memory_space<vmem>> -> memref<1x128x128xf32, #tpu.memory_space<vmem>>
      %gather3A_528 = tpu.memref_squeeze %gather3A_527 : memref<1x128x128xf32, #tpu.memory_space<vmem>> -> memref<128x128xf32, #tpu.memory_space<vmem>>
      %gather3A_529 = tpu.vector_load_idx %gather3A_528[%add3A_201, %add3A_523] : memref<128x128xf32, #tpu.memory_space<vmem>>[vector<16xi32>, vector<16xi32>], vector<16xf32>,
      %mul3A_530 = arith.mulf %gather3A_520, %gather3A_529 : vector<16xf32>
      %add3A_531 = arith.addf %add3A_505, %mul3A_530 : vector<16xf32>
      %add3A_532 = arith.constant 11 : i32
      %add3A_533 = vector.broadcast %add3A_532 : i32 to vector<16xi32>
      %add3A_534 = arith.addi %shift_left3A_225, %add3A_533 : vector<16xi32>
      tpu.vector_store_idx %arg15[%add3A_534], %gather3A_520 : memref<16384xf32, #tpu.memory_space<vmem>>[vector<16xi32>], vector<16xf32>,
      %add3A_535 = arith.constant 11 : i32
      %add3A_536 = vector.broadcast %add3A_535 : i32 to vector<16xi32>
      %add3A_537 = arith.addi %shift_left3A_225, %add3A_536 : vector<16xi32>
      tpu.vector_store_idx %arg16[%add3A_537], %gather3A_529 : memref<16384xf32, #tpu.memory_space<vmem>>[vector<16xi32>], vector<16xf32>,
      %add3A_538 = arith.constant 12 : i32
      %add3A_539 = vector.broadcast %add3A_538 : i32 to vector<16xi32>
      %add3A_540 = arith.addi %shift_left3A_210, %add3A_539 : vector<16xi32>
      %gather3A_541 = arith.constant 1 : i32
      %gather3A_542 = arith.constant 0 : i32
      %gather3A_543 = arith.constant 0 : i32
      %gather3A_544 = tpu.memref_slice %arg13[%gather3A_541, %gather3A_542, %gather3A_543] : memref<2x128x128xf32, #tpu.memory_space<vmem>> -> memref<1x128x128xf32, #tpu.memory_space<vmem>>
      %gather3A_545 = tpu.memref_squeeze %gather3A_544 : memref<1x128x128xf32, #tpu.memory_space<vmem>> -> memref<128x128xf32, #tpu.memory_space<vmem>>
      %gather3A_546 = tpu.vector_load_idx %gather3A_545[%add3A_201, %add3A_540] : memref<128x128xf32, #tpu.memory_space<vmem>>[vector<16xi32>, vector<16xi32>], vector<16xf32>,
      %add3A_547 = arith.constant 12 : i32
      %add3A_548 = vector.broadcast %add3A_547 : i32 to vector<16xi32>
      %add3A_549 = arith.addi %shift_left3A_219, %add3A_548 : vector<16xi32>
      %gather3A_550 = arith.constant 1 : i32
      %gather3A_551 = arith.constant 0 : i32
      %gather3A_552 = arith.constant 0 : i32
      %gather3A_553 = tpu.memref_slice %arg14[%gather3A_550, %gather3A_551, %gather3A_552] : memref<2x128x128xf32, #tpu.memory_space<vmem>> -> memref<1x128x128xf32, #tpu.memory_space<vmem>>
      %gather3A_554 = tpu.memref_squeeze %gather3A_553 : memref<1x128x128xf32, #tpu.memory_space<vmem>> -> memref<128x128xf32, #tpu.memory_space<vmem>>
      %gather3A_555 = tpu.vector_load_idx %gather3A_554[%add3A_201, %add3A_549] : memref<128x128xf32, #tpu.memory_space<vmem>>[vector<16xi32>, vector<16xi32>], vector<16xf32>,
      %mul3A_556 = arith.mulf %gather3A_546, %gather3A_555 : vector<16xf32>
      %add3A_557 = arith.addf %add3A_531, %mul3A_556 : vector<16xf32>
      %add3A_558 = arith.constant 12 : i32
      %add3A_559 = vector.broadcast %add3A_558 : i32 to vector<16xi32>
      %add3A_560 = arith.addi %shift_left3A_225, %add3A_559 : vector<16xi32>
      tpu.vector_store_idx %arg15[%add3A_560], %gather3A_546 : memref<16384xf32, #tpu.memory_space<vmem>>[vector<16xi32>], vector<16xf32>,
      %add3A_561 = arith.constant 12 : i32
      %add3A_562 = vector.broadcast %add3A_561 : i32 to vector<16xi32>
      %add3A_563 = arith.addi %shift_left3A_225, %add3A_562 : vector<16xi32>
      tpu.vector_store_idx %arg16[%add3A_563], %gather3A_555 : memref<16384xf32, #tpu.memory_space<vmem>>[vector<16xi32>], vector<16xf32>,
      %add3A_564 = arith.constant 13 : i32
      %add3A_565 = vector.broadcast %add3A_564 : i32 to vector<16xi32>
      %add3A_566 = arith.addi %shift_left3A_210, %add3A_565 : vector<16xi32>
      %gather3A_567 = arith.constant 1 : i32
      %gather3A_568 = arith.constant 0 : i32
      %gather3A_569 = arith.constant 0 : i32
      %gather3A_570 = tpu.memref_slice %arg13[%gather3A_567, %gather3A_568, %gather3A_569] : memref<2x128x128xf32, #tpu.memory_space<vmem>> -> memref<1x128x128xf32, #tpu.memory_space<vmem>>
      %gather3A_571 = tpu.memref_squeeze %gather3A_570 : memref<1x128x128xf32, #tpu.memory_space<vmem>> -> memref<128x128xf32, #tpu.memory_space<vmem>>
      %gather3A_572 = tpu.vector_load_idx %gather3A_571[%add3A_201, %add3A_566] : memref<128x128xf32, #tpu.memory_space<vmem>>[vector<16xi32>, vector<16xi32>], vector<16xf32>,
      %add3A_573 = arith.constant 13 : i32
      %add3A_574 = vector.broadcast %add3A_573 : i32 to vector<16xi32>
      %add3A_575 = arith.addi %shift_left3A_219, %add3A_574 : vector<16xi32>
      %gather3A_576 = arith.constant 1 : i32
      %gather3A_577 = arith.constant 0 : i32
      %gather3A_578 = arith.constant 0 : i32
      %gather3A_579 = tpu.memref_slice %arg14[%gather3A_576, %gather3A_577, %gather3A_578] : memref<2x128x128xf32, #tpu.memory_space<vmem>> -> memref<1x128x128xf32, #tpu.memory_space<vmem>>
      %gather3A_580 = tpu.memref_squeeze %gather3A_579 : memref<1x128x128xf32, #tpu.memory_space<vmem>> -> memref<128x128xf32, #tpu.memory_space<vmem>>
      %gather3A_581 = tpu.vector_load_idx %gather3A_580[%add3A_201, %add3A_575] : memref<128x128xf32, #tpu.memory_space<vmem>>[vector<16xi32>, vector<16xi32>], vector<16xf32>,
      %mul3A_582 = arith.mulf %gather3A_572, %gather3A_581 : vector<16xf32>
      %add3A_583 = arith.addf %add3A_557, %mul3A_582 : vector<16xf32>
      %add3A_584 = arith.constant 13 : i32
      %add3A_585 = vector.broadcast %add3A_584 : i32 to vector<16xi32>
      %add3A_586 = arith.addi %shift_left3A_225, %add3A_585 : vector<16xi32>
      tpu.vector_store_idx %arg15[%add3A_586], %gather3A_572 : memref<16384xf32, #tpu.memory_space<vmem>>[vector<16xi32>], vector<16xf32>,
      %add3A_587 = arith.constant 13 : i32
      %add3A_588 = vector.broadcast %add3A_587 : i32 to vector<16xi32>
      %add3A_589 = arith.addi %shift_left3A_225, %add3A_588 : vector<16xi32>
      tpu.vector_store_idx %arg16[%add3A_589], %gather3A_581 : memref<16384xf32, #tpu.memory_space<vmem>>[vector<16xi32>], vector<16xf32>,
      %add3A_590 = arith.constant 14 : i32
      %add3A_591 = vector.broadcast %add3A_590 : i32 to vector<16xi32>
      %add3A_592 = arith.addi %shift_left3A_210, %add3A_591 : vector<16xi32>
      %gather3A_593 = arith.constant 1 : i32
      %gather3A_594 = arith.constant 0 : i32
      %gather3A_595 = arith.constant 0 : i32
      %gather3A_596 = tpu.memref_slice %arg13[%gather3A_593, %gather3A_594, %gather3A_595] : memref<2x128x128xf32, #tpu.memory_space<vmem>> -> memref<1x128x128xf32, #tpu.memory_space<vmem>>
      %gather3A_597 = tpu.memref_squeeze %gather3A_596 : memref<1x128x128xf32, #tpu.memory_space<vmem>> -> memref<128x128xf32, #tpu.memory_space<vmem>>
      %gather3A_598 = tpu.vector_load_idx %gather3A_597[%add3A_201, %add3A_592] : memref<128x128xf32, #tpu.memory_space<vmem>>[vector<16xi32>, vector<16xi32>], vector<16xf32>,
      %add3A_599 = arith.constant 14 : i32
      %add3A_600 = vector.broadcast %add3A_599 : i32 to vector<16xi32>
      %add3A_601 = arith.addi %shift_left3A_219, %add3A_600 : vector<16xi32>
      %gather3A_602 = arith.constant 1 : i32
      %gather3A_603 = arith.constant 0 : i32
      %gather3A_604 = arith.constant 0 : i32
      %gather3A_605 = tpu.memref_slice %arg14[%gather3A_602, %gather3A_603, %gather3A_604] : memref<2x128x128xf32, #tpu.memory_space<vmem>> -> memref<1x128x128xf32, #tpu.memory_space<vmem>>
      %gather3A_606 = tpu.memref_squeeze %gather3A_605 : memref<1x128x128xf32, #tpu.memory_space<vmem>> -> memref<128x128xf32, #tpu.memory_space<vmem>>
      %gather3A_607 = tpu.vector_load_idx %gather3A_606[%add3A_201, %add3A_601] : memref<128x128xf32, #tpu.memory_space<vmem>>[vector<16xi32>, vector<16xi32>], vector<16xf32>,
      %mul3A_608 = arith.mulf %gather3A_598, %gather3A_607 : vector<16xf32>
      %add3A_609 = arith.addf %add3A_583, %mul3A_608 : vector<16xf32>
      %add3A_610 = arith.constant 14 : i32
      %add3A_611 = vector.broadcast %add3A_610 : i32 to vector<16xi32>
      %add3A_612 = arith.addi %shift_left3A_225, %add3A_611 : vector<16xi32>
      tpu.vector_store_idx %arg15[%add3A_612], %gather3A_598 : memref<16384xf32, #tpu.memory_space<vmem>>[vector<16xi32>], vector<16xf32>,
      %add3A_613 = arith.constant 14 : i32
      %add3A_614 = vector.broadcast %add3A_613 : i32 to vector<16xi32>
      %add3A_615 = arith.addi %shift_left3A_225, %add3A_614 : vector<16xi32>
      tpu.vector_store_idx %arg16[%add3A_615], %gather3A_607 : memref<16384xf32, #tpu.memory_space<vmem>>[vector<16xi32>], vector<16xf32>,
      %add3A_616 = arith.constant 15 : i32
      %add3A_617 = vector.broadcast %add3A_616 : i32 to vector<16xi32>
      %add3A_618 = arith.addi %shift_left3A_210, %add3A_617 : vector<16xi32>
      %gather3A_619 = arith.constant 1 : i32
      %gather3A_620 = arith.constant 0 : i32
      %gather3A_621 = arith.constant 0 : i32
      %gather3A_622 = tpu.memref_slice %arg13[%gather3A_619, %gather3A_620, %gather3A_621] : memref<2x128x128xf32, #tpu.memory_space<vmem>> -> memref<1x128x128xf32, #tpu.memory_space<vmem>>
      %gather3A_623 = tpu.memref_squeeze %gather3A_622 : memref<1x128x128xf32, #tpu.memory_space<vmem>> -> memref<128x128xf32, #tpu.memory_space<vmem>>
      %gather3A_624 = tpu.vector_load_idx %gather3A_623[%add3A_201, %add3A_618] : memref<128x128xf32, #tpu.memory_space<vmem>>[vector<16xi32>, vector<16xi32>], vector<16xf32>,
      %add3A_625 = arith.constant 15 : i32
      %add3A_626 = vector.broadcast %add3A_625 : i32 to vector<16xi32>
      %add3A_627 = arith.addi %shift_left3A_219, %add3A_626 : vector<16xi32>
      %gather3A_628 = arith.constant 1 : i32
      %gather3A_629 = arith.constant 0 : i32
      %gather3A_630 = arith.constant 0 : i32
      %gather3A_631 = tpu.memref_slice %arg14[%gather3A_628, %gather3A_629, %gather3A_630] : memref<2x128x128xf32, #tpu.memory_space<vmem>> -> memref<1x128x128xf32, #tpu.memory_space<vmem>>
      %gather3A_632 = tpu.memref_squeeze %gather3A_631 : memref<1x128x128xf32, #tpu.memory_space<vmem>> -> memref<128x128xf32, #tpu.memory_space<vmem>>
      %gather3A_633 = tpu.vector_load_idx %gather3A_632[%add3A_201, %add3A_627] : memref<128x128xf32, #tpu.memory_space<vmem>>[vector<16xi32>, vector<16xi32>], vector<16xf32>,
      %mul3A_634 = arith.mulf %gather3A_624, %gather3A_633 : vector<16xf32>
      %add3A_635 = arith.addf %add3A_609, %mul3A_634 : vector<16xf32>
      %add3A_636 = arith.constant 15 : i32
      %add3A_637 = vector.broadcast %add3A_636 : i32 to vector<16xi32>
      %add3A_638 = arith.addi %shift_left3A_225, %add3A_637 : vector<16xi32>
      tpu.vector_store_idx %arg15[%add3A_638], %gather3A_624 : memref<16384xf32, #tpu.memory_space<vmem>>[vector<16xi32>], vector<16xf32>,
      %add3A_639 = arith.constant 15 : i32
      %add3A_640 = vector.broadcast %add3A_639 : i32 to vector<16xi32>
      %add3A_641 = arith.addi %shift_left3A_225, %add3A_640 : vector<16xi32>
      tpu.vector_store_idx %arg16[%add3A_641], %gather3A_633 : memref<16384xf32, #tpu.memory_space<vmem>>[vector<16xi32>], vector<16xf32>,
      %add3A_642 = arith.constant 16 : i32
      %add3A_643 = vector.broadcast %add3A_642 : i32 to vector<16xi32>
      %add3A_644 = arith.addi %shift_left3A_210, %add3A_643 : vector<16xi32>
      %gather3A_645 = arith.constant 1 : i32
      %gather3A_646 = arith.constant 0 : i32
      %gather3A_647 = arith.constant 0 : i32
      %gather3A_648 = tpu.memref_slice %arg13[%gather3A_645, %gather3A_646, %gather3A_647] : memref<2x128x128xf32, #tpu.memory_space<vmem>> -> memref<1x128x128xf32, #tpu.memory_space<vmem>>
      %gather3A_649 = tpu.memref_squeeze %gather3A_648 : memref<1x128x128xf32, #tpu.memory_space<vmem>> -> memref<128x128xf32, #tpu.memory_space<vmem>>
      %gather3A_650 = tpu.vector_load_idx %gather3A_649[%add3A_201, %add3A_644] : memref<128x128xf32, #tpu.memory_space<vmem>>[vector<16xi32>, vector<16xi32>], vector<16xf32>,
      %add3A_651 = arith.constant 16 : i32
      %add3A_652 = vector.broadcast %add3A_651 : i32 to vector<16xi32>
      %add3A_653 = arith.addi %shift_left3A_219, %add3A_652 : vector<16xi32>
      %gather3A_654 = arith.constant 1 : i32
      %gather3A_655 = arith.constant 0 : i32
      %gather3A_656 = arith.constant 0 : i32
      %gather3A_657 = tpu.memref_slice %arg14[%gather3A_654, %gather3A_655, %gather3A_656] : memref<2x128x128xf32, #tpu.memory_space<vmem>> -> memref<1x128x128xf32, #tpu.memory_space<vmem>>
      %gather3A_658 = tpu.memref_squeeze %gather3A_657 : memref<1x128x128xf32, #tpu.memory_space<vmem>> -> memref<128x128xf32, #tpu.memory_space<vmem>>
      %gather3A_659 = tpu.vector_load_idx %gather3A_658[%add3A_201, %add3A_653] : memref<128x128xf32, #tpu.memory_space<vmem>>[vector<16xi32>, vector<16xi32>], vector<16xf32>,
      %mul3A_660 = arith.mulf %gather3A_650, %gather3A_659 : vector<16xf32>
      %add3A_661 = arith.addf %add3A_635, %mul3A_660 : vector<16xf32>
      %add3A_662 = arith.constant 16 : i32
      %add3A_663 = vector.broadcast %add3A_662 : i32 to vector<16xi32>
      %add3A_664 = arith.addi %shift_left3A_225, %add3A_663 : vector<16xi32>
      tpu.vector_store_idx %arg15[%add3A_664], %gather3A_650 : memref<16384xf32, #tpu.memory_space<vmem>>[vector<16xi32>], vector<16xf32>,
      %add3A_665 = arith.constant 16 : i32
      %add3A_666 = vector.broadcast %add3A_665 : i32 to vector<16xi32>
      %add3A_667 = arith.addi %shift_left3A_225, %add3A_666 : vector<16xi32>
      tpu.vector_store_idx %arg16[%add3A_667], %gather3A_659 : memref<16384xf32, #tpu.memory_space<vmem>>[vector<16xi32>], vector<16xf32>,
      %add3A_668 = arith.constant 17 : i32
      %add3A_669 = vector.broadcast %add3A_668 : i32 to vector<16xi32>
      %add3A_670 = arith.addi %shift_left3A_210, %add3A_669 : vector<16xi32>
      %gather3A_671 = arith.constant 1 : i32
      %gather3A_672 = arith.constant 0 : i32
      %gather3A_673 = arith.constant 0 : i32
      %gather3A_674 = tpu.memref_slice %arg13[%gather3A_671, %gather3A_672, %gather3A_673] : memref<2x128x128xf32, #tpu.memory_space<vmem>> -> memref<1x128x128xf32, #tpu.memory_space<vmem>>
      %gather3A_675 = tpu.memref_squeeze %gather3A_674 : memref<1x128x128xf32, #tpu.memory_space<vmem>> -> memref<128x128xf32, #tpu.memory_space<vmem>>
      %gather3A_676 = tpu.vector_load_idx %gather3A_675[%add3A_201, %add3A_670] : memref<128x128xf32, #tpu.memory_space<vmem>>[vector<16xi32>, vector<16xi32>], vector<16xf32>,
      %add3A_677 = arith.constant 17 : i32
      %add3A_678 = vector.broadcast %add3A_677 : i32 to vector<16xi32>
      %add3A_679 = arith.addi %shift_left3A_219, %add3A_678 : vector<16xi32>
      %gather3A_680 = arith.constant 1 : i32
      %gather3A_681 = arith.constant 0 : i32
      %gather3A_682 = arith.constant 0 : i32
      %gather3A_683 = tpu.memref_slice %arg14[%gather3A_680, %gather3A_681, %gather3A_682] : memref<2x128x128xf32, #tpu.memory_space<vmem>> -> memref<1x128x128xf32, #tpu.memory_space<vmem>>
      %gather3A_684 = tpu.memref_squeeze %gather3A_683 : memref<1x128x128xf32, #tpu.memory_space<vmem>> -> memref<128x128xf32, #tpu.memory_space<vmem>>
      %gather3A_685 = tpu.vector_load_idx %gather3A_684[%add3A_201, %add3A_679] : memref<128x128xf32, #tpu.memory_space<vmem>>[vector<16xi32>, vector<16xi32>], vector<16xf32>,
      %mul3A_686 = arith.mulf %gather3A_676, %gather3A_685 : vector<16xf32>
      %add3A_687 = arith.addf %add3A_661, %mul3A_686 : vector<16xf32>
      %add3A_688 = arith.constant 17 : i32
      %add3A_689 = vector.broadcast %add3A_688 : i32 to vector<16xi32>
      %add3A_690 = arith.addi %shift_left3A_225, %add3A_689 : vector<16xi32>
      tpu.vector_store_idx %arg15[%add3A_690], %gather3A_676 : memref<16384xf32, #tpu.memory_space<vmem>>[vector<16xi32>], vector<16xf32>,
      %add3A_691 = arith.constant 17 : i32
      %add3A_692 = vector.broadcast %add3A_691 : i32 to vector<16xi32>
      %add3A_693 = arith.addi %shift_left3A_225, %add3A_692 : vector<16xi32>
      tpu.vector_store_idx %arg16[%add3A_693], %gather3A_685 : memref<16384xf32, #tpu.memory_space<vmem>>[vector<16xi32>], vector<16xf32>,
      %add3A_694 = arith.constant 18 : i32
      %add3A_695 = vector.broadcast %add3A_694 : i32 to vector<16xi32>
      %add3A_696 = arith.addi %shift_left3A_210, %add3A_695 : vector<16xi32>
      %gather3A_697 = arith.constant 1 : i32
      %gather3A_698 = arith.constant 0 : i32
      %gather3A_699 = arith.constant 0 : i32
      %gather3A_700 = tpu.memref_slice %arg13[%gather3A_697, %gather3A_698, %gather3A_699] : memref<2x128x128xf32, #tpu.memory_space<vmem>> -> memref<1x128x128xf32, #tpu.memory_space<vmem>>
      %gather3A_701 = tpu.memref_squeeze %gather3A_700 : memref<1x128x128xf32, #tpu.memory_space<vmem>> -> memref<128x128xf32, #tpu.memory_space<vmem>>
      %gather3A_702 = tpu.vector_load_idx %gather3A_701[%add3A_201, %add3A_696] : memref<128x128xf32, #tpu.memory_space<vmem>>[vector<16xi32>, vector<16xi32>], vector<16xf32>,
      %add3A_703 = arith.constant 18 : i32
      %add3A_704 = vector.broadcast %add3A_703 : i32 to vector<16xi32>
      %add3A_705 = arith.addi %shift_left3A_219, %add3A_704 : vector<16xi32>
      %gather3A_706 = arith.constant 1 : i32
      %gather3A_707 = arith.constant 0 : i32
      %gather3A_708 = arith.constant 0 : i32
      %gather3A_709 = tpu.memref_slice %arg14[%gather3A_706, %gather3A_707, %gather3A_708] : memref<2x128x128xf32, #tpu.memory_space<vmem>> -> memref<1x128x128xf32, #tpu.memory_space<vmem>>
      %gather3A_710 = tpu.memref_squeeze %gather3A_709 : memref<1x128x128xf32, #tpu.memory_space<vmem>> -> memref<128x128xf32, #tpu.memory_space<vmem>>
      %gather3A_711 = tpu.vector_load_idx %gather3A_710[%add3A_201, %add3A_705] : memref<128x128xf32, #tpu.memory_space<vmem>>[vector<16xi32>, vector<16xi32>], vector<16xf32>,
      %mul3A_712 = arith.mulf %gather3A_702, %gather3A_711 : vector<16xf32>
      %add3A_713 = arith.addf %add3A_687, %mul3A_712 : vector<16xf32>
      %add3A_714 = arith.constant 18 : i32
      %add3A_715 = vector.broadcast %add3A_714 : i32 to vector<16xi32>
      %add3A_716 = arith.addi %shift_left3A_225, %add3A_715 : vector<16xi32>
      tpu.vector_store_idx %arg15[%add3A_716], %gather3A_702 : memref<16384xf32, #tpu.memory_space<vmem>>[vector<16xi32>], vector<16xf32>,
      %add3A_717 = arith.constant 18 : i32
      %add3A_718 = vector.broadcast %add3A_717 : i32 to vector<16xi32>
      %add3A_719 = arith.addi %shift_left3A_225, %add3A_718 : vector<16xi32>
      tpu.vector_store_idx %arg16[%add3A_719], %gather3A_711 : memref<16384xf32, #tpu.memory_space<vmem>>[vector<16xi32>], vector<16xf32>,
      %add3A_720 = arith.constant 19 : i32
      %add3A_721 = vector.broadcast %add3A_720 : i32 to vector<16xi32>
      %add3A_722 = arith.addi %shift_left3A_210, %add3A_721 : vector<16xi32>
      %gather3A_723 = arith.constant 1 : i32
      %gather3A_724 = arith.constant 0 : i32
      %gather3A_725 = arith.constant 0 : i32
      %gather3A_726 = tpu.memref_slice %arg13[%gather3A_723, %gather3A_724, %gather3A_725] : memref<2x128x128xf32, #tpu.memory_space<vmem>> -> memref<1x128x128xf32, #tpu.memory_space<vmem>>
      %gather3A_727 = tpu.memref_squeeze %gather3A_726 : memref<1x128x128xf32, #tpu.memory_space<vmem>> -> memref<128x128xf32, #tpu.memory_space<vmem>>
      %gather3A_728 = tpu.vector_load_idx %gather3A_727[%add3A_201, %add3A_722] : memref<128x128xf32, #tpu.memory_space<vmem>>[vector<16xi32>, vector<16xi32>], vector<16xf32>,
      %add3A_729 = arith.constant 19 : i32
      %add3A_730 = vector.broadcast %add3A_729 : i32 to vector<16xi32>
      %add3A_731 = arith.addi %shift_left3A_219, %add3A_730 : vector<16xi32>
      %gather3A_732 = arith.constant 1 : i32
      %gather3A_733 = arith.constant 0 : i32
      %gather3A_734 = arith.constant 0 : i32
      %gather3A_735 = tpu.memref_slice %arg14[%gather3A_732, %gather3A_733, %gather3A_734] : memref<2x128x128xf32, #tpu.memory_space<vmem>> -> memref<1x128x128xf32, #tpu.memory_space<vmem>>
      %gather3A_736 = tpu.memref_squeeze %gather3A_735 : memref<1x128x128xf32, #tpu.memory_space<vmem>> -> memref<128x128xf32, #tpu.memory_space<vmem>>
      %gather3A_737 = tpu.vector_load_idx %gather3A_736[%add3A_201, %add3A_731] : memref<128x128xf32, #tpu.memory_space<vmem>>[vector<16xi32>, vector<16xi32>], vector<16xf32>,
      %mul3A_738 = arith.mulf %gather3A_728, %gather3A_737 : vector<16xf32>
      %add3A_739 = arith.addf %add3A_713, %mul3A_738 : vector<16xf32>
      %add3A_740 = arith.constant 19 : i32
      %add3A_741 = vector.broadcast %add3A_740 : i32 to vector<16xi32>
      %add3A_742 = arith.addi %shift_left3A_225, %add3A_741 : vector<16xi32>
      tpu.vector_store_idx %arg15[%add3A_742], %gather3A_728 : memref<16384xf32, #tpu.memory_space<vmem>>[vector<16xi32>], vector<16xf32>,
      %add3A_743 = arith.constant 19 : i32
      %add3A_744 = vector.broadcast %add3A_743 : i32 to vector<16xi32>
      %add3A_745 = arith.addi %shift_left3A_225, %add3A_744 : vector<16xi32>
      tpu.vector_store_idx %arg16[%add3A_745], %gather3A_737 : memref<16384xf32, #tpu.memory_space<vmem>>[vector<16xi32>], vector<16xf32>,
      %add3A_746 = arith.constant 20 : i32
      %add3A_747 = vector.broadcast %add3A_746 : i32 to vector<16xi32>
      %add3A_748 = arith.addi %shift_left3A_210, %add3A_747 : vector<16xi32>
      %gather3A_749 = arith.constant 1 : i32
      %gather3A_750 = arith.constant 0 : i32
      %gather3A_751 = arith.constant 0 : i32
      %gather3A_752 = tpu.memref_slice %arg13[%gather3A_749, %gather3A_750, %gather3A_751] : memref<2x128x128xf32, #tpu.memory_space<vmem>> -> memref<1x128x128xf32, #tpu.memory_space<vmem>>
      %gather3A_753 = tpu.memref_squeeze %gather3A_752 : memref<1x128x128xf32, #tpu.memory_space<vmem>> -> memref<128x128xf32, #tpu.memory_space<vmem>>
      %gather3A_754 = tpu.vector_load_idx %gather3A_753[%add3A_201, %add3A_748] : memref<128x128xf32, #tpu.memory_space<vmem>>[vector<16xi32>, vector<16xi32>], vector<16xf32>,
      %add3A_755 = arith.constant 20 : i32
      %add3A_756 = vector.broadcast %add3A_755 : i32 to vector<16xi32>
      %add3A_757 = arith.addi %shift_left3A_219, %add3A_756 : vector<16xi32>
      %gather3A_758 = arith.constant 1 : i32
      %gather3A_759 = arith.constant 0 : i32
      %gather3A_760 = arith.constant 0 : i32
      %gather3A_761 = tpu.memref_slice %arg14[%gather3A_758, %gather3A_759, %gather3A_760] : memref<2x128x128xf32, #tpu.memory_space<vmem>> -> memref<1x128x128xf32, #tpu.memory_space<vmem>>
      %gather3A_762 = tpu.memref_squeeze %gather3A_761 : memref<1x128x128xf32, #tpu.memory_space<vmem>> -> memref<128x128xf32, #tpu.memory_space<vmem>>
      %gather3A_763 = tpu.vector_load_idx %gather3A_762[%add3A_201, %add3A_757] : memref<128x128xf32, #tpu.memory_space<vmem>>[vector<16xi32>, vector<16xi32>], vector<16xf32>,
      %mul3A_764 = arith.mulf %gather3A_754, %gather3A_763 : vector<16xf32>
      %add3A_765 = arith.addf %add3A_739, %mul3A_764 : vector<16xf32>
      %add3A_766 = arith.constant 20 : i32
      %add3A_767 = vector.broadcast %add3A_766 : i32 to vector<16xi32>
      %add3A_768 = arith.addi %shift_left3A_225, %add3A_767 : vector<16xi32>
      tpu.vector_store_idx %arg15[%add3A_768], %gather3A_754 : memref<16384xf32, #tpu.memory_space<vmem>>[vector<16xi32>], vector<16xf32>,
      %add3A_769 = arith.constant 20 : i32
      %add3A_770 = vector.broadcast %add3A_769 : i32 to vector<16xi32>
      %add3A_771 = arith.addi %shift_left3A_225, %add3A_770 : vector<16xi32>
      tpu.vector_store_idx %arg16[%add3A_771], %gather3A_763 : memref<16384xf32, #tpu.memory_space<vmem>>[vector<16xi32>], vector<16xf32>,
      %add3A_772 = arith.constant 21 : i32
      %add3A_773 = vector.broadcast %add3A_772 : i32 to vector<16xi32>
      %add3A_774 = arith.addi %shift_left3A_210, %add3A_773 : vector<16xi32>
      %gather3A_775 = arith.constant 1 : i32
      %gather3A_776 = arith.constant 0 : i32
      %gather3A_777 = arith.constant 0 : i32
      %gather3A_778 = tpu.memref_slice %arg13[%gather3A_775, %gather3A_776, %gather3A_777] : memref<2x128x128xf32, #tpu.memory_space<vmem>> -> memref<1x128x128xf32, #tpu.memory_space<vmem>>
      %gather3A_779 = tpu.memref_squeeze %gather3A_778 : memref<1x128x128xf32, #tpu.memory_space<vmem>> -> memref<128x128xf32, #tpu.memory_space<vmem>>
      %gather3A_780 = tpu.vector_load_idx %gather3A_779[%add3A_201, %add3A_774] : memref<128x128xf32, #tpu.memory_space<vmem>>[vector<16xi32>, vector<16xi32>], vector<16xf32>,
      %add3A_781 = arith.constant 21 : i32
      %add3A_782 = vector.broadcast %add3A_781 : i32 to vector<16xi32>
      %add3A_783 = arith.addi %shift_left3A_219, %add3A_782 : vector<16xi32>
      %gather3A_784 = arith.constant 1 : i32
      %gather3A_785 = arith.constant 0 : i32
      %gather3A_786 = arith.constant 0 : i32
      %gather3A_787 = tpu.memref_slice %arg14[%gather3A_784, %gather3A_785, %gather3A_786] : memref<2x128x128xf32, #tpu.memory_space<vmem>> -> memref<1x128x128xf32, #tpu.memory_space<vmem>>
      %gather3A_788 = tpu.memref_squeeze %gather3A_787 : memref<1x128x128xf32, #tpu.memory_space<vmem>> -> memref<128x128xf32, #tpu.memory_space<vmem>>
      %gather3A_789 = tpu.vector_load_idx %gather3A_788[%add3A_201, %add3A_783] : memref<128x128xf32, #tpu.memory_space<vmem>>[vector<16xi32>, vector<16xi32>], vector<16xf32>,
      %mul3A_790 = arith.mulf %gather3A_780, %gather3A_789 : vector<16xf32>
      %add3A_791 = arith.addf %add3A_765, %mul3A_790 : vector<16xf32>
      %add3A_792 = arith.constant 21 : i32
      %add3A_793 = vector.broadcast %add3A_792 : i32 to vector<16xi32>
      %add3A_794 = arith.addi %shift_left3A_225, %add3A_793 : vector<16xi32>
      tpu.vector_store_idx %arg15[%add3A_794], %gather3A_780 : memref<16384xf32, #tpu.memory_space<vmem>>[vector<16xi32>], vector<16xf32>,
      %add3A_795 = arith.constant 21 : i32
      %add3A_796 = vector.broadcast %add3A_795 : i32 to vector<16xi32>
      %add3A_797 = arith.addi %shift_left3A_225, %add3A_796 : vector<16xi32>
      tpu.vector_store_idx %arg16[%add3A_797], %gather3A_789 : memref<16384xf32, #tpu.memory_space<vmem>>[vector<16xi32>], vector<16xf32>,
      %add3A_798 = arith.constant 22 : i32
      %add3A_799 = vector.broadcast %add3A_798 : i32 to vector<16xi32>
      %add3A_800 = arith.addi %shift_left3A_210, %add3A_799 : vector<16xi32>
      %gather3A_801 = arith.constant 1 : i32
      %gather3A_802 = arith.constant 0 : i32
      %gather3A_803 = arith.constant 0 : i32
      %gather3A_804 = tpu.memref_slice %arg13[%gather3A_801, %gather3A_802, %gather3A_803] : memref<2x128x128xf32, #tpu.memory_space<vmem>> -> memref<1x128x128xf32, #tpu.memory_space<vmem>>
      %gather3A_805 = tpu.memref_squeeze %gather3A_804 : memref<1x128x128xf32, #tpu.memory_space<vmem>> -> memref<128x128xf32, #tpu.memory_space<vmem>>
      %gather3A_806 = tpu.vector_load_idx %gather3A_805[%add3A_201, %add3A_800] : memref<128x128xf32, #tpu.memory_space<vmem>>[vector<16xi32>, vector<16xi32>], vector<16xf32>,
      %add3A_807 = arith.constant 22 : i32
      %add3A_808 = vector.broadcast %add3A_807 : i32 to vector<16xi32>
      %add3A_809 = arith.addi %shift_left3A_219, %add3A_808 : vector<16xi32>
      %gather3A_810 = arith.constant 1 : i32
      %gather3A_811 = arith.constant 0 : i32
      %gather3A_812 = arith.constant 0 : i32
      %gather3A_813 = tpu.memref_slice %arg14[%gather3A_810, %gather3A_811, %gather3A_812] : memref<2x128x128xf32, #tpu.memory_space<vmem>> -> memref<1x128x128xf32, #tpu.memory_space<vmem>>
      %gather3A_814 = tpu.memref_squeeze %gather3A_813 : memref<1x128x128xf32, #tpu.memory_space<vmem>> -> memref<128x128xf32, #tpu.memory_space<vmem>>
      %gather3A_815 = tpu.vector_load_idx %gather3A_814[%add3A_201, %add3A_809] : memref<128x128xf32, #tpu.memory_space<vmem>>[vector<16xi32>, vector<16xi32>], vector<16xf32>,
      %mul3A_816 = arith.mulf %gather3A_806, %gather3A_815 : vector<16xf32>
      %add3A_817 = arith.addf %add3A_791, %mul3A_816 : vector<16xf32>
      %add3A_818 = arith.constant 22 : i32
      %add3A_819 = vector.broadcast %add3A_818 : i32 to vector<16xi32>
      %add3A_820 = arith.addi %shift_left3A_225, %add3A_819 : vector<16xi32>
      tpu.vector_store_idx %arg15[%add3A_820], %gather3A_806 : memref<16384xf32, #tpu.memory_space<vmem>>[vector<16xi32>], vector<16xf32>,
      %add3A_821 = arith.constant 22 : i32
      %add3A_822 = vector.broadcast %add3A_821 : i32 to vector<16xi32>
      %add3A_823 = arith.addi %shift_left3A_225, %add3A_822 : vector<16xi32>
      tpu.vector_store_idx %arg16[%add3A_823], %gather3A_815 : memref<16384xf32, #tpu.memory_space<vmem>>[vector<16xi32>], vector<16xf32>,
      %add3A_824 = arith.constant 23 : i32
      %add3A_825 = vector.broadcast %add3A_824 : i32 to vector<16xi32>
      %add3A_826 = arith.addi %shift_left3A_210, %add3A_825 : vector<16xi32>
      %gather3A_827 = arith.constant 1 : i32
      %gather3A_828 = arith.constant 0 : i32
      %gather3A_829 = arith.constant 0 : i32
      %gather3A_830 = tpu.memref_slice %arg13[%gather3A_827, %gather3A_828, %gather3A_829] : memref<2x128x128xf32, #tpu.memory_space<vmem>> -> memref<1x128x128xf32, #tpu.memory_space<vmem>>
      %gather3A_831 = tpu.memref_squeeze %gather3A_830 : memref<1x128x128xf32, #tpu.memory_space<vmem>> -> memref<128x128xf32, #tpu.memory_space<vmem>>
      %gather3A_832 = tpu.vector_load_idx %gather3A_831[%add3A_201, %add3A_826] : memref<128x128xf32, #tpu.memory_space<vmem>>[vector<16xi32>, vector<16xi32>], vector<16xf32>,
      %add3A_833 = arith.constant 23 : i32
      %add3A_834 = vector.broadcast %add3A_833 : i32 to vector<16xi32>
      %add3A_835 = arith.addi %shift_left3A_219, %add3A_834 : vector<16xi32>
      %gather3A_836 = arith.constant 1 : i32
      %gather3A_837 = arith.constant 0 : i32
      %gather3A_838 = arith.constant 0 : i32
      %gather3A_839 = tpu.memref_slice %arg14[%gather3A_836, %gather3A_837, %gather3A_838] : memref<2x128x128xf32, #tpu.memory_space<vmem>> -> memref<1x128x128xf32, #tpu.memory_space<vmem>>
      %gather3A_840 = tpu.memref_squeeze %gather3A_839 : memref<1x128x128xf32, #tpu.memory_space<vmem>> -> memref<128x128xf32, #tpu.memory_space<vmem>>
      %gather3A_841 = tpu.vector_load_idx %gather3A_840[%add3A_201, %add3A_835] : memref<128x128xf32, #tpu.memory_space<vmem>>[vector<16xi32>, vector<16xi32>], vector<16xf32>,
      %mul3A_842 = arith.mulf %gather3A_832, %gather3A_841 : vector<16xf32>
      %add3A_843 = arith.addf %add3A_817, %mul3A_842 : vector<16xf32>
      %add3A_844 = arith.constant 23 : i32
      %add3A_845 = vector.broadcast %add3A_844 : i32 to vector<16xi32>
      %add3A_846 = arith.addi %shift_left3A_225, %add3A_845 : vector<16xi32>
      tpu.vector_store_idx %arg15[%add3A_846], %gather3A_832 : memref<16384xf32, #tpu.memory_space<vmem>>[vector<16xi32>], vector<16xf32>,
      %add3A_847 = arith.constant 23 : i32
      %add3A_848 = vector.broadcast %add3A_847 : i32 to vector<16xi32>
      %add3A_849 = arith.addi %shift_left3A_225, %add3A_848 : vector<16xi32>
      tpu.vector_store_idx %arg16[%add3A_849], %gather3A_841 : memref<16384xf32, #tpu.memory_space<vmem>>[vector<16xi32>], vector<16xf32>,
      %add3A_850 = arith.constant 24 : i32
      %add3A_851 = vector.broadcast %add3A_850 : i32 to vector<16xi32>
      %add3A_852 = arith.addi %shift_left3A_210, %add3A_851 : vector<16xi32>
      %gather3A_853 = arith.constant 1 : i32
      %gather3A_854 = arith.constant 0 : i32
      %gather3A_855 = arith.constant 0 : i32
      %gather3A_856 = tpu.memref_slice %arg13[%gather3A_853, %gather3A_854, %gather3A_855] : memref<2x128x128xf32, #tpu.memory_space<vmem>> -> memref<1x128x128xf32, #tpu.memory_space<vmem>>
      %gather3A_857 = tpu.memref_squeeze %gather3A_856 : memref<1x128x128xf32, #tpu.memory_space<vmem>> -> memref<128x128xf32, #tpu.memory_space<vmem>>
      %gather3A_858 = tpu.vector_load_idx %gather3A_857[%add3A_201, %add3A_852] : memref<128x128xf32, #tpu.memory_space<vmem>>[vector<16xi32>, vector<16xi32>], vector<16xf32>,
      %add3A_859 = arith.constant 24 : i32
      %add3A_860 = vector.broadcast %add3A_859 : i32 to vector<16xi32>
      %add3A_861 = arith.addi %shift_left3A_219, %add3A_860 : vector<16xi32>
      %gather3A_862 = arith.constant 1 : i32
      %gather3A_863 = arith.constant 0 : i32
      %gather3A_864 = arith.constant 0 : i32
      %gather3A_865 = tpu.memref_slice %arg14[%gather3A_862, %gather3A_863, %gather3A_864] : memref<2x128x128xf32, #tpu.memory_space<vmem>> -> memref<1x128x128xf32, #tpu.memory_space<vmem>>
      %gather3A_866 = tpu.memref_squeeze %gather3A_865 : memref<1x128x128xf32, #tpu.memory_space<vmem>> -> memref<128x128xf32, #tpu.memory_space<vmem>>
      %gather3A_867 = tpu.vector_load_idx %gather3A_866[%add3A_201, %add3A_861] : memref<128x128xf32, #tpu.memory_space<vmem>>[vector<16xi32>, vector<16xi32>], vector<16xf32>,
      %mul3A_868 = arith.mulf %gather3A_858, %gather3A_867 : vector<16xf32>
      %add3A_869 = arith.addf %add3A_843, %mul3A_868 : vector<16xf32>
      %add3A_870 = arith.constant 24 : i32
      %add3A_871 = vector.broadcast %add3A_870 : i32 to vector<16xi32>
      %add3A_872 = arith.addi %shift_left3A_225, %add3A_871 : vector<16xi32>
      tpu.vector_store_idx %arg15[%add3A_872], %gather3A_858 : memref<16384xf32, #tpu.memory_space<vmem>>[vector<16xi32>], vector<16xf32>,
      %add3A_873 = arith.constant 24 : i32
      %add3A_874 = vector.broadcast %add3A_873 : i32 to vector<16xi32>
      %add3A_875 = arith.addi %shift_left3A_225, %add3A_874 : vector<16xi32>
      tpu.vector_store_idx %arg16[%add3A_875], %gather3A_867 : memref<16384xf32, #tpu.memory_space<vmem>>[vector<16xi32>], vector<16xf32>,
      %add3A_876 = arith.constant 25 : i32
      %add3A_877 = vector.broadcast %add3A_876 : i32 to vector<16xi32>
      %add3A_878 = arith.addi %shift_left3A_210, %add3A_877 : vector<16xi32>
      %gather3A_879 = arith.constant 1 : i32
      %gather3A_880 = arith.constant 0 : i32
      %gather3A_881 = arith.constant 0 : i32
      %gather3A_882 = tpu.memref_slice %arg13[%gather3A_879, %gather3A_880, %gather3A_881] : memref<2x128x128xf32, #tpu.memory_space<vmem>> -> memref<1x128x128xf32, #tpu.memory_space<vmem>>
      %gather3A_883 = tpu.memref_squeeze %gather3A_882 : memref<1x128x128xf32, #tpu.memory_space<vmem>> -> memref<128x128xf32, #tpu.memory_space<vmem>>
      %gather3A_884 = tpu.vector_load_idx %gather3A_883[%add3A_201, %add3A_878] : memref<128x128xf32, #tpu.memory_space<vmem>>[vector<16xi32>, vector<16xi32>], vector<16xf32>,
      %add3A_885 = arith.constant 25 : i32
      %add3A_886 = vector.broadcast %add3A_885 : i32 to vector<16xi32>
      %add3A_887 = arith.addi %shift_left3A_219, %add3A_886 : vector<16xi32>
      %gather3A_888 = arith.constant 1 : i32
      %gather3A_889 = arith.constant 0 : i32
      %gather3A_890 = arith.constant 0 : i32
      %gather3A_891 = tpu.memref_slice %arg14[%gather3A_888, %gather3A_889, %gather3A_890] : memref<2x128x128xf32, #tpu.memory_space<vmem>> -> memref<1x128x128xf32, #tpu.memory_space<vmem>>
      %gather3A_892 = tpu.memref_squeeze %gather3A_891 : memref<1x128x128xf32, #tpu.memory_space<vmem>> -> memref<128x128xf32, #tpu.memory_space<vmem>>
      %gather3A_893 = tpu.vector_load_idx %gather3A_892[%add3A_201, %add3A_887] : memref<128x128xf32, #tpu.memory_space<vmem>>[vector<16xi32>, vector<16xi32>], vector<16xf32>,
      %mul3A_894 = arith.mulf %gather3A_884, %gather3A_893 : vector<16xf32>
      %add3A_895 = arith.addf %add3A_869, %mul3A_894 : vector<16xf32>
      %add3A_896 = arith.constant 25 : i32
      %add3A_897 = vector.broadcast %add3A_896 : i32 to vector<16xi32>
      %add3A_898 = arith.addi %shift_left3A_225, %add3A_897 : vector<16xi32>
      tpu.vector_store_idx %arg15[%add3A_898], %gather3A_884 : memref<16384xf32, #tpu.memory_space<vmem>>[vector<16xi32>], vector<16xf32>,
      %add3A_899 = arith.constant 25 : i32
      %add3A_900 = vector.broadcast %add3A_899 : i32 to vector<16xi32>
      %add3A_901 = arith.addi %shift_left3A_225, %add3A_900 : vector<16xi32>
      tpu.vector_store_idx %arg16[%add3A_901], %gather3A_893 : memref<16384xf32, #tpu.memory_space<vmem>>[vector<16xi32>], vector<16xf32>,
      %add3A_902 = arith.constant 26 : i32
      %add3A_903 = vector.broadcast %add3A_902 : i32 to vector<16xi32>
      %add3A_904 = arith.addi %shift_left3A_210, %add3A_903 : vector<16xi32>
      %gather3A_905 = arith.constant 1 : i32
      %gather3A_906 = arith.constant 0 : i32
      %gather3A_907 = arith.constant 0 : i32
      %gather3A_908 = tpu.memref_slice %arg13[%gather3A_905, %gather3A_906, %gather3A_907] : memref<2x128x128xf32, #tpu.memory_space<vmem>> -> memref<1x128x128xf32, #tpu.memory_space<vmem>>
      %gather3A_909 = tpu.memref_squeeze %gather3A_908 : memref<1x128x128xf32, #tpu.memory_space<vmem>> -> memref<128x128xf32, #tpu.memory_space<vmem>>
      %gather3A_910 = tpu.vector_load_idx %gather3A_909[%add3A_201, %add3A_904] : memref<128x128xf32, #tpu.memory_space<vmem>>[vector<16xi32>, vector<16xi32>], vector<16xf32>,
      %add3A_911 = arith.constant 26 : i32
      %add3A_912 = vector.broadcast %add3A_911 : i32 to vector<16xi32>
      %add3A_913 = arith.addi %shift_left3A_219, %add3A_912 : vector<16xi32>
      %gather3A_914 = arith.constant 1 : i32
      %gather3A_915 = arith.constant 0 : i32
      %gather3A_916 = arith.constant 0 : i32
      %gather3A_917 = tpu.memref_slice %arg14[%gather3A_914, %gather3A_915, %gather3A_916] : memref<2x128x128xf32, #tpu.memory_space<vmem>> -> memref<1x128x128xf32, #tpu.memory_space<vmem>>
      %gather3A_918 = tpu.memref_squeeze %gather3A_917 : memref<1x128x128xf32, #tpu.memory_space<vmem>> -> memref<128x128xf32, #tpu.memory_space<vmem>>
      %gather3A_919 = tpu.vector_load_idx %gather3A_918[%add3A_201, %add3A_913] : memref<128x128xf32, #tpu.memory_space<vmem>>[vector<16xi32>, vector<16xi32>], vector<16xf32>,
      %mul3A_920 = arith.mulf %gather3A_910, %gather3A_919 : vector<16xf32>
      %add3A_921 = arith.addf %add3A_895, %mul3A_920 : vector<16xf32>
      %add3A_922 = arith.constant 26 : i32
      %add3A_923 = vector.broadcast %add3A_922 : i32 to vector<16xi32>
      %add3A_924 = arith.addi %shift_left3A_225, %add3A_923 : vector<16xi32>
      tpu.vector_store_idx %arg15[%add3A_924], %gather3A_910 : memref<16384xf32, #tpu.memory_space<vmem>>[vector<16xi32>], vector<16xf32>,
      %add3A_925 = arith.constant 26 : i32
      %add3A_926 = vector.broadcast %add3A_925 : i32 to vector<16xi32>
      %add3A_927 = arith.addi %shift_left3A_225, %add3A_926 : vector<16xi32>
      tpu.vector_store_idx %arg16[%add3A_927], %gather3A_919 : memref<16384xf32, #tpu.memory_space<vmem>>[vector<16xi32>], vector<16xf32>,
      %add3A_928 = arith.constant 27 : i32
      %add3A_929 = vector.broadcast %add3A_928 : i32 to vector<16xi32>
      %add3A_930 = arith.addi %shift_left3A_210, %add3A_929 : vector<16xi32>
      %gather3A_931 = arith.constant 1 : i32
      %gather3A_932 = arith.constant 0 : i32
      %gather3A_933 = arith.constant 0 : i32
      %gather3A_934 = tpu.memref_slice %arg13[%gather3A_931, %gather3A_932, %gather3A_933] : memref<2x128x128xf32, #tpu.memory_space<vmem>> -> memref<1x128x128xf32, #tpu.memory_space<vmem>>
      %gather3A_935 = tpu.memref_squeeze %gather3A_934 : memref<1x128x128xf32, #tpu.memory_space<vmem>> -> memref<128x128xf32, #tpu.memory_space<vmem>>
      %gather3A_936 = tpu.vector_load_idx %gather3A_935[%add3A_201, %add3A_930] : memref<128x128xf32, #tpu.memory_space<vmem>>[vector<16xi32>, vector<16xi32>], vector<16xf32>,
      %add3A_937 = arith.constant 27 : i32
      %add3A_938 = vector.broadcast %add3A_937 : i32 to vector<16xi32>
      %add3A_939 = arith.addi %shift_left3A_219, %add3A_938 : vector<16xi32>
      %gather3A_940 = arith.constant 1 : i32
      %gather3A_941 = arith.constant 0 : i32
      %gather3A_942 = arith.constant 0 : i32
      %gather3A_943 = tpu.memref_slice %arg14[%gather3A_940, %gather3A_941, %gather3A_942] : memref<2x128x128xf32, #tpu.memory_space<vmem>> -> memref<1x128x128xf32, #tpu.memory_space<vmem>>
      %gather3A_944 = tpu.memref_squeeze %gather3A_943 : memref<1x128x128xf32, #tpu.memory_space<vmem>> -> memref<128x128xf32, #tpu.memory_space<vmem>>
      %gather3A_945 = tpu.vector_load_idx %gather3A_944[%add3A_201, %add3A_939] : memref<128x128xf32, #tpu.memory_space<vmem>>[vector<16xi32>, vector<16xi32>], vector<16xf32>,
      %mul3A_946 = arith.mulf %gather3A_936, %gather3A_945 : vector<16xf32>
      %add3A_947 = arith.addf %add3A_921, %mul3A_946 : vector<16xf32>
      %add3A_948 = arith.constant 27 : i32
      %add3A_949 = vector.broadcast %add3A_948 : i32 to vector<16xi32>
      %add3A_950 = arith.addi %shift_left3A_225, %add3A_949 : vector<16xi32>
      tpu.vector_store_idx %arg15[%add3A_950], %gather3A_936 : memref<16384xf32, #tpu.memory_space<vmem>>[vector<16xi32>], vector<16xf32>,
      %add3A_951 = arith.constant 27 : i32
      %add3A_952 = vector.broadcast %add3A_951 : i32 to vector<16xi32>
      %add3A_953 = arith.addi %shift_left3A_225, %add3A_952 : vector<16xi32>
      tpu.vector_store_idx %arg16[%add3A_953], %gather3A_945 : memref<16384xf32, #tpu.memory_space<vmem>>[vector<16xi32>], vector<16xf32>,
      %add3A_954 = arith.constant 28 : i32
      %add3A_955 = vector.broadcast %add3A_954 : i32 to vector<16xi32>
      %add3A_956 = arith.addi %shift_left3A_210, %add3A_955 : vector<16xi32>
      %gather3A_957 = arith.constant 1 : i32
      %gather3A_958 = arith.constant 0 : i32
      %gather3A_959 = arith.constant 0 : i32
      %gather3A_960 = tpu.memref_slice %arg13[%gather3A_957, %gather3A_958, %gather3A_959] : memref<2x128x128xf32, #tpu.memory_space<vmem>> -> memref<1x128x128xf32, #tpu.memory_space<vmem>>
      %gather3A_961 = tpu.memref_squeeze %gather3A_960 : memref<1x128x128xf32, #tpu.memory_space<vmem>> -> memref<128x128xf32, #tpu.memory_space<vmem>>
      %gather3A_962 = tpu.vector_load_idx %gather3A_961[%add3A_201, %add3A_956] : memref<128x128xf32, #tpu.memory_space<vmem>>[vector<16xi32>, vector<16xi32>], vector<16xf32>,
      %add3A_963 = arith.constant 28 : i32
      %add3A_964 = vector.broadcast %add3A_963 : i32 to vector<16xi32>
      %add3A_965 = arith.addi %shift_left3A_219, %add3A_964 : vector<16xi32>
      %gather3A_966 = arith.constant 1 : i32
      %gather3A_967 = arith.constant 0 : i32
      %gather3A_968 = arith.constant 0 : i32
      %gather3A_969 = tpu.memref_slice %arg14[%gather3A_966, %gather3A_967, %gather3A_968] : memref<2x128x128xf32, #tpu.memory_space<vmem>> -> memref<1x128x128xf32, #tpu.memory_space<vmem>>
      %gather3A_970 = tpu.memref_squeeze %gather3A_969 : memref<1x128x128xf32, #tpu.memory_space<vmem>> -> memref<128x128xf32, #tpu.memory_space<vmem>>
      %gather3A_971 = tpu.vector_load_idx %gather3A_970[%add3A_201, %add3A_965] : memref<128x128xf32, #tpu.memory_space<vmem>>[vector<16xi32>, vector<16xi32>], vector<16xf32>,
      %mul3A_972 = arith.mulf %gather3A_962, %gather3A_971 : vector<16xf32>
      %add3A_973 = arith.addf %add3A_947, %mul3A_972 : vector<16xf32>
      %add3A_974 = arith.constant 28 : i32
      %add3A_975 = vector.broadcast %add3A_974 : i32 to vector<16xi32>
      %add3A_976 = arith.addi %shift_left3A_225, %add3A_975 : vector<16xi32>
      tpu.vector_store_idx %arg15[%add3A_976], %gather3A_962 : memref<16384xf32, #tpu.memory_space<vmem>>[vector<16xi32>], vector<16xf32>,
      %add3A_977 = arith.constant 28 : i32
      %add3A_978 = vector.broadcast %add3A_977 : i32 to vector<16xi32>
      %add3A_979 = arith.addi %shift_left3A_225, %add3A_978 : vector<16xi32>
      tpu.vector_store_idx %arg16[%add3A_979], %gather3A_971 : memref<16384xf32, #tpu.memory_space<vmem>>[vector<16xi32>], vector<16xf32>,
      %add3A_980 = arith.constant 29 : i32
      %add3A_981 = vector.broadcast %add3A_980 : i32 to vector<16xi32>
      %add3A_982 = arith.addi %shift_left3A_210, %add3A_981 : vector<16xi32>
      %gather3A_983 = arith.constant 1 : i32
      %gather3A_984 = arith.constant 0 : i32
      %gather3A_985 = arith.constant 0 : i32
      %gather3A_986 = tpu.memref_slice %arg13[%gather3A_983, %gather3A_984, %gather3A_985] : memref<2x128x128xf32, #tpu.memory_space<vmem>> -> memref<1x128x128xf32, #tpu.memory_space<vmem>>
      %gather3A_987 = tpu.memref_squeeze %gather3A_986 : memref<1x128x128xf32, #tpu.memory_space<vmem>> -> memref<128x128xf32, #tpu.memory_space<vmem>>
      %gather3A_988 = tpu.vector_load_idx %gather3A_987[%add3A_201, %add3A_982] : memref<128x128xf32, #tpu.memory_space<vmem>>[vector<16xi32>, vector<16xi32>], vector<16xf32>,
      %add3A_989 = arith.constant 29 : i32
      %add3A_990 = vector.broadcast %add3A_989 : i32 to vector<16xi32>
      %add3A_991 = arith.addi %shift_left3A_219, %add3A_990 : vector<16xi32>
      %gather3A_992 = arith.constant 1 : i32
      %gather3A_993 = arith.constant 0 : i32
      %gather3A_994 = arith.constant 0 : i32
      %gather3A_995 = tpu.memref_slice %arg14[%gather3A_992, %gather3A_993, %gather3A_994] : memref<2x128x128xf32, #tpu.memory_space<vmem>> -> memref<1x128x128xf32, #tpu.memory_space<vmem>>
      %gather3A_996 = tpu.memref_squeeze %gather3A_995 : memref<1x128x128xf32, #tpu.memory_space<vmem>> -> memref<128x128xf32, #tpu.memory_space<vmem>>
      %gather3A_997 = tpu.vector_load_idx %gather3A_996[%add3A_201, %add3A_991] : memref<128x128xf32, #tpu.memory_space<vmem>>[vector<16xi32>, vector<16xi32>], vector<16xf32>,
      %mul3A_998 = arith.mulf %gather3A_988, %gather3A_997 : vector<16xf32>
      %add3A_999 = arith.addf %add3A_973, %mul3A_998 : vector<16xf32>
      %add3A_1000 = arith.constant 29 : i32
      %add3A_1001 = vector.broadcast %add3A_1000 : i32 to vector<16xi32>
      %add3A_1002 = arith.addi %shift_left3A_225, %add3A_1001 : vector<16xi32>
      tpu.vector_store_idx %arg15[%add3A_1002], %gather3A_988 : memref<16384xf32, #tpu.memory_space<vmem>>[vector<16xi32>], vector<16xf32>,
      %add3A_1003 = arith.constant 29 : i32
      %add3A_1004 = vector.broadcast %add3A_1003 : i32 to vector<16xi32>
      %add3A_1005 = arith.addi %shift_left3A_225, %add3A_1004 : vector<16xi32>
      tpu.vector_store_idx %arg16[%add3A_1005], %gather3A_997 : memref<16384xf32, #tpu.memory_space<vmem>>[vector<16xi32>], vector<16xf32>,
      %add3A_1006 = arith.constant 30 : i32
      %add3A_1007 = vector.broadcast %add3A_1006 : i32 to vector<16xi32>
      %add3A_1008 = arith.addi %shift_left3A_210, %add3A_1007 : vector<16xi32>
      %gather3A_1009 = arith.constant 1 : i32
      %gather3A_1010 = arith.constant 0 : i32
      %gather3A_1011 = arith.constant 0 : i32
      %gather3A_1012 = tpu.memref_slice %arg13[%gather3A_1009, %gather3A_1010, %gather3A_1011] : memref<2x128x128xf32, #tpu.memory_space<vmem>> -> memref<1x128x128xf32, #tpu.memory_space<vmem>>
      %gather3A_1013 = tpu.memref_squeeze %gather3A_1012 : memref<1x128x128xf32, #tpu.memory_space<vmem>> -> memref<128x128xf32, #tpu.memory_space<vmem>>
      %gather3A_1014 = tpu.vector_load_idx %gather3A_1013[%add3A_201, %add3A_1008] : memref<128x128xf32, #tpu.memory_space<vmem>>[vector<16xi32>, vector<16xi32>], vector<16xf32>,
      %add3A_1015 = arith.constant 30 : i32
      %add3A_1016 = vector.broadcast %add3A_1015 : i32 to vector<16xi32>
      %add3A_1017 = arith.addi %shift_left3A_219, %add3A_1016 : vector<16xi32>
      %gather3A_1018 = arith.constant 1 : i32
      %gather3A_1019 = arith.constant 0 : i32
      %gather3A_1020 = arith.constant 0 : i32
      %gather3A_1021 = tpu.memref_slice %arg14[%gather3A_1018, %gather3A_1019, %gather3A_1020] : memref<2x128x128xf32, #tpu.memory_space<vmem>> -> memref<1x128x128xf32, #tpu.memory_space<vmem>>
      %gather3A_1022 = tpu.memref_squeeze %gather3A_1021 : memref<1x128x128xf32, #tpu.memory_space<vmem>> -> memref<128x128xf32, #tpu.memory_space<vmem>>
      %gather3A_1023 = tpu.vector_load_idx %gather3A_1022[%add3A_201, %add3A_1017] : memref<128x128xf32, #tpu.memory_space<vmem>>[vector<16xi32>, vector<16xi32>], vector<16xf32>,
      %mul3A_1024 = arith.mulf %gather3A_1014, %gather3A_1023 : vector<16xf32>
      %add3A_1025 = arith.addf %add3A_999, %mul3A_1024 : vector<16xf32>
      %add3A_1026 = arith.constant 30 : i32
      %add3A_1027 = vector.broadcast %add3A_1026 : i32 to vector<16xi32>
      %add3A_1028 = arith.addi %shift_left3A_225, %add3A_1027 : vector<16xi32>
      tpu.vector_store_idx %arg15[%add3A_1028], %gather3A_1014 : memref<16384xf32, #tpu.memory_space<vmem>>[vector<16xi32>], vector<16xf32>,
      %add3A_1029 = arith.constant 30 : i32
      %add3A_1030 = vector.broadcast %add3A_1029 : i32 to vector<16xi32>
      %add3A_1031 = arith.addi %shift_left3A_225, %add3A_1030 : vector<16xi32>
      tpu.vector_store_idx %arg16[%add3A_1031], %gather3A_1023 : memref<16384xf32, #tpu.memory_space<vmem>>[vector<16xi32>], vector<16xf32>,
      %add3A_1032 = arith.constant 31 : i32
      %add3A_1033 = vector.broadcast %add3A_1032 : i32 to vector<16xi32>
      %add3A_1034 = arith.addi %shift_left3A_210, %add3A_1033 : vector<16xi32>
      %gather3A_1035 = arith.constant 1 : i32
      %gather3A_1036 = arith.constant 0 : i32
      %gather3A_1037 = arith.constant 0 : i32
      %gather3A_1038 = tpu.memref_slice %arg13[%gather3A_1035, %gather3A_1036, %gather3A_1037] : memref<2x128x128xf32, #tpu.memory_space<vmem>> -> memref<1x128x128xf32, #tpu.memory_space<vmem>>
      %gather3A_1039 = tpu.memref_squeeze %gather3A_1038 : memref<1x128x128xf32, #tpu.memory_space<vmem>> -> memref<128x128xf32, #tpu.memory_space<vmem>>
      %gather3A_1040 = tpu.vector_load_idx %gather3A_1039[%add3A_201, %add3A_1034] : memref<128x128xf32, #tpu.memory_space<vmem>>[vector<16xi32>, vector<16xi32>], vector<16xf32>,
      %add3A_1041 = arith.constant 31 : i32
      %add3A_1042 = vector.broadcast %add3A_1041 : i32 to vector<16xi32>
      %add3A_1043 = arith.addi %shift_left3A_219, %add3A_1042 : vector<16xi32>
      %gather3A_1044 = arith.constant 1 : i32
      %gather3A_1045 = arith.constant 0 : i32
      %gather3A_1046 = arith.constant 0 : i32
      %gather3A_1047 = tpu.memref_slice %arg14[%gather3A_1044, %gather3A_1045, %gather3A_1046] : memref<2x128x128xf32, #tpu.memory_space<vmem>> -> memref<1x128x128xf32, #tpu.memory_space<vmem>>
      %gather3A_1048 = tpu.memref_squeeze %gather3A_1047 : memref<1x128x128xf32, #tpu.memory_space<vmem>> -> memref<128x128xf32, #tpu.memory_space<vmem>>
      %gather3A_1049 = tpu.vector_load_idx %gather3A_1048[%add3A_201, %add3A_1043] : memref<128x128xf32, #tpu.memory_space<vmem>>[vector<16xi32>, vector<16xi32>], vector<16xf32>,
      %mul3A_1050 = arith.mulf %gather3A_1040, %gather3A_1049 : vector<16xf32>
      %add3A_1051 = arith.addf %add3A_1025, %mul3A_1050 : vector<16xf32>
      %add3A_1052 = arith.constant 31 : i32
      %add3A_1053 = vector.broadcast %add3A_1052 : i32 to vector<16xi32>
      %add3A_1054 = arith.addi %shift_left3A_225, %add3A_1053 : vector<16xi32>
      tpu.vector_store_idx %arg15[%add3A_1054], %gather3A_1040 : memref<16384xf32, #tpu.memory_space<vmem>>[vector<16xi32>], vector<16xf32>,
      %add3A_1055 = arith.constant 31 : i32
      %add3A_1056 = vector.broadcast %add3A_1055 : i32 to vector<16xi32>
      %add3A_1057 = arith.addi %shift_left3A_225, %add3A_1056 : vector<16xi32>
      tpu.vector_store_idx %arg16[%add3A_1057], %gather3A_1049 : memref<16384xf32, #tpu.memory_space<vmem>>[vector<16xi32>], vector<16xf32>,
      %swap3A = arith.index_cast %add3A_197 : i32 to index
      %swap3A_1058 = tpu.vector_load %arg17[%swap3A] {strides = array<i32>} : memref<512xf32, #tpu.memory_space<vmem>>, vector<16xf32>,
      tpu.vector_store %arg17[%swap3A], %add3A_1051 {strides = array<i32>} : memref<512xf32, #tpu.memory_space<vmem>>, vector<16xf32>,
    }
    %scan3A_184 = arith.constant 8 : i32
    "tpu.region"() ({
      %run_scoped3A = tpu.sem_alloc : memref<!tpu.dma_semaphore, #tpu.memory_space<semaphore_mem>>
      %dma_start3A_189 = tpu.memref_slice %arg6[%mul3A_2] : memref<16384xf32, #tpu.memory_space<hbm>> -> memref<512xf32, #tpu.memory_space<hbm>>
      %dma_start3A_190 = tpu.memref_slice %arg6[%mul3A_2] : memref<16384xf32, #tpu.memory_space<hbm>> -> memref<512xf32, #tpu.memory_space<hbm>>
      tpu.enqueue_dma source(%arg17 : memref<512xf32, #tpu.memory_space<vmem>>) target(%dma_start3A_190 : memref<512xf32, #tpu.memory_space<hbm>>) target_semaphore(%run_scoped3A : memref<!tpu.dma_semaphore, #tpu.memory_space<semaphore_mem>>)
      %dma_wait3A_191 = tpu.memref_slice %arg6[%mul3A_2] : memref<16384xf32, #tpu.memory_space<hbm>> -> memref<512xf32, #tpu.memory_space<hbm>>
      %dma_wait3A_192 = tpu.memref_slice %arg6[%mul3A_2] : memref<16384xf32, #tpu.memory_space<hbm>> -> memref<512xf32, #tpu.memory_space<hbm>>
      tpu.wait_dma2 semaphore(%run_scoped3A : memref<!tpu.dma_semaphore, #tpu.memory_space<semaphore_mem>>) src(%arg17 : memref<512xf32, #tpu.memory_space<vmem>>) dst(%dma_wait3A_192 : memref<512xf32, #tpu.memory_space<hbm>>)
      tpu.yield
    }) : () -> ()
    %mul3A_185 = arith.constant 32 : i32
    %mul3A_186 = arith.muli %mul3A_2, %mul3A_185 : i32
    "tpu.region"() ({
      %run_scoped3A = tpu.sem_alloc : memref<!tpu.dma_semaphore, #tpu.memory_space<semaphore_mem>>
      %dma_start3A_189 = tpu.memref_slice %arg7[%mul3A_186] : memref<524288xf32, #tpu.memory_space<hbm>> -> memref<16384xf32, #tpu.memory_space<hbm>>
      %dma_start3A_190 = tpu.memref_slice %arg7[%mul3A_186] : memref<524288xf32, #tpu.memory_space<hbm>> -> memref<16384xf32, #tpu.memory_space<hbm>>
      tpu.enqueue_dma source(%arg15 : memref<16384xf32, #tpu.memory_space<vmem>>) target(%dma_start3A_190 : memref<16384xf32, #tpu.memory_space<hbm>>) target_semaphore(%run_scoped3A : memref<!tpu.dma_semaphore, #tpu.memory_space<semaphore_mem>>)
      %dma_wait3A_191 = tpu.memref_slice %arg7[%mul3A_186] : memref<524288xf32, #tpu.memory_space<hbm>> -> memref<16384xf32, #tpu.memory_space<hbm>>
      %dma_wait3A_192 = tpu.memref_slice %arg7[%mul3A_186] : memref<524288xf32, #tpu.memory_space<hbm>> -> memref<16384xf32, #tpu.memory_space<hbm>>
      tpu.wait_dma2 semaphore(%run_scoped3A : memref<!tpu.dma_semaphore, #tpu.memory_space<semaphore_mem>>) src(%arg15 : memref<16384xf32, #tpu.memory_space<vmem>>) dst(%dma_wait3A_192 : memref<16384xf32, #tpu.memory_space<hbm>>)
      tpu.yield
    }) : () -> ()
    %mul3A_187 = arith.constant 32 : i32
    %mul3A_188 = arith.muli %mul3A_2, %mul3A_187 : i32
    "tpu.region"() ({
      %run_scoped3A = tpu.sem_alloc : memref<!tpu.dma_semaphore, #tpu.memory_space<semaphore_mem>>
      %dma_start3A_189 = tpu.memref_slice %arg8[%mul3A_188] : memref<524288xf32, #tpu.memory_space<hbm>> -> memref<16384xf32, #tpu.memory_space<hbm>>
      %dma_start3A_190 = tpu.memref_slice %arg8[%mul3A_188] : memref<524288xf32, #tpu.memory_space<hbm>> -> memref<16384xf32, #tpu.memory_space<hbm>>
      tpu.enqueue_dma source(%arg16 : memref<16384xf32, #tpu.memory_space<vmem>>) target(%dma_start3A_190 : memref<16384xf32, #tpu.memory_space<hbm>>) target_semaphore(%run_scoped3A : memref<!tpu.dma_semaphore, #tpu.memory_space<semaphore_mem>>)
      %dma_wait3A_191 = tpu.memref_slice %arg8[%mul3A_188] : memref<524288xf32, #tpu.memory_space<hbm>> -> memref<16384xf32, #tpu.memory_space<hbm>>
      %dma_wait3A_192 = tpu.memref_slice %arg8[%mul3A_188] : memref<524288xf32, #tpu.memory_space<hbm>> -> memref<16384xf32, #tpu.memory_space<hbm>>
      tpu.wait_dma2 semaphore(%run_scoped3A : memref<!tpu.dma_semaphore, #tpu.memory_space<semaphore_mem>>) src(%arg16 : memref<16384xf32, #tpu.memory_space<vmem>>) dst(%dma_wait3A_192 : memref<16384xf32, #tpu.memory_space<hbm>>)
      tpu.yield
    }) : () -> ()
    return
  }
}

module attributes {stable_mosaic.version = 14 : i64} {
  func.func @_transpose_block(%arg0: i32, %arg1: memref<32x8192xf32, #tpu.memory_space<vmem>>, %arg2: memref<2048x128xf32, #tpu.memory_space<vmem>>) attributes {dimension_semantics = [#tpu.dimension_semantics<arbitrary>], iteration_bounds = array<i64: 123>, scalar_prefetch = 0 : i64, scratch_operands = 0 : i64, tpu.core_type = #tpu.core_type<tc>, window_params = [{transform_indices = @transform_0, window_bounds = array<i64: 32, 8192>}, {transform_indices = @transform_1, window_bounds = array<i64: 2048, 128>}]} {
    %get3A = arith.constant 0 : index
    %get3A_0 = arith.constant 0 : index
    %get3A_1 = vector.load %arg1[%get3A, %get3A_0] : memref<32x8192xf32, #tpu.memory_space<vmem>>, vector<32x8192xf32>
    %slice3A = vector.extract_strided_slice %get3A_1 {offsets = [0, 0], sizes = [32, 2048], strides = [1, 1]} : vector<32x8192xf32> to vector<32x2048xf32>
    %transpose3A = tpu.transpose %slice3A, [1, 0] : vector<32x2048xf32> -> vector<2048x32xf32>
    %slice3A_2 = vector.extract_strided_slice %get3A_1 {offsets = [0, 2048], sizes = [32, 2048], strides = [1, 1]} : vector<32x8192xf32> to vector<32x2048xf32>
    %transpose3A_3 = tpu.transpose %slice3A_2, [1, 0] : vector<32x2048xf32> -> vector<2048x32xf32>
    %slice3A_4 = vector.extract_strided_slice %get3A_1 {offsets = [0, 4096], sizes = [32, 2048], strides = [1, 1]} : vector<32x8192xf32> to vector<32x2048xf32>
    %transpose3A_5 = tpu.transpose %slice3A_4, [1, 0] : vector<32x2048xf32> -> vector<2048x32xf32>
    %slice3A_6 = vector.extract_strided_slice %get3A_1 {offsets = [0, 6144], sizes = [32, 2048], strides = [1, 1]} : vector<32x8192xf32> to vector<32x2048xf32>
    %transpose3A_7 = tpu.transpose %slice3A_6, [1, 0] : vector<32x2048xf32> -> vector<2048x32xf32>
    %concatenate3A = tpu.concatenate %transpose3A, %transpose3A_3, %transpose3A_5, %transpose3A_7 in 1 : vector<2048x32xf32>, vector<2048x32xf32>, vector<2048x32xf32>, vector<2048x32xf32> -> vector<2048x128xf32>
    %swap3A = arith.constant 0 : index
    %swap3A_8 = arith.constant 0 : index
    %swap3A_9 = vector.load %arg2[%swap3A, %swap3A_8] : memref<2048x128xf32, #tpu.memory_space<vmem>>, vector<2048x128xf32>
    tpu.vector_store %arg2[%swap3A, %swap3A_8], %concatenate3A {strides = array<i32>} : memref<2048x128xf32, #tpu.memory_space<vmem>>, vector<2048x128xf32>,
    return
  }
  func.func @transform_0(%arg0: i32) -> (i32, i32) {
    %c0_i32 = arith.constant 0 : i32
    %c0_i32_0 = arith.constant 0 : i32
    return %c0_i32, %arg0 : i32, i32
  }
  func.func @transform_1(%arg0: i32) -> (i32, i32) {
    %c0_i32 = arith.constant 0 : i32
    %c0_i32_0 = arith.constant 0 : i32
    return %arg0, %c0_i32 : i32, i32
  }
}

</mosaic_0001>

<sc_bundles>
// kernel: kernel.5.cloned.1.call-start
scs
__scs_entry_jumppad:
0x0: {  	(pc) =	sbr.rel $0x88, $3  }
0x1: {  	(tag) =	ssettag $0x0;
	lr =	simm.s32 $0x1  }
0x2: {  	[smem:$0x3F9D] =	sst lr;
	_ =	strace $0xD0000000  }
0x3: {  	_ = 	snop  }
0x4: {  	_ = 	snop  }
0x5: {  	_ = 	snop  }
0x6: {  	_ = 	snop  }
0x7: {  	_ = 	snop  }
__scs_overlays_trampoline_lowered:
0x8: {  	[smem:$0x3FAC] =	sst s0  }
0x9: {  	[smem:$0x3FAD] =	sst s1  }
0xa: {  	[smem:$0x3FAE] =	sst s2  }
0xb: {  	[smem:$0x3FAF] =	sst s3  }
0xc: {  	[smem:$0x3FB0] =	sst s4  }
0xd: {  	[smem:$0x3FB1] =	sst s5  }
0xe: {  	[smem:$0x3FB2] =	sst s6  }
0xf: {  	[smem:$0x3FB3] =	sst s7  }
0x10: {  	[smem:$0x3FB4] =	sst s8  }
0x11: {  	[smem:$0x3FB5] =	sst s9;
	s0 =	simm.s32 @!p0 $0x0  }
0x12: {  	s1 =	sld [smem:$0x3F9B];
	s0 =	simm.s32 @p0 $0x1  }
0x13: {  	[smem:$0x3FB6] =	sst s0;
	s0 =	simm.s32 @!p1 $0x0  }
0x14: {  	s2 =	sld [smem:$0x3F9A];
	s0 =	simm.s32 @p1 $0x1  }
0x15: {  	[smem:$0x3FB7] =	sst s0;
	s0 =	simm.s32 @!p2 $0x0  }
0x16: {  	s3 =	sld [smem:$0x3FDB];
	s0 =	simm.s32 @p2 $0x1  }
0x17: {  	s4 =	simm.s32 $0x1BF5;
	[smem:$0x3FB9] =	sst s0  }
0x18: {  	s0 =	sld [smem:$0x3F9C];
	_ =	swait.ge [sflag:s4], $0x0  }
0x19: {  	s7 =	sld [smem:$0x3F9D]  }
0x1a: {  	s8 =	sadd.s32 $0xFFFFE003, lr  }
0x1b: {  	s9 =	sadd.s32 $0xFFFFFEF7, lr;
	s5 =	simm.s32 $0xFFFFFFFF;
	p2 =	slt.u32 s8, $0xFFFFF086  }
0x1c: {  	p1 =	slt.u32 s9, $0xF7A;
	s5 =	simm.s32 @!p2 $0x0  }
0x1d: {  	s5 =	simm.s32 @p1 $0x1;
	p0 =	seq.s32 s7, s2  }
0x1e: {  	s7 =	smul.u32 @!p0 $0xF7A, s2;
	p2 =	seq.s32 @!p0 s5, $0x0  }
0x1f: {  	s9 =	smul.u32 $0xF7A, s1;
	s8 =	simm.s32 @!p0 $0x1BF5;
	p2 =	por !p2, p0  }
0x20: {  	[sflag:s8] =	ssyncset.s32 @!p0 $0xFFFFF086;
	s6 =	sadd.s32 @!p0 s3, s7;
	s7 =	simm.s32 @!p0 $0x108  }
0x21: {  	s3 =	sadd.s32 s3, s9;
	s6 =	sadd.s32 @!p0 $0x88, s6;
	s7 =	simm.s32 @p2 $0x1082  }
0x22: {  	[simem:s7], [sflag:s8] =	dma.local @!p0 [hbm:s6], $0xF7A  }
0x23: {  	s9 =	sor.u32 $0xD0000000, s2;
	s6 =	simm.s32 $0x108;
	_ =	swait.ge @!p0 [sflag:s8], $0x0  }
0x24: {  	s3 =	sadd.s32 $0x88, s3;
	s6 =	simm.s32 @!p1 $0x1082;
	[sflag:s4] =	ssyncset.s32 $0xFFFFF086  }
0x25: {  	[simem:s6], [sflag:s4] =	dma.local [hbm:s3], $0xF7A  }
0x26: {  	[smem:$0x3F9D] =	sst s1;
	(tag) =	ssettag s2;
	_ =	strace s9  }
0x27: {  	s1 =	sld [smem:$0x3FAD]  }
0x28: {  	s2 =	sld [smem:$0x3FAE]  }
0x29: {  	s4 =	sld [smem:$0x3FB0]  }
0x2a: {  	p0 =	seq.s32 s5, $0x0;
	s5 =	sld [smem:$0x3FB1]  }
0x2b: {  	s6 =	sld [smem:$0x3FB2]  }
0x2c: {  	s7 =	sld [smem:$0x3FB3]  }
0x2d: {  	s3 =	simm.s32 $0x108;
	s8 =	sld [smem:$0x3FB4]  }
0x2e: {  	s3 =	simm.s32 @!p0 $0x1082;
	s9 =	sld [smem:$0x3FB5]  }
0x2f: {  	lr =	sadd.s32 s0, s3;
	s0 =	sld [smem:$0x3FAC]  }
0x30: {  	s3 =	sld [smem:$0x3FAF]  }
0x31: {  	[smem:$0x3FB8] =	sst s10  }
0x32: {  	s10 =	sld [smem:$0x3FB6];
	_ =	sdelay $0x3  }
0x33: {  	p0 =	seq.s32 s10, $0x1;
	s10 =	sld [smem:$0x3FB8];
	_ =	sdelay $0x3  }
0x34: {  	[smem:$0x3FB8] =	sst s10  }
0x35: {  	s10 =	sld [smem:$0x3FB7];
	_ =	sdelay $0x3  }
0x36: {  	p1 =	seq.s32 s10, $0x1;
	s10 =	sld [smem:$0x3FB8];
	_ =	sdelay $0x3  }
0x37: {  	[smem:$0x3FB8] =	sst s10  }
0x38: {  	s10 =	sld [smem:$0x3FB9]  }
0x39: {  	_ = 	snop;
	(pc) =	sbr.ind lr, $3  }
0x3a: {  	_ = 	snop  }
0x3b: {  	_ = 	snop  }
0x3c: {  	p2 =	seq.s32 s10, $0x1;
	s10 =	sld [smem:$0x3FB8]  }
0x3d: {  	_ =	shalt  }
0x3e: {  	_ =	shalt  }
0x3f: {  	_ =	shalt  }
0x40: {  	_ =	shalt  }
0x41: {  	_ =	shalt  }
0x42: {  	_ =	shalt  }
0x43: {  	_ =	shalt  }
0x44: {  	_ =	shalt  }
0x45: {  	_ =	shalt  }
0x46: {  	_ =	shalt  }
0x47: {  	_ =	shalt  }
0x48: {  	_ =	shalt  }
0x49: {  	_ =	shalt  }
0x4a: {  	_ =	shalt  }
0x4b: {  	_ =	shalt  }
0x4c: {  	_ =	shalt  }
0x4d: {  	_ =	shalt  }
0x4e: {  	_ =	shalt  }
0x4f: {  	_ =	shalt  }
0x50: {  	_ =	shalt  }
0x51: {  	_ =	shalt  }
0x52: {  	_ =	shalt  }
0x53: {  	_ =	shalt  }
0x54: {  	_ =	shalt  }
0x55: {  	_ =	shalt  }
0x56: {  	_ =	shalt  }
0x57: {  	_ =	shalt  }
0x58: {  	_ =	shalt  }
0x59: {  	_ =	shalt  }
0x5a: {  	_ =	shalt  }
0x5b: {  	_ =	shalt  }
0x5c: {  	_ =	shalt  }
0x5d: {  	_ =	shalt  }
0x5e: {  	_ =	shalt  }
0x5f: {  	_ =	shalt  }
0x60: {  	_ =	shalt  }
0x61: {  	_ =	shalt  }
0x62: {  	_ =	shalt  }
0x63: {  	_ =	shalt  }
0x64: {  	_ =	shalt  }
0x65: {  	_ =	shalt  }
0x66: {  	_ =	shalt  }
0x67: {  	_ =	shalt  }
0x68: {  	_ =	shalt  }
0x69: {  	_ =	shalt  }
0x6a: {  	_ =	shalt  }
0x6b: {  	_ =	shalt  }
0x6c: {  	_ =	shalt  }
0x6d: {  	_ =	shalt  }
0x6e: {  	_ =	shalt  }
0x6f: {  	_ =	shalt  }
0x70: {  	_ =	shalt  }
0x71: {  	_ =	shalt  }
0x72: {  	_ =	shalt  }
0x73: {  	_ =	shalt  }
0x74: {  	_ =	shalt  }
0x75: {  	_ =	shalt  }
0x76: {  	_ =	shalt  }
0x77: {  	_ =	shalt  }
0x78: {  	_ =	shalt  }
0x79: {  	_ =	shalt  }
0x7a: {  	_ =	shalt  }
0x7b: {  	_ =	shalt  }
0x7c: {  	_ =	shalt  }
0x7d: {  	_ =	shalt  }
0x7e: {  	_ =	shalt  }
0x7f: {  	_ =	shalt  }
0x80: {  	_ =	shalt  }
0x81: {  	_ =	shalt  }
0x82: {  	_ =	shalt  }
0x83: {  	_ =	shalt  }
0x84: {  	_ =	shalt  }
0x85: {  	_ =	shalt  }
0x86: {  	_ =	shalt  }
0x87: {  	_ =	shalt  }
.Lfunc_end0:
.L_simem_size_0:
called_computation_lowered:
.L_overlay_start_0:
0x88: {  	s2 =	sld [smem:$0x3FD9]  }
0x89: {  	s3 =	sld [smem:$0x3FFE];
	_ =	sdelay $0x1  }
0x8a: {  	s1 =	srdreg.scid  }
0x8b: {  	s0 =	sand.u32 $0x1, s1  }
0x8c: {  	s14 =	sshll.u32 s0, $0xA;
	s2 =	sadd.s32 s3, s2  }
0x8d: {  	s2 =	sadd.s32 s2, s14  }
0x8e: {  	[smem:$0x3FC4] =	sst s2  }
0x8f: {  	_ = 	snop  }
0x90: {  	s2 =	sld [smem:$0x3FD0];
	_ =	sdelay $0x1  }
0x91: {  	s15 =	sld [smem:$0x3FC9]  }
0x92: {  	s5 =	simm.s32 $0xA;
	s6 =	simm.s32 $0x10;
	s4 =	sld [smem:$0x3FC8]  }
0x93: {  	[smem:s6], [sflag:s5] =	dma.local [hbm:s2], $0x1  }
0x94: {  	_ =	swait.eq [sflag:s5], $0x1  }
0x95: {  	[sflag:s5] =	ssyncset.done $0x0  }
0x96: {  	s16 =	sld [smem:$0x10];
	[sflag:s5] =	ssyncadd.s32 $0xFFFFFFFF  }
0x97: {  	s17 =	sld [smem:$0x12];
	(tm) =	ssettm $0x1  }
0x98: {  	s18 =	sld [smem:$0x3FFB];
	_ =	sdelay $0x3  }
0x99: {  	_ =	strace s18  }
0x9a: {  	s6 =	sld [smem:$0x3FFC];
	_ =	sdelay $0x3  }
0x9b: {  	_ =	strace s6  }
0x9c: {  	s6 =	sld [smem:$0x3FFD];
	_ =	sdelay $0x3  }
0x9d: {  	_ =	strace s6  }
0x9e: {  	_ =	strace $0x8FFFFFFF  }
0x9f: {  	s19 =	sld [smem:$0x3FDB];
	_ =	sdelay $0x1  }
0xa0: {  	s7 =	simm.s32 $_scs_section_size  }
0xa1: {  	s8 =	simm.s32 $_size__tile_overlayer_lowered;
	s9 =	simm.s32 $_tile_overlayer_lowered  }
0xa2: {  	s22 =	simm.s32 $0x1BFF;
	s21 =	sshll.u32 s9, $0x1;
	s6 =	sadd.s32 s7, s19  }
0xa3: {  	s10 =	simm.s32 $0x0;
	s20 =	sshll.u32 s8, $0x1;
	s8 =	sadd.s32 s21, s6  }
0xa4: {  	[timem:s10], [sflag:s22] =	dma.local [hbm:s8], s20  }
0xa5: {  	_ =	swait.ge [sflag:s22], s20  }
0xa6: {  	s7 =	ssub.s32 $0x0, s20;
	[sflag:s22] =	ssyncset.done $0x0  }
0xa7: {  	[sflag:s22] =	ssyncadd.s32 s7;
	_ =	sdelay $0x1  }
0xa8: {  	s23 =	simm.s32 $0x1B8B  }
0xa9: {  	_ =	swait.ge [sflag:s23], $0x1  }
0xaa: {  	[sflag:s23] =	ssyncset.done $0x0  }
0xab: {  	s25 =	simm.s32 $0x1B8E;
	s24 =	sld [smem:$0x3FFE];
	[sflag:s23] =	ssyncadd.s32 $0xFFFFFFFF  }
0xac: {  	s26 =	simm.s32 $execute0_lowered;
	[smem:$0x3FD2] =	sst s25  }
0xad: {  	s8 =	sshll.u32 s26, $0x1;
	_ =	strace $0x80000046;
	[dreg:$0x1] =	wrdreg $0xFFFFFFFF  }
0xae: {  	s28 =	simm.s32 $_size_execute0_lowered;
	s6 =	sadd.s32 s6, s8;
	[dreg:$0x0] =	wrdreg $0x0  }
0xaf: {  	s8 =	sshll.u32 s28, $0x1;
	[dreg:$0x2] =	wrdreg s6  }
0xb0: {  	[dreg:$0x3] =	wrdreg s8  }
0xb1: {  	[dreg:$0x4] =	wrdreg $0xC0  }
0xb2: {  	_ =	task [dreg:s10], $0x5FFFF  }
0xb3: {  	[dreg:$0x1] =	wrdreg $0xFFFFFFFF  }
0xb4: {  	[dreg:$0x0] =	wrdreg $0x60  }
0xb5: {  	[dreg:$0x2] =	wrdreg s15  }
0xb6: {  	[dreg:$0x3] =	wrdreg s4  }
0xb7: {  	[dreg:$0x4] =	wrdreg s24  }
0xb8: {  	[dreg:$0x5] =	wrdreg s16  }
0xb9: {  	[dreg:$0x6] =	wrdreg s17  }
0xba: {  	[dreg:$0x7] =	wrdreg $0x9  }
0xbb: {  	_ =	task.clear_ibuf [dreg:s10], $0x8FFFF;
	_ =	strace $0x90000046  }
0xbc: {  	s29 =	simm.s32 $0x9;
	_ =	strace $0x80000048  }
0xbd: {  	_ =	swait.ge [sflag:s29], $0x1  }
0xbe: {  	[sflag:s29] =	ssyncadd.s32 $0xFFFFFFFF  }
0xbf: {  	_ =	strace $0x90000048  }
0xc0: {  	_ =	sfence  }
0xc1: {  	s30 =	sld [smem:$0x0];
	_ =	sdelay $0x2  }
0xc2: {  	s31 =	sshll.u32 s1, $0xD;
	s1 =	sshrl.u32 s1, $0x2  }
0xc3: {  	s3 =	sand.u32 $0x4000, s31;
	s1 =	sadd.s32 s1, s30  }
0xc4: {  	s0 =	sor.u32 s3, s0;
	s1 =	sshll.u32 s1, $0x11  }
0xc5: {  	s0 =	sor.u32 s1, s0  }
0xc6: {  	s0 =	sadd.s32 $0x8F2B, s0  }
0xc7: {  	[sflag:s0] =	ssyncadd.remote.s32 $0x1  }
0xc8: {  	_ =	sfence.sel $0xFFFF  }
0xc9: {  	[dreg:$0x0] =	wrdreg $0xFFFFFFFF;
	(pc) =	sbr.abs _section_cstart, $3  }
0xca: {  	[dreg:$0x1] =	wrdreg $0xFFFFFFFF  }
0xcb: {  	_ =	task.clear_ibuf [dreg:s10], $0x2FFFF;
	_ =	strace $0x9FFFFFFF  }
0xcc: {  	(tm) =	ssettm $0x7FFFFFFF  }
0xcd: {  	_ =	shalt  }
tec
execute0_lowered:
.L_overlay_start_1:
0x0: {  	(tag) =	ssettag $0x1  }
0x1: {  	s0 =	rddreg [dreg:$0x0]  }
0x2: {  	s1 =	rddreg [dreg:$0x1]  }
0x3: {  	s5 =	rddreg [dreg:$0x2]  }
0x4: {  	s7 =	rddreg [dreg:$0x3]  }
0x5: {  	s8 =	rddreg [dreg:$0x4];
	s2 =	simm.s32 $0x0;
	s3 =	srdreg.scid  }
0x6: {  	s4 =	stileid.u32;
	s13 =	simm.s32 $0x80;
	s15 =	simm.s32 $0x800  }
0x7: {  	s17 =	simm.s32 $0x8800;
	s19 =	simm.s32 $0x4800;
	s21 =	simm.s32 $0xC800  }
0x8: {  	s22 =	simm.s32 $0x1;
	s23 =	simm.s32 $0x3;
	s24 =	simm.s32 $0x10800  }
0x9: {  	s25 =	simm.s32 $0x14800;
	s29 =	simm.s32 $0x2;
	s30 =	simm.s32 $0x4  }
0xa: {  	s31 =	simm.s32 $0x580;
	[smem:$0x7FF] =	sst s2;
	s6 =	sand.u32 $0x1, s3  }
0xb: {  	s4 =	sshll.u32 s4, $0x1;
	s3 =	sadd.s32 $0xA00, s5;
	_ =	strace $0x80000047  }
0xc: {  	s9 =	sor.u32 s6, s4;
	s4 =	sadd.s32 $0x3D8A00, s5;
	s6 =	ssub.s32 $0x2, s6  }
0xd: {  	s10 =	sshll.u32 s9, $0xB;
	s28 =	sshrl.u32 s6, $0x1;
	s9 =	sshll.u32 s9, $0x6  }
0xe: {  	s11 =	sadd.s32 s10, s5;
	s12 =	ssub.s32 s6, s28;
	s5 =	sadd.s32 s0, s9  }
0xf: {  	s6 =	sadd.s32 s1, s9;
	s7 =	sadd.s32 s7, s9;
	s8 =	sadd.s32 s8, s10  }
0x10: {  	s0 =	simm.s32 $0x780;
	s1 =	simm.s32 $0x18800;
	s9 =	sadd.s32 $0x7B0A00, s11  }
0x11: {  	v0 =	vlaneseq.u32;
	s10 =	smax.u32 s12, $0x1;
	s11 =	simm.s32 $0x5;
	s12 =	simm.s32 $0x0  }
.LBB2_1:
0x12: {  	[tilespmem:s2], [sflag:$0x5] =	stream.linear.gather [hbm4b:s5+s2], $0x200, $0x38;
	[tilespmem:$0x18A00] =	vst v63  }
0x13: {  	_ =	swait.ge [sflag:s11], $0x200  }
0x14: {  	[sflag:s11] =	ssyncset.done $0x0  }
0x15: {  	s14 =	simm.s32 $0x200;
	[sflag:s11] =	ssyncadd.s32 $0xFFFFFE00  }
0x16: {  	[tilespmem:s14], [sflag:$0x5] =	stream.linear.gather [hbm4b:s6+s2], $0x200, $0x38;
	[tilespmem:$0x18A00] =	vst v63  }
0x17: {  	_ =	swait.ge [sflag:s11], $0x200  }
0x18: {  	[sflag:s11] =	ssyncset.done $0x0  }
0x19: {  	s14 =	simm.s32 $0x0;
	[sflag:s11] =	ssyncadd.s32 $0xFFFFFE00  }
0x1a: {  	v1 =	vld [tilespmem:s14+$0x200]  }
0x1b: {  	v2 =	vld [tilespmem:s14+$0x0];
	_ =	sdelay $0x1  }
0x1c: {  	s16 =	simm.s32 $0x40  }
.LBB2_2:
0x1d: {  	p0 =	sne.s32 s16, $0x7C0  }
.Ltmp0:
0x1e: {  	s18 =	sshra.s32 s16, $0x2;
	s16 =	sadd.s32 $0x40, s16;
	v3 =	vshra.s32 v1, $0x2;
	(pc) =	sbr.rel @p0 .LBB2_2-.Ltmp0, $4  }
0x1f: {  	v5 =	vand.u32 $0x7FF, v1;
	v4 =	vshra.s32 v2, $0x2;
	v3 =	vand.u32 $0xFFFFF800, v3;
	v1 =	vld [tilespmem:s18+$0x200]  }
0x20: {  	v6 =	vand.u32 $0x7FF, v2;
	v4 =	vand.u32 $0xFFFFF800, v4;
	v2 =	vld [tilespmem:s18+$0x0];
	v3 =	vor.u32 v5, v3  }
0x21: {  	v4 =	vor.u32 v6, v4;
	[tilespmem:s14+$0x600] =	vst v3  }
0x22: {  	[tilespmem:s14+$0x400] =	vst v4;
	s14 =	smov.u32 s18  }
0x23: {  	_ = 	snop  }
0x24: {  	v3 =	vshra.s32 v1, $0x2  }
0x25: {  	v1 =	vand.u32 $0x7FF, v1;
	v4 =	vshra.s32 v2, $0x2;
	v3 =	vand.u32 $0xFFFFF800, v3  }
0x26: {  	v2 =	vand.u32 $0x7FF, v2;
	v4 =	vand.u32 $0xFFFFF800, v4;
	v1 =	vor.u32 v1, v3  }
0x27: {  	v2 =	vor.u32 v2, v4;
	[tilespmem:s14+$0x600] =	vst v1  }
0x28: {  	s18 =	simm.s32 $0x400;
	[tilespmem:s14+$0x400] =	vst v2  }
0x29: {  	[tilespmem:s15], [sflag:$0x1] =	stream.indirect.gather [hbm4b:s3+s13], $0x80, s18, s13, $0xb8;
	[tilespmem:$0x18A00] =	vst v63  }
0x2a: {  	s20 =	simm.s32 $0x600  }
0x2b: {  	[tilespmem:s17], [sflag:$0x3] =	stream.indirect.gather [hbm4b:s4+s13], $0x80, s20, s13, $0xb8;
	[tilespmem:$0x18A00] =	vst v63  }
0x2c: {  	s26 =	simm.s32 $0x480  }
0x2d: {  	[tilespmem:s19], [sflag:$0x2] =	stream.indirect.gather [hbm4b:s3+s13], $0x80, s26, s13, $0xb8;
	[tilespmem:$0x18A00] =	vst v63  }
0x2e: {  	s28 =	simm.s32 $0x680  }
0x2f: {  	[tilespmem:s21], [sflag:$0x4] =	stream.indirect.gather [hbm4b:s4+s13], $0x80, s28, s13, $0xb8;
	[tilespmem:$0x18A00] =	vst v63  }
0x30: {  	_ =	swait.ge [sflag:s22], $0x4000  }
0x31: {  	[sflag:s22] =	ssyncset.done $0x0  }
0x32: {  	[sflag:s22] =	ssyncadd.s32 $0xFFFFC000  }
0x33: {  	_ =	swait.ge [sflag:s23], $0x4000  }
0x34: {  	[sflag:s23] =	ssyncset.done $0x0  }
0x35: {  	s14 =	simm.s32 $0x0;
	[sflag:s23] =	ssyncadd.s32 $0xFFFFC000  }
0x36: {  	s16 =	simm.s32 $0x200;
	v1 =	vld [tilespmem:s14+$0x0]  }
0x37: {  	v2 =	vld [tilespmem:s16+$0x0];
	_ =	sdelay $0x3  }
0x38: {  	v5 =	vor.u32 s14, v0;
	v1 =	vshrl.u32 v1, $0x6  }
0x39: {  	v61 =	vshll.u32 v5, $0x7;
	v2 =	vshrl.u32 v2, $0x6;
	v1 =	vand.u32 $0x60, v1  }
0x3a: {  	v2 =	vand.u32 $0x60, v2;
	v3 =	vor.u32 v61, v1  }
0x3b: {  	v2 =	vor.u32 v61, v2;
	_ =	sdelay $0x3  }
0x3c: {  	v1 =	vshll.u32 v5, $0x5;
	v62 =	vld.idx.msk [tilespmem:v3+s15+$0x0], $0xffff  }
0x3d: {  	v63 =	vld.idx.msk [tilespmem:v2+s17+$0x0], $0xffff  }
0x3e: {  	v6 =	vor.u32 $0x1, v3  }
0x3f: {  	v7 =	vor.u32 $0x1, v2;
	_ =	sdelay $0x1  }
0x40: {  	[tilespmem:v1+s24+$0x0] =	vst.idx.msk $0xffff, v62  }
0x41: {  	[tilespmem:v1+s25+$0x0] =	vst.idx.msk $0xffff, v63  }
0x42: {  	v8 =	vor.u32 $0x1, v1;
	v6 =	vld.idx.msk [tilespmem:v6+s15+$0x0], $0xffff  }
0x43: {  	v7 =	vld.idx.msk [tilespmem:v7+s17+$0x0], $0xffff  }
0x44: {  	v9 =	vor.u32 $0x2, v3  }
0x45: {  	v10 =	vor.u32 $0x2, v2;
	_ =	sdelay $0x1  }
0x46: {  	[tilespmem:v8+s24+$0x0] =	vst.idx.msk $0xffff, v6  }
0x47: {  	[tilespmem:v8+s25+$0x0] =	vst.idx.msk $0xffff, v7  }
0x48: {  	v11 =	vor.u32 $0x2, v1;
	v8 =	vld.idx.msk [tilespmem:v9+s15+$0x0], $0xffff  }
0x49: {  	v9 =	vld.idx.msk [tilespmem:v10+s17+$0x0], $0xffff  }
0x4a: {  	v41 =	vor.u32 $0x3, v3  }
0x4b: {  	v12 =	vor.u32 $0x3, v2;
	_ =	sdelay $0x1  }
0x4c: {  	[tilespmem:v11+s24+$0x0] =	vst.idx.msk $0xffff, v8  }
0x4d: {  	[tilespmem:v11+s25+$0x0] =	vst.idx.msk $0xffff, v9  }
0x4e: {  	v13 =	vor.u32 $0x3, v1;
	v10 =	vld.idx.msk [tilespmem:v41+s15+$0x0], $0xffff  }
0x4f: {  	v11 =	vld.idx.msk [tilespmem:v12+s17+$0x0], $0xffff  }
0x50: {  	v42 =	vor.u32 $0x4, v3  }
0x51: {  	v14 =	vor.u32 $0x4, v2;
	_ =	sdelay $0x1  }
0x52: {  	[tilespmem:v13+s24+$0x0] =	vst.idx.msk $0xffff, v10  }
0x53: {  	[tilespmem:v13+s25+$0x0] =	vst.idx.msk $0xffff, v11  }
0x54: {  	v15 =	vor.u32 $0x4, v1;
	v12 =	vld.idx.msk [tilespmem:v42+s15+$0x0], $0xffff  }
0x55: {  	v13 =	vld.idx.msk [tilespmem:v14+s17+$0x0], $0xffff  }
0x56: {  	v43 =	vor.u32 $0x5, v3  }
0x57: {  	v16 =	vor.u32 $0x5, v2;
	_ =	sdelay $0x1  }
0x58: {  	[tilespmem:v15+s24+$0x0] =	vst.idx.msk $0xffff, v12  }
0x59: {  	[tilespmem:v15+s25+$0x0] =	vst.idx.msk $0xffff, v13  }
0x5a: {  	v17 =	vor.u32 $0x5, v1;
	v14 =	vld.idx.msk [tilespmem:v43+s15+$0x0], $0xffff  }
0x5b: {  	v15 =	vld.idx.msk [tilespmem:v16+s17+$0x0], $0xffff  }
0x5c: {  	v44 =	vor.u32 $0x6, v3  }
0x5d: {  	v18 =	vor.u32 $0x6, v2;
	_ =	sdelay $0x1  }
0x5e: {  	[tilespmem:v17+s24+$0x0] =	vst.idx.msk $0xffff, v14  }
0x5f: {  	[tilespmem:v17+s25+$0x0] =	vst.idx.msk $0xffff, v15  }
0x60: {  	v19 =	vor.u32 $0x6, v1;
	v16 =	vld.idx.msk [tilespmem:v44+s15+$0x0], $0xffff  }
0x61: {  	v17 =	vld.idx.msk [tilespmem:v18+s17+$0x0], $0xffff  }
0x62: {  	v45 =	vor.u32 $0x7, v3  }
0x63: {  	v20 =	vor.u32 $0x7, v2;
	_ =	sdelay $0x1  }
0x64: {  	[tilespmem:v19+s24+$0x0] =	vst.idx.msk $0xffff, v16  }
0x65: {  	[tilespmem:v19+s25+$0x0] =	vst.idx.msk $0xffff, v17  }
0x66: {  	v21 =	vor.u32 $0x7, v1;
	v18 =	vld.idx.msk [tilespmem:v45+s15+$0x0], $0xffff  }
0x67: {  	v19 =	vld.idx.msk [tilespmem:v20+s17+$0x0], $0xffff  }
0x68: {  	v46 =	vor.u32 $0x8, v3  }
0x69: {  	v22 =	vor.u32 $0x8, v2;
	_ =	sdelay $0x1  }
0x6a: {  	[tilespmem:v21+s24+$0x0] =	vst.idx.msk $0xffff, v18  }
0x6b: {  	[tilespmem:v21+s25+$0x0] =	vst.idx.msk $0xffff, v19  }
0x6c: {  	v23 =	vor.u32 $0x8, v1;
	v20 =	vld.idx.msk [tilespmem:v46+s15+$0x0], $0xffff  }
0x6d: {  	v21 =	vld.idx.msk [tilespmem:v22+s17+$0x0], $0xffff  }
0x6e: {  	v47 =	vor.u32 $0x9, v3  }
0x6f: {  	v24 =	vor.u32 $0x9, v2;
	_ =	sdelay $0x1  }
0x70: {  	[tilespmem:v23+s24+$0x0] =	vst.idx.msk $0xffff, v20  }
0x71: {  	[tilespmem:v23+s25+$0x0] =	vst.idx.msk $0xffff, v21  }
0x72: {  	v25 =	vor.u32 $0x9, v1;
	v22 =	vld.idx.msk [tilespmem:v47+s15+$0x0], $0xffff  }
0x73: {  	v23 =	vld.idx.msk [tilespmem:v24+s17+$0x0], $0xffff  }
0x74: {  	v48 =	vor.u32 $0xA, v3  }
0x75: {  	v26 =	vor.u32 $0xA, v2;
	_ =	sdelay $0x1  }
0x76: {  	[tilespmem:v25+s24+$0x0] =	vst.idx.msk $0xffff, v22  }
0x77: {  	[tilespmem:v25+s25+$0x0] =	vst.idx.msk $0xffff, v23  }
0x78: {  	v49 =	vor.u32 $0xA, v1;
	v24 =	vld.idx.msk [tilespmem:v48+s15+$0x0], $0xffff  }
0x79: {  	v26 =	vld.idx.msk [tilespmem:v26+s17+$0x0], $0xffff  }
0x7a: {  	v27 =	vor.u32 $0xB, v3  }
0x7b: {  	v28 =	vor.u32 $0xB, v2;
	_ =	sdelay $0x1  }
0x7c: {  	[tilespmem:v49+s24+$0x0] =	vst.idx.msk $0xffff, v24  }
0x7d: {  	[tilespmem:v49+s25+$0x0] =	vst.idx.msk $0xffff, v26  }
0x7e: {  	v50 =	vor.u32 $0xB, v1;
	v25 =	vld.idx.msk [tilespmem:v27+s15+$0x0], $0xffff  }
0x7f: {  	v28 =	vld.idx.msk [tilespmem:v28+s17+$0x0], $0xffff  }
0x80: {  	v29 =	vor.u32 $0xC, v3  }
0x81: {  	v30 =	vor.u32 $0xC, v2;
	_ =	sdelay $0x1  }
0x82: {  	[tilespmem:v50+s24+$0x0] =	vst.idx.msk $0xffff, v25  }
0x83: {  	[tilespmem:v50+s25+$0x0] =	vst.idx.msk $0xffff, v28  }
0x84: {  	v51 =	vor.u32 $0xC, v1;
	v27 =	vld.idx.msk [tilespmem:v29+s15+$0x0], $0xffff  }
0x85: {  	v30 =	vld.idx.msk [tilespmem:v30+s17+$0x0], $0xffff  }
0x86: {  	v31 =	vor.u32 $0xD, v3  }
0x87: {  	v32 =	vor.u32 $0xD, v2;
	_ =	sdelay $0x1  }
0x88: {  	[tilespmem:v51+s24+$0x0] =	vst.idx.msk $0xffff, v27  }
0x89: {  	[tilespmem:v51+s25+$0x0] =	vst.idx.msk $0xffff, v30  }
0x8a: {  	v52 =	vor.u32 $0xD, v1;
	v29 =	vld.idx.msk [tilespmem:v31+s15+$0x0], $0xffff  }
0x8b: {  	v32 =	vld.idx.msk [tilespmem:v32+s17+$0x0], $0xffff  }
0x8c: {  	v33 =	vor.u32 $0xE, v3  }
0x8d: {  	v34 =	vor.u32 $0xE, v2;
	_ =	sdelay $0x1  }
0x8e: {  	[tilespmem:v52+s24+$0x0] =	vst.idx.msk $0xffff, v29  }
0x8f: {  	[tilespmem:v52+s25+$0x0] =	vst.idx.msk $0xffff, v32  }
0x90: {  	v53 =	vor.u32 $0xE, v1;
	v31 =	vld.idx.msk [tilespmem:v33+s15+$0x0], $0xffff  }
0x91: {  	v34 =	vld.idx.msk [tilespmem:v34+s17+$0x0], $0xffff  }
0x92: {  	v35 =	vor.u32 $0xF, v3  }
0x93: {  	v36 =	vor.u32 $0xF, v2;
	_ =	sdelay $0x1  }
0x94: {  	[tilespmem:v53+s24+$0x0] =	vst.idx.msk $0xffff, v31  }
0x95: {  	[tilespmem:v53+s25+$0x0] =	vst.idx.msk $0xffff, v34  }
0x96: {  	v54 =	vor.u32 $0xF, v1;
	v33 =	vld.idx.msk [tilespmem:v35+s15+$0x0], $0xffff  }
0x97: {  	v36 =	vld.idx.msk [tilespmem:v36+s17+$0x0], $0xffff  }
0x98: {  	v37 =	vor.u32 $0x10, v3  }
0x99: {  	v38 =	vor.u32 $0x10, v2;
	_ =	sdelay $0x1  }
0x9a: {  	[tilespmem:v54+s24+$0x0] =	vst.idx.msk $0xffff, v33  }
0x9b: {  	[tilespmem:v54+s25+$0x0] =	vst.idx.msk $0xffff, v36  }
0x9c: {  	v55 =	vor.u32 $0x10, v1;
	v35 =	vld.idx.msk [tilespmem:v37+s15+$0x0], $0xffff  }
0x9d: {  	v38 =	vld.idx.msk [tilespmem:v38+s17+$0x0], $0xffff  }
0x9e: {  	v39 =	vor.u32 $0x11, v3  }
0x9f: {  	v40 =	vor.u32 $0x11, v2;
	_ =	sdelay $0x1  }
0xa0: {  	[tilespmem:v55+s24+$0x0] =	vst.idx.msk $0xffff, v35  }
0xa1: {  	[tilespmem:v55+s25+$0x0] =	vst.idx.msk $0xffff, v38  }
0xa2: {  	v56 =	vor.u32 $0x11, v1;
	v37 =	vld.idx.msk [tilespmem:v39+s15+$0x0], $0xffff  }
0xa3: {  	v40 =	vld.idx.msk [tilespmem:v40+s17+$0x0], $0xffff  }
0xa4: {  	v41 =	vor.u32 $0x12, v3  }
0xa5: {  	v42 =	vor.u32 $0x12, v2;
	_ =	sdelay $0x1  }
0xa6: {  	[tilespmem:v56+s24+$0x0] =	vst.idx.msk $0xffff, v37  }
0xa7: {  	[tilespmem:v56+s25+$0x0] =	vst.idx.msk $0xffff, v40  }
0xa8: {  	v57 =	vor.u32 $0x12, v1;
	v39 =	vld.idx.msk [tilespmem:v41+s15+$0x0], $0xffff  }
0xa9: {  	v42 =	vld.idx.msk [tilespmem:v42+s17+$0x0], $0xffff  }
0xaa: {  	v43 =	vor.u32 $0x13, v3  }
0xab: {  	v44 =	vor.u32 $0x13, v2;
	_ =	sdelay $0x1  }
0xac: {  	[tilespmem:v57+s24+$0x0] =	vst.idx.msk $0xffff, v39  }
0xad: {  	[tilespmem:v57+s25+$0x0] =	vst.idx.msk $0xffff, v42  }
0xae: {  	v58 =	vor.u32 $0x13, v1;
	v41 =	vld.idx.msk [tilespmem:v43+s15+$0x0], $0xffff  }
0xaf: {  	v44 =	vld.idx.msk [tilespmem:v44+s17+$0x0], $0xffff  }
0xb0: {  	v45 =	vor.u32 $0x14, v3  }
0xb1: {  	v46 =	vor.u32 $0x14, v2;
	_ =	sdelay $0x1  }
0xb2: {  	[tilespmem:v58+s24+$0x0] =	vst.idx.msk $0xffff, v41  }
0xb3: {  	[tilespmem:v58+s25+$0x0] =	vst.idx.msk $0xffff, v44  }
0xb4: {  	v59 =	vor.u32 $0x14, v1;
	v43 =	vld.idx.msk [tilespmem:v45+s15+$0x0], $0xffff  }
0xb5: {  	v46 =	vld.idx.msk [tilespmem:v46+s17+$0x0], $0xffff  }
0xb6: {  	v47 =	vor.u32 $0x15, v3  }
0xb7: {  	v48 =	vor.u32 $0x15, v2;
	_ =	sdelay $0x1  }
0xb8: {  	[tilespmem:v59+s24+$0x0] =	vst.idx.msk $0xffff, v43  }
0xb9: {  	[tilespmem:v59+s25+$0x0] =	vst.idx.msk $0xffff, v46  }
0xba: {  	v60 =	vor.u32 $0x15, v1;
	v45 =	vld.idx.msk [tilespmem:v47+s15+$0x0], $0xffff  }
0xbb: {  	v48 =	vld.idx.msk [tilespmem:v48+s17+$0x0], $0xffff  }
0xbc: {  	v49 =	vor.u32 $0x16, v3  }
0xbd: {  	v50 =	vor.u32 $0x16, v2;
	_ =	sdelay $0x1  }
0xbe: {  	[tilespmem:v60+s24+$0x0] =	vst.idx.msk $0xffff, v45  }
0xbf: {  	[tilespmem:v60+s25+$0x0] =	vst.idx.msk $0xffff, v48  }
0xc0: {  	v61 =	vor.u32 $0x16, v1;
	v47 =	vld.idx.msk [tilespmem:v49+s15+$0x0], $0xffff  }
0xc1: {  	v50 =	vld.idx.msk [tilespmem:v50+s17+$0x0], $0xffff  }
0xc2: {  	v51 =	vor.u32 $0x17, v3  }
0xc3: {  	v52 =	vor.u32 $0x17, v2;
	_ =	sdelay $0x1  }
0xc4: {  	[tilespmem:v61+s24+$0x0] =	vst.idx.msk $0xffff, v47  }
0xc5: {  	[tilespmem:v61+s25+$0x0] =	vst.idx.msk $0xffff, v50  }
0xc6: {  	v4 =	vmul.f32 v63, v62;
	v62 =	vor.u32 $0x17, v1;
	v5 =	vld.idx.msk [tilespmem:v51+s15+$0x0], $0xffff  }
0xc7: {  	v51 =	vld.idx.msk [tilespmem:v52+s17+$0x0], $0xffff  }
0xc8: {  	v63 =	vor.u32 $0x18, v3;
	v4 =	vadd.f32 $0.0e+00, v4;
	v6 =	vmul.f32 v7, v6  }
0xc9: {  	v56 =	vor.u32 $0x18, v2  }
0xca: {  	v4 =	vadd.f32 v6, v4;
	v8 =	vmul.f32 v9, v8  }
0xcb: {  	[tilespmem:v62+s24+$0x0] =	vst.idx.msk $0xffff, v5  }
0xcc: {  	v4 =	vadd.f32 v8, v4;
	v57 =	vmul.f32 v11, v10;
	[tilespmem:v62+s25+$0x0] =	vst.idx.msk $0xffff, v51  }
0xcd: {  	v58 =	vor.u32 $0x18, v1;
	v7 =	vld.idx.msk [tilespmem:v63+s15+$0x0], $0xffff  }
0xce: {  	v4 =	vadd.f32 v57, v4;
	v59 =	vmul.f32 v13, v12;
	v60 =	vld.idx.msk [tilespmem:v56+s17+$0x0], $0xffff  }
0xcf: {  	v61 =	vor.u32 $0x19, v3  }
0xd0: {  	v4 =	vadd.f32 v59, v4;
	v62 =	vmul.f32 v15, v14;
	v63 =	vor.u32 $0x19, v2;
	_ =	sdelay $0x1  }
0xd1: {  	v16 =	vmul.f32 v17, v16;
	v4 =	vadd.f32 v62, v4;
	[tilespmem:v58+s24+$0x0] =	vst.idx.msk $0xffff, v7  }
0xd2: {  	[tilespmem:v58+s25+$0x0] =	vst.idx.msk $0xffff, v60  }
0xd3: {  	v17 =	vmul.f32 v19, v18;
	v18 =	vor.u32 $0x19, v1;
	v4 =	vadd.f32 v16, v4;
	v6 =	vld.idx.msk [tilespmem:v61+s15+$0x0], $0xffff  }
0xd4: {  	v9 =	vld.idx.msk [tilespmem:v63+s17+$0x0], $0xffff  }
0xd5: {  	v19 =	vmul.f32 v21, v20;
	v20 =	vor.u32 $0x1A, v3;
	v4 =	vadd.f32 v17, v4  }
0xd6: {  	v21 =	vor.u32 $0x1A, v2  }
0xd7: {  	v22 =	vmul.f32 v23, v22;
	v4 =	vadd.f32 v19, v4  }
0xd8: {  	[tilespmem:v18+s24+$0x0] =	vst.idx.msk $0xffff, v6  }
0xd9: {  	v23 =	vmul.f32 v26, v24;
	v4 =	vadd.f32 v22, v4;
	[tilespmem:v18+s25+$0x0] =	vst.idx.msk $0xffff, v9  }
0xda: {  	v24 =	vor.u32 $0x1A, v1;
	v11 =	vld.idx.msk [tilespmem:v20+s15+$0x0], $0xffff  }
0xdb: {  	v25 =	vmul.f32 v28, v25;
	v4 =	vadd.f32 v23, v4;
	v8 =	vld.idx.msk [tilespmem:v21+s17+$0x0], $0xffff  }
0xdc: {  	v26 =	vor.u32 $0x1B, v3  }
0xdd: {  	v28 =	vor.u32 $0x1B, v2;
	v27 =	vmul.f32 v30, v27;
	v4 =	vadd.f32 v25, v4;
	_ =	sdelay $0x1  }
0xde: {  	v29 =	vmul.f32 v32, v29;
	v4 =	vadd.f32 v27, v4;
	[tilespmem:v24+s24+$0x0] =	vst.idx.msk $0xffff, v11  }
0xdf: {  	[tilespmem:v24+s25+$0x0] =	vst.idx.msk $0xffff, v8  }
0xe0: {  	v30 =	vmul.f32 v34, v31;
	v31 =	vor.u32 $0x1B, v1;
	v4 =	vadd.f32 v29, v4;
	v12 =	vld.idx.msk [tilespmem:v26+s15+$0x0], $0xffff  }
0xe1: {  	v14 =	vld.idx.msk [tilespmem:v28+s17+$0x0], $0xffff  }
0xe2: {  	v32 =	vmul.f32 v36, v33;
	v33 =	vor.u32 $0x1C, v3;
	v4 =	vadd.f32 v30, v4  }
0xe3: {  	v34 =	vor.u32 $0x1C, v2  }
0xe4: {  	v36 =	vmul.f32 v38, v35;
	v4 =	vadd.f32 v32, v4  }
0xe5: {  	[tilespmem:v31+s24+$0x0] =	vst.idx.msk $0xffff, v12  }
0xe6: {  	v37 =	vmul.f32 v40, v37;
	v4 =	vadd.f32 v36, v4;
	[tilespmem:v31+s25+$0x0] =	vst.idx.msk $0xffff, v14  }
0xe7: {  	v38 =	vor.u32 $0x1C, v1;
	v15 =	vld.idx.msk [tilespmem:v33+s15+$0x0], $0xffff  }
0xe8: {  	v39 =	vmul.f32 v42, v39;
	v4 =	vadd.f32 v37, v4;
	v13 =	vld.idx.msk [tilespmem:v34+s17+$0x0], $0xffff  }
0xe9: {  	v40 =	vor.u32 $0x1D, v3  }
0xea: {  	v42 =	vmul.f32 v44, v41;
	v44 =	vor.u32 $0x1D, v2;
	v4 =	vadd.f32 v39, v4;
	_ =	sdelay $0x1  }
0xeb: {  	v46 =	vmul.f32 v46, v43;
	v4 =	vadd.f32 v42, v4;
	[tilespmem:v38+s24+$0x0] =	vst.idx.msk $0xffff, v15  }
0xec: {  	[tilespmem:v38+s25+$0x0] =	vst.idx.msk $0xffff, v13  }
0xed: {  	v48 =	vmul.f32 v48, v45;
	v49 =	vor.u32 $0x1D, v1;
	v4 =	vadd.f32 v46, v4;
	v16 =	vld.idx.msk [tilespmem:v40+s15+$0x0], $0xffff  }
0xee: {  	v52 =	vld.idx.msk [tilespmem:v44+s17+$0x0], $0xffff  }
0xef: {  	v54 =	vor.u32 $0x1E, v3;
	v53 =	vmul.f32 v50, v47;
	v4 =	vadd.f32 v48, v4  }
0xf0: {  	v55 =	vor.u32 $0x1E, v2  }
0xf1: {  	v5 =	vmul.f32 v51, v5;
	v4 =	vadd.f32 v53, v4  }
0xf2: {  	[tilespmem:v49+s24+$0x0] =	vst.idx.msk $0xffff, v16  }
0xf3: {  	v7 =	vmul.f32 v60, v7;
	v4 =	vadd.f32 v5, v4;
	[tilespmem:v49+s25+$0x0] =	vst.idx.msk $0xffff, v52  }
0xf4: {  	v57 =	vor.u32 $0x1E, v1;
	v56 =	vld.idx.msk [tilespmem:v54+s15+$0x0], $0xffff  }
0xf5: {  	v6 =	vmul.f32 v9, v6;
	v4 =	vadd.f32 v7, v4;
	v58 =	vld.idx.msk [tilespmem:v55+s17+$0x0], $0xffff  }
0xf6: {  	v3 =	vor.u32 $0x1F, v3  }
0xf7: {  	v2 =	vor.u32 $0x1F, v2;
	v59 =	vmul.f32 v8, v11;
	v4 =	vadd.f32 v6, v4;
	_ =	sdelay $0x1  }
0xf8: {  	v60 =	vmul.f32 v14, v12;
	v4 =	vadd.f32 v59, v4;
	[tilespmem:v57+s24+$0x0] =	vst.idx.msk $0xffff, v56  }
0xf9: {  	[tilespmem:v57+s25+$0x0] =	vst.idx.msk $0xffff, v58  }
0xfa: {  	v61 =	vmul.f32 v13, v15;
	v4 =	vadd.f32 v60, v4;
	v3 =	vld.idx.msk [tilespmem:v3+s15+$0x0], $0xffff  }
0xfb: {  	v2 =	vld.idx.msk [tilespmem:v2+s17+$0x0], $0xffff  }
0xfc: {  	v1 =	vor.u32 $0x1F, v1;
	v62 =	vmul.f32 v52, v16;
	v4 =	vadd.f32 v61, v4;
	_ =	sdelay $0x1  }
0xfd: {  	v5 =	vmul.f32 v58, v56;
	v4 =	vadd.f32 v62, v4;
	_ =	sdelay $0x1  }
0xfe: {  	v4 =	vadd.f32 v5, v4;
	v63 =	vmul.f32 v2, v3  }
0xff: {  	[tilespmem:v1+s24+$0x0] =	vst.idx.msk $0xffff, v3  }
0x100: {  	s18 =	simm.s32 $0x18800;
	s20 =	simm.s32 $0x10;
	s26 =	simm.s32 $0x18800;
	[tilespmem:v1+s25+$0x0] =	vst.idx.msk $0xffff, v2;
	v1 =	vadd.f32 v63, v4  }
.LBB2_4:
0x101: {  	s14 =	sadd.s32 $0x10, s14  }
0x102: {  	s16 =	sadd.s32 $0x10, s16;
	s18 =	sadd.s32 $0x10, s18;
	s28 =	smov.u32 s20  }
0x103: {  	p0 =	sne.s32 s20, $0x70;
	s20 =	sadd.s32 $0x10, s20;
	[tilespmem:s26+$0x0] =	vst v1;
	s26 =	smov.u32 s18  }
0x104: {  	v1 =	vld [tilespmem:s14+$0x0]  }
0x105: {  	v2 =	vld [tilespmem:s16+$0x0];
	_ =	sdelay $0x3  }
0x106: {  	v4 =	vor.u32 s28, v0;
	v1 =	vshrl.u32 v1, $0x6  }
0x107: {  	v3 =	vshll.u32 v4, $0x7;
	v1 =	vand.u32 $0x60, v1;
	v2 =	vshrl.u32 v2, $0x6  }
0x108: {  	v5 =	vand.u32 $0x60, v2;
	v2 =	vor.u32 v3, v1  }
0x109: {  	v3 =	vor.u32 v3, v5;
	_ =	sdelay $0x3  }
0x10a: {  	v5 =	vld.idx.msk [tilespmem:v2+s15+$0x0], $0xffff  }
0x10b: {  	v1 =	vshll.u32 v4, $0x5;
	v6 =	vld.idx.msk [tilespmem:v3+s17+$0x0], $0xffff;
	_ =	sdelay $0x1  }
0x10c: {  	v7 =	vor.u32 $0x1, v2  }
0x10d: {  	v8 =	vor.u32 $0x1, v3;
	_ =	sdelay $0x1  }
0x10e: {  	[tilespmem:v1+s24+$0x0] =	vst.idx.msk $0xffff, v5  }
0x10f: {  	v4 =	vmul.f32 v6, v5;
	[tilespmem:v1+s25+$0x0] =	vst.idx.msk $0xffff, v6  }
0x110: {  	v5 =	vld.idx.msk [tilespmem:v7+s15+$0x0], $0xffff  }
0x111: {  	v7 =	vor.u32 $0x1, v1;
	v6 =	vld.idx.msk [tilespmem:v8+s17+$0x0], $0xffff;
	_ =	sdelay $0x1  }
0x112: {  	v8 =	vor.u32 $0x2, v2  }
0x113: {  	v9 =	vor.u32 $0x2, v3;
	_ =	sdelay $0x1  }
0x114: {  	[tilespmem:v7+s24+$0x0] =	vst.idx.msk $0xffff, v5  }
0x115: {  	v5 =	vmul.f32 v6, v5;
	[tilespmem:v7+s25+$0x0] =	vst.idx.msk $0xffff, v6  }
0x116: {  	v6 =	vld.idx.msk [tilespmem:v8+s15+$0x0], $0xffff  }
0x117: {  	v8 =	vor.u32 $0x2, v1;
	v7 =	vld.idx.msk [tilespmem:v9+s17+$0x0], $0xffff;
	_ =	sdelay $0x1  }
0x118: {  	v9 =	vor.u32 $0x3, v2  }
0x119: {  	v10 =	vor.u32 $0x3, v3;
	_ =	sdelay $0x1  }
0x11a: {  	[tilespmem:v8+s24+$0x0] =	vst.idx.msk $0xffff, v6  }
0x11b: {  	v6 =	vmul.f32 v7, v6;
	[tilespmem:v8+s25+$0x0] =	vst.idx.msk $0xffff, v7  }
0x11c: {  	v7 =	vld.idx.msk [tilespmem:v9+s15+$0x0], $0xffff  }
0x11d: {  	v9 =	vor.u32 $0x3, v1;
	v8 =	vld.idx.msk [tilespmem:v10+s17+$0x0], $0xffff;
	_ =	sdelay $0x1  }
0x11e: {  	v10 =	vor.u32 $0x4, v2  }
0x11f: {  	v11 =	vor.u32 $0x4, v3;
	_ =	sdelay $0x1  }
0x120: {  	[tilespmem:v9+s24+$0x0] =	vst.idx.msk $0xffff, v7  }
0x121: {  	v7 =	vmul.f32 v8, v7;
	[tilespmem:v9+s25+$0x0] =	vst.idx.msk $0xffff, v8  }
0x122: {  	v8 =	vld.idx.msk [tilespmem:v10+s15+$0x0], $0xffff  }
0x123: {  	v10 =	vor.u32 $0x4, v1;
	v9 =	vld.idx.msk [tilespmem:v11+s17+$0x0], $0xffff;
	_ =	sdelay $0x1  }
0x124: {  	v11 =	vor.u32 $0x5, v2  }
0x125: {  	v12 =	vor.u32 $0x5, v3;
	_ =	sdelay $0x1  }
0x126: {  	[tilespmem:v10+s24+$0x0] =	vst.idx.msk $0xffff, v8  }
0x127: {  	v8 =	vmul.f32 v9, v8;
	[tilespmem:v10+s25+$0x0] =	vst.idx.msk $0xffff, v9  }
0x128: {  	v9 =	vld.idx.msk [tilespmem:v11+s15+$0x0], $0xffff  }
0x129: {  	v11 =	vor.u32 $0x5, v1;
	v10 =	vld.idx.msk [tilespmem:v12+s17+$0x0], $0xffff;
	_ =	sdelay $0x1  }
0x12a: {  	v12 =	vor.u32 $0x6, v2  }
0x12b: {  	v13 =	vor.u32 $0x6, v3;
	_ =	sdelay $0x1  }
0x12c: {  	[tilespmem:v11+s24+$0x0] =	vst.idx.msk $0xffff, v9  }
0x12d: {  	v9 =	vmul.f32 v10, v9;
	[tilespmem:v11+s25+$0x0] =	vst.idx.msk $0xffff, v10  }
0x12e: {  	v10 =	vld.idx.msk [tilespmem:v12+s15+$0x0], $0xffff  }
0x12f: {  	v12 =	vor.u32 $0x6, v1;
	v11 =	vld.idx.msk [tilespmem:v13+s17+$0x0], $0xffff;
	_ =	sdelay $0x1  }
0x130: {  	v13 =	vor.u32 $0x7, v2  }
0x131: {  	v14 =	vor.u32 $0x7, v3;
	_ =	sdelay $0x1  }
0x132: {  	[tilespmem:v12+s24+$0x0] =	vst.idx.msk $0xffff, v10  }
0x133: {  	v10 =	vmul.f32 v11, v10;
	[tilespmem:v12+s25+$0x0] =	vst.idx.msk $0xffff, v11  }
0x134: {  	v11 =	vld.idx.msk [tilespmem:v13+s15+$0x0], $0xffff  }
0x135: {  	v13 =	vor.u32 $0x7, v1;
	v12 =	vld.idx.msk [tilespmem:v14+s17+$0x0], $0xffff;
	_ =	sdelay $0x1  }
0x136: {  	v14 =	vor.u32 $0x8, v2  }
0x137: {  	v15 =	vor.u32 $0x8, v3;
	_ =	sdelay $0x1  }
0x138: {  	[tilespmem:v13+s24+$0x0] =	vst.idx.msk $0xffff, v11  }
0x139: {  	v11 =	vmul.f32 v12, v11;
	[tilespmem:v13+s25+$0x0] =	vst.idx.msk $0xffff, v12  }
0x13a: {  	v12 =	vld.idx.msk [tilespmem:v14+s15+$0x0], $0xffff  }
0x13b: {  	v14 =	vor.u32 $0x8, v1;
	v13 =	vld.idx.msk [tilespmem:v15+s17+$0x0], $0xffff;
	_ =	sdelay $0x1  }
0x13c: {  	v15 =	vor.u32 $0x9, v2  }
0x13d: {  	v16 =	vor.u32 $0x9, v3;
	_ =	sdelay $0x1  }
0x13e: {  	[tilespmem:v14+s24+$0x0] =	vst.idx.msk $0xffff, v12  }
0x13f: {  	v12 =	vmul.f32 v13, v12;
	[tilespmem:v14+s25+$0x0] =	vst.idx.msk $0xffff, v13  }
0x140: {  	v13 =	vld.idx.msk [tilespmem:v15+s15+$0x0], $0xffff  }
0x141: {  	v15 =	vor.u32 $0x9, v1;
	v14 =	vld.idx.msk [tilespmem:v16+s17+$0x0], $0xffff;
	_ =	sdelay $0x1  }
0x142: {  	v16 =	vor.u32 $0xA, v2  }
0x143: {  	v17 =	vor.u32 $0xA, v3;
	_ =	sdelay $0x1  }
0x144: {  	[tilespmem:v15+s24+$0x0] =	vst.idx.msk $0xffff, v13  }
0x145: {  	v13 =	vmul.f32 v14, v13;
	[tilespmem:v15+s25+$0x0] =	vst.idx.msk $0xffff, v14  }
0x146: {  	v14 =	vld.idx.msk [tilespmem:v16+s15+$0x0], $0xffff  }
0x147: {  	v16 =	vor.u32 $0xA, v1;
	v15 =	vld.idx.msk [tilespmem:v17+s17+$0x0], $0xffff;
	_ =	sdelay $0x1  }
0x148: {  	v17 =	vor.u32 $0xB, v2  }
0x149: {  	v18 =	vor.u32 $0xB, v3;
	_ =	sdelay $0x1  }
0x14a: {  	[tilespmem:v16+s24+$0x0] =	vst.idx.msk $0xffff, v14  }
0x14b: {  	v14 =	vmul.f32 v15, v14;
	[tilespmem:v16+s25+$0x0] =	vst.idx.msk $0xffff, v15  }
0x14c: {  	v15 =	vld.idx.msk [tilespmem:v17+s15+$0x0], $0xffff  }
0x14d: {  	v17 =	vor.u32 $0xB, v1;
	v16 =	vld.idx.msk [tilespmem:v18+s17+$0x0], $0xffff;
	_ =	sdelay $0x1  }
0x14e: {  	v18 =	vor.u32 $0xC, v2  }
0x14f: {  	v19 =	vor.u32 $0xC, v3;
	_ =	sdelay $0x1  }
0x150: {  	[tilespmem:v17+s24+$0x0] =	vst.idx.msk $0xffff, v15  }
0x151: {  	v15 =	vmul.f32 v16, v15;
	[tilespmem:v17+s25+$0x0] =	vst.idx.msk $0xffff, v16  }
0x152: {  	v16 =	vld.idx.msk [tilespmem:v18+s15+$0x0], $0xffff  }
0x153: {  	v18 =	vor.u32 $0xC, v1;
	v17 =	vld.idx.msk [tilespmem:v19+s17+$0x0], $0xffff;
	_ =	sdelay $0x1  }
0x154: {  	v19 =	vor.u32 $0xD, v2  }
0x155: {  	v20 =	vor.u32 $0xD, v3;
	_ =	sdelay $0x1  }
0x156: {  	[tilespmem:v18+s24+$0x0] =	vst.idx.msk $0xffff, v16  }
0x157: {  	v16 =	vmul.f32 v17, v16;
	[tilespmem:v18+s25+$0x0] =	vst.idx.msk $0xffff, v17  }
0x158: {  	v17 =	vld.idx.msk [tilespmem:v19+s15+$0x0], $0xffff  }
0x159: {  	v19 =	vor.u32 $0xD, v1;
	v18 =	vld.idx.msk [tilespmem:v20+s17+$0x0], $0xffff;
	_ =	sdelay $0x1  }
0x15a: {  	v20 =	vor.u32 $0xE, v2  }
0x15b: {  	v21 =	vor.u32 $0xE, v3;
	_ =	sdelay $0x1  }
0x15c: {  	[tilespmem:v19+s24+$0x0] =	vst.idx.msk $0xffff, v17  }
0x15d: {  	v17 =	vmul.f32 v18, v17;
	[tilespmem:v19+s25+$0x0] =	vst.idx.msk $0xffff, v18  }
0x15e: {  	v18 =	vld.idx.msk [tilespmem:v20+s15+$0x0], $0xffff  }
0x15f: {  	v20 =	vor.u32 $0xE, v1;
	v19 =	vld.idx.msk [tilespmem:v21+s17+$0x0], $0xffff;
	_ =	sdelay $0x1  }
0x160: {  	v21 =	vor.u32 $0xF, v2  }
0x161: {  	v22 =	vor.u32 $0xF, v3;
	_ =	sdelay $0x1  }
0x162: {  	[tilespmem:v20+s24+$0x0] =	vst.idx.msk $0xffff, v18  }
0x163: {  	v18 =	vmul.f32 v19, v18;
	[tilespmem:v20+s25+$0x0] =	vst.idx.msk $0xffff, v19  }
0x164: {  	v19 =	vld.idx.msk [tilespmem:v21+s15+$0x0], $0xffff  }
0x165: {  	v21 =	vor.u32 $0xF, v1;
	v20 =	vld.idx.msk [tilespmem:v22+s17+$0x0], $0xffff;
	_ =	sdelay $0x1  }
0x166: {  	v22 =	vor.u32 $0x10, v2  }
0x167: {  	v23 =	vor.u32 $0x10, v3;
	_ =	sdelay $0x1  }
0x168: {  	[tilespmem:v21+s24+$0x0] =	vst.idx.msk $0xffff, v19  }
0x169: {  	v19 =	vmul.f32 v20, v19;
	[tilespmem:v21+s25+$0x0] =	vst.idx.msk $0xffff, v20  }
0x16a: {  	v20 =	vld.idx.msk [tilespmem:v22+s15+$0x0], $0xffff  }
0x16b: {  	v22 =	vor.u32 $0x10, v1;
	v21 =	vld.idx.msk [tilespmem:v23+s17+$0x0], $0xffff;
	_ =	sdelay $0x1  }
0x16c: {  	v23 =	vor.u32 $0x11, v2  }
0x16d: {  	v24 =	vor.u32 $0x11, v3;
	_ =	sdelay $0x1  }
0x16e: {  	[tilespmem:v22+s24+$0x0] =	vst.idx.msk $0xffff, v20  }
0x16f: {  	v20 =	vmul.f32 v21, v20;
	[tilespmem:v22+s25+$0x0] =	vst.idx.msk $0xffff, v21  }
0x170: {  	v21 =	vld.idx.msk [tilespmem:v23+s15+$0x0], $0xffff  }
0x171: {  	v23 =	vor.u32 $0x11, v1;
	v22 =	vld.idx.msk [tilespmem:v24+s17+$0x0], $0xffff;
	_ =	sdelay $0x1  }
0x172: {  	v24 =	vor.u32 $0x12, v2  }
0x173: {  	v25 =	vor.u32 $0x12, v3;
	_ =	sdelay $0x1  }
0x174: {  	[tilespmem:v23+s24+$0x0] =	vst.idx.msk $0xffff, v21  }
0x175: {  	v21 =	vmul.f32 v22, v21;
	[tilespmem:v23+s25+$0x0] =	vst.idx.msk $0xffff, v22  }
0x176: {  	v22 =	vld.idx.msk [tilespmem:v24+s15+$0x0], $0xffff  }
0x177: {  	v24 =	vor.u32 $0x12, v1;
	v23 =	vld.idx.msk [tilespmem:v25+s17+$0x0], $0xffff;
	_ =	sdelay $0x1  }
0x178: {  	v25 =	vor.u32 $0x13, v2  }
0x179: {  	v26 =	vor.u32 $0x13, v3;
	_ =	sdelay $0x1  }
0x17a: {  	[tilespmem:v24+s24+$0x0] =	vst.idx.msk $0xffff, v22  }
0x17b: {  	v22 =	vmul.f32 v23, v22;
	[tilespmem:v24+s25+$0x0] =	vst.idx.msk $0xffff, v23  }
0x17c: {  	v23 =	vld.idx.msk [tilespmem:v25+s15+$0x0], $0xffff  }
0x17d: {  	v25 =	vor.u32 $0x13, v1;
	v24 =	vld.idx.msk [tilespmem:v26+s17+$0x0], $0xffff;
	_ =	sdelay $0x1  }
0x17e: {  	v26 =	vor.u32 $0x14, v2  }
0x17f: {  	v27 =	vor.u32 $0x14, v3;
	_ =	sdelay $0x1  }
0x180: {  	[tilespmem:v25+s24+$0x0] =	vst.idx.msk $0xffff, v23  }
0x181: {  	v23 =	vmul.f32 v24, v23;
	[tilespmem:v25+s25+$0x0] =	vst.idx.msk $0xffff, v24  }
0x182: {  	v24 =	vld.idx.msk [tilespmem:v26+s15+$0x0], $0xffff  }
0x183: {  	v26 =	vor.u32 $0x14, v1;
	v25 =	vld.idx.msk [tilespmem:v27+s17+$0x0], $0xffff;
	_ =	sdelay $0x1  }
0x184: {  	v27 =	vor.u32 $0x15, v2  }
0x185: {  	v28 =	vor.u32 $0x15, v3;
	_ =	sdelay $0x1  }
0x186: {  	[tilespmem:v26+s24+$0x0] =	vst.idx.msk $0xffff, v24  }
0x187: {  	v24 =	vmul.f32 v25, v24;
	[tilespmem:v26+s25+$0x0] =	vst.idx.msk $0xffff, v25  }
0x188: {  	v25 =	vld.idx.msk [tilespmem:v27+s15+$0x0], $0xffff  }
0x189: {  	v27 =	vor.u32 $0x15, v1;
	v26 =	vld.idx.msk [tilespmem:v28+s17+$0x0], $0xffff;
	_ =	sdelay $0x1  }
0x18a: {  	v28 =	vor.u32 $0x16, v2  }
0x18b: {  	v29 =	vor.u32 $0x16, v3;
	_ =	sdelay $0x1  }
0x18c: {  	[tilespmem:v27+s24+$0x0] =	vst.idx.msk $0xffff, v25  }
0x18d: {  	v25 =	vmul.f32 v26, v25;
	[tilespmem:v27+s25+$0x0] =	vst.idx.msk $0xffff, v26  }
0x18e: {  	v26 =	vld.idx.msk [tilespmem:v28+s15+$0x0], $0xffff  }
0x18f: {  	v28 =	vor.u32 $0x16, v1;
	v27 =	vld.idx.msk [tilespmem:v29+s17+$0x0], $0xffff;
	_ =	sdelay $0x1  }
0x190: {  	v29 =	vor.u32 $0x17, v2  }
0x191: {  	v30 =	vor.u32 $0x17, v3;
	_ =	sdelay $0x1  }
0x192: {  	[tilespmem:v28+s24+$0x0] =	vst.idx.msk $0xffff, v26  }
0x193: {  	v26 =	vmul.f32 v27, v26;
	[tilespmem:v28+s25+$0x0] =	vst.idx.msk $0xffff, v27  }
0x194: {  	v27 =	vld.idx.msk [tilespmem:v29+s15+$0x0], $0xffff  }
0x195: {  	v29 =	vor.u32 $0x17, v1;
	v28 =	vld.idx.msk [tilespmem:v30+s17+$0x0], $0xffff;
	_ =	sdelay $0x1  }
0x196: {  	v30 =	vor.u32 $0x18, v2  }
0x197: {  	v31 =	vor.u32 $0x18, v3;
	_ =	sdelay $0x1  }
0x198: {  	[tilespmem:v29+s24+$0x0] =	vst.idx.msk $0xffff, v27  }
0x199: {  	v27 =	vmul.f32 v28, v27;
	[tilespmem:v29+s25+$0x0] =	vst.idx.msk $0xffff, v28  }
0x19a: {  	v28 =	vld.idx.msk [tilespmem:v30+s15+$0x0], $0xffff  }
0x19b: {  	v30 =	vor.u32 $0x18, v1;
	v29 =	vld.idx.msk [tilespmem:v31+s17+$0x0], $0xffff  }
0x19c: {  	v4 =	vadd.f32 $0.0e+00, v4  }
0x19d: {  	v31 =	vor.u32 $0x19, v2  }
0x19e: {  	v4 =	vadd.f32 v5, v4;
	v5 =	vor.u32 $0x19, v3;
	_ =	sdelay $0x1  }
0x19f: {  	v4 =	vadd.f32 v6, v4;
	[tilespmem:v30+s24+$0x0] =	vst.idx.msk $0xffff, v28  }
0x1a0: {  	v6 =	vmul.f32 v29, v28;
	[tilespmem:v30+s25+$0x0] =	vst.idx.msk $0xffff, v29  }
0x1a1: {  	v4 =	vadd.f32 v7, v4;
	v7 =	vld.idx.msk [tilespmem:v31+s15+$0x0], $0xffff  }
0x1a2: {  	v28 =	vor.u32 $0x19, v1;
	v5 =	vld.idx.msk [tilespmem:v5+s17+$0x0], $0xffff  }
0x1a3: {  	v4 =	vadd.f32 v8, v4  }
0x1a4: {  	v8 =	vor.u32 $0x1A, v2  }
0x1a5: {  	v4 =	vadd.f32 v9, v4;
	v9 =	vor.u32 $0x1A, v3;
	_ =	sdelay $0x1  }
0x1a6: {  	v4 =	vadd.f32 v10, v4;
	[tilespmem:v28+s24+$0x0] =	vst.idx.msk $0xffff, v7  }
0x1a7: {  	v7 =	vmul.f32 v5, v7;
	[tilespmem:v28+s25+$0x0] =	vst.idx.msk $0xffff, v5  }
0x1a8: {  	v4 =	vadd.f32 v11, v4;
	v5 =	vld.idx.msk [tilespmem:v8+s15+$0x0], $0xffff  }
0x1a9: {  	v8 =	vld.idx.msk [tilespmem:v9+s17+$0x0], $0xffff;
	v9 =	vor.u32 $0x1A, v1  }
0x1aa: {  	v4 =	vadd.f32 v12, v4  }
0x1ab: {  	v10 =	vor.u32 $0x1B, v2  }
0x1ac: {  	v11 =	vor.u32 $0x1B, v3;
	v4 =	vadd.f32 v13, v4;
	_ =	sdelay $0x1  }
0x1ad: {  	v4 =	vadd.f32 v14, v4;
	[tilespmem:v9+s24+$0x0] =	vst.idx.msk $0xffff, v5  }
0x1ae: {  	v5 =	vmul.f32 v8, v5;
	[tilespmem:v9+s25+$0x0] =	vst.idx.msk $0xffff, v8  }
0x1af: {  	v4 =	vadd.f32 v15, v4;
	v8 =	vld.idx.msk [tilespmem:v10+s15+$0x0], $0xffff  }
0x1b0: {  	v10 =	vor.u32 $0x1B, v1;
	v9 =	vld.idx.msk [tilespmem:v11+s17+$0x0], $0xffff  }
0x1b1: {  	v4 =	vadd.f32 v16, v4  }
0x1b2: {  	v11 =	vor.u32 $0x1C, v2  }
0x1b3: {  	v12 =	vor.u32 $0x1C, v3;
	v4 =	vadd.f32 v17, v4;
	_ =	sdelay $0x1  }
0x1b4: {  	v4 =	vadd.f32 v18, v4;
	[tilespmem:v10+s24+$0x0] =	vst.idx.msk $0xffff, v8  }
0x1b5: {  	v8 =	vmul.f32 v9, v8;
	[tilespmem:v10+s25+$0x0] =	vst.idx.msk $0xffff, v9  }
0x1b6: {  	v4 =	vadd.f32 v19, v4;
	v9 =	vld.idx.msk [tilespmem:v11+s15+$0x0], $0xffff  }
0x1b7: {  	v11 =	vor.u32 $0x1C, v1;
	v10 =	vld.idx.msk [tilespmem:v12+s17+$0x0], $0xffff  }
0x1b8: {  	v4 =	vadd.f32 v20, v4  }
0x1b9: {  	v12 =	vor.u32 $0x1D, v2  }
0x1ba: {  	v13 =	vor.u32 $0x1D, v3;
	v4 =	vadd.f32 v21, v4;
	_ =	sdelay $0x1  }
0x1bb: {  	v4 =	vadd.f32 v22, v4;
	[tilespmem:v11+s24+$0x0] =	vst.idx.msk $0xffff, v9  }
0x1bc: {  	v9 =	vmul.f32 v10, v9;
	[tilespmem:v11+s25+$0x0] =	vst.idx.msk $0xffff, v10  }
0x1bd: {  	v4 =	vadd.f32 v23, v4;
	v10 =	vld.idx.msk [tilespmem:v12+s15+$0x0], $0xffff  }
0x1be: {  	v12 =	vor.u32 $0x1D, v1;
	v11 =	vld.idx.msk [tilespmem:v13+s17+$0x0], $0xffff  }
0x1bf: {  	v4 =	vadd.f32 v24, v4  }
0x1c0: {  	v13 =	vor.u32 $0x1E, v2  }
0x1c1: {  	v14 =	vor.u32 $0x1E, v3;
	v4 =	vadd.f32 v25, v4;
	_ =	sdelay $0x1  }
0x1c2: {  	v4 =	vadd.f32 v26, v4;
	[tilespmem:v12+s24+$0x0] =	vst.idx.msk $0xffff, v10  }
0x1c3: {  	v10 =	vmul.f32 v11, v10;
	[tilespmem:v12+s25+$0x0] =	vst.idx.msk $0xffff, v11  }
0x1c4: {  	v4 =	vadd.f32 v27, v4;
	v11 =	vld.idx.msk [tilespmem:v13+s15+$0x0], $0xffff  }
0x1c5: {  	v13 =	vor.u32 $0x1E, v1;
	v12 =	vld.idx.msk [tilespmem:v14+s17+$0x0], $0xffff  }
0x1c6: {  	v4 =	vadd.f32 v6, v4  }
0x1c7: {  	v3 =	vor.u32 $0x1F, v3;
	v2 =	vor.u32 $0x1F, v2  }
0x1c8: {  	v4 =	vadd.f32 v7, v4;
	_ =	sdelay $0x1  }
0x1c9: {  	v4 =	vadd.f32 v5, v4;
	[tilespmem:v13+s24+$0x0] =	vst.idx.msk $0xffff, v11  }
0x1ca: {  	v5 =	vmul.f32 v12, v11;
	[tilespmem:v13+s25+$0x0] =	vst.idx.msk $0xffff, v12  }
0x1cb: {  	v4 =	vadd.f32 v8, v4;
	v2 =	vld.idx.msk [tilespmem:v2+s15+$0x0], $0xffff  }
0x1cc: {  	v1 =	vor.u32 $0x1F, v1;
	v3 =	vld.idx.msk [tilespmem:v3+s17+$0x0], $0xffff  }
0x1cd: {  	v4 =	vadd.f32 v9, v4;
	_ =	sdelay $0x1  }
0x1ce: {  	v4 =	vadd.f32 v10, v4  }
.Ltmp1:
0x1cf: {  	(pc) =	sbr.rel @p0 .LBB2_4-.Ltmp1, $3  }
0x1d0: {  	v4 =	vadd.f32 v5, v4;
	[tilespmem:v1+s24+$0x0] =	vst.idx.msk $0xffff, v2  }
0x1d1: {  	v2 =	vmul.f32 v3, v2;
	[tilespmem:v1+s25+$0x0] =	vst.idx.msk $0xffff, v3;
	_ =	sdelay $0x1  }
0x1d2: {  	v1 =	vadd.f32 v2, v4  }
0x1d3: {  	_ = 	snop  }
0x1d4: {  	s14 =	simm.s32 $0x80;
	s16 =	simm.s32 $0x500;
	[tilespmem:s26+$0x0] =	vst v1  }
0x1d5: {  	[tilespmem:s15], [sflag:$0x1] =	stream.indirect.gather [hbm4b:s3+s14], $0x80, s16, s14, $0xb8;
	[tilespmem:$0x18A00] =	vst v63  }
0x1d6: {  	s28 =	simm.s32 $0x700  }
0x1d7: {  	[tilespmem:s17], [sflag:$0x3] =	stream.indirect.gather [hbm4b:s4+s14], $0x80, s28, s14, $0xb8;
	[tilespmem:$0x18A00] =	vst v63  }
0x1d8: {  	_ =	swait.ge [sflag:s29], $0x4000  }
0x1d9: {  	[sflag:s29] =	ssyncset.done $0x0  }
0x1da: {  	[sflag:s29] =	ssyncadd.s32 $0xFFFFC000  }
0x1db: {  	_ =	swait.ge [sflag:s30], $0x4000  }
0x1dc: {  	[sflag:s30] =	ssyncset.done $0x0  }
0x1dd: {  	[sflag:s30] =	ssyncadd.s32 $0xFFFFC000  }
0x1de: {  	s16 =	simm.s32 $0x280;
	v2 =	vld [tilespmem:s14+$0x0]  }
0x1df: {  	v3 =	vld [tilespmem:s16+$0x0];
	_ =	sdelay $0x1  }
0x1e0: {  	s18 =	simm.s32 $0x0  }
0x1e1: {  	v4 =	vmov s18;
	v1 =	vmul.u32 $0x80, v0  }
0x1e2: {  	v5 =	vshll.u32 v4, $0x7;
	v2 =	vshrl.u32 v2, $0x6  }
0x1e3: {  	v5 =	vor.u32 v1, v5;
	v3 =	vshrl.u32 v3, $0x6;
	v2 =	vand.u32 $0x60, v2  }
0x1e4: {  	v3 =	vand.u32 $0x60, v3;
	v6 =	vor.u32 v5, v2  }
0x1e5: {  	v5 =	vor.u32 v5, v3  }
0x1e6: {  	v2 =	vmul.u32 $0x20, v0;
	_ =	sdelay $0x1  }
0x1e7: {  	v4 =	vshll.u32 v4, $0x5;
	v3 =	vor.u32 $0x1000, v2  }
0x1e8: {  	v4 =	vor.u32 v3, v4;
	v7 =	vld.idx.msk [tilespmem:v6+s19+$0x0], $0xffff  }
0x1e9: {  	v8 =	vld.idx.msk [tilespmem:v5+s21+$0x0], $0xffff  }
0x1ea: {  	v9 =	vor.u32 $0x1, v6  }
0x1eb: {  	v10 =	vor.u32 $0x1, v5;
	_ =	sdelay $0x1  }
0x1ec: {  	[tilespmem:v4+s24+$0x0] =	vst.idx.msk $0xffff, v7  }
0x1ed: {  	[tilespmem:v4+s25+$0x0] =	vst.idx.msk $0xffff, v8  }
0x1ee: {  	v11 =	vor.u32 $0x1, v4;
	v9 =	vld.idx.msk [tilespmem:v9+s19+$0x0], $0xffff  }
0x1ef: {  	v10 =	vld.idx.msk [tilespmem:v10+s21+$0x0], $0xffff  }
0x1f0: {  	v12 =	vor.u32 $0x2, v6  }
0x1f1: {  	v13 =	vor.u32 $0x2, v5;
	_ =	sdelay $0x1  }
0x1f2: {  	[tilespmem:v11+s24+$0x0] =	vst.idx.msk $0xffff, v9  }
0x1f3: {  	[tilespmem:v11+s25+$0x0] =	vst.idx.msk $0xffff, v10  }
0x1f4: {  	v14 =	vor.u32 $0x2, v4;
	v11 =	vld.idx.msk [tilespmem:v12+s19+$0x0], $0xffff  }
0x1f5: {  	v12 =	vld.idx.msk [tilespmem:v13+s21+$0x0], $0xffff  }
0x1f6: {  	v41 =	vor.u32 $0x3, v6  }
0x1f7: {  	v15 =	vor.u32 $0x3, v5;
	_ =	sdelay $0x1  }
0x1f8: {  	[tilespmem:v14+s24+$0x0] =	vst.idx.msk $0xffff, v11  }
0x1f9: {  	[tilespmem:v14+s25+$0x0] =	vst.idx.msk $0xffff, v12  }
0x1fa: {  	v16 =	vor.u32 $0x3, v4;
	v13 =	vld.idx.msk [tilespmem:v41+s19+$0x0], $0xffff  }
0x1fb: {  	v14 =	vld.idx.msk [tilespmem:v15+s21+$0x0], $0xffff  }
0x1fc: {  	v42 =	vor.u32 $0x4, v6  }
0x1fd: {  	v17 =	vor.u32 $0x4, v5;
	_ =	sdelay $0x1  }
0x1fe: {  	[tilespmem:v16+s24+$0x0] =	vst.idx.msk $0xffff, v13  }
0x1ff: {  	[tilespmem:v16+s25+$0x0] =	vst.idx.msk $0xffff, v14  }
0x200: {  	v18 =	vor.u32 $0x4, v4;
	v15 =	vld.idx.msk [tilespmem:v42+s19+$0x0], $0xffff  }
0x201: {  	v16 =	vld.idx.msk [tilespmem:v17+s21+$0x0], $0xffff  }
0x202: {  	v43 =	vor.u32 $0x5, v6  }
0x203: {  	v19 =	vor.u32 $0x5, v5;
	_ =	sdelay $0x1  }
0x204: {  	[tilespmem:v18+s24+$0x0] =	vst.idx.msk $0xffff, v15  }
0x205: {  	[tilespmem:v18+s25+$0x0] =	vst.idx.msk $0xffff, v16  }
0x206: {  	v20 =	vor.u32 $0x5, v4;
	v17 =	vld.idx.msk [tilespmem:v43+s19+$0x0], $0xffff  }
0x207: {  	v18 =	vld.idx.msk [tilespmem:v19+s21+$0x0], $0xffff  }
0x208: {  	v44 =	vor.u32 $0x6, v6  }
0x209: {  	v21 =	vor.u32 $0x6, v5;
	_ =	sdelay $0x1  }
0x20a: {  	[tilespmem:v20+s24+$0x0] =	vst.idx.msk $0xffff, v17  }
0x20b: {  	[tilespmem:v20+s25+$0x0] =	vst.idx.msk $0xffff, v18  }
0x20c: {  	v22 =	vor.u32 $0x6, v4;
	v19 =	vld.idx.msk [tilespmem:v44+s19+$0x0], $0xffff  }
0x20d: {  	v20 =	vld.idx.msk [tilespmem:v21+s21+$0x0], $0xffff  }
0x20e: {  	v45 =	vor.u32 $0x7, v6  }
0x20f: {  	v23 =	vor.u32 $0x7, v5;
	_ =	sdelay $0x1  }
0x210: {  	[tilespmem:v22+s24+$0x0] =	vst.idx.msk $0xffff, v19  }
0x211: {  	[tilespmem:v22+s25+$0x0] =	vst.idx.msk $0xffff, v20  }
0x212: {  	v24 =	vor.u32 $0x7, v4;
	v21 =	vld.idx.msk [tilespmem:v45+s19+$0x0], $0xffff  }
0x213: {  	v22 =	vld.idx.msk [tilespmem:v23+s21+$0x0], $0xffff  }
0x214: {  	v46 =	vor.u32 $0x8, v6  }
0x215: {  	v25 =	vor.u32 $0x8, v5;
	_ =	sdelay $0x1  }
0x216: {  	[tilespmem:v24+s24+$0x0] =	vst.idx.msk $0xffff, v21  }
0x217: {  	[tilespmem:v24+s25+$0x0] =	vst.idx.msk $0xffff, v22  }
0x218: {  	v26 =	vor.u32 $0x8, v4;
	v23 =	vld.idx.msk [tilespmem:v46+s19+$0x0], $0xffff  }
0x219: {  	v24 =	vld.idx.msk [tilespmem:v25+s21+$0x0], $0xffff  }
0x21a: {  	v47 =	vor.u32 $0x9, v6  }
0x21b: {  	v27 =	vor.u32 $0x9, v5;
	_ =	sdelay $0x1  }
0x21c: {  	[tilespmem:v26+s24+$0x0] =	vst.idx.msk $0xffff, v23  }
0x21d: {  	[tilespmem:v26+s25+$0x0] =	vst.idx.msk $0xffff, v24  }
0x21e: {  	v28 =	vor.u32 $0x9, v4;
	v25 =	vld.idx.msk [tilespmem:v47+s19+$0x0], $0xffff  }
0x21f: {  	v26 =	vld.idx.msk [tilespmem:v27+s21+$0x0], $0xffff  }
0x220: {  	v48 =	vor.u32 $0xA, v6  }
0x221: {  	v29 =	vor.u32 $0xA, v5;
	_ =	sdelay $0x1  }
0x222: {  	[tilespmem:v28+s24+$0x0] =	vst.idx.msk $0xffff, v25  }
0x223: {  	[tilespmem:v28+s25+$0x0] =	vst.idx.msk $0xffff, v26  }
0x224: {  	v49 =	vor.u32 $0xA, v4;
	v27 =	vld.idx.msk [tilespmem:v48+s19+$0x0], $0xffff  }
0x225: {  	v29 =	vld.idx.msk [tilespmem:v29+s21+$0x0], $0xffff  }
0x226: {  	v30 =	vor.u32 $0xB, v6  }
0x227: {  	v31 =	vor.u32 $0xB, v5;
	_ =	sdelay $0x1  }
0x228: {  	[tilespmem:v49+s24+$0x0] =	vst.idx.msk $0xffff, v27  }
0x229: {  	[tilespmem:v49+s25+$0x0] =	vst.idx.msk $0xffff, v29  }
0x22a: {  	v50 =	vor.u32 $0xB, v4;
	v28 =	vld.idx.msk [tilespmem:v30+s19+$0x0], $0xffff  }
0x22b: {  	v31 =	vld.idx.msk [tilespmem:v31+s21+$0x0], $0xffff  }
0x22c: {  	v32 =	vor.u32 $0xC, v6  }
0x22d: {  	v33 =	vor.u32 $0xC, v5;
	_ =	sdelay $0x1  }
0x22e: {  	[tilespmem:v50+s24+$0x0] =	vst.idx.msk $0xffff, v28  }
0x22f: {  	[tilespmem:v50+s25+$0x0] =	vst.idx.msk $0xffff, v31  }
0x230: {  	v51 =	vor.u32 $0xC, v4;
	v30 =	vld.idx.msk [tilespmem:v32+s19+$0x0], $0xffff  }
0x231: {  	v33 =	vld.idx.msk [tilespmem:v33+s21+$0x0], $0xffff  }
0x232: {  	v34 =	vor.u32 $0xD, v6  }
0x233: {  	v35 =	vor.u32 $0xD, v5;
	_ =	sdelay $0x1  }
0x234: {  	[tilespmem:v51+s24+$0x0] =	vst.idx.msk $0xffff, v30  }
0x235: {  	[tilespmem:v51+s25+$0x0] =	vst.idx.msk $0xffff, v33  }
0x236: {  	v52 =	vor.u32 $0xD, v4;
	v32 =	vld.idx.msk [tilespmem:v34+s19+$0x0], $0xffff  }
0x237: {  	v35 =	vld.idx.msk [tilespmem:v35+s21+$0x0], $0xffff  }
0x238: {  	v36 =	vor.u32 $0xE, v6  }
0x239: {  	v37 =	vor.u32 $0xE, v5;
	_ =	sdelay $0x1  }
0x23a: {  	[tilespmem:v52+s24+$0x0] =	vst.idx.msk $0xffff, v32  }
0x23b: {  	[tilespmem:v52+s25+$0x0] =	vst.idx.msk $0xffff, v35  }
0x23c: {  	v53 =	vor.u32 $0xE, v4;
	v34 =	vld.idx.msk [tilespmem:v36+s19+$0x0], $0xffff  }
0x23d: {  	v37 =	vld.idx.msk [tilespmem:v37+s21+$0x0], $0xffff  }
0x23e: {  	v38 =	vor.u32 $0xF, v6  }
0x23f: {  	v39 =	vor.u32 $0xF, v5;
	_ =	sdelay $0x1  }
0x240: {  	[tilespmem:v53+s24+$0x0] =	vst.idx.msk $0xffff, v34  }
0x241: {  	[tilespmem:v53+s25+$0x0] =	vst.idx.msk $0xffff, v37  }
0x242: {  	v54 =	vor.u32 $0xF, v4;
	v36 =	vld.idx.msk [tilespmem:v38+s19+$0x0], $0xffff  }
0x243: {  	v39 =	vld.idx.msk [tilespmem:v39+s21+$0x0], $0xffff  }
0x244: {  	v40 =	vor.u32 $0x10, v6  }
0x245: {  	v41 =	vor.u32 $0x10, v5;
	_ =	sdelay $0x1  }
0x246: {  	[tilespmem:v54+s24+$0x0] =	vst.idx.msk $0xffff, v36  }
0x247: {  	[tilespmem:v54+s25+$0x0] =	vst.idx.msk $0xffff, v39  }
0x248: {  	v55 =	vor.u32 $0x10, v4;
	v38 =	vld.idx.msk [tilespmem:v40+s19+$0x0], $0xffff  }
0x249: {  	v41 =	vld.idx.msk [tilespmem:v41+s21+$0x0], $0xffff  }
0x24a: {  	v42 =	vor.u32 $0x11, v6  }
0x24b: {  	v43 =	vor.u32 $0x11, v5;
	_ =	sdelay $0x1  }
0x24c: {  	[tilespmem:v55+s24+$0x0] =	vst.idx.msk $0xffff, v38  }
0x24d: {  	[tilespmem:v55+s25+$0x0] =	vst.idx.msk $0xffff, v41  }
0x24e: {  	v56 =	vor.u32 $0x11, v4;
	v40 =	vld.idx.msk [tilespmem:v42+s19+$0x0], $0xffff  }
0x24f: {  	v43 =	vld.idx.msk [tilespmem:v43+s21+$0x0], $0xffff  }
0x250: {  	v44 =	vor.u32 $0x12, v6  }
0x251: {  	v45 =	vor.u32 $0x12, v5;
	_ =	sdelay $0x1  }
0x252: {  	[tilespmem:v56+s24+$0x0] =	vst.idx.msk $0xffff, v40  }
0x253: {  	[tilespmem:v56+s25+$0x0] =	vst.idx.msk $0xffff, v43  }
0x254: {  	v57 =	vor.u32 $0x12, v4;
	v42 =	vld.idx.msk [tilespmem:v44+s19+$0x0], $0xffff  }
0x255: {  	v45 =	vld.idx.msk [tilespmem:v45+s21+$0x0], $0xffff  }
0x256: {  	v46 =	vor.u32 $0x13, v6  }
0x257: {  	v47 =	vor.u32 $0x13, v5;
	_ =	sdelay $0x1  }
0x258: {  	[tilespmem:v57+s24+$0x0] =	vst.idx.msk $0xffff, v42  }
0x259: {  	[tilespmem:v57+s25+$0x0] =	vst.idx.msk $0xffff, v45  }
0x25a: {  	v58 =	vor.u32 $0x13, v4;
	v44 =	vld.idx.msk [tilespmem:v46+s19+$0x0], $0xffff  }
0x25b: {  	v47 =	vld.idx.msk [tilespmem:v47+s21+$0x0], $0xffff  }
0x25c: {  	v48 =	vor.u32 $0x14, v6  }
0x25d: {  	v49 =	vor.u32 $0x14, v5;
	_ =	sdelay $0x1  }
0x25e: {  	[tilespmem:v58+s24+$0x0] =	vst.idx.msk $0xffff, v44  }
0x25f: {  	[tilespmem:v58+s25+$0x0] =	vst.idx.msk $0xffff, v47  }
0x260: {  	v59 =	vor.u32 $0x14, v4;
	v46 =	vld.idx.msk [tilespmem:v48+s19+$0x0], $0xffff  }
0x261: {  	v49 =	vld.idx.msk [tilespmem:v49+s21+$0x0], $0xffff  }
0x262: {  	v50 =	vor.u32 $0x15, v6  }
0x263: {  	v51 =	vor.u32 $0x15, v5;
	_ =	sdelay $0x1  }
0x264: {  	[tilespmem:v59+s24+$0x0] =	vst.idx.msk $0xffff, v46  }
0x265: {  	[tilespmem:v59+s25+$0x0] =	vst.idx.msk $0xffff, v49  }
0x266: {  	v60 =	vor.u32 $0x15, v4;
	v48 =	vld.idx.msk [tilespmem:v50+s19+$0x0], $0xffff  }
0x267: {  	v51 =	vld.idx.msk [tilespmem:v51+s21+$0x0], $0xffff  }
0x268: {  	v52 =	vor.u32 $0x16, v6  }
0x269: {  	v53 =	vor.u32 $0x16, v5;
	_ =	sdelay $0x1  }
0x26a: {  	[tilespmem:v60+s24+$0x0] =	vst.idx.msk $0xffff, v48  }
0x26b: {  	[tilespmem:v60+s25+$0x0] =	vst.idx.msk $0xffff, v51  }
0x26c: {  	v61 =	vor.u32 $0x16, v4;
	v50 =	vld.idx.msk [tilespmem:v52+s19+$0x0], $0xffff  }
0x26d: {  	v53 =	vld.idx.msk [tilespmem:v53+s21+$0x0], $0xffff  }
0x26e: {  	v54 =	vor.u32 $0x17, v6  }
0x26f: {  	v55 =	vor.u32 $0x17, v5;
	_ =	sdelay $0x1  }
0x270: {  	[tilespmem:v61+s24+$0x0] =	vst.idx.msk $0xffff, v50  }
0x271: {  	[tilespmem:v61+s25+$0x0] =	vst.idx.msk $0xffff, v53  }
0x272: {  	v62 =	vor.u32 $0x17, v4;
	v7 =	vmul.f32 v8, v7;
	v8 =	vld.idx.msk [tilespmem:v54+s19+$0x0], $0xffff  }
0x273: {  	v54 =	vld.idx.msk [tilespmem:v55+s21+$0x0], $0xffff  }
0x274: {  	v63 =	vor.u32 $0x18, v6;
	v7 =	vadd.f32 $0.0e+00, v7;
	v9 =	vmul.f32 v10, v9  }
0x275: {  	v57 =	vor.u32 $0x18, v5  }
0x276: {  	v7 =	vadd.f32 v9, v7;
	v11 =	vmul.f32 v12, v11  }
0x277: {  	[tilespmem:v62+s24+$0x0] =	vst.idx.msk $0xffff, v8  }
0x278: {  	v7 =	vadd.f32 v11, v7;
	v58 =	vmul.f32 v14, v13;
	[tilespmem:v62+s25+$0x0] =	vst.idx.msk $0xffff, v54  }
0x279: {  	v59 =	vor.u32 $0x18, v4;
	v10 =	vld.idx.msk [tilespmem:v63+s19+$0x0], $0xffff  }
0x27a: {  	v7 =	vadd.f32 v58, v7;
	v60 =	vmul.f32 v16, v15;
	v61 =	vld.idx.msk [tilespmem:v57+s21+$0x0], $0xffff  }
0x27b: {  	v62 =	vor.u32 $0x19, v6  }
0x27c: {  	v7 =	vadd.f32 v60, v7;
	v63 =	vmul.f32 v18, v17;
	v18 =	vor.u32 $0x19, v5;
	_ =	sdelay $0x1  }
0x27d: {  	v19 =	vmul.f32 v20, v19;
	v7 =	vadd.f32 v63, v7;
	[tilespmem:v59+s24+$0x0] =	vst.idx.msk $0xffff, v10  }
0x27e: {  	[tilespmem:v59+s25+$0x0] =	vst.idx.msk $0xffff, v61  }
0x27f: {  	v20 =	vmul.f32 v22, v21;
	v21 =	vor.u32 $0x19, v4;
	v7 =	vadd.f32 v19, v7;
	v9 =	vld.idx.msk [tilespmem:v62+s19+$0x0], $0xffff  }
0x280: {  	v12 =	vld.idx.msk [tilespmem:v18+s21+$0x0], $0xffff  }
0x281: {  	v22 =	vmul.f32 v24, v23;
	v23 =	vor.u32 $0x1A, v6;
	v7 =	vadd.f32 v20, v7  }
0x282: {  	v24 =	vor.u32 $0x1A, v5  }
0x283: {  	v25 =	vmul.f32 v26, v25;
	v7 =	vadd.f32 v22, v7  }
0x284: {  	[tilespmem:v21+s24+$0x0] =	vst.idx.msk $0xffff, v9  }
0x285: {  	v26 =	vmul.f32 v29, v27;
	v7 =	vadd.f32 v25, v7;
	[tilespmem:v21+s25+$0x0] =	vst.idx.msk $0xffff, v12  }
0x286: {  	v27 =	vor.u32 $0x1A, v4;
	v14 =	vld.idx.msk [tilespmem:v23+s19+$0x0], $0xffff  }
0x287: {  	v28 =	vmul.f32 v31, v28;
	v7 =	vadd.f32 v26, v7;
	v11 =	vld.idx.msk [tilespmem:v24+s21+$0x0], $0xffff  }
0x288: {  	v29 =	vor.u32 $0x1B, v6  }
0x289: {  	v31 =	vor.u32 $0x1B, v5;
	v30 =	vmul.f32 v33, v30;
	v7 =	vadd.f32 v28, v7;
	_ =	sdelay $0x1  }
0x28a: {  	v32 =	vmul.f32 v35, v32;
	v7 =	vadd.f32 v30, v7;
	[tilespmem:v27+s24+$0x0] =	vst.idx.msk $0xffff, v14  }
0x28b: {  	[tilespmem:v27+s25+$0x0] =	vst.idx.msk $0xffff, v11  }
0x28c: {  	v33 =	vmul.f32 v37, v34;
	v34 =	vor.u32 $0x1B, v4;
	v7 =	vadd.f32 v32, v7;
	v15 =	vld.idx.msk [tilespmem:v29+s19+$0x0], $0xffff  }
0x28d: {  	v17 =	vld.idx.msk [tilespmem:v31+s21+$0x0], $0xffff  }
0x28e: {  	v35 =	vmul.f32 v39, v36;
	v36 =	vor.u32 $0x1C, v6;
	v7 =	vadd.f32 v33, v7  }
0x28f: {  	v37 =	vor.u32 $0x1C, v5  }
0x290: {  	v39 =	vmul.f32 v41, v38;
	v7 =	vadd.f32 v35, v7  }
0x291: {  	[tilespmem:v34+s24+$0x0] =	vst.idx.msk $0xffff, v15  }
0x292: {  	v40 =	vmul.f32 v43, v40;
	v7 =	vadd.f32 v39, v7;
	[tilespmem:v34+s25+$0x0] =	vst.idx.msk $0xffff, v17  }
0x293: {  	v41 =	vor.u32 $0x1C, v4;
	v18 =	vld.idx.msk [tilespmem:v36+s19+$0x0], $0xffff  }
0x294: {  	v42 =	vmul.f32 v45, v42;
	v7 =	vadd.f32 v40, v7;
	v16 =	vld.idx.msk [tilespmem:v37+s21+$0x0], $0xffff  }
0x295: {  	v43 =	vor.u32 $0x1D, v6  }
0x296: {  	v45 =	vor.u32 $0x1D, v5;
	v44 =	vmul.f32 v47, v44;
	v7 =	vadd.f32 v42, v7;
	_ =	sdelay $0x1  }
0x297: {  	v47 =	vmul.f32 v49, v46;
	v7 =	vadd.f32 v44, v7;
	[tilespmem:v41+s24+$0x0] =	vst.idx.msk $0xffff, v18  }
0x298: {  	[tilespmem:v41+s25+$0x0] =	vst.idx.msk $0xffff, v16  }
0x299: {  	v49 =	vor.u32 $0x1D, v4;
	v48 =	vmul.f32 v51, v48;
	v7 =	vadd.f32 v47, v7;
	v19 =	vld.idx.msk [tilespmem:v43+s19+$0x0], $0xffff  }
0x29a: {  	v51 =	vld.idx.msk [tilespmem:v45+s21+$0x0], $0xffff  }
0x29b: {  	v52 =	vmul.f32 v53, v50;
	v53 =	vor.u32 $0x1E, v6;
	v7 =	vadd.f32 v48, v7  }
0x29c: {  	v55 =	vor.u32 $0x1E, v5  }
0x29d: {  	v8 =	vmul.f32 v54, v8;
	v7 =	vadd.f32 v52, v7  }
0x29e: {  	[tilespmem:v49+s24+$0x0] =	vst.idx.msk $0xffff, v19  }
0x29f: {  	v10 =	vmul.f32 v61, v10;
	v7 =	vadd.f32 v8, v7;
	[tilespmem:v49+s25+$0x0] =	vst.idx.msk $0xffff, v51  }
0x2a0: {  	v57 =	vor.u32 $0x1E, v4;
	v56 =	vld.idx.msk [tilespmem:v53+s19+$0x0], $0xffff  }
0x2a1: {  	v9 =	vmul.f32 v12, v9;
	v7 =	vadd.f32 v10, v7;
	v58 =	vld.idx.msk [tilespmem:v55+s21+$0x0], $0xffff  }
0x2a2: {  	v6 =	vor.u32 $0x1F, v6  }
0x2a3: {  	v5 =	vor.u32 $0x1F, v5;
	v59 =	vmul.f32 v11, v14;
	v7 =	vadd.f32 v9, v7;
	_ =	sdelay $0x1  }
0x2a4: {  	v60 =	vmul.f32 v17, v15;
	v7 =	vadd.f32 v59, v7;
	[tilespmem:v57+s24+$0x0] =	vst.idx.msk $0xffff, v56  }
0x2a5: {  	[tilespmem:v57+s25+$0x0] =	vst.idx.msk $0xffff, v58  }
0x2a6: {  	v61 =	vmul.f32 v16, v18;
	v7 =	vadd.f32 v60, v7;
	v6 =	vld.idx.msk [tilespmem:v6+s19+$0x0], $0xffff  }
0x2a7: {  	v5 =	vld.idx.msk [tilespmem:v5+s21+$0x0], $0xffff  }
0x2a8: {  	v4 =	vor.u32 $0x1F, v4;
	v62 =	vmul.f32 v51, v19;
	v7 =	vadd.f32 v61, v7;
	_ =	sdelay $0x1  }
0x2a9: {  	v8 =	vmul.f32 v58, v56;
	v7 =	vadd.f32 v62, v7;
	_ =	sdelay $0x1  }
0x2aa: {  	v7 =	vadd.f32 v8, v7;
	v63 =	vmul.f32 v5, v6  }
0x2ab: {  	[tilespmem:v4+s24+$0x0] =	vst.idx.msk $0xffff, v6  }
0x2ac: {  	s20 =	simm.s32 $0x10;
	s18 =	simm.s32 $0x18880;
	s26 =	simm.s32 $0x18880;
	[tilespmem:v4+s25+$0x0] =	vst.idx.msk $0xffff, v5;
	v4 =	vadd.f32 v63, v7  }
.LBB2_6:
0x2ad: {  	s14 =	sadd.s32 $0x10, s14  }
0x2ae: {  	s16 =	sadd.s32 $0x10, s16;
	s18 =	sadd.s32 $0x10, s18;
	s28 =	smov.u32 s20  }
0x2af: {  	p0 =	sne.s32 s20, $0x70;
	s20 =	sadd.s32 $0x10, s20;
	[tilespmem:s26+$0x0] =	vst v4;
	s26 =	smov.u32 s18  }
0x2b0: {  	v4 =	vld [tilespmem:s14+$0x0]  }
0x2b1: {  	v5 =	vld [tilespmem:s16+$0x0];
	_ =	sdelay $0x2  }
0x2b2: {  	v7 =	vmov s28  }
0x2b3: {  	v6 =	vshll.u32 v7, $0x7;
	v4 =	vshrl.u32 v4, $0x6  }
0x2b4: {  	v6 =	vor.u32 v1, v6;
	v4 =	vand.u32 $0x60, v4;
	v5 =	vshrl.u32 v5, $0x6  }
0x2b5: {  	v8 =	vand.u32 $0x60, v5;
	v5 =	vor.u32 v6, v4  }
0x2b6: {  	v6 =	vor.u32 v6, v8;
	_ =	sdelay $0x3  }
0x2b7: {  	v4 =	vshll.u32 v7, $0x5;
	v7 =	vld.idx.msk [tilespmem:v5+s19+$0x0], $0xffff  }
0x2b8: {  	v4 =	vor.u32 v3, v4;
	v8 =	vld.idx.msk [tilespmem:v6+s21+$0x0], $0xffff;
	_ =	sdelay $0x1  }
0x2b9: {  	v9 =	vor.u32 $0x1, v5  }
0x2ba: {  	v10 =	vor.u32 $0x1, v6;
	_ =	sdelay $0x1  }
0x2bb: {  	[tilespmem:v4+s24+$0x0] =	vst.idx.msk $0xffff, v7  }
0x2bc: {  	v7 =	vmul.f32 v8, v7;
	[tilespmem:v4+s25+$0x0] =	vst.idx.msk $0xffff, v8  }
0x2bd: {  	v8 =	vld.idx.msk [tilespmem:v9+s19+$0x0], $0xffff  }
0x2be: {  	v9 =	vld.idx.msk [tilespmem:v10+s21+$0x0], $0xffff;
	v10 =	vor.u32 $0x1, v4;
	_ =	sdelay $0x1  }
0x2bf: {  	v11 =	vor.u32 $0x2, v5  }
0x2c0: {  	v12 =	vor.u32 $0x2, v6;
	_ =	sdelay $0x1  }
0x2c1: {  	[tilespmem:v10+s24+$0x0] =	vst.idx.msk $0xffff, v8  }
0x2c2: {  	v8 =	vmul.f32 v9, v8;
	[tilespmem:v10+s25+$0x0] =	vst.idx.msk $0xffff, v9  }
0x2c3: {  	v9 =	vld.idx.msk [tilespmem:v11+s19+$0x0], $0xffff  }
0x2c4: {  	v11 =	vor.u32 $0x2, v4;
	v10 =	vld.idx.msk [tilespmem:v12+s21+$0x0], $0xffff;
	_ =	sdelay $0x1  }
0x2c5: {  	v12 =	vor.u32 $0x3, v5  }
0x2c6: {  	v13 =	vor.u32 $0x3, v6;
	_ =	sdelay $0x1  }
0x2c7: {  	[tilespmem:v11+s24+$0x0] =	vst.idx.msk $0xffff, v9  }
0x2c8: {  	v9 =	vmul.f32 v10, v9;
	[tilespmem:v11+s25+$0x0] =	vst.idx.msk $0xffff, v10  }
0x2c9: {  	v10 =	vld.idx.msk [tilespmem:v12+s19+$0x0], $0xffff  }
0x2ca: {  	v12 =	vor.u32 $0x3, v4;
	v11 =	vld.idx.msk [tilespmem:v13+s21+$0x0], $0xffff;
	_ =	sdelay $0x1  }
0x2cb: {  	v13 =	vor.u32 $0x4, v5  }
0x2cc: {  	v14 =	vor.u32 $0x4, v6;
	_ =	sdelay $0x1  }
0x2cd: {  	[tilespmem:v12+s24+$0x0] =	vst.idx.msk $0xffff, v10  }
0x2ce: {  	v10 =	vmul.f32 v11, v10;
	[tilespmem:v12+s25+$0x0] =	vst.idx.msk $0xffff, v11  }
0x2cf: {  	v11 =	vld.idx.msk [tilespmem:v13+s19+$0x0], $0xffff  }
0x2d0: {  	v13 =	vor.u32 $0x4, v4;
	v12 =	vld.idx.msk [tilespmem:v14+s21+$0x0], $0xffff;
	_ =	sdelay $0x1  }
0x2d1: {  	v14 =	vor.u32 $0x5, v5  }
0x2d2: {  	v15 =	vor.u32 $0x5, v6;
	_ =	sdelay $0x1  }
0x2d3: {  	[tilespmem:v13+s24+$0x0] =	vst.idx.msk $0xffff, v11  }
0x2d4: {  	v11 =	vmul.f32 v12, v11;
	[tilespmem:v13+s25+$0x0] =	vst.idx.msk $0xffff, v12  }
0x2d5: {  	v12 =	vld.idx.msk [tilespmem:v14+s19+$0x0], $0xffff  }
0x2d6: {  	v14 =	vor.u32 $0x5, v4;
	v13 =	vld.idx.msk [tilespmem:v15+s21+$0x0], $0xffff;
	_ =	sdelay $0x1  }
0x2d7: {  	v15 =	vor.u32 $0x6, v5  }
0x2d8: {  	v16 =	vor.u32 $0x6, v6;
	_ =	sdelay $0x1  }
0x2d9: {  	[tilespmem:v14+s24+$0x0] =	vst.idx.msk $0xffff, v12  }
0x2da: {  	v12 =	vmul.f32 v13, v12;
	[tilespmem:v14+s25+$0x0] =	vst.idx.msk $0xffff, v13  }
0x2db: {  	v13 =	vld.idx.msk [tilespmem:v15+s19+$0x0], $0xffff  }
0x2dc: {  	v15 =	vor.u32 $0x6, v4;
	v14 =	vld.idx.msk [tilespmem:v16+s21+$0x0], $0xffff;
	_ =	sdelay $0x1  }
0x2dd: {  	v16 =	vor.u32 $0x7, v5  }
0x2de: {  	v17 =	vor.u32 $0x7, v6;
	_ =	sdelay $0x1  }
0x2df: {  	[tilespmem:v15+s24+$0x0] =	vst.idx.msk $0xffff, v13  }
0x2e0: {  	v13 =	vmul.f32 v14, v13;
	[tilespmem:v15+s25+$0x0] =	vst.idx.msk $0xffff, v14  }
0x2e1: {  	v14 =	vld.idx.msk [tilespmem:v16+s19+$0x0], $0xffff  }
0x2e2: {  	v16 =	vor.u32 $0x7, v4;
	v15 =	vld.idx.msk [tilespmem:v17+s21+$0x0], $0xffff;
	_ =	sdelay $0x1  }
0x2e3: {  	v17 =	vor.u32 $0x8, v5  }
0x2e4: {  	v18 =	vor.u32 $0x8, v6;
	_ =	sdelay $0x1  }
0x2e5: {  	[tilespmem:v16+s24+$0x0] =	vst.idx.msk $0xffff, v14  }
0x2e6: {  	v14 =	vmul.f32 v15, v14;
	[tilespmem:v16+s25+$0x0] =	vst.idx.msk $0xffff, v15  }
0x2e7: {  	v15 =	vld.idx.msk [tilespmem:v17+s19+$0x0], $0xffff  }
0x2e8: {  	v17 =	vor.u32 $0x8, v4;
	v16 =	vld.idx.msk [tilespmem:v18+s21+$0x0], $0xffff;
	_ =	sdelay $0x1  }
0x2e9: {  	v18 =	vor.u32 $0x9, v5  }
0x2ea: {  	v19 =	vor.u32 $0x9, v6;
	_ =	sdelay $0x1  }
0x2eb: {  	[tilespmem:v17+s24+$0x0] =	vst.idx.msk $0xffff, v15  }
0x2ec: {  	v15 =	vmul.f32 v16, v15;
	[tilespmem:v17+s25+$0x0] =	vst.idx.msk $0xffff, v16  }
0x2ed: {  	v16 =	vld.idx.msk [tilespmem:v18+s19+$0x0], $0xffff  }
0x2ee: {  	v18 =	vor.u32 $0x9, v4;
	v17 =	vld.idx.msk [tilespmem:v19+s21+$0x0], $0xffff;
	_ =	sdelay $0x1  }
0x2ef: {  	v19 =	vor.u32 $0xA, v5  }
0x2f0: {  	v20 =	vor.u32 $0xA, v6;
	_ =	sdelay $0x1  }
0x2f1: {  	[tilespmem:v18+s24+$0x0] =	vst.idx.msk $0xffff, v16  }
0x2f2: {  	v16 =	vmul.f32 v17, v16;
	[tilespmem:v18+s25+$0x0] =	vst.idx.msk $0xffff, v17  }
0x2f3: {  	v17 =	vld.idx.msk [tilespmem:v19+s19+$0x0], $0xffff  }
0x2f4: {  	v19 =	vor.u32 $0xA, v4;
	v18 =	vld.idx.msk [tilespmem:v20+s21+$0x0], $0xffff;
	_ =	sdelay $0x1  }
0x2f5: {  	v20 =	vor.u32 $0xB, v5  }
0x2f6: {  	v21 =	vor.u32 $0xB, v6;
	_ =	sdelay $0x1  }
0x2f7: {  	[tilespmem:v19+s24+$0x0] =	vst.idx.msk $0xffff, v17  }
0x2f8: {  	v17 =	vmul.f32 v18, v17;
	[tilespmem:v19+s25+$0x0] =	vst.idx.msk $0xffff, v18  }
0x2f9: {  	v18 =	vld.idx.msk [tilespmem:v20+s19+$0x0], $0xffff  }
0x2fa: {  	v20 =	vor.u32 $0xB, v4;
	v19 =	vld.idx.msk [tilespmem:v21+s21+$0x0], $0xffff;
	_ =	sdelay $0x1  }
0x2fb: {  	v21 =	vor.u32 $0xC, v5  }
0x2fc: {  	v22 =	vor.u32 $0xC, v6;
	_ =	sdelay $0x1  }
0x2fd: {  	[tilespmem:v20+s24+$0x0] =	vst.idx.msk $0xffff, v18  }
0x2fe: {  	v18 =	vmul.f32 v19, v18;
	[tilespmem:v20+s25+$0x0] =	vst.idx.msk $0xffff, v19  }
0x2ff: {  	v19 =	vld.idx.msk [tilespmem:v21+s19+$0x0], $0xffff  }
0x300: {  	v21 =	vor.u32 $0xC, v4;
	v20 =	vld.idx.msk [tilespmem:v22+s21+$0x0], $0xffff;
	_ =	sdelay $0x1  }
0x301: {  	v22 =	vor.u32 $0xD, v5  }
0x302: {  	v23 =	vor.u32 $0xD, v6;
	_ =	sdelay $0x1  }
0x303: {  	[tilespmem:v21+s24+$0x0] =	vst.idx.msk $0xffff, v19  }
0x304: {  	v19 =	vmul.f32 v20, v19;
	[tilespmem:v21+s25+$0x0] =	vst.idx.msk $0xffff, v20  }
0x305: {  	v20 =	vld.idx.msk [tilespmem:v22+s19+$0x0], $0xffff  }
0x306: {  	v22 =	vor.u32 $0xD, v4;
	v21 =	vld.idx.msk [tilespmem:v23+s21+$0x0], $0xffff;
	_ =	sdelay $0x1  }
0x307: {  	v23 =	vor.u32 $0xE, v5  }
0x308: {  	v24 =	vor.u32 $0xE, v6;
	_ =	sdelay $0x1  }
0x309: {  	[tilespmem:v22+s24+$0x0] =	vst.idx.msk $0xffff, v20  }
0x30a: {  	v20 =	vmul.f32 v21, v20;
	[tilespmem:v22+s25+$0x0] =	vst.idx.msk $0xffff, v21  }
0x30b: {  	v21 =	vld.idx.msk [tilespmem:v23+s19+$0x0], $0xffff  }
0x30c: {  	v23 =	vor.u32 $0xE, v4;
	v22 =	vld.idx.msk [tilespmem:v24+s21+$0x0], $0xffff;
	_ =	sdelay $0x1  }
0x30d: {  	v24 =	vor.u32 $0xF, v5  }
0x30e: {  	v25 =	vor.u32 $0xF, v6;
	_ =	sdelay $0x1  }
0x30f: {  	[tilespmem:v23+s24+$0x0] =	vst.idx.msk $0xffff, v21  }
0x310: {  	v21 =	vmul.f32 v22, v21;
	[tilespmem:v23+s25+$0x0] =	vst.idx.msk $0xffff, v22  }
0x311: {  	v22 =	vld.idx.msk [tilespmem:v24+s19+$0x0], $0xffff  }
0x312: {  	v24 =	vor.u32 $0xF, v4;
	v23 =	vld.idx.msk [tilespmem:v25+s21+$0x0], $0xffff;
	_ =	sdelay $0x1  }
0x313: {  	v25 =	vor.u32 $0x10, v5  }
0x314: {  	v26 =	vor.u32 $0x10, v6;
	_ =	sdelay $0x1  }
0x315: {  	[tilespmem:v24+s24+$0x0] =	vst.idx.msk $0xffff, v22  }
0x316: {  	v22 =	vmul.f32 v23, v22;
	[tilespmem:v24+s25+$0x0] =	vst.idx.msk $0xffff, v23  }
0x317: {  	v23 =	vld.idx.msk [tilespmem:v25+s19+$0x0], $0xffff  }
0x318: {  	v25 =	vor.u32 $0x10, v4;
	v24 =	vld.idx.msk [tilespmem:v26+s21+$0x0], $0xffff;
	_ =	sdelay $0x1  }
0x319: {  	v26 =	vor.u32 $0x11, v5  }
0x31a: {  	v27 =	vor.u32 $0x11, v6;
	_ =	sdelay $0x1  }
0x31b: {  	[tilespmem:v25+s24+$0x0] =	vst.idx.msk $0xffff, v23  }
0x31c: {  	v23 =	vmul.f32 v24, v23;
	[tilespmem:v25+s25+$0x0] =	vst.idx.msk $0xffff, v24  }
0x31d: {  	v24 =	vld.idx.msk [tilespmem:v26+s19+$0x0], $0xffff  }
0x31e: {  	v26 =	vor.u32 $0x11, v4;
	v25 =	vld.idx.msk [tilespmem:v27+s21+$0x0], $0xffff;
	_ =	sdelay $0x1  }
0x31f: {  	v27 =	vor.u32 $0x12, v5  }
0x320: {  	v28 =	vor.u32 $0x12, v6;
	_ =	sdelay $0x1  }
0x321: {  	[tilespmem:v26+s24+$0x0] =	vst.idx.msk $0xffff, v24  }
0x322: {  	v24 =	vmul.f32 v25, v24;
	[tilespmem:v26+s25+$0x0] =	vst.idx.msk $0xffff, v25  }
0x323: {  	v25 =	vld.idx.msk [tilespmem:v27+s19+$0x0], $0xffff  }
0x324: {  	v27 =	vor.u32 $0x12, v4;
	v26 =	vld.idx.msk [tilespmem:v28+s21+$0x0], $0xffff;
	_ =	sdelay $0x1  }
0x325: {  	v28 =	vor.u32 $0x13, v5  }
0x326: {  	v29 =	vor.u32 $0x13, v6;
	_ =	sdelay $0x1  }
0x327: {  	[tilespmem:v27+s24+$0x0] =	vst.idx.msk $0xffff, v25  }
0x328: {  	v25 =	vmul.f32 v26, v25;
	[tilespmem:v27+s25+$0x0] =	vst.idx.msk $0xffff, v26  }
0x329: {  	v26 =	vld.idx.msk [tilespmem:v28+s19+$0x0], $0xffff  }
0x32a: {  	v28 =	vor.u32 $0x13, v4;
	v27 =	vld.idx.msk [tilespmem:v29+s21+$0x0], $0xffff;
	_ =	sdelay $0x1  }
0x32b: {  	v29 =	vor.u32 $0x14, v5  }
0x32c: {  	v30 =	vor.u32 $0x14, v6;
	_ =	sdelay $0x1  }
0x32d: {  	[tilespmem:v28+s24+$0x0] =	vst.idx.msk $0xffff, v26  }
0x32e: {  	v26 =	vmul.f32 v27, v26;
	[tilespmem:v28+s25+$0x0] =	vst.idx.msk $0xffff, v27  }
0x32f: {  	v27 =	vld.idx.msk [tilespmem:v29+s19+$0x0], $0xffff  }
0x330: {  	v29 =	vor.u32 $0x14, v4;
	v28 =	vld.idx.msk [tilespmem:v30+s21+$0x0], $0xffff;
	_ =	sdelay $0x1  }
0x331: {  	v30 =	vor.u32 $0x15, v5  }
0x332: {  	v31 =	vor.u32 $0x15, v6;
	_ =	sdelay $0x1  }
0x333: {  	[tilespmem:v29+s24+$0x0] =	vst.idx.msk $0xffff, v27  }
0x334: {  	v27 =	vmul.f32 v28, v27;
	[tilespmem:v29+s25+$0x0] =	vst.idx.msk $0xffff, v28  }
0x335: {  	v28 =	vld.idx.msk [tilespmem:v30+s19+$0x0], $0xffff  }
0x336: {  	v30 =	vor.u32 $0x15, v4;
	v29 =	vld.idx.msk [tilespmem:v31+s21+$0x0], $0xffff;
	_ =	sdelay $0x1  }
0x337: {  	v31 =	vor.u32 $0x16, v5  }
0x338: {  	v32 =	vor.u32 $0x16, v6;
	_ =	sdelay $0x1  }
0x339: {  	[tilespmem:v30+s24+$0x0] =	vst.idx.msk $0xffff, v28  }
0x33a: {  	v28 =	vmul.f32 v29, v28;
	[tilespmem:v30+s25+$0x0] =	vst.idx.msk $0xffff, v29  }
0x33b: {  	v29 =	vld.idx.msk [tilespmem:v31+s19+$0x0], $0xffff  }
0x33c: {  	v31 =	vor.u32 $0x16, v4;
	v30 =	vld.idx.msk [tilespmem:v32+s21+$0x0], $0xffff;
	_ =	sdelay $0x1  }
0x33d: {  	v32 =	vor.u32 $0x17, v5  }
0x33e: {  	v33 =	vor.u32 $0x17, v6;
	_ =	sdelay $0x1  }
0x33f: {  	[tilespmem:v31+s24+$0x0] =	vst.idx.msk $0xffff, v29  }
0x340: {  	v29 =	vmul.f32 v30, v29;
	[tilespmem:v31+s25+$0x0] =	vst.idx.msk $0xffff, v30  }
0x341: {  	v30 =	vld.idx.msk [tilespmem:v32+s19+$0x0], $0xffff  }
0x342: {  	v32 =	vor.u32 $0x17, v4;
	v31 =	vld.idx.msk [tilespmem:v33+s21+$0x0], $0xffff;
	_ =	sdelay $0x1  }
0x343: {  	v33 =	vor.u32 $0x18, v5  }
0x344: {  	v34 =	vor.u32 $0x18, v6;
	_ =	sdelay $0x1  }
0x345: {  	[tilespmem:v32+s24+$0x0] =	vst.idx.msk $0xffff, v30  }
0x346: {  	v30 =	vmul.f32 v31, v30;
	[tilespmem:v32+s25+$0x0] =	vst.idx.msk $0xffff, v31  }
0x347: {  	v31 =	vld.idx.msk [tilespmem:v33+s19+$0x0], $0xffff  }
0x348: {  	v33 =	vor.u32 $0x18, v4;
	v32 =	vld.idx.msk [tilespmem:v34+s21+$0x0], $0xffff  }
0x349: {  	v7 =	vadd.f32 $0.0e+00, v7  }
0x34a: {  	v34 =	vor.u32 $0x19, v5  }
0x34b: {  	v7 =	vadd.f32 v8, v7;
	v8 =	vor.u32 $0x19, v6;
	_ =	sdelay $0x1  }
0x34c: {  	v7 =	vadd.f32 v9, v7;
	[tilespmem:v33+s24+$0x0] =	vst.idx.msk $0xffff, v31  }
0x34d: {  	v9 =	vmul.f32 v32, v31;
	[tilespmem:v33+s25+$0x0] =	vst.idx.msk $0xffff, v32  }
0x34e: {  	v7 =	vadd.f32 v10, v7;
	v10 =	vld.idx.msk [tilespmem:v34+s19+$0x0], $0xffff  }
0x34f: {  	v31 =	vor.u32 $0x19, v4;
	v8 =	vld.idx.msk [tilespmem:v8+s21+$0x0], $0xffff  }
0x350: {  	v7 =	vadd.f32 v11, v7  }
0x351: {  	v11 =	vor.u32 $0x1A, v5  }
0x352: {  	v7 =	vadd.f32 v12, v7;
	v12 =	vor.u32 $0x1A, v6;
	_ =	sdelay $0x1  }
0x353: {  	v7 =	vadd.f32 v13, v7;
	[tilespmem:v31+s24+$0x0] =	vst.idx.msk $0xffff, v10  }
0x354: {  	v10 =	vmul.f32 v8, v10;
	[tilespmem:v31+s25+$0x0] =	vst.idx.msk $0xffff, v8  }
0x355: {  	v7 =	vadd.f32 v14, v7;
	v8 =	vld.idx.msk [tilespmem:v11+s19+$0x0], $0xffff  }
0x356: {  	v11 =	vld.idx.msk [tilespmem:v12+s21+$0x0], $0xffff;
	v12 =	vor.u32 $0x1A, v4  }
0x357: {  	v7 =	vadd.f32 v15, v7  }
0x358: {  	v13 =	vor.u32 $0x1B, v5  }
0x359: {  	v14 =	vor.u32 $0x1B, v6;
	v7 =	vadd.f32 v16, v7;
	_ =	sdelay $0x1  }
0x35a: {  	v7 =	vadd.f32 v17, v7;
	[tilespmem:v12+s24+$0x0] =	vst.idx.msk $0xffff, v8  }
0x35b: {  	v8 =	vmul.f32 v11, v8;
	[tilespmem:v12+s25+$0x0] =	vst.idx.msk $0xffff, v11  }
0x35c: {  	v7 =	vadd.f32 v18, v7;
	v11 =	vld.idx.msk [tilespmem:v13+s19+$0x0], $0xffff  }
0x35d: {  	v13 =	vor.u32 $0x1B, v4;
	v12 =	vld.idx.msk [tilespmem:v14+s21+$0x0], $0xffff  }
0x35e: {  	v7 =	vadd.f32 v19, v7  }
0x35f: {  	v14 =	vor.u32 $0x1C, v5  }
0x360: {  	v15 =	vor.u32 $0x1C, v6;
	v7 =	vadd.f32 v20, v7;
	_ =	sdelay $0x1  }
0x361: {  	v7 =	vadd.f32 v21, v7;
	[tilespmem:v13+s24+$0x0] =	vst.idx.msk $0xffff, v11  }
0x362: {  	v11 =	vmul.f32 v12, v11;
	[tilespmem:v13+s25+$0x0] =	vst.idx.msk $0xffff, v12  }
0x363: {  	v7 =	vadd.f32 v22, v7;
	v12 =	vld.idx.msk [tilespmem:v14+s19+$0x0], $0xffff  }
0x364: {  	v14 =	vor.u32 $0x1C, v4;
	v13 =	vld.idx.msk [tilespmem:v15+s21+$0x0], $0xffff  }
0x365: {  	v7 =	vadd.f32 v23, v7  }
0x366: {  	v15 =	vor.u32 $0x1D, v5  }
0x367: {  	v16 =	vor.u32 $0x1D, v6;
	v7 =	vadd.f32 v24, v7;
	_ =	sdelay $0x1  }
0x368: {  	v7 =	vadd.f32 v25, v7;
	[tilespmem:v14+s24+$0x0] =	vst.idx.msk $0xffff, v12  }
0x369: {  	v12 =	vmul.f32 v13, v12;
	[tilespmem:v14+s25+$0x0] =	vst.idx.msk $0xffff, v13  }
0x36a: {  	v7 =	vadd.f32 v26, v7;
	v13 =	vld.idx.msk [tilespmem:v15+s19+$0x0], $0xffff  }
0x36b: {  	v15 =	vor.u32 $0x1D, v4;
	v14 =	vld.idx.msk [tilespmem:v16+s21+$0x0], $0xffff  }
0x36c: {  	v7 =	vadd.f32 v27, v7  }
0x36d: {  	v16 =	vor.u32 $0x1E, v5  }
0x36e: {  	v17 =	vor.u32 $0x1E, v6;
	v7 =	vadd.f32 v28, v7;
	_ =	sdelay $0x1  }
0x36f: {  	v7 =	vadd.f32 v29, v7;
	[tilespmem:v15+s24+$0x0] =	vst.idx.msk $0xffff, v13  }
0x370: {  	v13 =	vmul.f32 v14, v13;
	[tilespmem:v15+s25+$0x0] =	vst.idx.msk $0xffff, v14  }
0x371: {  	v7 =	vadd.f32 v30, v7;
	v14 =	vld.idx.msk [tilespmem:v16+s19+$0x0], $0xffff  }
0x372: {  	v16 =	vor.u32 $0x1E, v4;
	v15 =	vld.idx.msk [tilespmem:v17+s21+$0x0], $0xffff  }
0x373: {  	v7 =	vadd.f32 v9, v7  }
0x374: {  	v6 =	vor.u32 $0x1F, v6;
	v5 =	vor.u32 $0x1F, v5  }
0x375: {  	v7 =	vadd.f32 v10, v7;
	_ =	sdelay $0x1  }
0x376: {  	v7 =	vadd.f32 v8, v7;
	[tilespmem:v16+s24+$0x0] =	vst.idx.msk $0xffff, v14  }
0x377: {  	v8 =	vmul.f32 v15, v14;
	[tilespmem:v16+s25+$0x0] =	vst.idx.msk $0xffff, v15  }
0x378: {  	v7 =	vadd.f32 v11, v7;
	v5 =	vld.idx.msk [tilespmem:v5+s19+$0x0], $0xffff  }
0x379: {  	v4 =	vor.u32 $0x1F, v4;
	v6 =	vld.idx.msk [tilespmem:v6+s21+$0x0], $0xffff  }
0x37a: {  	v7 =	vadd.f32 v12, v7;
	_ =	sdelay $0x1  }
0x37b: {  	v7 =	vadd.f32 v13, v7  }
.Ltmp2:
0x37c: {  	(pc) =	sbr.rel @p0 .LBB2_6-.Ltmp2, $3  }
0x37d: {  	v7 =	vadd.f32 v8, v7;
	[tilespmem:v4+s24+$0x0] =	vst.idx.msk $0xffff, v5  }
0x37e: {  	v5 =	vmul.f32 v6, v5;
	[tilespmem:v4+s25+$0x0] =	vst.idx.msk $0xffff, v6;
	_ =	sdelay $0x1  }
0x37f: {  	v4 =	vadd.f32 v5, v7  }
0x380: {  	_ = 	snop  }
0x381: {  	[tilespmem:s26+$0x0] =	vst v4  }
0x382: {  	[tilespmem:s19], [sflag:$0x2] =	stream.indirect.gather [hbm4b:s3+s13], $0x80, s31, s13, $0xb8;
	[tilespmem:$0x18A00] =	vst v63  }
0x383: {  	_ = 	snop  }
0x384: {  	[tilespmem:s21], [sflag:$0x4] =	stream.indirect.gather [hbm4b:s4+s13], $0x80, s0, s13, $0xb8;
	[tilespmem:$0x18A00] =	vst v63  }
0x385: {  	_ =	swait.ge [sflag:s22], $0x4000  }
0x386: {  	[sflag:s22] =	ssyncset.done $0x0  }
0x387: {  	[sflag:s22] =	ssyncadd.s32 $0xFFFFC000  }
0x388: {  	_ =	swait.ge [sflag:s23], $0x4000  }
0x389: {  	[sflag:s23] =	ssyncset.done $0x0  }
0x38a: {  	s14 =	simm.s32 $0x100;
	[sflag:s23] =	ssyncadd.s32 $0xFFFFC000  }
0x38b: {  	s16 =	simm.s32 $0x300;
	v3 =	vld [tilespmem:s14+$0x0]  }
0x38c: {  	v4 =	vld [tilespmem:s16+$0x0];
	_ =	sdelay $0x1  }
0x38d: {  	s18 =	simm.s32 $0x0  }
0x38e: {  	v7 =	vmov s18  }
0x38f: {  	v5 =	vshll.u32 v7, $0x7;
	v3 =	vshrl.u32 v3, $0x6  }
0x390: {  	v5 =	vor.u32 v1, v5;
	v4 =	vshrl.u32 v4, $0x6;
	v3 =	vand.u32 $0x60, v3  }
0x391: {  	v4 =	vand.u32 $0x60, v4;
	v6 =	vor.u32 v5, v3  }
0x392: {  	v5 =	vor.u32 v5, v4;
	_ =	sdelay $0x2  }
0x393: {  	v4 =	vshll.u32 v7, $0x5;
	v3 =	vor.u32 $0x2000, v2  }
0x394: {  	v4 =	vor.u32 v3, v4;
	v7 =	vld.idx.msk [tilespmem:v6+s15+$0x0], $0xffff  }
0x395: {  	v8 =	vld.idx.msk [tilespmem:v5+s17+$0x0], $0xffff  }
0x396: {  	v9 =	vor.u32 $0x1, v6  }
0x397: {  	v10 =	vor.u32 $0x1, v5;
	_ =	sdelay $0x1  }
0x398: {  	[tilespmem:v4+s24+$0x0] =	vst.idx.msk $0xffff, v7  }
0x399: {  	[tilespmem:v4+s25+$0x0] =	vst.idx.msk $0xffff, v8  }
0x39a: {  	v11 =	vor.u32 $0x1, v4;
	v9 =	vld.idx.msk [tilespmem:v9+s15+$0x0], $0xffff  }
0x39b: {  	v10 =	vld.idx.msk [tilespmem:v10+s17+$0x0], $0xffff  }
0x39c: {  	v12 =	vor.u32 $0x2, v6  }
0x39d: {  	v13 =	vor.u32 $0x2, v5;
	_ =	sdelay $0x1  }
0x39e: {  	[tilespmem:v11+s24+$0x0] =	vst.idx.msk $0xffff, v9  }
0x39f: {  	[tilespmem:v11+s25+$0x0] =	vst.idx.msk $0xffff, v10  }
0x3a0: {  	v14 =	vor.u32 $0x2, v4;
	v11 =	vld.idx.msk [tilespmem:v12+s15+$0x0], $0xffff  }
0x3a1: {  	v12 =	vld.idx.msk [tilespmem:v13+s17+$0x0], $0xffff  }
0x3a2: {  	v41 =	vor.u32 $0x3, v6  }
0x3a3: {  	v15 =	vor.u32 $0x3, v5;
	_ =	sdelay $0x1  }
0x3a4: {  	[tilespmem:v14+s24+$0x0] =	vst.idx.msk $0xffff, v11  }
0x3a5: {  	[tilespmem:v14+s25+$0x0] =	vst.idx.msk $0xffff, v12  }
0x3a6: {  	v16 =	vor.u32 $0x3, v4;
	v13 =	vld.idx.msk [tilespmem:v41+s15+$0x0], $0xffff  }
0x3a7: {  	v14 =	vld.idx.msk [tilespmem:v15+s17+$0x0], $0xffff  }
0x3a8: {  	v42 =	vor.u32 $0x4, v6  }
0x3a9: {  	v17 =	vor.u32 $0x4, v5;
	_ =	sdelay $0x1  }
0x3aa: {  	[tilespmem:v16+s24+$0x0] =	vst.idx.msk $0xffff, v13  }
0x3ab: {  	[tilespmem:v16+s25+$0x0] =	vst.idx.msk $0xffff, v14  }
0x3ac: {  	v18 =	vor.u32 $0x4, v4;
	v15 =	vld.idx.msk [tilespmem:v42+s15+$0x0], $0xffff  }
0x3ad: {  	v16 =	vld.idx.msk [tilespmem:v17+s17+$0x0], $0xffff  }
0x3ae: {  	v43 =	vor.u32 $0x5, v6  }
0x3af: {  	v19 =	vor.u32 $0x5, v5;
	_ =	sdelay $0x1  }
0x3b0: {  	[tilespmem:v18+s24+$0x0] =	vst.idx.msk $0xffff, v15  }
0x3b1: {  	[tilespmem:v18+s25+$0x0] =	vst.idx.msk $0xffff, v16  }
0x3b2: {  	v20 =	vor.u32 $0x5, v4;
	v17 =	vld.idx.msk [tilespmem:v43+s15+$0x0], $0xffff  }
0x3b3: {  	v18 =	vld.idx.msk [tilespmem:v19+s17+$0x0], $0xffff  }
0x3b4: {  	v44 =	vor.u32 $0x6, v6  }
0x3b5: {  	v21 =	vor.u32 $0x6, v5;
	_ =	sdelay $0x1  }
0x3b6: {  	[tilespmem:v20+s24+$0x0] =	vst.idx.msk $0xffff, v17  }
0x3b7: {  	[tilespmem:v20+s25+$0x0] =	vst.idx.msk $0xffff, v18  }
0x3b8: {  	v22 =	vor.u32 $0x6, v4;
	v19 =	vld.idx.msk [tilespmem:v44+s15+$0x0], $0xffff  }
0x3b9: {  	v20 =	vld.idx.msk [tilespmem:v21+s17+$0x0], $0xffff  }
0x3ba: {  	v45 =	vor.u32 $0x7, v6  }
0x3bb: {  	v23 =	vor.u32 $0x7, v5;
	_ =	sdelay $0x1  }
0x3bc: {  	[tilespmem:v22+s24+$0x0] =	vst.idx.msk $0xffff, v19  }
0x3bd: {  	[tilespmem:v22+s25+$0x0] =	vst.idx.msk $0xffff, v20  }
0x3be: {  	v24 =	vor.u32 $0x7, v4;
	v21 =	vld.idx.msk [tilespmem:v45+s15+$0x0], $0xffff  }
0x3bf: {  	v22 =	vld.idx.msk [tilespmem:v23+s17+$0x0], $0xffff  }
0x3c0: {  	v46 =	vor.u32 $0x8, v6  }
0x3c1: {  	v25 =	vor.u32 $0x8, v5;
	_ =	sdelay $0x1  }
0x3c2: {  	[tilespmem:v24+s24+$0x0] =	vst.idx.msk $0xffff, v21  }
0x3c3: {  	[tilespmem:v24+s25+$0x0] =	vst.idx.msk $0xffff, v22  }
0x3c4: {  	v26 =	vor.u32 $0x8, v4;
	v23 =	vld.idx.msk [tilespmem:v46+s15+$0x0], $0xffff  }
0x3c5: {  	v24 =	vld.idx.msk [tilespmem:v25+s17+$0x0], $0xffff  }
0x3c6: {  	v47 =	vor.u32 $0x9, v6  }
0x3c7: {  	v27 =	vor.u32 $0x9, v5;
	_ =	sdelay $0x1  }
0x3c8: {  	[tilespmem:v26+s24+$0x0] =	vst.idx.msk $0xffff, v23  }
0x3c9: {  	[tilespmem:v26+s25+$0x0] =	vst.idx.msk $0xffff, v24  }
0x3ca: {  	v28 =	vor.u32 $0x9, v4;
	v25 =	vld.idx.msk [tilespmem:v47+s15+$0x0], $0xffff  }
0x3cb: {  	v26 =	vld.idx.msk [tilespmem:v27+s17+$0x0], $0xffff  }
0x3cc: {  	v48 =	vor.u32 $0xA, v6  }
0x3cd: {  	v29 =	vor.u32 $0xA, v5;
	_ =	sdelay $0x1  }
0x3ce: {  	[tilespmem:v28+s24+$0x0] =	vst.idx.msk $0xffff, v25  }
0x3cf: {  	[tilespmem:v28+s25+$0x0] =	vst.idx.msk $0xffff, v26  }
0x3d0: {  	v49 =	vor.u32 $0xA, v4;
	v27 =	vld.idx.msk [tilespmem:v48+s15+$0x0], $0xffff  }
0x3d1: {  	v29 =	vld.idx.msk [tilespmem:v29+s17+$0x0], $0xffff  }
0x3d2: {  	v30 =	vor.u32 $0xB, v6  }
0x3d3: {  	v31 =	vor.u32 $0xB, v5;
	_ =	sdelay $0x1  }
0x3d4: {  	[tilespmem:v49+s24+$0x0] =	vst.idx.msk $0xffff, v27  }
0x3d5: {  	[tilespmem:v49+s25+$0x0] =	vst.idx.msk $0xffff, v29  }
0x3d6: {  	v50 =	vor.u32 $0xB, v4;
	v28 =	vld.idx.msk [tilespmem:v30+s15+$0x0], $0xffff  }
0x3d7: {  	v31 =	vld.idx.msk [tilespmem:v31+s17+$0x0], $0xffff  }
0x3d8: {  	v32 =	vor.u32 $0xC, v6  }
0x3d9: {  	v33 =	vor.u32 $0xC, v5;
	_ =	sdelay $0x1  }
0x3da: {  	[tilespmem:v50+s24+$0x0] =	vst.idx.msk $0xffff, v28  }
0x3db: {  	[tilespmem:v50+s25+$0x0] =	vst.idx.msk $0xffff, v31  }
0x3dc: {  	v51 =	vor.u32 $0xC, v4;
	v30 =	vld.idx.msk [tilespmem:v32+s15+$0x0], $0xffff  }
0x3dd: {  	v33 =	vld.idx.msk [tilespmem:v33+s17+$0x0], $0xffff  }
0x3de: {  	v34 =	vor.u32 $0xD, v6  }
0x3df: {  	v35 =	vor.u32 $0xD, v5;
	_ =	sdelay $0x1  }
0x3e0: {  	[tilespmem:v51+s24+$0x0] =	vst.idx.msk $0xffff, v30  }
0x3e1: {  	[tilespmem:v51+s25+$0x0] =	vst.idx.msk $0xffff, v33  }
0x3e2: {  	v52 =	vor.u32 $0xD, v4;
	v32 =	vld.idx.msk [tilespmem:v34+s15+$0x0], $0xffff  }
0x3e3: {  	v35 =	vld.idx.msk [tilespmem:v35+s17+$0x0], $0xffff  }
0x3e4: {  	v36 =	vor.u32 $0xE, v6  }
0x3e5: {  	v37 =	vor.u32 $0xE, v5;
	_ =	sdelay $0x1  }
0x3e6: {  	[tilespmem:v52+s24+$0x0] =	vst.idx.msk $0xffff, v32  }
0x3e7: {  	[tilespmem:v52+s25+$0x0] =	vst.idx.msk $0xffff, v35  }
0x3e8: {  	v53 =	vor.u32 $0xE, v4;
	v34 =	vld.idx.msk [tilespmem:v36+s15+$0x0], $0xffff  }
0x3e9: {  	v37 =	vld.idx.msk [tilespmem:v37+s17+$0x0], $0xffff  }
0x3ea: {  	v38 =	vor.u32 $0xF, v6  }
0x3eb: {  	v39 =	vor.u32 $0xF, v5;
	_ =	sdelay $0x1  }
0x3ec: {  	[tilespmem:v53+s24+$0x0] =	vst.idx.msk $0xffff, v34  }
0x3ed: {  	[tilespmem:v53+s25+$0x0] =	vst.idx.msk $0xffff, v37  }
0x3ee: {  	v54 =	vor.u32 $0xF, v4;
	v36 =	vld.idx.msk [tilespmem:v38+s15+$0x0], $0xffff  }
0x3ef: {  	v39 =	vld.idx.msk [tilespmem:v39+s17+$0x0], $0xffff  }
0x3f0: {  	v40 =	vor.u32 $0x10, v6  }
0x3f1: {  	v41 =	vor.u32 $0x10, v5;
	_ =	sdelay $0x1  }
0x3f2: {  	[tilespmem:v54+s24+$0x0] =	vst.idx.msk $0xffff, v36  }
0x3f3: {  	[tilespmem:v54+s25+$0x0] =	vst.idx.msk $0xffff, v39  }
0x3f4: {  	v55 =	vor.u32 $0x10, v4;
	v38 =	vld.idx.msk [tilespmem:v40+s15+$0x0], $0xffff  }
0x3f5: {  	v41 =	vld.idx.msk [tilespmem:v41+s17+$0x0], $0xffff  }
0x3f6: {  	v42 =	vor.u32 $0x11, v6  }
0x3f7: {  	v43 =	vor.u32 $0x11, v5;
	_ =	sdelay $0x1  }
0x3f8: {  	[tilespmem:v55+s24+$0x0] =	vst.idx.msk $0xffff, v38  }
0x3f9: {  	[tilespmem:v55+s25+$0x0] =	vst.idx.msk $0xffff, v41  }
0x3fa: {  	v56 =	vor.u32 $0x11, v4;
	v40 =	vld.idx.msk [tilespmem:v42+s15+$0x0], $0xffff  }
0x3fb: {  	v43 =	vld.idx.msk [tilespmem:v43+s17+$0x0], $0xffff  }
0x3fc: {  	v44 =	vor.u32 $0x12, v6  }
0x3fd: {  	v45 =	vor.u32 $0x12, v5;
	_ =	sdelay $0x1  }
0x3fe: {  	[tilespmem:v56+s24+$0x0] =	vst.idx.msk $0xffff, v40  }
0x3ff: {  	[tilespmem:v56+s25+$0x0] =	vst.idx.msk $0xffff, v43  }
0x400: {  	v57 =	vor.u32 $0x12, v4;
	v42 =	vld.idx.msk [tilespmem:v44+s15+$0x0], $0xffff  }
0x401: {  	v45 =	vld.idx.msk [tilespmem:v45+s17+$0x0], $0xffff  }
0x402: {  	v46 =	vor.u32 $0x13, v6  }
0x403: {  	v47 =	vor.u32 $0x13, v5;
	_ =	sdelay $0x1  }
0x404: {  	[tilespmem:v57+s24+$0x0] =	vst.idx.msk $0xffff, v42  }
0x405: {  	[tilespmem:v57+s25+$0x0] =	vst.idx.msk $0xffff, v45  }
0x406: {  	v58 =	vor.u32 $0x13, v4;
	v44 =	vld.idx.msk [tilespmem:v46+s15+$0x0], $0xffff  }
0x407: {  	v47 =	vld.idx.msk [tilespmem:v47+s17+$0x0], $0xffff  }
0x408: {  	v48 =	vor.u32 $0x14, v6  }
0x409: {  	v49 =	vor.u32 $0x14, v5;
	_ =	sdelay $0x1  }
0x40a: {  	[tilespmem:v58+s24+$0x0] =	vst.idx.msk $0xffff, v44  }
0x40b: {  	[tilespmem:v58+s25+$0x0] =	vst.idx.msk $0xffff, v47  }
0x40c: {  	v59 =	vor.u32 $0x14, v4;
	v46 =	vld.idx.msk [tilespmem:v48+s15+$0x0], $0xffff  }
0x40d: {  	v49 =	vld.idx.msk [tilespmem:v49+s17+$0x0], $0xffff  }
0x40e: {  	v50 =	vor.u32 $0x15, v6  }
0x40f: {  	v51 =	vor.u32 $0x15, v5;
	_ =	sdelay $0x1  }
0x410: {  	[tilespmem:v59+s24+$0x0] =	vst.idx.msk $0xffff, v46  }
0x411: {  	[tilespmem:v59+s25+$0x0] =	vst.idx.msk $0xffff, v49  }
0x412: {  	v60 =	vor.u32 $0x15, v4;
	v48 =	vld.idx.msk [tilespmem:v50+s15+$0x0], $0xffff  }
0x413: {  	v51 =	vld.idx.msk [tilespmem:v51+s17+$0x0], $0xffff  }
0x414: {  	v52 =	vor.u32 $0x16, v6  }
0x415: {  	v53 =	vor.u32 $0x16, v5;
	_ =	sdelay $0x1  }
0x416: {  	[tilespmem:v60+s24+$0x0] =	vst.idx.msk $0xffff, v48  }
0x417: {  	[tilespmem:v60+s25+$0x0] =	vst.idx.msk $0xffff, v51  }
0x418: {  	v61 =	vor.u32 $0x16, v4;
	v50 =	vld.idx.msk [tilespmem:v52+s15+$0x0], $0xffff  }
0x419: {  	v53 =	vld.idx.msk [tilespmem:v53+s17+$0x0], $0xffff  }
0x41a: {  	v54 =	vor.u32 $0x17, v6  }
0x41b: {  	v55 =	vor.u32 $0x17, v5;
	_ =	sdelay $0x1  }
0x41c: {  	[tilespmem:v61+s24+$0x0] =	vst.idx.msk $0xffff, v50  }
0x41d: {  	[tilespmem:v61+s25+$0x0] =	vst.idx.msk $0xffff, v53  }
0x41e: {  	v62 =	vor.u32 $0x17, v4;
	v7 =	vmul.f32 v8, v7;
	v8 =	vld.idx.msk [tilespmem:v54+s15+$0x0], $0xffff  }
0x41f: {  	v54 =	vld.idx.msk [tilespmem:v55+s17+$0x0], $0xffff  }
0x420: {  	v63 =	vor.u32 $0x18, v6;
	v7 =	vadd.f32 $0.0e+00, v7;
	v9 =	vmul.f32 v10, v9  }
0x421: {  	v57 =	vor.u32 $0x18, v5  }
0x422: {  	v7 =	vadd.f32 v9, v7;
	v11 =	vmul.f32 v12, v11  }
0x423: {  	[tilespmem:v62+s24+$0x0] =	vst.idx.msk $0xffff, v8  }
0x424: {  	v7 =	vadd.f32 v11, v7;
	v58 =	vmul.f32 v14, v13;
	[tilespmem:v62+s25+$0x0] =	vst.idx.msk $0xffff, v54  }
0x425: {  	v59 =	vor.u32 $0x18, v4;
	v10 =	vld.idx.msk [tilespmem:v63+s15+$0x0], $0xffff  }
0x426: {  	v7 =	vadd.f32 v58, v7;
	v60 =	vmul.f32 v16, v15;
	v61 =	vld.idx.msk [tilespmem:v57+s17+$0x0], $0xffff  }
0x427: {  	v62 =	vor.u32 $0x19, v6  }
0x428: {  	v7 =	vadd.f32 v60, v7;
	v63 =	vmul.f32 v18, v17;
	v18 =	vor.u32 $0x19, v5;
	_ =	sdelay $0x1  }
0x429: {  	v19 =	vmul.f32 v20, v19;
	v7 =	vadd.f32 v63, v7;
	[tilespmem:v59+s24+$0x0] =	vst.idx.msk $0xffff, v10  }
0x42a: {  	[tilespmem:v59+s25+$0x0] =	vst.idx.msk $0xffff, v61  }
0x42b: {  	v20 =	vmul.f32 v22, v21;
	v21 =	vor.u32 $0x19, v4;
	v7 =	vadd.f32 v19, v7;
	v9 =	vld.idx.msk [tilespmem:v62+s15+$0x0], $0xffff  }
0x42c: {  	v12 =	vld.idx.msk [tilespmem:v18+s17+$0x0], $0xffff  }
0x42d: {  	v22 =	vmul.f32 v24, v23;
	v23 =	vor.u32 $0x1A, v6;
	v7 =	vadd.f32 v20, v7  }
0x42e: {  	v24 =	vor.u32 $0x1A, v5  }
0x42f: {  	v25 =	vmul.f32 v26, v25;
	v7 =	vadd.f32 v22, v7  }
0x430: {  	[tilespmem:v21+s24+$0x0] =	vst.idx.msk $0xffff, v9  }
0x431: {  	v26 =	vmul.f32 v29, v27;
	v7 =	vadd.f32 v25, v7;
	[tilespmem:v21+s25+$0x0] =	vst.idx.msk $0xffff, v12  }
0x432: {  	v27 =	vor.u32 $0x1A, v4;
	v14 =	vld.idx.msk [tilespmem:v23+s15+$0x0], $0xffff  }
0x433: {  	v28 =	vmul.f32 v31, v28;
	v7 =	vadd.f32 v26, v7;
	v11 =	vld.idx.msk [tilespmem:v24+s17+$0x0], $0xffff  }
0x434: {  	v29 =	vor.u32 $0x1B, v6  }
0x435: {  	v31 =	vor.u32 $0x1B, v5;
	v30 =	vmul.f32 v33, v30;
	v7 =	vadd.f32 v28, v7;
	_ =	sdelay $0x1  }
0x436: {  	v32 =	vmul.f32 v35, v32;
	v7 =	vadd.f32 v30, v7;
	[tilespmem:v27+s24+$0x0] =	vst.idx.msk $0xffff, v14  }
0x437: {  	[tilespmem:v27+s25+$0x0] =	vst.idx.msk $0xffff, v11  }
0x438: {  	v33 =	vmul.f32 v37, v34;
	v34 =	vor.u32 $0x1B, v4;
	v7 =	vadd.f32 v32, v7;
	v15 =	vld.idx.msk [tilespmem:v29+s15+$0x0], $0xffff  }
0x439: {  	v17 =	vld.idx.msk [tilespmem:v31+s17+$0x0], $0xffff  }
0x43a: {  	v35 =	vmul.f32 v39, v36;
	v36 =	vor.u32 $0x1C, v6;
	v7 =	vadd.f32 v33, v7  }
0x43b: {  	v37 =	vor.u32 $0x1C, v5  }
0x43c: {  	v39 =	vmul.f32 v41, v38;
	v7 =	vadd.f32 v35, v7  }
0x43d: {  	[tilespmem:v34+s24+$0x0] =	vst.idx.msk $0xffff, v15  }
0x43e: {  	v40 =	vmul.f32 v43, v40;
	v7 =	vadd.f32 v39, v7;
	[tilespmem:v34+s25+$0x0] =	vst.idx.msk $0xffff, v17  }
0x43f: {  	v41 =	vor.u32 $0x1C, v4;
	v18 =	vld.idx.msk [tilespmem:v36+s15+$0x0], $0xffff  }
0x440: {  	v42 =	vmul.f32 v45, v42;
	v7 =	vadd.f32 v40, v7;
	v16 =	vld.idx.msk [tilespmem:v37+s17+$0x0], $0xffff  }
0x441: {  	v43 =	vor.u32 $0x1D, v6  }
0x442: {  	v45 =	vor.u32 $0x1D, v5;
	v44 =	vmul.f32 v47, v44;
	v7 =	vadd.f32 v42, v7;
	_ =	sdelay $0x1  }
0x443: {  	v47 =	vmul.f32 v49, v46;
	v7 =	vadd.f32 v44, v7;
	[tilespmem:v41+s24+$0x0] =	vst.idx.msk $0xffff, v18  }
0x444: {  	[tilespmem:v41+s25+$0x0] =	vst.idx.msk $0xffff, v16  }
0x445: {  	v49 =	vor.u32 $0x1D, v4;
	v48 =	vmul.f32 v51, v48;
	v7 =	vadd.f32 v47, v7;
	v19 =	vld.idx.msk [tilespmem:v43+s15+$0x0], $0xffff  }
0x446: {  	v51 =	vld.idx.msk [tilespmem:v45+s17+$0x0], $0xffff  }
0x447: {  	v52 =	vmul.f32 v53, v50;
	v53 =	vor.u32 $0x1E, v6;
	v7 =	vadd.f32 v48, v7  }
0x448: {  	v55 =	vor.u32 $0x1E, v5  }
0x449: {  	v8 =	vmul.f32 v54, v8;
	v7 =	vadd.f32 v52, v7  }
0x44a: {  	[tilespmem:v49+s24+$0x0] =	vst.idx.msk $0xffff, v19  }
0x44b: {  	v10 =	vmul.f32 v61, v10;
	v7 =	vadd.f32 v8, v7;
	[tilespmem:v49+s25+$0x0] =	vst.idx.msk $0xffff, v51  }
0x44c: {  	v57 =	vor.u32 $0x1E, v4;
	v56 =	vld.idx.msk [tilespmem:v53+s15+$0x0], $0xffff  }
0x44d: {  	v9 =	vmul.f32 v12, v9;
	v7 =	vadd.f32 v10, v7;
	v58 =	vld.idx.msk [tilespmem:v55+s17+$0x0], $0xffff  }
0x44e: {  	v6 =	vor.u32 $0x1F, v6  }
0x44f: {  	v5 =	vor.u32 $0x1F, v5;
	v59 =	vmul.f32 v11, v14;
	v7 =	vadd.f32 v9, v7;
	_ =	sdelay $0x1  }
0x450: {  	v60 =	vmul.f32 v17, v15;
	v7 =	vadd.f32 v59, v7;
	[tilespmem:v57+s24+$0x0] =	vst.idx.msk $0xffff, v56  }
0x451: {  	[tilespmem:v57+s25+$0x0] =	vst.idx.msk $0xffff, v58  }
0x452: {  	v61 =	vmul.f32 v16, v18;
	v7 =	vadd.f32 v60, v7;
	v6 =	vld.idx.msk [tilespmem:v6+s15+$0x0], $0xffff  }
0x453: {  	v5 =	vld.idx.msk [tilespmem:v5+s17+$0x0], $0xffff  }
0x454: {  	v4 =	vor.u32 $0x1F, v4;
	v62 =	vmul.f32 v51, v19;
	v7 =	vadd.f32 v61, v7;
	_ =	sdelay $0x1  }
0x455: {  	v8 =	vmul.f32 v58, v56;
	v7 =	vadd.f32 v62, v7;
	_ =	sdelay $0x1  }
0x456: {  	v7 =	vadd.f32 v8, v7;
	v63 =	vmul.f32 v5, v6  }
0x457: {  	[tilespmem:v4+s24+$0x0] =	vst.idx.msk $0xffff, v6  }
0x458: {  	s20 =	simm.s32 $0x10;
	s18 =	simm.s32 $0x18900;
	s26 =	simm.s32 $0x18900;
	[tilespmem:v4+s25+$0x0] =	vst.idx.msk $0xffff, v5;
	v4 =	vadd.f32 v63, v7  }
.LBB2_8:
0x459: {  	s14 =	sadd.s32 $0x10, s14  }
0x45a: {  	s16 =	sadd.s32 $0x10, s16;
	s18 =	sadd.s32 $0x10, s18;
	s28 =	smov.u32 s20  }
0x45b: {  	p0 =	sne.s32 s20, $0x70;
	s20 =	sadd.s32 $0x10, s20;
	[tilespmem:s26+$0x0] =	vst v4;
	s26 =	smov.u32 s18  }
0x45c: {  	v4 =	vld [tilespmem:s14+$0x0]  }
0x45d: {  	v5 =	vld [tilespmem:s16+$0x0];
	_ =	sdelay $0x2  }
0x45e: {  	v7 =	vmov s28  }
0x45f: {  	v6 =	vshll.u32 v7, $0x7;
	v4 =	vshrl.u32 v4, $0x6  }
0x460: {  	v6 =	vor.u32 v1, v6;
	v4 =	vand.u32 $0x60, v4;
	v5 =	vshrl.u32 v5, $0x6  }
0x461: {  	v8 =	vand.u32 $0x60, v5;
	v5 =	vor.u32 v6, v4  }
0x462: {  	v6 =	vor.u32 v6, v8;
	_ =	sdelay $0x3  }
0x463: {  	v4 =	vshll.u32 v7, $0x5;
	v7 =	vld.idx.msk [tilespmem:v5+s15+$0x0], $0xffff  }
0x464: {  	v4 =	vor.u32 v3, v4;
	v8 =	vld.idx.msk [tilespmem:v6+s17+$0x0], $0xffff;
	_ =	sdelay $0x1  }
0x465: {  	v9 =	vor.u32 $0x1, v5  }
0x466: {  	v10 =	vor.u32 $0x1, v6;
	_ =	sdelay $0x1  }
0x467: {  	[tilespmem:v4+s24+$0x0] =	vst.idx.msk $0xffff, v7  }
0x468: {  	v7 =	vmul.f32 v8, v7;
	[tilespmem:v4+s25+$0x0] =	vst.idx.msk $0xffff, v8  }
0x469: {  	v8 =	vld.idx.msk [tilespmem:v9+s15+$0x0], $0xffff  }
0x46a: {  	v9 =	vld.idx.msk [tilespmem:v10+s17+$0x0], $0xffff;
	v10 =	vor.u32 $0x1, v4;
	_ =	sdelay $0x1  }
0x46b: {  	v11 =	vor.u32 $0x2, v5  }
0x46c: {  	v12 =	vor.u32 $0x2, v6;
	_ =	sdelay $0x1  }
0x46d: {  	[tilespmem:v10+s24+$0x0] =	vst.idx.msk $0xffff, v8  }
0x46e: {  	v8 =	vmul.f32 v9, v8;
	[tilespmem:v10+s25+$0x0] =	vst.idx.msk $0xffff, v9  }
0x46f: {  	v9 =	vld.idx.msk [tilespmem:v11+s15+$0x0], $0xffff  }
0x470: {  	v11 =	vor.u32 $0x2, v4;
	v10 =	vld.idx.msk [tilespmem:v12+s17+$0x0], $0xffff;
	_ =	sdelay $0x1  }
0x471: {  	v12 =	vor.u32 $0x3, v5  }
0x472: {  	v13 =	vor.u32 $0x3, v6;
	_ =	sdelay $0x1  }
0x473: {  	[tilespmem:v11+s24+$0x0] =	vst.idx.msk $0xffff, v9  }
0x474: {  	v9 =	vmul.f32 v10, v9;
	[tilespmem:v11+s25+$0x0] =	vst.idx.msk $0xffff, v10  }
0x475: {  	v10 =	vld.idx.msk [tilespmem:v12+s15+$0x0], $0xffff  }
0x476: {  	v12 =	vor.u32 $0x3, v4;
	v11 =	vld.idx.msk [tilespmem:v13+s17+$0x0], $0xffff;
	_ =	sdelay $0x1  }
0x477: {  	v13 =	vor.u32 $0x4, v5  }
0x478: {  	v14 =	vor.u32 $0x4, v6;
	_ =	sdelay $0x1  }
0x479: {  	[tilespmem:v12+s24+$0x0] =	vst.idx.msk $0xffff, v10  }
0x47a: {  	v10 =	vmul.f32 v11, v10;
	[tilespmem:v12+s25+$0x0] =	vst.idx.msk $0xffff, v11  }
0x47b: {  	v11 =	vld.idx.msk [tilespmem:v13+s15+$0x0], $0xffff  }
0x47c: {  	v13 =	vor.u32 $0x4, v4;
	v12 =	vld.idx.msk [tilespmem:v14+s17+$0x0], $0xffff;
	_ =	sdelay $0x1  }
0x47d: {  	v14 =	vor.u32 $0x5, v5  }
0x47e: {  	v15 =	vor.u32 $0x5, v6;
	_ =	sdelay $0x1  }
0x47f: {  	[tilespmem:v13+s24+$0x0] =	vst.idx.msk $0xffff, v11  }
0x480: {  	v11 =	vmul.f32 v12, v11;
	[tilespmem:v13+s25+$0x0] =	vst.idx.msk $0xffff, v12  }
0x481: {  	v12 =	vld.idx.msk [tilespmem:v14+s15+$0x0], $0xffff  }
0x482: {  	v14 =	vor.u32 $0x5, v4;
	v13 =	vld.idx.msk [tilespmem:v15+s17+$0x0], $0xffff;
	_ =	sdelay $0x1  }
0x483: {  	v15 =	vor.u32 $0x6, v5  }
0x484: {  	v16 =	vor.u32 $0x6, v6;
	_ =	sdelay $0x1  }
0x485: {  	[tilespmem:v14+s24+$0x0] =	vst.idx.msk $0xffff, v12  }
0x486: {  	v12 =	vmul.f32 v13, v12;
	[tilespmem:v14+s25+$0x0] =	vst.idx.msk $0xffff, v13  }
0x487: {  	v13 =	vld.idx.msk [tilespmem:v15+s15+$0x0], $0xffff  }
0x488: {  	v15 =	vor.u32 $0x6, v4;
	v14 =	vld.idx.msk [tilespmem:v16+s17+$0x0], $0xffff;
	_ =	sdelay $0x1  }
0x489: {  	v16 =	vor.u32 $0x7, v5  }
0x48a: {  	v17 =	vor.u32 $0x7, v6;
	_ =	sdelay $0x1  }
0x48b: {  	[tilespmem:v15+s24+$0x0] =	vst.idx.msk $0xffff, v13  }
0x48c: {  	v13 =	vmul.f32 v14, v13;
	[tilespmem:v15+s25+$0x0] =	vst.idx.msk $0xffff, v14  }
0x48d: {  	v14 =	vld.idx.msk [tilespmem:v16+s15+$0x0], $0xffff  }
0x48e: {  	v16 =	vor.u32 $0x7, v4;
	v15 =	vld.idx.msk [tilespmem:v17+s17+$0x0], $0xffff;
	_ =	sdelay $0x1  }
0x48f: {  	v17 =	vor.u32 $0x8, v5  }
0x490: {  	v18 =	vor.u32 $0x8, v6;
	_ =	sdelay $0x1  }
0x491: {  	[tilespmem:v16+s24+$0x0] =	vst.idx.msk $0xffff, v14  }
0x492: {  	v14 =	vmul.f32 v15, v14;
	[tilespmem:v16+s25+$0x0] =	vst.idx.msk $0xffff, v15  }
0x493: {  	v15 =	vld.idx.msk [tilespmem:v17+s15+$0x0], $0xffff  }
0x494: {  	v17 =	vor.u32 $0x8, v4;
	v16 =	vld.idx.msk [tilespmem:v18+s17+$0x0], $0xffff;
	_ =	sdelay $0x1  }
0x495: {  	v18 =	vor.u32 $0x9, v5  }
0x496: {  	v19 =	vor.u32 $0x9, v6;
	_ =	sdelay $0x1  }
0x497: {  	[tilespmem:v17+s24+$0x0] =	vst.idx.msk $0xffff, v15  }
0x498: {  	v15 =	vmul.f32 v16, v15;
	[tilespmem:v17+s25+$0x0] =	vst.idx.msk $0xffff, v16  }
0x499: {  	v16 =	vld.idx.msk [tilespmem:v18+s15+$0x0], $0xffff  }
0x49a: {  	v18 =	vor.u32 $0x9, v4;
	v17 =	vld.idx.msk [tilespmem:v19+s17+$0x0], $0xffff;
	_ =	sdelay $0x1  }
0x49b: {  	v19 =	vor.u32 $0xA, v5  }
0x49c: {  	v20 =	vor.u32 $0xA, v6;
	_ =	sdelay $0x1  }
0x49d: {  	[tilespmem:v18+s24+$0x0] =	vst.idx.msk $0xffff, v16  }
0x49e: {  	v16 =	vmul.f32 v17, v16;
	[tilespmem:v18+s25+$0x0] =	vst.idx.msk $0xffff, v17  }
0x49f: {  	v17 =	vld.idx.msk [tilespmem:v19+s15+$0x0], $0xffff  }
0x4a0: {  	v19 =	vor.u32 $0xA, v4;
	v18 =	vld.idx.msk [tilespmem:v20+s17+$0x0], $0xffff;
	_ =	sdelay $0x1  }
0x4a1: {  	v20 =	vor.u32 $0xB, v5  }
0x4a2: {  	v21 =	vor.u32 $0xB, v6;
	_ =	sdelay $0x1  }
0x4a3: {  	[tilespmem:v19+s24+$0x0] =	vst.idx.msk $0xffff, v17  }
0x4a4: {  	v17 =	vmul.f32 v18, v17;
	[tilespmem:v19+s25+$0x0] =	vst.idx.msk $0xffff, v18  }
0x4a5: {  	v18 =	vld.idx.msk [tilespmem:v20+s15+$0x0], $0xffff  }
0x4a6: {  	v20 =	vor.u32 $0xB, v4;
	v19 =	vld.idx.msk [tilespmem:v21+s17+$0x0], $0xffff;
	_ =	sdelay $0x1  }
0x4a7: {  	v21 =	vor.u32 $0xC, v5  }
0x4a8: {  	v22 =	vor.u32 $0xC, v6;
	_ =	sdelay $0x1  }
0x4a9: {  	[tilespmem:v20+s24+$0x0] =	vst.idx.msk $0xffff, v18  }
0x4aa: {  	v18 =	vmul.f32 v19, v18;
	[tilespmem:v20+s25+$0x0] =	vst.idx.msk $0xffff, v19  }
0x4ab: {  	v19 =	vld.idx.msk [tilespmem:v21+s15+$0x0], $0xffff  }
0x4ac: {  	v21 =	vor.u32 $0xC, v4;
	v20 =	vld.idx.msk [tilespmem:v22+s17+$0x0], $0xffff;
	_ =	sdelay $0x1  }
0x4ad: {  	v22 =	vor.u32 $0xD, v5  }
0x4ae: {  	v23 =	vor.u32 $0xD, v6;
	_ =	sdelay $0x1  }
0x4af: {  	[tilespmem:v21+s24+$0x0] =	vst.idx.msk $0xffff, v19  }
0x4b0: {  	v19 =	vmul.f32 v20, v19;
	[tilespmem:v21+s25+$0x0] =	vst.idx.msk $0xffff, v20  }
0x4b1: {  	v20 =	vld.idx.msk [tilespmem:v22+s15+$0x0], $0xffff  }
0x4b2: {  	v22 =	vor.u32 $0xD, v4;
	v21 =	vld.idx.msk [tilespmem:v23+s17+$0x0], $0xffff;
	_ =	sdelay $0x1  }
0x4b3: {  	v23 =	vor.u32 $0xE, v5  }
0x4b4: {  	v24 =	vor.u32 $0xE, v6;
	_ =	sdelay $0x1  }
0x4b5: {  	[tilespmem:v22+s24+$0x0] =	vst.idx.msk $0xffff, v20  }
0x4b6: {  	v20 =	vmul.f32 v21, v20;
	[tilespmem:v22+s25+$0x0] =	vst.idx.msk $0xffff, v21  }
0x4b7: {  	v21 =	vld.idx.msk [tilespmem:v23+s15+$0x0], $0xffff  }
0x4b8: {  	v23 =	vor.u32 $0xE, v4;
	v22 =	vld.idx.msk [tilespmem:v24+s17+$0x0], $0xffff;
	_ =	sdelay $0x1  }
0x4b9: {  	v24 =	vor.u32 $0xF, v5  }
0x4ba: {  	v25 =	vor.u32 $0xF, v6;
	_ =	sdelay $0x1  }
0x4bb: {  	[tilespmem:v23+s24+$0x0] =	vst.idx.msk $0xffff, v21  }
0x4bc: {  	v21 =	vmul.f32 v22, v21;
	[tilespmem:v23+s25+$0x0] =	vst.idx.msk $0xffff, v22  }
0x4bd: {  	v22 =	vld.idx.msk [tilespmem:v24+s15+$0x0], $0xffff  }
0x4be: {  	v24 =	vor.u32 $0xF, v4;
	v23 =	vld.idx.msk [tilespmem:v25+s17+$0x0], $0xffff;
	_ =	sdelay $0x1  }
0x4bf: {  	v25 =	vor.u32 $0x10, v5  }
0x4c0: {  	v26 =	vor.u32 $0x10, v6;
	_ =	sdelay $0x1  }
0x4c1: {  	[tilespmem:v24+s24+$0x0] =	vst.idx.msk $0xffff, v22  }
0x4c2: {  	v22 =	vmul.f32 v23, v22;
	[tilespmem:v24+s25+$0x0] =	vst.idx.msk $0xffff, v23  }
0x4c3: {  	v23 =	vld.idx.msk [tilespmem:v25+s15+$0x0], $0xffff  }
0x4c4: {  	v25 =	vor.u32 $0x10, v4;
	v24 =	vld.idx.msk [tilespmem:v26+s17+$0x0], $0xffff;
	_ =	sdelay $0x1  }
0x4c5: {  	v26 =	vor.u32 $0x11, v5  }
0x4c6: {  	v27 =	vor.u32 $0x11, v6;
	_ =	sdelay $0x1  }
0x4c7: {  	[tilespmem:v25+s24+$0x0] =	vst.idx.msk $0xffff, v23  }
0x4c8: {  	v23 =	vmul.f32 v24, v23;
	[tilespmem:v25+s25+$0x0] =	vst.idx.msk $0xffff, v24  }
0x4c9: {  	v24 =	vld.idx.msk [tilespmem:v26+s15+$0x0], $0xffff  }
0x4ca: {  	v26 =	vor.u32 $0x11, v4;
	v25 =	vld.idx.msk [tilespmem:v27+s17+$0x0], $0xffff;
	_ =	sdelay $0x1  }
0x4cb: {  	v27 =	vor.u32 $0x12, v5  }
0x4cc: {  	v28 =	vor.u32 $0x12, v6;
	_ =	sdelay $0x1  }
0x4cd: {  	[tilespmem:v26+s24+$0x0] =	vst.idx.msk $0xffff, v24  }
0x4ce: {  	v24 =	vmul.f32 v25, v24;
	[tilespmem:v26+s25+$0x0] =	vst.idx.msk $0xffff, v25  }
0x4cf: {  	v25 =	vld.idx.msk [tilespmem:v27+s15+$0x0], $0xffff  }
0x4d0: {  	v27 =	vor.u32 $0x12, v4;
	v26 =	vld.idx.msk [tilespmem:v28+s17+$0x0], $0xffff;
	_ =	sdelay $0x1  }
0x4d1: {  	v28 =	vor.u32 $0x13, v5  }
0x4d2: {  	v29 =	vor.u32 $0x13, v6;
	_ =	sdelay $0x1  }
0x4d3: {  	[tilespmem:v27+s24+$0x0] =	vst.idx.msk $0xffff, v25  }
0x4d4: {  	v25 =	vmul.f32 v26, v25;
	[tilespmem:v27+s25+$0x0] =	vst.idx.msk $0xffff, v26  }
0x4d5: {  	v26 =	vld.idx.msk [tilespmem:v28+s15+$0x0], $0xffff  }
0x4d6: {  	v28 =	vor.u32 $0x13, v4;
	v27 =	vld.idx.msk [tilespmem:v29+s17+$0x0], $0xffff;
	_ =	sdelay $0x1  }
0x4d7: {  	v29 =	vor.u32 $0x14, v5  }
0x4d8: {  	v30 =	vor.u32 $0x14, v6;
	_ =	sdelay $0x1  }
0x4d9: {  	[tilespmem:v28+s24+$0x0] =	vst.idx.msk $0xffff, v26  }
0x4da: {  	v26 =	vmul.f32 v27, v26;
	[tilespmem:v28+s25+$0x0] =	vst.idx.msk $0xffff, v27  }
0x4db: {  	v27 =	vld.idx.msk [tilespmem:v29+s15+$0x0], $0xffff  }
0x4dc: {  	v29 =	vor.u32 $0x14, v4;
	v28 =	vld.idx.msk [tilespmem:v30+s17+$0x0], $0xffff;
	_ =	sdelay $0x1  }
0x4dd: {  	v30 =	vor.u32 $0x15, v5  }
0x4de: {  	v31 =	vor.u32 $0x15, v6;
	_ =	sdelay $0x1  }
0x4df: {  	[tilespmem:v29+s24+$0x0] =	vst.idx.msk $0xffff, v27  }
0x4e0: {  	v27 =	vmul.f32 v28, v27;
	[tilespmem:v29+s25+$0x0] =	vst.idx.msk $0xffff, v28  }
0x4e1: {  	v28 =	vld.idx.msk [tilespmem:v30+s15+$0x0], $0xffff  }
0x4e2: {  	v30 =	vor.u32 $0x15, v4;
	v29 =	vld.idx.msk [tilespmem:v31+s17+$0x0], $0xffff;
	_ =	sdelay $0x1  }
0x4e3: {  	v31 =	vor.u32 $0x16, v5  }
0x4e4: {  	v32 =	vor.u32 $0x16, v6;
	_ =	sdelay $0x1  }
0x4e5: {  	[tilespmem:v30+s24+$0x0] =	vst.idx.msk $0xffff, v28  }
0x4e6: {  	v28 =	vmul.f32 v29, v28;
	[tilespmem:v30+s25+$0x0] =	vst.idx.msk $0xffff, v29  }
0x4e7: {  	v29 =	vld.idx.msk [tilespmem:v31+s15+$0x0], $0xffff  }
0x4e8: {  	v31 =	vor.u32 $0x16, v4;
	v30 =	vld.idx.msk [tilespmem:v32+s17+$0x0], $0xffff;
	_ =	sdelay $0x1  }
0x4e9: {  	v32 =	vor.u32 $0x17, v5  }
0x4ea: {  	v33 =	vor.u32 $0x17, v6;
	_ =	sdelay $0x1  }
0x4eb: {  	[tilespmem:v31+s24+$0x0] =	vst.idx.msk $0xffff, v29  }
0x4ec: {  	v29 =	vmul.f32 v30, v29;
	[tilespmem:v31+s25+$0x0] =	vst.idx.msk $0xffff, v30  }
0x4ed: {  	v30 =	vld.idx.msk [tilespmem:v32+s15+$0x0], $0xffff  }
0x4ee: {  	v32 =	vor.u32 $0x17, v4;
	v31 =	vld.idx.msk [tilespmem:v33+s17+$0x0], $0xffff;
	_ =	sdelay $0x1  }
0x4ef: {  	v33 =	vor.u32 $0x18, v5  }
0x4f0: {  	v34 =	vor.u32 $0x18, v6;
	_ =	sdelay $0x1  }
0x4f1: {  	[tilespmem:v32+s24+$0x0] =	vst.idx.msk $0xffff, v30  }
0x4f2: {  	v30 =	vmul.f32 v31, v30;
	[tilespmem:v32+s25+$0x0] =	vst.idx.msk $0xffff, v31  }
0x4f3: {  	v31 =	vld.idx.msk [tilespmem:v33+s15+$0x0], $0xffff  }
0x4f4: {  	v33 =	vor.u32 $0x18, v4;
	v32 =	vld.idx.msk [tilespmem:v34+s17+$0x0], $0xffff  }
0x4f5: {  	v7 =	vadd.f32 $0.0e+00, v7  }
0x4f6: {  	v34 =	vor.u32 $0x19, v5  }
0x4f7: {  	v7 =	vadd.f32 v8, v7;
	v8 =	vor.u32 $0x19, v6;
	_ =	sdelay $0x1  }
0x4f8: {  	v7 =	vadd.f32 v9, v7;
	[tilespmem:v33+s24+$0x0] =	vst.idx.msk $0xffff, v31  }
0x4f9: {  	v9 =	vmul.f32 v32, v31;
	[tilespmem:v33+s25+$0x0] =	vst.idx.msk $0xffff, v32  }
0x4fa: {  	v7 =	vadd.f32 v10, v7;
	v10 =	vld.idx.msk [tilespmem:v34+s15+$0x0], $0xffff  }
0x4fb: {  	v31 =	vor.u32 $0x19, v4;
	v8 =	vld.idx.msk [tilespmem:v8+s17+$0x0], $0xffff  }
0x4fc: {  	v7 =	vadd.f32 v11, v7  }
0x4fd: {  	v11 =	vor.u32 $0x1A, v5  }
0x4fe: {  	v7 =	vadd.f32 v12, v7;
	v12 =	vor.u32 $0x1A, v6;
	_ =	sdelay $0x1  }
0x4ff: {  	v7 =	vadd.f32 v13, v7;
	[tilespmem:v31+s24+$0x0] =	vst.idx.msk $0xffff, v10  }
0x500: {  	v10 =	vmul.f32 v8, v10;
	[tilespmem:v31+s25+$0x0] =	vst.idx.msk $0xffff, v8  }
0x501: {  	v7 =	vadd.f32 v14, v7;
	v8 =	vld.idx.msk [tilespmem:v11+s15+$0x0], $0xffff  }
0x502: {  	v11 =	vld.idx.msk [tilespmem:v12+s17+$0x0], $0xffff;
	v12 =	vor.u32 $0x1A, v4  }
0x503: {  	v7 =	vadd.f32 v15, v7  }
0x504: {  	v13 =	vor.u32 $0x1B, v5  }
0x505: {  	v14 =	vor.u32 $0x1B, v6;
	v7 =	vadd.f32 v16, v7;
	_ =	sdelay $0x1  }
0x506: {  	v7 =	vadd.f32 v17, v7;
	[tilespmem:v12+s24+$0x0] =	vst.idx.msk $0xffff, v8  }
0x507: {  	v8 =	vmul.f32 v11, v8;
	[tilespmem:v12+s25+$0x0] =	vst.idx.msk $0xffff, v11  }
0x508: {  	v7 =	vadd.f32 v18, v7;
	v11 =	vld.idx.msk [tilespmem:v13+s15+$0x0], $0xffff  }
0x509: {  	v13 =	vor.u32 $0x1B, v4;
	v12 =	vld.idx.msk [tilespmem:v14+s17+$0x0], $0xffff  }
0x50a: {  	v7 =	vadd.f32 v19, v7  }
0x50b: {  	v14 =	vor.u32 $0x1C, v5  }
0x50c: {  	v15 =	vor.u32 $0x1C, v6;
	v7 =	vadd.f32 v20, v7;
	_ =	sdelay $0x1  }
0x50d: {  	v7 =	vadd.f32 v21, v7;
	[tilespmem:v13+s24+$0x0] =	vst.idx.msk $0xffff, v11  }
0x50e: {  	v11 =	vmul.f32 v12, v11;
	[tilespmem:v13+s25+$0x0] =	vst.idx.msk $0xffff, v12  }
0x50f: {  	v7 =	vadd.f32 v22, v7;
	v12 =	vld.idx.msk [tilespmem:v14+s15+$0x0], $0xffff  }
0x510: {  	v14 =	vor.u32 $0x1C, v4;
	v13 =	vld.idx.msk [tilespmem:v15+s17+$0x0], $0xffff  }
0x511: {  	v7 =	vadd.f32 v23, v7  }
0x512: {  	v15 =	vor.u32 $0x1D, v5  }
0x513: {  	v16 =	vor.u32 $0x1D, v6;
	v7 =	vadd.f32 v24, v7;
	_ =	sdelay $0x1  }
0x514: {  	v7 =	vadd.f32 v25, v7;
	[tilespmem:v14+s24+$0x0] =	vst.idx.msk $0xffff, v12  }
0x515: {  	v12 =	vmul.f32 v13, v12;
	[tilespmem:v14+s25+$0x0] =	vst.idx.msk $0xffff, v13  }
0x516: {  	v7 =	vadd.f32 v26, v7;
	v13 =	vld.idx.msk [tilespmem:v15+s15+$0x0], $0xffff  }
0x517: {  	v15 =	vor.u32 $0x1D, v4;
	v14 =	vld.idx.msk [tilespmem:v16+s17+$0x0], $0xffff  }
0x518: {  	v7 =	vadd.f32 v27, v7  }
0x519: {  	v16 =	vor.u32 $0x1E, v5  }
0x51a: {  	v17 =	vor.u32 $0x1E, v6;
	v7 =	vadd.f32 v28, v7;
	_ =	sdelay $0x1  }
0x51b: {  	v7 =	vadd.f32 v29, v7;
	[tilespmem:v15+s24+$0x0] =	vst.idx.msk $0xffff, v13  }
0x51c: {  	v13 =	vmul.f32 v14, v13;
	[tilespmem:v15+s25+$0x0] =	vst.idx.msk $0xffff, v14  }
0x51d: {  	v7 =	vadd.f32 v30, v7;
	v14 =	vld.idx.msk [tilespmem:v16+s15+$0x0], $0xffff  }
0x51e: {  	v16 =	vor.u32 $0x1E, v4;
	v15 =	vld.idx.msk [tilespmem:v17+s17+$0x0], $0xffff  }
0x51f: {  	v7 =	vadd.f32 v9, v7  }
0x520: {  	v6 =	vor.u32 $0x1F, v6;
	v5 =	vor.u32 $0x1F, v5  }
0x521: {  	v7 =	vadd.f32 v10, v7;
	_ =	sdelay $0x1  }
0x522: {  	v7 =	vadd.f32 v8, v7;
	[tilespmem:v16+s24+$0x0] =	vst.idx.msk $0xffff, v14  }
0x523: {  	v8 =	vmul.f32 v15, v14;
	[tilespmem:v16+s25+$0x0] =	vst.idx.msk $0xffff, v15  }
0x524: {  	v7 =	vadd.f32 v11, v7;
	v5 =	vld.idx.msk [tilespmem:v5+s15+$0x0], $0xffff  }
0x525: {  	v4 =	vor.u32 $0x1F, v4;
	v6 =	vld.idx.msk [tilespmem:v6+s17+$0x0], $0xffff  }
0x526: {  	v7 =	vadd.f32 v12, v7;
	_ =	sdelay $0x1  }
0x527: {  	v7 =	vadd.f32 v13, v7  }
.Ltmp3:
0x528: {  	(pc) =	sbr.rel @p0 .LBB2_8-.Ltmp3, $3  }
0x529: {  	v7 =	vadd.f32 v8, v7;
	[tilespmem:v4+s24+$0x0] =	vst.idx.msk $0xffff, v5  }
0x52a: {  	v5 =	vmul.f32 v6, v5;
	[tilespmem:v4+s25+$0x0] =	vst.idx.msk $0xffff, v6;
	_ =	sdelay $0x1  }
0x52b: {  	v4 =	vadd.f32 v5, v7  }
0x52c: {  	_ = 	snop  }
0x52d: {  	[tilespmem:s26+$0x0] =	vst v4  }
0x52e: {  	_ =	swait.ge [sflag:s29], $0x4000  }
0x52f: {  	[sflag:s29] =	ssyncset.done $0x0  }
0x530: {  	[sflag:s29] =	ssyncadd.s32 $0xFFFFC000  }
0x531: {  	_ =	swait.ge [sflag:s30], $0x4000  }
0x532: {  	[sflag:s30] =	ssyncset.done $0x0  }
0x533: {  	s14 =	simm.s32 $0x180;
	[sflag:s30] =	ssyncadd.s32 $0xFFFFC000  }
0x534: {  	s16 =	simm.s32 $0x380;
	v3 =	vld [tilespmem:s14+$0x0]  }
0x535: {  	v4 =	vld [tilespmem:s16+$0x0];
	_ =	sdelay $0x1  }
0x536: {  	s18 =	simm.s32 $0x0  }
0x537: {  	v6 =	vmov s18  }
0x538: {  	v5 =	vshll.u32 v6, $0x7;
	v3 =	vshrl.u32 v3, $0x6  }
0x539: {  	v7 =	vor.u32 v1, v5;
	v4 =	vshrl.u32 v4, $0x6;
	v3 =	vand.u32 $0x60, v3  }
0x53a: {  	v4 =	vand.u32 $0x60, v4;
	v5 =	vor.u32 v7, v3  }
0x53b: {  	v4 =	vor.u32 v7, v4;
	_ =	sdelay $0x2  }
0x53c: {  	v2 =	vor.u32 $0x3000, v2;
	v3 =	vshll.u32 v6, $0x5  }
0x53d: {  	v3 =	vor.u32 v2, v3;
	v63 =	vld.idx.msk [tilespmem:v5+s19+$0x0], $0xffff  }
0x53e: {  	v7 =	vld.idx.msk [tilespmem:v4+s21+$0x0], $0xffff  }
0x53f: {  	v8 =	vor.u32 $0x1, v5  }
0x540: {  	v9 =	vor.u32 $0x1, v4;
	_ =	sdelay $0x1  }
0x541: {  	[tilespmem:v3+s24+$0x0] =	vst.idx.msk $0xffff, v63  }
0x542: {  	[tilespmem:v3+s25+$0x0] =	vst.idx.msk $0xffff, v7  }
0x543: {  	v10 =	vor.u32 $0x1, v3;
	v8 =	vld.idx.msk [tilespmem:v8+s19+$0x0], $0xffff  }
0x544: {  	v9 =	vld.idx.msk [tilespmem:v9+s21+$0x0], $0xffff  }
0x545: {  	v11 =	vor.u32 $0x2, v5  }
0x546: {  	v12 =	vor.u32 $0x2, v4;
	_ =	sdelay $0x1  }
0x547: {  	[tilespmem:v10+s24+$0x0] =	vst.idx.msk $0xffff, v8  }
0x548: {  	[tilespmem:v10+s25+$0x0] =	vst.idx.msk $0xffff, v9  }
0x549: {  	v13 =	vor.u32 $0x2, v3;
	v10 =	vld.idx.msk [tilespmem:v11+s19+$0x0], $0xffff  }
0x54a: {  	v11 =	vld.idx.msk [tilespmem:v12+s21+$0x0], $0xffff  }
0x54b: {  	v42 =	vor.u32 $0x3, v5  }
0x54c: {  	v14 =	vor.u32 $0x3, v4;
	_ =	sdelay $0x1  }
0x54d: {  	[tilespmem:v13+s24+$0x0] =	vst.idx.msk $0xffff, v10  }
0x54e: {  	[tilespmem:v13+s25+$0x0] =	vst.idx.msk $0xffff, v11  }
0x54f: {  	v15 =	vor.u32 $0x3, v3;
	v12 =	vld.idx.msk [tilespmem:v42+s19+$0x0], $0xffff  }
0x550: {  	v13 =	vld.idx.msk [tilespmem:v14+s21+$0x0], $0xffff  }
0x551: {  	v43 =	vor.u32 $0x4, v5  }
0x552: {  	v16 =	vor.u32 $0x4, v4;
	_ =	sdelay $0x1  }
0x553: {  	[tilespmem:v15+s24+$0x0] =	vst.idx.msk $0xffff, v12  }
0x554: {  	[tilespmem:v15+s25+$0x0] =	vst.idx.msk $0xffff, v13  }
0x555: {  	v17 =	vor.u32 $0x4, v3;
	v14 =	vld.idx.msk [tilespmem:v43+s19+$0x0], $0xffff  }
0x556: {  	v15 =	vld.idx.msk [tilespmem:v16+s21+$0x0], $0xffff  }
0x557: {  	v44 =	vor.u32 $0x5, v5  }
0x558: {  	v18 =	vor.u32 $0x5, v4;
	_ =	sdelay $0x1  }
0x559: {  	[tilespmem:v17+s24+$0x0] =	vst.idx.msk $0xffff, v14  }
0x55a: {  	[tilespmem:v17+s25+$0x0] =	vst.idx.msk $0xffff, v15  }
0x55b: {  	v19 =	vor.u32 $0x5, v3;
	v16 =	vld.idx.msk [tilespmem:v44+s19+$0x0], $0xffff  }
0x55c: {  	v17 =	vld.idx.msk [tilespmem:v18+s21+$0x0], $0xffff  }
0x55d: {  	v45 =	vor.u32 $0x6, v5  }
0x55e: {  	v20 =	vor.u32 $0x6, v4;
	_ =	sdelay $0x1  }
0x55f: {  	[tilespmem:v19+s24+$0x0] =	vst.idx.msk $0xffff, v16  }
0x560: {  	[tilespmem:v19+s25+$0x0] =	vst.idx.msk $0xffff, v17  }
0x561: {  	v21 =	vor.u32 $0x6, v3;
	v18 =	vld.idx.msk [tilespmem:v45+s19+$0x0], $0xffff  }
0x562: {  	v19 =	vld.idx.msk [tilespmem:v20+s21+$0x0], $0xffff  }
0x563: {  	v46 =	vor.u32 $0x7, v5  }
0x564: {  	v22 =	vor.u32 $0x7, v4;
	_ =	sdelay $0x1  }
0x565: {  	[tilespmem:v21+s24+$0x0] =	vst.idx.msk $0xffff, v18  }
0x566: {  	[tilespmem:v21+s25+$0x0] =	vst.idx.msk $0xffff, v19  }
0x567: {  	v23 =	vor.u32 $0x7, v3;
	v20 =	vld.idx.msk [tilespmem:v46+s19+$0x0], $0xffff  }
0x568: {  	v21 =	vld.idx.msk [tilespmem:v22+s21+$0x0], $0xffff  }
0x569: {  	v47 =	vor.u32 $0x8, v5  }
0x56a: {  	v24 =	vor.u32 $0x8, v4;
	_ =	sdelay $0x1  }
0x56b: {  	[tilespmem:v23+s24+$0x0] =	vst.idx.msk $0xffff, v20  }
0x56c: {  	[tilespmem:v23+s25+$0x0] =	vst.idx.msk $0xffff, v21  }
0x56d: {  	v25 =	vor.u32 $0x8, v3;
	v22 =	vld.idx.msk [tilespmem:v47+s19+$0x0], $0xffff  }
0x56e: {  	v23 =	vld.idx.msk [tilespmem:v24+s21+$0x0], $0xffff  }
0x56f: {  	v48 =	vor.u32 $0x9, v5  }
0x570: {  	v26 =	vor.u32 $0x9, v4;
	_ =	sdelay $0x1  }
0x571: {  	[tilespmem:v25+s24+$0x0] =	vst.idx.msk $0xffff, v22  }
0x572: {  	[tilespmem:v25+s25+$0x0] =	vst.idx.msk $0xffff, v23  }
0x573: {  	v27 =	vor.u32 $0x9, v3;
	v24 =	vld.idx.msk [tilespmem:v48+s19+$0x0], $0xffff  }
0x574: {  	v25 =	vld.idx.msk [tilespmem:v26+s21+$0x0], $0xffff  }
0x575: {  	v49 =	vor.u32 $0xA, v5  }
0x576: {  	v28 =	vor.u32 $0xA, v4;
	_ =	sdelay $0x1  }
0x577: {  	[tilespmem:v27+s24+$0x0] =	vst.idx.msk $0xffff, v24  }
0x578: {  	[tilespmem:v27+s25+$0x0] =	vst.idx.msk $0xffff, v25  }
0x579: {  	v50 =	vor.u32 $0xA, v3;
	v26 =	vld.idx.msk [tilespmem:v49+s19+$0x0], $0xffff  }
0x57a: {  	v28 =	vld.idx.msk [tilespmem:v28+s21+$0x0], $0xffff  }
0x57b: {  	v29 =	vor.u32 $0xB, v5  }
0x57c: {  	v30 =	vor.u32 $0xB, v4;
	_ =	sdelay $0x1  }
0x57d: {  	[tilespmem:v50+s24+$0x0] =	vst.idx.msk $0xffff, v26  }
0x57e: {  	[tilespmem:v50+s25+$0x0] =	vst.idx.msk $0xffff, v28  }
0x57f: {  	v51 =	vor.u32 $0xB, v3;
	v27 =	vld.idx.msk [tilespmem:v29+s19+$0x0], $0xffff  }
0x580: {  	v30 =	vld.idx.msk [tilespmem:v30+s21+$0x0], $0xffff  }
0x581: {  	v31 =	vor.u32 $0xC, v5  }
0x582: {  	v32 =	vor.u32 $0xC, v4;
	_ =	sdelay $0x1  }
0x583: {  	[tilespmem:v51+s24+$0x0] =	vst.idx.msk $0xffff, v27  }
0x584: {  	[tilespmem:v51+s25+$0x0] =	vst.idx.msk $0xffff, v30  }
0x585: {  	v52 =	vor.u32 $0xC, v3;
	v29 =	vld.idx.msk [tilespmem:v31+s19+$0x0], $0xffff  }
0x586: {  	v32 =	vld.idx.msk [tilespmem:v32+s21+$0x0], $0xffff  }
0x587: {  	v33 =	vor.u32 $0xD, v5  }
0x588: {  	v34 =	vor.u32 $0xD, v4;
	_ =	sdelay $0x1  }
0x589: {  	[tilespmem:v52+s24+$0x0] =	vst.idx.msk $0xffff, v29  }
0x58a: {  	[tilespmem:v52+s25+$0x0] =	vst.idx.msk $0xffff, v32  }
0x58b: {  	v53 =	vor.u32 $0xD, v3;
	v31 =	vld.idx.msk [tilespmem:v33+s19+$0x0], $0xffff  }
0x58c: {  	v34 =	vld.idx.msk [tilespmem:v34+s21+$0x0], $0xffff  }
0x58d: {  	v35 =	vor.u32 $0xE, v5  }
0x58e: {  	v36 =	vor.u32 $0xE, v4;
	_ =	sdelay $0x1  }
0x58f: {  	[tilespmem:v53+s24+$0x0] =	vst.idx.msk $0xffff, v31  }
0x590: {  	[tilespmem:v53+s25+$0x0] =	vst.idx.msk $0xffff, v34  }
0x591: {  	v54 =	vor.u32 $0xE, v3;
	v33 =	vld.idx.msk [tilespmem:v35+s19+$0x0], $0xffff  }
0x592: {  	v36 =	vld.idx.msk [tilespmem:v36+s21+$0x0], $0xffff  }
0x593: {  	v37 =	vor.u32 $0xF, v5  }
0x594: {  	v38 =	vor.u32 $0xF, v4;
	_ =	sdelay $0x1  }
0x595: {  	[tilespmem:v54+s24+$0x0] =	vst.idx.msk $0xffff, v33  }
0x596: {  	[tilespmem:v54+s25+$0x0] =	vst.idx.msk $0xffff, v36  }
0x597: {  	v55 =	vor.u32 $0xF, v3;
	v35 =	vld.idx.msk [tilespmem:v37+s19+$0x0], $0xffff  }
0x598: {  	v38 =	vld.idx.msk [tilespmem:v38+s21+$0x0], $0xffff  }
0x599: {  	v39 =	vor.u32 $0x10, v5  }
0x59a: {  	v40 =	vor.u32 $0x10, v4;
	_ =	sdelay $0x1  }
0x59b: {  	[tilespmem:v55+s24+$0x0] =	vst.idx.msk $0xffff, v35  }
0x59c: {  	[tilespmem:v55+s25+$0x0] =	vst.idx.msk $0xffff, v38  }
0x59d: {  	v56 =	vor.u32 $0x10, v3;
	v37 =	vld.idx.msk [tilespmem:v39+s19+$0x0], $0xffff  }
0x59e: {  	v40 =	vld.idx.msk [tilespmem:v40+s21+$0x0], $0xffff  }
0x59f: {  	v41 =	vor.u32 $0x11, v5  }
0x5a0: {  	v42 =	vor.u32 $0x11, v4;
	_ =	sdelay $0x1  }
0x5a1: {  	[tilespmem:v56+s24+$0x0] =	vst.idx.msk $0xffff, v37  }
0x5a2: {  	[tilespmem:v56+s25+$0x0] =	vst.idx.msk $0xffff, v40  }
0x5a3: {  	v57 =	vor.u32 $0x11, v3;
	v39 =	vld.idx.msk [tilespmem:v41+s19+$0x0], $0xffff  }
0x5a4: {  	v42 =	vld.idx.msk [tilespmem:v42+s21+$0x0], $0xffff  }
0x5a5: {  	v43 =	vor.u32 $0x12, v5  }
0x5a6: {  	v44 =	vor.u32 $0x12, v4;
	_ =	sdelay $0x1  }
0x5a7: {  	[tilespmem:v57+s24+$0x0] =	vst.idx.msk $0xffff, v39  }
0x5a8: {  	[tilespmem:v57+s25+$0x0] =	vst.idx.msk $0xffff, v42  }
0x5a9: {  	v58 =	vor.u32 $0x12, v3;
	v41 =	vld.idx.msk [tilespmem:v43+s19+$0x0], $0xffff  }
0x5aa: {  	v44 =	vld.idx.msk [tilespmem:v44+s21+$0x0], $0xffff  }
0x5ab: {  	v45 =	vor.u32 $0x13, v5  }
0x5ac: {  	v46 =	vor.u32 $0x13, v4;
	_ =	sdelay $0x1  }
0x5ad: {  	[tilespmem:v58+s24+$0x0] =	vst.idx.msk $0xffff, v41  }
0x5ae: {  	[tilespmem:v58+s25+$0x0] =	vst.idx.msk $0xffff, v44  }
0x5af: {  	v59 =	vor.u32 $0x13, v3;
	v43 =	vld.idx.msk [tilespmem:v45+s19+$0x0], $0xffff  }
0x5b0: {  	v46 =	vld.idx.msk [tilespmem:v46+s21+$0x0], $0xffff  }
0x5b1: {  	v47 =	vor.u32 $0x14, v5  }
0x5b2: {  	v48 =	vor.u32 $0x14, v4;
	_ =	sdelay $0x1  }
0x5b3: {  	[tilespmem:v59+s24+$0x0] =	vst.idx.msk $0xffff, v43  }
0x5b4: {  	[tilespmem:v59+s25+$0x0] =	vst.idx.msk $0xffff, v46  }
0x5b5: {  	v60 =	vor.u32 $0x14, v3;
	v45 =	vld.idx.msk [tilespmem:v47+s19+$0x0], $0xffff  }
0x5b6: {  	v48 =	vld.idx.msk [tilespmem:v48+s21+$0x0], $0xffff  }
0x5b7: {  	v49 =	vor.u32 $0x15, v5  }
0x5b8: {  	v50 =	vor.u32 $0x15, v4;
	_ =	sdelay $0x1  }
0x5b9: {  	[tilespmem:v60+s24+$0x0] =	vst.idx.msk $0xffff, v45  }
0x5ba: {  	[tilespmem:v60+s25+$0x0] =	vst.idx.msk $0xffff, v48  }
0x5bb: {  	v61 =	vor.u32 $0x15, v3;
	v47 =	vld.idx.msk [tilespmem:v49+s19+$0x0], $0xffff  }
0x5bc: {  	v50 =	vld.idx.msk [tilespmem:v50+s21+$0x0], $0xffff  }
0x5bd: {  	v51 =	vor.u32 $0x16, v5  }
0x5be: {  	v52 =	vor.u32 $0x16, v4;
	_ =	sdelay $0x1  }
0x5bf: {  	[tilespmem:v61+s24+$0x0] =	vst.idx.msk $0xffff, v47  }
0x5c0: {  	[tilespmem:v61+s25+$0x0] =	vst.idx.msk $0xffff, v50  }
0x5c1: {  	v62 =	vor.u32 $0x16, v3;
	v49 =	vld.idx.msk [tilespmem:v51+s19+$0x0], $0xffff  }
0x5c2: {  	v52 =	vld.idx.msk [tilespmem:v52+s21+$0x0], $0xffff  }
0x5c3: {  	v53 =	vor.u32 $0x17, v5  }
0x5c4: {  	v54 =	vor.u32 $0x17, v4;
	_ =	sdelay $0x1  }
0x5c5: {  	[tilespmem:v62+s24+$0x0] =	vst.idx.msk $0xffff, v49  }
0x5c6: {  	[tilespmem:v62+s25+$0x0] =	vst.idx.msk $0xffff, v52  }
0x5c7: {  	v6 =	vmul.f32 v7, v63;
	v63 =	vor.u32 $0x17, v3;
	v7 =	vld.idx.msk [tilespmem:v53+s19+$0x0], $0xffff  }
0x5c8: {  	v53 =	vld.idx.msk [tilespmem:v54+s21+$0x0], $0xffff  }
0x5c9: {  	v6 =	vadd.f32 $0.0e+00, v6;
	v8 =	vmul.f32 v9, v8;
	v57 =	vor.u32 $0x18, v5  }
0x5ca: {  	v58 =	vor.u32 $0x18, v4  }
0x5cb: {  	v6 =	vadd.f32 v8, v6;
	v10 =	vmul.f32 v11, v10  }
0x5cc: {  	[tilespmem:v63+s24+$0x0] =	vst.idx.msk $0xffff, v7  }
0x5cd: {  	v6 =	vadd.f32 v10, v6;
	v59 =	vmul.f32 v13, v12;
	[tilespmem:v63+s25+$0x0] =	vst.idx.msk $0xffff, v53  }
0x5ce: {  	v60 =	vor.u32 $0x18, v3;
	v9 =	vld.idx.msk [tilespmem:v57+s19+$0x0], $0xffff  }
0x5cf: {  	v6 =	vadd.f32 v59, v6;
	v61 =	vmul.f32 v15, v14;
	v62 =	vld.idx.msk [tilespmem:v58+s21+$0x0], $0xffff  }
0x5d0: {  	v63 =	vor.u32 $0x19, v5  }
0x5d1: {  	v16 =	vmul.f32 v17, v16;
	v17 =	vor.u32 $0x19, v4;
	v6 =	vadd.f32 v61, v6;
	_ =	sdelay $0x1  }
0x5d2: {  	v18 =	vmul.f32 v19, v18;
	v6 =	vadd.f32 v16, v6;
	[tilespmem:v60+s24+$0x0] =	vst.idx.msk $0xffff, v9  }
0x5d3: {  	[tilespmem:v60+s25+$0x0] =	vst.idx.msk $0xffff, v62  }
0x5d4: {  	v19 =	vmul.f32 v21, v20;
	v20 =	vor.u32 $0x19, v3;
	v6 =	vadd.f32 v18, v6;
	v8 =	vld.idx.msk [tilespmem:v63+s19+$0x0], $0xffff  }
0x5d5: {  	v11 =	vld.idx.msk [tilespmem:v17+s21+$0x0], $0xffff  }
0x5d6: {  	v21 =	vmul.f32 v23, v22;
	v22 =	vor.u32 $0x1A, v5;
	v6 =	vadd.f32 v19, v6  }
0x5d7: {  	v23 =	vor.u32 $0x1A, v4  }
0x5d8: {  	v24 =	vmul.f32 v25, v24;
	v6 =	vadd.f32 v21, v6  }
0x5d9: {  	[tilespmem:v20+s24+$0x0] =	vst.idx.msk $0xffff, v8  }
0x5da: {  	v25 =	vmul.f32 v28, v26;
	v6 =	vadd.f32 v24, v6;
	[tilespmem:v20+s25+$0x0] =	vst.idx.msk $0xffff, v11  }
0x5db: {  	v26 =	vor.u32 $0x1A, v3;
	v13 =	vld.idx.msk [tilespmem:v22+s19+$0x0], $0xffff  }
0x5dc: {  	v27 =	vmul.f32 v30, v27;
	v6 =	vadd.f32 v25, v6;
	v10 =	vld.idx.msk [tilespmem:v23+s21+$0x0], $0xffff  }
0x5dd: {  	v28 =	vor.u32 $0x1B, v5  }
0x5de: {  	v30 =	vor.u32 $0x1B, v4;
	v29 =	vmul.f32 v32, v29;
	v6 =	vadd.f32 v27, v6;
	_ =	sdelay $0x1  }
0x5df: {  	v31 =	vmul.f32 v34, v31;
	v6 =	vadd.f32 v29, v6;
	[tilespmem:v26+s24+$0x0] =	vst.idx.msk $0xffff, v13  }
0x5e0: {  	[tilespmem:v26+s25+$0x0] =	vst.idx.msk $0xffff, v10  }
0x5e1: {  	v32 =	vmul.f32 v36, v33;
	v33 =	vor.u32 $0x1B, v3;
	v6 =	vadd.f32 v31, v6;
	v14 =	vld.idx.msk [tilespmem:v28+s19+$0x0], $0xffff  }
0x5e2: {  	v16 =	vld.idx.msk [tilespmem:v30+s21+$0x0], $0xffff  }
0x5e3: {  	v34 =	vmul.f32 v38, v35;
	v35 =	vor.u32 $0x1C, v5;
	v6 =	vadd.f32 v32, v6  }
0x5e4: {  	v36 =	vor.u32 $0x1C, v4  }
0x5e5: {  	v38 =	vmul.f32 v40, v37;
	v6 =	vadd.f32 v34, v6  }
0x5e6: {  	[tilespmem:v33+s24+$0x0] =	vst.idx.msk $0xffff, v14  }
0x5e7: {  	v39 =	vmul.f32 v42, v39;
	v6 =	vadd.f32 v38, v6;
	[tilespmem:v33+s25+$0x0] =	vst.idx.msk $0xffff, v16  }
0x5e8: {  	v40 =	vor.u32 $0x1C, v3;
	v17 =	vld.idx.msk [tilespmem:v35+s19+$0x0], $0xffff  }
0x5e9: {  	v41 =	vmul.f32 v44, v41;
	v6 =	vadd.f32 v39, v6;
	v15 =	vld.idx.msk [tilespmem:v36+s21+$0x0], $0xffff  }
0x5ea: {  	v42 =	vor.u32 $0x1D, v5  }
0x5eb: {  	v44 =	vor.u32 $0x1D, v4;
	v43 =	vmul.f32 v46, v43;
	v6 =	vadd.f32 v41, v6;
	_ =	sdelay $0x1  }
0x5ec: {  	v46 =	vmul.f32 v48, v45;
	v6 =	vadd.f32 v43, v6;
	[tilespmem:v40+s24+$0x0] =	vst.idx.msk $0xffff, v17  }
0x5ed: {  	[tilespmem:v40+s25+$0x0] =	vst.idx.msk $0xffff, v15  }
0x5ee: {  	v48 =	vmul.f32 v50, v47;
	v50 =	vor.u32 $0x1D, v3;
	v6 =	vadd.f32 v46, v6;
	v18 =	vld.idx.msk [tilespmem:v42+s19+$0x0], $0xffff  }
0x5ef: {  	v51 =	vld.idx.msk [tilespmem:v44+s21+$0x0], $0xffff  }
0x5f0: {  	v52 =	vmul.f32 v52, v49;
	v54 =	vor.u32 $0x1E, v5;
	v6 =	vadd.f32 v48, v6  }
0x5f1: {  	v55 =	vor.u32 $0x1E, v4  }
0x5f2: {  	v7 =	vmul.f32 v53, v7;
	v6 =	vadd.f32 v52, v6  }
0x5f3: {  	[tilespmem:v50+s24+$0x0] =	vst.idx.msk $0xffff, v18  }
0x5f4: {  	v9 =	vmul.f32 v62, v9;
	v6 =	vadd.f32 v7, v6;
	[tilespmem:v50+s25+$0x0] =	vst.idx.msk $0xffff, v51  }
0x5f5: {  	v57 =	vor.u32 $0x1E, v3;
	v56 =	vld.idx.msk [tilespmem:v54+s19+$0x0], $0xffff  }
0x5f6: {  	v8 =	vmul.f32 v11, v8;
	v6 =	vadd.f32 v9, v6;
	v58 =	vld.idx.msk [tilespmem:v55+s21+$0x0], $0xffff  }
0x5f7: {  	v5 =	vor.u32 $0x1F, v5  }
0x5f8: {  	v4 =	vor.u32 $0x1F, v4;
	v59 =	vmul.f32 v10, v13;
	v6 =	vadd.f32 v8, v6;
	_ =	sdelay $0x1  }
0x5f9: {  	v60 =	vmul.f32 v16, v14;
	v6 =	vadd.f32 v59, v6;
	[tilespmem:v57+s24+$0x0] =	vst.idx.msk $0xffff, v56  }
0x5fa: {  	[tilespmem:v57+s25+$0x0] =	vst.idx.msk $0xffff, v58  }
0x5fb: {  	v61 =	vmul.f32 v15, v17;
	v6 =	vadd.f32 v60, v6;
	v5 =	vld.idx.msk [tilespmem:v5+s19+$0x0], $0xffff  }
0x5fc: {  	v4 =	vld.idx.msk [tilespmem:v4+s21+$0x0], $0xffff  }
0x5fd: {  	v3 =	vor.u32 $0x1F, v3;
	v6 =	vadd.f32 v61, v6;
	v62 =	vmul.f32 v51, v18;
	_ =	sdelay $0x1  }
0x5fe: {  	v6 =	vadd.f32 v62, v6;
	v7 =	vmul.f32 v58, v56;
	_ =	sdelay $0x1  }
0x5ff: {  	v6 =	vadd.f32 v7, v6;
	v63 =	vmul.f32 v4, v5  }
0x600: {  	[tilespmem:v3+s24+$0x0] =	vst.idx.msk $0xffff, v5  }
0x601: {  	s20 =	simm.s32 $0x10;
	s18 =	simm.s32 $0x18980;
	s26 =	simm.s32 $0x18980;
	[tilespmem:v3+s25+$0x0] =	vst.idx.msk $0xffff, v4;
	v3 =	vadd.f32 v63, v6  }
.LBB2_10:
0x602: {  	s14 =	sadd.s32 $0x10, s14  }
0x603: {  	s16 =	sadd.s32 $0x10, s16;
	s18 =	sadd.s32 $0x10, s18;
	s28 =	smov.u32 s20  }
0x604: {  	p0 =	sne.s32 s20, $0x70;
	s20 =	sadd.s32 $0x10, s20;
	[tilespmem:s26+$0x0] =	vst v3;
	s26 =	smov.u32 s18  }
0x605: {  	v3 =	vld [tilespmem:s14+$0x0]  }
0x606: {  	v4 =	vld [tilespmem:s16+$0x0];
	_ =	sdelay $0x2  }
0x607: {  	v6 =	vmov s28  }
0x608: {  	v5 =	vshll.u32 v6, $0x7;
	v3 =	vshrl.u32 v3, $0x6  }
0x609: {  	v5 =	vor.u32 v1, v5;
	v3 =	vand.u32 $0x60, v3;
	v4 =	vshrl.u32 v4, $0x6  }
0x60a: {  	v7 =	vand.u32 $0x60, v4;
	v4 =	vor.u32 v5, v3  }
0x60b: {  	v5 =	vor.u32 v5, v7;
	_ =	sdelay $0x3  }
0x60c: {  	v3 =	vshll.u32 v6, $0x5;
	v6 =	vld.idx.msk [tilespmem:v4+s19+$0x0], $0xffff  }
0x60d: {  	v3 =	vor.u32 v2, v3;
	v7 =	vld.idx.msk [tilespmem:v5+s21+$0x0], $0xffff;
	_ =	sdelay $0x1  }
0x60e: {  	v8 =	vor.u32 $0x1, v4  }
0x60f: {  	v9 =	vor.u32 $0x1, v5;
	_ =	sdelay $0x1  }
0x610: {  	[tilespmem:v3+s24+$0x0] =	vst.idx.msk $0xffff, v6  }
0x611: {  	v6 =	vmul.f32 v7, v6;
	[tilespmem:v3+s25+$0x0] =	vst.idx.msk $0xffff, v7  }
0x612: {  	v7 =	vld.idx.msk [tilespmem:v8+s19+$0x0], $0xffff  }
0x613: {  	v8 =	vld.idx.msk [tilespmem:v9+s21+$0x0], $0xffff;
	v9 =	vor.u32 $0x1, v3;
	_ =	sdelay $0x1  }
0x614: {  	v10 =	vor.u32 $0x2, v4  }
0x615: {  	v11 =	vor.u32 $0x2, v5;
	_ =	sdelay $0x1  }
0x616: {  	[tilespmem:v9+s24+$0x0] =	vst.idx.msk $0xffff, v7  }
0x617: {  	v7 =	vmul.f32 v8, v7;
	[tilespmem:v9+s25+$0x0] =	vst.idx.msk $0xffff, v8  }
0x618: {  	v8 =	vld.idx.msk [tilespmem:v10+s19+$0x0], $0xffff  }
0x619: {  	v10 =	vor.u32 $0x2, v3;
	v9 =	vld.idx.msk [tilespmem:v11+s21+$0x0], $0xffff;
	_ =	sdelay $0x1  }
0x61a: {  	v11 =	vor.u32 $0x3, v4  }
0x61b: {  	v12 =	vor.u32 $0x3, v5;
	_ =	sdelay $0x1  }
0x61c: {  	[tilespmem:v10+s24+$0x0] =	vst.idx.msk $0xffff, v8  }
0x61d: {  	v8 =	vmul.f32 v9, v8;
	[tilespmem:v10+s25+$0x0] =	vst.idx.msk $0xffff, v9  }
0x61e: {  	v9 =	vld.idx.msk [tilespmem:v11+s19+$0x0], $0xffff  }
0x61f: {  	v11 =	vor.u32 $0x3, v3;
	v10 =	vld.idx.msk [tilespmem:v12+s21+$0x0], $0xffff;
	_ =	sdelay $0x1  }
0x620: {  	v12 =	vor.u32 $0x4, v4  }
0x621: {  	v13 =	vor.u32 $0x4, v5;
	_ =	sdelay $0x1  }
0x622: {  	[tilespmem:v11+s24+$0x0] =	vst.idx.msk $0xffff, v9  }
0x623: {  	v9 =	vmul.f32 v10, v9;
	[tilespmem:v11+s25+$0x0] =	vst.idx.msk $0xffff, v10  }
0x624: {  	v10 =	vld.idx.msk [tilespmem:v12+s19+$0x0], $0xffff  }
0x625: {  	v12 =	vor.u32 $0x4, v3;
	v11 =	vld.idx.msk [tilespmem:v13+s21+$0x0], $0xffff;
	_ =	sdelay $0x1  }
0x626: {  	v13 =	vor.u32 $0x5, v4  }
0x627: {  	v14 =	vor.u32 $0x5, v5;
	_ =	sdelay $0x1  }
0x628: {  	[tilespmem:v12+s24+$0x0] =	vst.idx.msk $0xffff, v10  }
0x629: {  	v10 =	vmul.f32 v11, v10;
	[tilespmem:v12+s25+$0x0] =	vst.idx.msk $0xffff, v11  }
0x62a: {  	v11 =	vld.idx.msk [tilespmem:v13+s19+$0x0], $0xffff  }
0x62b: {  	v13 =	vor.u32 $0x5, v3;
	v12 =	vld.idx.msk [tilespmem:v14+s21+$0x0], $0xffff;
	_ =	sdelay $0x1  }
0x62c: {  	v14 =	vor.u32 $0x6, v4  }
0x62d: {  	v15 =	vor.u32 $0x6, v5;
	_ =	sdelay $0x1  }
0x62e: {  	[tilespmem:v13+s24+$0x0] =	vst.idx.msk $0xffff, v11  }
0x62f: {  	v11 =	vmul.f32 v12, v11;
	[tilespmem:v13+s25+$0x0] =	vst.idx.msk $0xffff, v12  }
0x630: {  	v12 =	vld.idx.msk [tilespmem:v14+s19+$0x0], $0xffff  }
0x631: {  	v14 =	vor.u32 $0x6, v3;
	v13 =	vld.idx.msk [tilespmem:v15+s21+$0x0], $0xffff;
	_ =	sdelay $0x1  }
0x632: {  	v15 =	vor.u32 $0x7, v4  }
0x633: {  	v16 =	vor.u32 $0x7, v5;
	_ =	sdelay $0x1  }
0x634: {  	[tilespmem:v14+s24+$0x0] =	vst.idx.msk $0xffff, v12  }
0x635: {  	v12 =	vmul.f32 v13, v12;
	[tilespmem:v14+s25+$0x0] =	vst.idx.msk $0xffff, v13  }
0x636: {  	v13 =	vld.idx.msk [tilespmem:v15+s19+$0x0], $0xffff  }
0x637: {  	v15 =	vor.u32 $0x7, v3;
	v14 =	vld.idx.msk [tilespmem:v16+s21+$0x0], $0xffff;
	_ =	sdelay $0x1  }
0x638: {  	v16 =	vor.u32 $0x8, v4  }
0x639: {  	v17 =	vor.u32 $0x8, v5;
	_ =	sdelay $0x1  }
0x63a: {  	[tilespmem:v15+s24+$0x0] =	vst.idx.msk $0xffff, v13  }
0x63b: {  	v13 =	vmul.f32 v14, v13;
	[tilespmem:v15+s25+$0x0] =	vst.idx.msk $0xffff, v14  }
0x63c: {  	v14 =	vld.idx.msk [tilespmem:v16+s19+$0x0], $0xffff  }
0x63d: {  	v16 =	vor.u32 $0x8, v3;
	v15 =	vld.idx.msk [tilespmem:v17+s21+$0x0], $0xffff;
	_ =	sdelay $0x1  }
0x63e: {  	v17 =	vor.u32 $0x9, v4  }
0x63f: {  	v18 =	vor.u32 $0x9, v5;
	_ =	sdelay $0x1  }
0x640: {  	[tilespmem:v16+s24+$0x0] =	vst.idx.msk $0xffff, v14  }
0x641: {  	v14 =	vmul.f32 v15, v14;
	[tilespmem:v16+s25+$0x0] =	vst.idx.msk $0xffff, v15  }
0x642: {  	v15 =	vld.idx.msk [tilespmem:v17+s19+$0x0], $0xffff  }
0x643: {  	v17 =	vor.u32 $0x9, v3;
	v16 =	vld.idx.msk [tilespmem:v18+s21+$0x0], $0xffff;
	_ =	sdelay $0x1  }
0x644: {  	v18 =	vor.u32 $0xA, v4  }
0x645: {  	v19 =	vor.u32 $0xA, v5;
	_ =	sdelay $0x1  }
0x646: {  	[tilespmem:v17+s24+$0x0] =	vst.idx.msk $0xffff, v15  }
0x647: {  	v15 =	vmul.f32 v16, v15;
	[tilespmem:v17+s25+$0x0] =	vst.idx.msk $0xffff, v16  }
0x648: {  	v16 =	vld.idx.msk [tilespmem:v18+s19+$0x0], $0xffff  }
0x649: {  	v18 =	vor.u32 $0xA, v3;
	v17 =	vld.idx.msk [tilespmem:v19+s21+$0x0], $0xffff;
	_ =	sdelay $0x1  }
0x64a: {  	v19 =	vor.u32 $0xB, v4  }
0x64b: {  	v20 =	vor.u32 $0xB, v5;
	_ =	sdelay $0x1  }
0x64c: {  	[tilespmem:v18+s24+$0x0] =	vst.idx.msk $0xffff, v16  }
0x64d: {  	v16 =	vmul.f32 v17, v16;
	[tilespmem:v18+s25+$0x0] =	vst.idx.msk $0xffff, v17  }
0x64e: {  	v17 =	vld.idx.msk [tilespmem:v19+s19+$0x0], $0xffff  }
0x64f: {  	v19 =	vor.u32 $0xB, v3;
	v18 =	vld.idx.msk [tilespmem:v20+s21+$0x0], $0xffff;
	_ =	sdelay $0x1  }
0x650: {  	v20 =	vor.u32 $0xC, v4  }
0x651: {  	v21 =	vor.u32 $0xC, v5;
	_ =	sdelay $0x1  }
0x652: {  	[tilespmem:v19+s24+$0x0] =	vst.idx.msk $0xffff, v17  }
0x653: {  	v17 =	vmul.f32 v18, v17;
	[tilespmem:v19+s25+$0x0] =	vst.idx.msk $0xffff, v18  }
0x654: {  	v18 =	vld.idx.msk [tilespmem:v20+s19+$0x0], $0xffff  }
0x655: {  	v20 =	vor.u32 $0xC, v3;
	v19 =	vld.idx.msk [tilespmem:v21+s21+$0x0], $0xffff;
	_ =	sdelay $0x1  }
0x656: {  	v21 =	vor.u32 $0xD, v4  }
0x657: {  	v22 =	vor.u32 $0xD, v5;
	_ =	sdelay $0x1  }
0x658: {  	[tilespmem:v20+s24+$0x0] =	vst.idx.msk $0xffff, v18  }
0x659: {  	v18 =	vmul.f32 v19, v18;
	[tilespmem:v20+s25+$0x0] =	vst.idx.msk $0xffff, v19  }
0x65a: {  	v19 =	vld.idx.msk [tilespmem:v21+s19+$0x0], $0xffff  }
0x65b: {  	v21 =	vor.u32 $0xD, v3;
	v20 =	vld.idx.msk [tilespmem:v22+s21+$0x0], $0xffff;
	_ =	sdelay $0x1  }
0x65c: {  	v22 =	vor.u32 $0xE, v4  }
0x65d: {  	v23 =	vor.u32 $0xE, v5;
	_ =	sdelay $0x1  }
0x65e: {  	[tilespmem:v21+s24+$0x0] =	vst.idx.msk $0xffff, v19  }
0x65f: {  	v19 =	vmul.f32 v20, v19;
	[tilespmem:v21+s25+$0x0] =	vst.idx.msk $0xffff, v20  }
0x660: {  	v20 =	vld.idx.msk [tilespmem:v22+s19+$0x0], $0xffff  }
0x661: {  	v22 =	vor.u32 $0xE, v3;
	v21 =	vld.idx.msk [tilespmem:v23+s21+$0x0], $0xffff;
	_ =	sdelay $0x1  }
0x662: {  	v23 =	vor.u32 $0xF, v4  }
0x663: {  	v24 =	vor.u32 $0xF, v5;
	_ =	sdelay $0x1  }
0x664: {  	[tilespmem:v22+s24+$0x0] =	vst.idx.msk $0xffff, v20  }
0x665: {  	v20 =	vmul.f32 v21, v20;
	[tilespmem:v22+s25+$0x0] =	vst.idx.msk $0xffff, v21  }
0x666: {  	v21 =	vld.idx.msk [tilespmem:v23+s19+$0x0], $0xffff  }
0x667: {  	v23 =	vor.u32 $0xF, v3;
	v22 =	vld.idx.msk [tilespmem:v24+s21+$0x0], $0xffff;
	_ =	sdelay $0x1  }
0x668: {  	v24 =	vor.u32 $0x10, v4  }
0x669: {  	v25 =	vor.u32 $0x10, v5;
	_ =	sdelay $0x1  }
0x66a: {  	[tilespmem:v23+s24+$0x0] =	vst.idx.msk $0xffff, v21  }
0x66b: {  	v21 =	vmul.f32 v22, v21;
	[tilespmem:v23+s25+$0x0] =	vst.idx.msk $0xffff, v22  }
0x66c: {  	v22 =	vld.idx.msk [tilespmem:v24+s19+$0x0], $0xffff  }
0x66d: {  	v24 =	vor.u32 $0x10, v3;
	v23 =	vld.idx.msk [tilespmem:v25+s21+$0x0], $0xffff;
	_ =	sdelay $0x1  }
0x66e: {  	v25 =	vor.u32 $0x11, v4  }
0x66f: {  	v26 =	vor.u32 $0x11, v5;
	_ =	sdelay $0x1  }
0x670: {  	[tilespmem:v24+s24+$0x0] =	vst.idx.msk $0xffff, v22  }
0x671: {  	v22 =	vmul.f32 v23, v22;
	[tilespmem:v24+s25+$0x0] =	vst.idx.msk $0xffff, v23  }
0x672: {  	v23 =	vld.idx.msk [tilespmem:v25+s19+$0x0], $0xffff  }
0x673: {  	v25 =	vor.u32 $0x11, v3;
	v24 =	vld.idx.msk [tilespmem:v26+s21+$0x0], $0xffff;
	_ =	sdelay $0x1  }
0x674: {  	v26 =	vor.u32 $0x12, v4  }
0x675: {  	v27 =	vor.u32 $0x12, v5;
	_ =	sdelay $0x1  }
0x676: {  	[tilespmem:v25+s24+$0x0] =	vst.idx.msk $0xffff, v23  }
0x677: {  	v23 =	vmul.f32 v24, v23;
	[tilespmem:v25+s25+$0x0] =	vst.idx.msk $0xffff, v24  }
0x678: {  	v24 =	vld.idx.msk [tilespmem:v26+s19+$0x0], $0xffff  }
0x679: {  	v26 =	vor.u32 $0x12, v3;
	v25 =	vld.idx.msk [tilespmem:v27+s21+$0x0], $0xffff;
	_ =	sdelay $0x1  }
0x67a: {  	v27 =	vor.u32 $0x13, v4  }
0x67b: {  	v28 =	vor.u32 $0x13, v5;
	_ =	sdelay $0x1  }
0x67c: {  	[tilespmem:v26+s24+$0x0] =	vst.idx.msk $0xffff, v24  }
0x67d: {  	v24 =	vmul.f32 v25, v24;
	[tilespmem:v26+s25+$0x0] =	vst.idx.msk $0xffff, v25  }
0x67e: {  	v25 =	vld.idx.msk [tilespmem:v27+s19+$0x0], $0xffff  }
0x67f: {  	v27 =	vor.u32 $0x13, v3;
	v26 =	vld.idx.msk [tilespmem:v28+s21+$0x0], $0xffff;
	_ =	sdelay $0x1  }
0x680: {  	v28 =	vor.u32 $0x14, v4  }
0x681: {  	v29 =	vor.u32 $0x14, v5;
	_ =	sdelay $0x1  }
0x682: {  	[tilespmem:v27+s24+$0x0] =	vst.idx.msk $0xffff, v25  }
0x683: {  	v25 =	vmul.f32 v26, v25;
	[tilespmem:v27+s25+$0x0] =	vst.idx.msk $0xffff, v26  }
0x684: {  	v26 =	vld.idx.msk [tilespmem:v28+s19+$0x0], $0xffff  }
0x685: {  	v28 =	vor.u32 $0x14, v3;
	v27 =	vld.idx.msk [tilespmem:v29+s21+$0x0], $0xffff;
	_ =	sdelay $0x1  }
0x686: {  	v29 =	vor.u32 $0x15, v4  }
0x687: {  	v30 =	vor.u32 $0x15, v5;
	_ =	sdelay $0x1  }
0x688: {  	[tilespmem:v28+s24+$0x0] =	vst.idx.msk $0xffff, v26  }
0x689: {  	v26 =	vmul.f32 v27, v26;
	[tilespmem:v28+s25+$0x0] =	vst.idx.msk $0xffff, v27  }
0x68a: {  	v27 =	vld.idx.msk [tilespmem:v29+s19+$0x0], $0xffff  }
0x68b: {  	v29 =	vor.u32 $0x15, v3;
	v28 =	vld.idx.msk [tilespmem:v30+s21+$0x0], $0xffff;
	_ =	sdelay $0x1  }
0x68c: {  	v30 =	vor.u32 $0x16, v4  }
0x68d: {  	v31 =	vor.u32 $0x16, v5;
	_ =	sdelay $0x1  }
0x68e: {  	[tilespmem:v29+s24+$0x0] =	vst.idx.msk $0xffff, v27  }
0x68f: {  	v27 =	vmul.f32 v28, v27;
	[tilespmem:v29+s25+$0x0] =	vst.idx.msk $0xffff, v28  }
0x690: {  	v28 =	vld.idx.msk [tilespmem:v30+s19+$0x0], $0xffff  }
0x691: {  	v30 =	vor.u32 $0x16, v3;
	v29 =	vld.idx.msk [tilespmem:v31+s21+$0x0], $0xffff;
	_ =	sdelay $0x1  }
0x692: {  	v31 =	vor.u32 $0x17, v4  }
0x693: {  	v32 =	vor.u32 $0x17, v5;
	_ =	sdelay $0x1  }
0x694: {  	[tilespmem:v30+s24+$0x0] =	vst.idx.msk $0xffff, v28  }
0x695: {  	v28 =	vmul.f32 v29, v28;
	[tilespmem:v30+s25+$0x0] =	vst.idx.msk $0xffff, v29  }
0x696: {  	v29 =	vld.idx.msk [tilespmem:v31+s19+$0x0], $0xffff  }
0x697: {  	v31 =	vor.u32 $0x17, v3;
	v30 =	vld.idx.msk [tilespmem:v32+s21+$0x0], $0xffff;
	_ =	sdelay $0x1  }
0x698: {  	v32 =	vor.u32 $0x18, v4  }
0x699: {  	v33 =	vor.u32 $0x18, v5;
	_ =	sdelay $0x1  }
0x69a: {  	[tilespmem:v31+s24+$0x0] =	vst.idx.msk $0xffff, v29  }
0x69b: {  	v29 =	vmul.f32 v30, v29;
	[tilespmem:v31+s25+$0x0] =	vst.idx.msk $0xffff, v30  }
0x69c: {  	v30 =	vld.idx.msk [tilespmem:v32+s19+$0x0], $0xffff  }
0x69d: {  	v32 =	vor.u32 $0x18, v3;
	v31 =	vld.idx.msk [tilespmem:v33+s21+$0x0], $0xffff  }
0x69e: {  	v6 =	vadd.f32 $0.0e+00, v6  }
0x69f: {  	v33 =	vor.u32 $0x19, v4  }
0x6a0: {  	v6 =	vadd.f32 v7, v6;
	v7 =	vor.u32 $0x19, v5;
	_ =	sdelay $0x1  }
0x6a1: {  	v6 =	vadd.f32 v8, v6;
	[tilespmem:v32+s24+$0x0] =	vst.idx.msk $0xffff, v30  }
0x6a2: {  	v8 =	vmul.f32 v31, v30;
	[tilespmem:v32+s25+$0x0] =	vst.idx.msk $0xffff, v31  }
0x6a3: {  	v6 =	vadd.f32 v9, v6;
	v9 =	vld.idx.msk [tilespmem:v33+s19+$0x0], $0xffff  }
0x6a4: {  	v30 =	vor.u32 $0x19, v3;
	v7 =	vld.idx.msk [tilespmem:v7+s21+$0x0], $0xffff  }
0x6a5: {  	v6 =	vadd.f32 v10, v6  }
0x6a6: {  	v10 =	vor.u32 $0x1A, v4  }
0x6a7: {  	v6 =	vadd.f32 v11, v6;
	v11 =	vor.u32 $0x1A, v5;
	_ =	sdelay $0x1  }
0x6a8: {  	v6 =	vadd.f32 v12, v6;
	[tilespmem:v30+s24+$0x0] =	vst.idx.msk $0xffff, v9  }
0x6a9: {  	v9 =	vmul.f32 v7, v9;
	[tilespmem:v30+s25+$0x0] =	vst.idx.msk $0xffff, v7  }
0x6aa: {  	v6 =	vadd.f32 v13, v6;
	v7 =	vld.idx.msk [tilespmem:v10+s19+$0x0], $0xffff  }
0x6ab: {  	v10 =	vld.idx.msk [tilespmem:v11+s21+$0x0], $0xffff;
	v11 =	vor.u32 $0x1A, v3  }
0x6ac: {  	v6 =	vadd.f32 v14, v6  }
0x6ad: {  	v12 =	vor.u32 $0x1B, v4  }
0x6ae: {  	v13 =	vor.u32 $0x1B, v5;
	v6 =	vadd.f32 v15, v6;
	_ =	sdelay $0x1  }
0x6af: {  	v6 =	vadd.f32 v16, v6;
	[tilespmem:v11+s24+$0x0] =	vst.idx.msk $0xffff, v7  }
0x6b0: {  	v7 =	vmul.f32 v10, v7;
	[tilespmem:v11+s25+$0x0] =	vst.idx.msk $0xffff, v10  }
0x6b1: {  	v6 =	vadd.f32 v17, v6;
	v10 =	vld.idx.msk [tilespmem:v12+s19+$0x0], $0xffff  }
0x6b2: {  	v12 =	vor.u32 $0x1B, v3;
	v11 =	vld.idx.msk [tilespmem:v13+s21+$0x0], $0xffff  }
0x6b3: {  	v6 =	vadd.f32 v18, v6  }
0x6b4: {  	v13 =	vor.u32 $0x1C, v4  }
0x6b5: {  	v14 =	vor.u32 $0x1C, v5;
	v6 =	vadd.f32 v19, v6;
	_ =	sdelay $0x1  }
0x6b6: {  	v6 =	vadd.f32 v20, v6;
	[tilespmem:v12+s24+$0x0] =	vst.idx.msk $0xffff, v10  }
0x6b7: {  	v10 =	vmul.f32 v11, v10;
	[tilespmem:v12+s25+$0x0] =	vst.idx.msk $0xffff, v11  }
0x6b8: {  	v6 =	vadd.f32 v21, v6;
	v11 =	vld.idx.msk [tilespmem:v13+s19+$0x0], $0xffff  }
0x6b9: {  	v13 =	vor.u32 $0x1C, v3;
	v12 =	vld.idx.msk [tilespmem:v14+s21+$0x0], $0xffff  }
0x6ba: {  	v6 =	vadd.f32 v22, v6  }
0x6bb: {  	v14 =	vor.u32 $0x1D, v4  }
0x6bc: {  	v15 =	vor.u32 $0x1D, v5;
	v6 =	vadd.f32 v23, v6;
	_ =	sdelay $0x1  }
0x6bd: {  	v6 =	vadd.f32 v24, v6;
	[tilespmem:v13+s24+$0x0] =	vst.idx.msk $0xffff, v11  }
0x6be: {  	v11 =	vmul.f32 v12, v11;
	[tilespmem:v13+s25+$0x0] =	vst.idx.msk $0xffff, v12  }
0x6bf: {  	v6 =	vadd.f32 v25, v6;
	v12 =	vld.idx.msk [tilespmem:v14+s19+$0x0], $0xffff  }
0x6c0: {  	v14 =	vor.u32 $0x1D, v3;
	v13 =	vld.idx.msk [tilespmem:v15+s21+$0x0], $0xffff  }
0x6c1: {  	v6 =	vadd.f32 v26, v6  }
0x6c2: {  	v15 =	vor.u32 $0x1E, v4  }
0x6c3: {  	v16 =	vor.u32 $0x1E, v5;
	v6 =	vadd.f32 v27, v6;
	_ =	sdelay $0x1  }
0x6c4: {  	v6 =	vadd.f32 v28, v6;
	[tilespmem:v14+s24+$0x0] =	vst.idx.msk $0xffff, v12  }
0x6c5: {  	v12 =	vmul.f32 v13, v12;
	[tilespmem:v14+s25+$0x0] =	vst.idx.msk $0xffff, v13  }
0x6c6: {  	v6 =	vadd.f32 v29, v6;
	v13 =	vld.idx.msk [tilespmem:v15+s19+$0x0], $0xffff  }
0x6c7: {  	v15 =	vor.u32 $0x1E, v3;
	v14 =	vld.idx.msk [tilespmem:v16+s21+$0x0], $0xffff  }
0x6c8: {  	v6 =	vadd.f32 v8, v6  }
0x6c9: {  	v5 =	vor.u32 $0x1F, v5;
	v4 =	vor.u32 $0x1F, v4  }
0x6ca: {  	v6 =	vadd.f32 v9, v6;
	_ =	sdelay $0x1  }
0x6cb: {  	v6 =	vadd.f32 v7, v6;
	[tilespmem:v15+s24+$0x0] =	vst.idx.msk $0xffff, v13  }
0x6cc: {  	v7 =	vmul.f32 v14, v13;
	[tilespmem:v15+s25+$0x0] =	vst.idx.msk $0xffff, v14  }
0x6cd: {  	v6 =	vadd.f32 v10, v6;
	v4 =	vld.idx.msk [tilespmem:v4+s19+$0x0], $0xffff  }
0x6ce: {  	v3 =	vor.u32 $0x1F, v3;
	v5 =	vld.idx.msk [tilespmem:v5+s21+$0x0], $0xffff  }
0x6cf: {  	v6 =	vadd.f32 v11, v6;
	_ =	sdelay $0x1  }
0x6d0: {  	v6 =	vadd.f32 v12, v6  }
.Ltmp4:
0x6d1: {  	(pc) =	sbr.rel @p0 .LBB2_10-.Ltmp4, $3  }
0x6d2: {  	v6 =	vadd.f32 v7, v6;
	[tilespmem:v3+s24+$0x0] =	vst.idx.msk $0xffff, v4  }
0x6d3: {  	v4 =	vmul.f32 v5, v4;
	[tilespmem:v3+s25+$0x0] =	vst.idx.msk $0xffff, v5;
	_ =	sdelay $0x1  }
0x6d4: {  	v3 =	vadd.f32 v4, v6  }
0x6d5: {  	_ = 	snop  }
0x6d6: {  	[tilespmem:s26+$0x0] =	vst v3  }
0x6d7: {  	[hbm4b:s7+s2] =	stream.linear.scatter [tilespmem:s1], [sflag:$0x5], $0x200, $0x38;
	[tilespmem:$0x18A00] =	vst v63  }
0x6d8: {  	_ =	swait.ge [sflag:s11], $0x200  }
0x6d9: {  	[sflag:s11] =	ssyncset.done $0x0  }
0x6da: {  	[sflag:s11] =	ssyncadd.s32 $0xFFFFFE00  }
0x6db: {  	[hbm4b:s8+s2] =	stream.linear.scatter [tilespmem:s24], [sflag:$0x5], $0x4000, $0x38;
	[tilespmem:$0x18A00] =	vst v63  }
0x6dc: {  	s12 =	sadd.s32 $0x1, s12;
	_ =	swait.ge [sflag:s11], $0x4000  }
0x6dd: {  	p0 =	sne.s32 s12, s10;
	[sflag:s11] =	ssyncset.done $0x0  }
.Ltmp5:
0x6de: {  	[sflag:s11] =	ssyncadd.s32 $0xFFFFC000;
	(pc) =	sbr.rel @p0 .LBB2_1-.Ltmp5, $4  }
0x6df: {  	[hbm4b:s9+s2] =	stream.linear.scatter [tilespmem:s25], [sflag:$0x5], $0x4000, $0x38;
	[tilespmem:$0x18A00] =	vst v63  }
0x6e0: {  	_ =	swait.ge [sflag:s11], $0x4000  }
0x6e1: {  	[sflag:s11] =	ssyncset.done $0x0  }
0x6e2: {  	[sflag:s11] =	ssyncadd.s32 $0xFFFFC000  }
0x6e3: {  	_ =	sfence.sel $0x180000  }
0x6e4: {  	[bflag:$0x0] =	sbarrier.arrive $0xFFFF  }
0x6e5: {  	_ =	strace $0x90000047  }
0x6e6: {  	s0 =	stileid.u32;
	[bflag:$0x2] =	sbarrier.arrive $0xFFFF  }
0x6e7: {  	p0 =	sne.s32 s0, $0x0;
	s0 =	rddreg [dreg:$0x5]  }
0x6e8: {  	s0 =	sadd.s32 @!p0 $0x100000, s0  }
0x6e9: {  	[sflag:s0] =	ssyncadd.tile.s32 @!p0 $0x1;
	_ =	shalt  }
.Lfunc_end2:
_tile_overlayer_lowered:
.L_overlay_start_2:
0x6ea: {  	(tag) =	ssettag $0x2  }
0x6eb: {  	s0 =	rddreg [dreg:$0x0];
	s2 =	stileid.u32  }
0x6ec: {  	s1 =	rddreg [dreg:$0x1];
	p0 =	sne.s32 s2, $0x0  }
0x6ed: {  	s3 =	rddreg [dreg:$0x2];
	[bflag:$0x3] =	sbarrier.arrive $0xFFFF;
	s2 =	simm.s32 @!p0 $0x1C05  }
0x6ee: {  	[timem:s3], [sflag:s2] =	dma.local @!p0 [hbm:s0], s1  }
0x6ef: {  	s0 =	simm.s32 @!p0 $0x5  }
0x6f0: {  	_ =	swait.ge @!p0 [sflag:s0], s1  }
0x6f1: {  	s1 =	ssub.s32 @!p0 $0x0, s1;
	[sflag:s0] =	ssyncset.done @!p0 $0x0  }
0x6f2: {  	[sflag:s0] =	ssyncadd.s32 @!p0 s1  }
0x6f3: {  	[bflag:$0x3] =	sbarrier.arrive $0xFFFF  }
0x6f4: {  	_ =	shalt  }

</sc_bundles>
